<compile_context>
chip_gen: v7x
topology: tpu7x:2x2x1
jax: 0.10.2.dev20260603
libtpu: 0.0.44.dev20260713+nightly
codegen_flags: <defaults>
</compile_context>

<pallas_src>
import functools

import jax
import jax.numpy as jnp
from jax import lax
from jax.experimental import pallas as pl
from jax.experimental.pallas import tpu as pltpu
from jax.experimental.pallas import tpu_sc as plsc

N = 10000
NP = 10240
E = 320000
H = 128
NC = 2
NS = 16
NW = NC * NS
ER = 160
EC = 64
EP = NW * ER * EC
EPR = EP // EC
NPW = NP // NS
FAST_C = 0
ROWS_F = 160
ROWS_S = 160


def _k1_body(x_ref, w1_ref, b1_ref, a1_ref, bc_ref, sens_ref, h_ref, eq_ref,
             eq1_ref):
    h = jnp.dot(x_ref[...], w1_ref[...], preferred_element_type=jnp.float32)
    h = h + b1_ref[...]
    q = jnp.dot(h, a1_ref[...], preferred_element_type=jnp.float32)
    q = q - bc_ref[0, 0] * sens_ref[...]
    m = jnp.max(q)
    eq = jnp.exp(q - m)
    h_ref[:N, :] = h
    h_ref[N:, :] = jnp.zeros((NP - N, H), jnp.float32)
    eq_ref[:N, :] = eq
    eq_ref[N:, :] = jnp.zeros((NP - N, 1), jnp.float32)
    eqz = jnp.concatenate([eq, jnp.zeros((NP - N, 1), jnp.float32)], axis=0)
    eq1_ref[...] = eqz.reshape(NP)


_k1 = pl.pallas_call(
    _k1_body,
    out_shape=(
        jax.ShapeDtypeStruct((NP, H), jnp.float32),
        jax.ShapeDtypeStruct((NP, 1), jnp.float32),
        jax.ShapeDtypeStruct((NP,), jnp.float32),
    ),
)


def _k2_body(eq_hbm, src_hbm, dst_hbm, out_hbm, src_t, dst_t, eq_t, t0_t):
    c = lax.axis_index("c")
    s = lax.axis_index("s")
    wid = c * NS + s
    pltpu.sync_copy(src_hbm.at[pl.ds(wid * ER, ER)], src_t)
    pltpu.sync_copy(dst_hbm.at[pl.ds(wid * ER, ER)], dst_t)
    pltpu.sync_copy(eq_hbm, eq_t)

    def _zero(i, carry):
        t0_t[pl.ds(i * 16, 16)] = jnp.zeros((16,), jnp.float32)
        return carry

    lax.fori_loop(0, NP // 16, _zero, 0)

    def _edge(r, carry):
        for k in range(EC // 16):
            d = dst_t[r, pl.ds(k * 16, 16)]
            e = plsc.load_gather(eq_t, [d])
            srow = src_t[r, pl.ds(k * 16, 16)]
            plsc.addupdate_scatter(t0_t, [srow], e)
        return carry


    lax.fori_loop(0, ER, _edge, 0)
    pltpu.sync_copy(t0_t, out_hbm.at[wid, 0])


_k2 = pl.kernel(
    _k2_body,
    out_type=jax.ShapeDtypeStruct((NW, 1, NP), jnp.float32),
    mesh=plsc.VectorSubcoreMesh(core_axis_name="c", subcore_axis_name="s"),
    compiler_params=pltpu.CompilerParams(needs_layout_passes=False),
    scratch_types=[
        pltpu.VMEM((ER, EC), jnp.int32),
        pltpu.VMEM((ER, EC), jnp.int32),
        pltpu.VMEM((NP,), jnp.float32),
        pltpu.VMEM((NP,), jnp.float32),
    ],
)


def _k3_body(h_ref, eq_ref, t0p_ref, v_ref):
    t0 = jnp.sum(t0p_ref[...], axis=(0, 1), keepdims=False)[None, :]
    denom = t0.T + eq_ref[...] + 1e-16
    v_ref[...] = h_ref[...] / denom


_k3 = pl.pallas_call(
    _k3_body,
    out_shape=jax.ShapeDtypeStruct((NP, H), jnp.float32),
)


def _k4_body(v_hbm, src_hbm, dst_hbm, out_hbm, sidx, didx, isems, rbufs,
             gsems, ssems, acc):
    c = lax.axis_index("c")
    s = lax.axis_index("s")

    def _zrow(i, carry):
        for k in range(H // 16):
            rbufs[0][i, pl.ds(k * 16, 16)] = jnp.zeros((16,), jnp.float32)
        return carry

    lax.fori_loop(0, EC, _zrow, 0)
    for t in range(NPW // EC):
        pltpu.sync_copy(rbufs[0], acc.at[pl.ds(s * NPW + t * EC, EC)])
    plsc.subcore_barrier()

    def _stage(row0, par):
        pltpu.async_copy(src_hbm.at[pl.ds(row0, 8)], sidx[par],
                         isems[2 * par])
        pltpu.async_copy(dst_hbm.at[pl.ds(row0, 8)], didx[par],
                         isems[2 * par + 1])

    def _stage_wait(par):
        pltpu.make_async_copy(src_hbm.at[pl.ds(0, 8)], sidx[par],
                              isems[2 * par]).wait()
        pltpu.make_async_copy(dst_hbm.at[pl.ds(0, 8)], didx[par],
                              isems[2 * par + 1]).wait()

    def _step(base, k, first=False, last=False):
        slot = k % 4
        nslot = (k + 3) % 4
        p_cur = (k // 8) % 2
        pltpu.make_async_copy(v_hbm.at[sidx[p_cur].at[k % 8]], rbufs[slot],
                              gsems[slot]).wait()
        if not (first and k == 0):
            pltpu.make_async_copy(rbufs[nslot], acc.at[didx[p_cur].at[k % 8]],
                                  ssems[nslot]).wait()
        if k == 1:
            _stage(base + 8, 1)
        if k == 5:
            _stage_wait(1)
        if k == 8 and not last:
            _stage(base + 16, 0)
        if k == 13 and not last:
            _stage_wait(0)
        if not (last and k >= 13):
            gp = ((k + 3) // 8) % 2
            pltpu.async_copy(v_hbm.at[sidx[gp].at[(k + 3) % 8]], rbufs[nslot],
                             gsems[nslot])
        pltpu.async_copy(rbufs[slot], acc.at[didx[p_cur].at[k % 8]],
                         ssems[slot], add=True)

    is_fast = c == FAST_C
    row0 = jnp.where(is_fast, s * ROWS_F, NS * ROWS_F + s * ROWS_S)
    npair = jnp.where(is_fast, ROWS_F // 16, ROWS_S // 16)

    pltpu.sync_copy(src_hbm.at[pl.ds(row0, 8)], sidx[0])
    pltpu.sync_copy(dst_hbm.at[pl.ds(row0, 8)], didx[0])
    for r in range(3):
        pltpu.async_copy(v_hbm.at[sidx[0].at[r]], rbufs[r], gsems[r])

    for k in range(16):
        _step(row0, k, first=True)

    def _pair(g, carry):
        for k in range(16):
            _step(row0 + g * 16, k)
        return carry

    lax.fori_loop(1, npair - 1, _pair, 0)

    for k in range(16):
        _step(row0 + (npair - 1) * 16, k, last=True)
    pltpu.make_async_copy(rbufs[3], acc.at[didx[1].at[7]], ssems[3]).wait()

    plsc.subcore_barrier()

    for t in range(NPW // EC):
        rows = pl.ds(s * NPW + t * EC, EC)
        pltpu.sync_copy(acc.at[rows], rbufs[t % 4])
        pltpu.sync_copy(rbufs[t % 4], out_hbm.at[c].at[rows])


_k4 = pl.kernel(
    _k4_body,
    out_type=jax.ShapeDtypeStruct((NC, NP, H), jnp.float32),
    mesh=plsc.VectorSubcoreMesh(core_axis_name="c", subcore_axis_name="s"),
    compiler_params=pltpu.CompilerParams(needs_layout_passes=False),
    scratch_types=[
        [pltpu.VMEM((8, EC), jnp.int32) for _ in range(2)],
        [pltpu.VMEM((8, EC), jnp.int32) for _ in range(2)],
        [pltpu.SemaphoreType.DMA for _ in range(4)],
        [pltpu.VMEM((EC, H), jnp.float32) for _ in range(4)],
        [pltpu.SemaphoreType.DMA for _ in range(4)],
        [pltpu.SemaphoreType.DMA for _ in range(4)],
        pltpu.VMEM_SHARED((NP, H), jnp.float32),
    ],
)


def _k5_body(v_ref, eq_ref, p_ref, fcw_ref, fcb_ref, o_ref):
    srow = v_ref[...] + p_ref[0] + p_ref[1]
    out = eq_ref[...] * srow
    u = jnp.maximum(out, 0.0)
    logits = jnp.dot(u, fcw_ref[...], preferred_element_type=jnp.float32)
    logits = logits + fcb_ref[...]
    m = jnp.max(logits, axis=1, keepdims=True)
    lse = m + jnp.log(jnp.sum(jnp.exp(logits - m), axis=1, keepdims=True))
    res = logits - lse
    o_ref[...] = res[:N, :]


_k5 = pl.pallas_call(
    _k5_body,
    out_shape=jax.ShapeDtypeStruct((N, 2), jnp.float32),
)


def kernel(x, edge_index, W1, b1, att_W, att_b, bias_correction, sens, fc_W,
           fc_b):
    pad = N + jnp.arange(EP - E, dtype=jnp.int32) % (NP - N)
    src = jnp.concatenate([edge_index[0], pad]).reshape(EPR, EC)
    dst = jnp.concatenate([edge_index[1], pad]).reshape(EPR, EC)
    a1 = att_W[:H, :]
    bc = bias_correction.reshape(1, 1)
    sens_c = sens.reshape(N, 1)

    h, eq, eq1 = _k1(x, W1, b1.reshape(1, H), a1, bc, sens_c)
    t0p = _k2(eq1, src, dst)
    v = _k3(h, eq, t0p)
    parts = _k4(v, src, dst)
    return _k5(v, eq, parts, fc_W, fc_b.reshape(1, 2))

# --- scband reference (transcript-rebuilt; emitter-appended) ---
"""Pipeline reference for scband-a-fame-gat-41472204210774 (READ-ONLY COPY).

The authoritative reference and input builder live on the scoring server;
editing this copy changes nothing except your own understanding.
"""

import jax, jax.numpy as jnp
import numpy as np

N = 10000
E = 320000
D_IN = 128
H = 128


def setup_inputs(seed: int = 0) -> dict:
    key = jax.random.key(seed)
    ks = jax.random.split(key, 10)
    x = jax.random.normal(ks[0], (N, D_IN), dtype=jnp.float32)
    edge_index = jax.random.randint(ks[1], (2, E), 0, N, dtype=jnp.int32)
    W1 = jax.random.normal(ks[2], (D_IN, H), dtype=jnp.float32) * 0.05
    b1 = jnp.zeros((H,), dtype=jnp.float32)
    att_W = jax.random.normal(ks[3], (2 * H, 1), dtype=jnp.float32) * 0.05
    att_b = jnp.zeros((1,), dtype=jnp.float32)
    bias_correction = jax.random.uniform(ks[4], (1,), dtype=jnp.float32)
    sens = jax.random.randint(ks[5], (N,), 0, 2).astype(jnp.float32)
    fc_W = jax.random.normal(ks[6], (H, 2), dtype=jnp.float32) * 0.05
    fc_b = jnp.zeros((2,), dtype=jnp.float32)
    return {
        'x': x,
        'edge_index': edge_index,
        'W1': W1,
        'b1': b1,
        'att_W': att_W,
        'att_b': att_b,
        'bias_correction': bias_correction,
        'sens': sens,
        'fc_W': fc_W,
        'fc_b': fc_b,
    }


def reference(x, edge_index, W1, b1, att_W, att_b, bias_correction, sens, fc_W, fc_b):
    n = x.shape[0]
    # add_self_loops
    loops = jnp.arange(n, dtype=edge_index.dtype)
    ei = jnp.concatenate([edge_index, jnp.stack([loops, loops])], axis=1)
    # x = self.lin(x)
    h = x @ W1 + b1
    src = ei[0]  # j (source, flow source_to_target)
    dst = ei[1]  # i (target)
    x_j = h[src]
    x_i = h[dst]
    # message
    x_cat = jnp.concatenate([x_i, x_j], axis=-1)
    alpha = x_cat @ att_W + att_b  # [E+N, 1]
    group_difference = sens[src] - sens[dst]
    alpha = alpha + bias_correction * group_difference[:, None]
    # softmax over edges grouped by edge_index[0] (as in original code)
    seg = src
    amax = jax.ops.segment_max(alpha, seg, num_segments=n)
    alpha = jnp.exp(alpha - amax[seg])
    asum = jax.ops.segment_sum(alpha, seg, num_segments=n)
    alpha = alpha / (asum[seg] + 1e-16)
    msg = alpha * x_j
    # aggr='add' into target nodes
    out = jax.ops.segment_sum(msg, dst, num_segments=n)
    out = jax.nn.relu(out)
    logits = out @ fc_W + fc_b
    return jax.nn.log_softmax(logits, axis=1)

if __name__ == "__main__":
    import jax
    _d = setup_inputs()
    print(jax.jit(kernel)(*tuple(_d.values())))

</pallas_src>

<mosaic_0001>
#map = affine_map<(d0, d1) -> (0)>
#map1 = affine_map<(d0, d1) -> (0, 0)>
#map2 = affine_map<(d0, d1) -> (0, 0, 0)>
module attributes {stable_mosaic.version = 14 : i64} {
  func.func @_k2_body(%arg0: i32, %arg1: i32, %arg2: memref<10240xf32, #tpu.memory_space<hbm>>, %arg3: memref<5120x64xi32, #tpu.memory_space<hbm>>, %arg4: memref<5120x64xi32, #tpu.memory_space<hbm>>, %arg5: memref<32x1x10240xf32, #tpu.memory_space<hbm>>, %arg6: memref<160x64xi32, #tpu.memory_space<vmem>>, %arg7: memref<160x64xi32, #tpu.memory_space<vmem>>, %arg8: memref<10240xf32, #tpu.memory_space<vmem>>, %arg9: memref<10240xf32, #tpu.memory_space<vmem>>) attributes {dimension_semantics = [#tpu.dimension_semantics<core_parallel>, #tpu.dimension_semantics<subcore_parallel>], iteration_bounds = array<i64: 2, 16>, scalar_prefetch = 0 : i64, scratch_operands = 4 : i64, tpu.core_type = #tpu.core_type<sc_vector_subcore>, window_params = [{transform_indices = #map}, {transform_indices = #map1}, {transform_indices = #map1}, {transform_indices = #map2}]} {
    %mul3A = arith.constant 16 : i32
    %mul3A_0 = arith.muli %arg0, %mul3A : i32
    %add3A = arith.addi %mul3A_0, %arg1 : i32
    %mul3A_1 = arith.constant 160 : i32
    %mul3A_2 = arith.muli %add3A, %mul3A_1 : i32
    "tpu.region"() ({
      %run_scoped3A_16 = tpu.sem_alloc : memref<!tpu.dma_semaphore, #tpu.memory_space<semaphore_mem>>
      %dma_start3A = arith.constant 0 : i32
      %dma_start3A_17 = tpu.memref_slice %arg3[%mul3A_2, %dma_start3A] : memref<5120x64xi32, #tpu.memory_space<hbm>> -> memref<160x64xi32, #tpu.memory_space<hbm>>
      %dma_start3A_18 = arith.constant 0 : i32
      %dma_start3A_19 = tpu.memref_slice %arg3[%mul3A_2, %dma_start3A_18] : memref<5120x64xi32, #tpu.memory_space<hbm>> -> memref<160x64xi32, #tpu.memory_space<hbm>>
      tpu.enqueue_dma source(%dma_start3A_19 : memref<160x64xi32, #tpu.memory_space<hbm>>) target(%arg6 : memref<160x64xi32, #tpu.memory_space<vmem>>) target_semaphore(%run_scoped3A_16 : memref<!tpu.dma_semaphore, #tpu.memory_space<semaphore_mem>>)
      %dma_wait3A = arith.constant 0 : i32
      %dma_wait3A_20 = tpu.memref_slice %arg3[%mul3A_2, %dma_wait3A] : memref<5120x64xi32, #tpu.memory_space<hbm>> -> memref<160x64xi32, #tpu.memory_space<hbm>>
      %dma_wait3A_21 = arith.constant 0 : i32
      %dma_wait3A_22 = tpu.memref_slice %arg3[%mul3A_2, %dma_wait3A_21] : memref<5120x64xi32, #tpu.memory_space<hbm>> -> memref<160x64xi32, #tpu.memory_space<hbm>>
      tpu.wait_dma2 semaphore(%run_scoped3A_16 : memref<!tpu.dma_semaphore, #tpu.memory_space<semaphore_mem>>) src(%dma_wait3A_22 : memref<160x64xi32, #tpu.memory_space<hbm>>) dst(%arg6 : memref<160x64xi32, #tpu.memory_space<vmem>>)
      tpu.yield
    }) : () -> ()
    %mul3A_3 = arith.constant 160 : i32
    %mul3A_4 = arith.muli %add3A, %mul3A_3 : i32
    "tpu.region"() ({
      %run_scoped3A_16 = tpu.sem_alloc : memref<!tpu.dma_semaphore, #tpu.memory_space<semaphore_mem>>
      %dma_start3A = arith.constant 0 : i32
      %dma_start3A_17 = tpu.memref_slice %arg4[%mul3A_4, %dma_start3A] : memref<5120x64xi32, #tpu.memory_space<hbm>> -> memref<160x64xi32, #tpu.memory_space<hbm>>
      %dma_start3A_18 = arith.constant 0 : i32
      %dma_start3A_19 = tpu.memref_slice %arg4[%mul3A_4, %dma_start3A_18] : memref<5120x64xi32, #tpu.memory_space<hbm>> -> memref<160x64xi32, #tpu.memory_space<hbm>>
      tpu.enqueue_dma source(%dma_start3A_19 : memref<160x64xi32, #tpu.memory_space<hbm>>) target(%arg7 : memref<160x64xi32, #tpu.memory_space<vmem>>) target_semaphore(%run_scoped3A_16 : memref<!tpu.dma_semaphore, #tpu.memory_space<semaphore_mem>>)
      %dma_wait3A = arith.constant 0 : i32
      %dma_wait3A_20 = tpu.memref_slice %arg4[%mul3A_4, %dma_wait3A] : memref<5120x64xi32, #tpu.memory_space<hbm>> -> memref<160x64xi32, #tpu.memory_space<hbm>>
      %dma_wait3A_21 = arith.constant 0 : i32
      %dma_wait3A_22 = tpu.memref_slice %arg4[%mul3A_4, %dma_wait3A_21] : memref<5120x64xi32, #tpu.memory_space<hbm>> -> memref<160x64xi32, #tpu.memory_space<hbm>>
      tpu.wait_dma2 semaphore(%run_scoped3A_16 : memref<!tpu.dma_semaphore, #tpu.memory_space<semaphore_mem>>) src(%dma_wait3A_22 : memref<160x64xi32, #tpu.memory_space<hbm>>) dst(%arg7 : memref<160x64xi32, #tpu.memory_space<vmem>>)
      tpu.yield
    }) : () -> ()
    "tpu.region"() ({
      %run_scoped3A_16 = tpu.sem_alloc : memref<!tpu.dma_semaphore, #tpu.memory_space<semaphore_mem>>
      tpu.enqueue_dma source(%arg2 : memref<10240xf32, #tpu.memory_space<hbm>>) target(%arg8 : memref<10240xf32, #tpu.memory_space<vmem>>) target_semaphore(%run_scoped3A_16 : memref<!tpu.dma_semaphore, #tpu.memory_space<semaphore_mem>>)
      tpu.wait_dma2 semaphore(%run_scoped3A_16 : memref<!tpu.dma_semaphore, #tpu.memory_space<semaphore_mem>>) src(%arg2 : memref<10240xf32, #tpu.memory_space<hbm>>) dst(%arg8 : memref<10240xf32, #tpu.memory_space<vmem>>)
      tpu.yield
    }) : () -> ()
    %scan3A = arith.constant 0 : i32
    %scan3A_5 = arith.constant 0 : i32
    %scan3A_6 = arith.constant 640 : i32
    %scan3A_7 = arith.addi %scan3A_5, %scan3A_6 : i32
    %scan3A_8 = arith.constant 1 : i32
    scf.for %scan3A_16 = %scan3A_5 to %scan3A_7 step %scan3A_8  : i32 {
      %broadcast_in_dim3A = arith.constant 0.000000e+00 : f32
      %broadcast_in_dim3A_17 = vector.broadcast %broadcast_in_dim3A : f32 to vector<16xf32>
      %mul3A_18 = arith.constant 16 : i32
      %mul3A_19 = arith.muli %scan3A_16, %mul3A_18 : i32
      %swap3A = arith.index_cast %mul3A_19 : i32 to index
      %swap3A_20 = tpu.vector_load %arg9[%swap3A] {strides = array<i32>} : memref<10240xf32, #tpu.memory_space<vmem>>, vector<16xf32>,
      tpu.vector_store %arg9[%swap3A], %broadcast_in_dim3A_17 {strides = array<i32>} : memref<10240xf32, #tpu.memory_space<vmem>>, vector<16xf32>,
    }
    %scan3A_9 = arith.constant 640 : i32
    %scan3A_10 = arith.constant 0 : i32
    %scan3A_11 = arith.constant 0 : i32
    %scan3A_12 = arith.constant 160 : i32
    %scan3A_13 = arith.addi %scan3A_11, %scan3A_12 : i32
    %scan3A_14 = arith.constant 1 : i32
    scf.for %scan3A_16 = %scan3A_11 to %scan3A_13 step %scan3A_14  : i32 {
      %get3A = arith.index_cast %scan3A_16 : i32 to index
      %get3A_17 = arith.constant 0 : index
      %get3A_18 = tpu.vector_load %arg7[%get3A, %get3A_17] {strides = array<i32>} : memref<160x64xi32, #tpu.memory_space<vmem>>, vector<16xi32>,
      %gather3A = tpu.vector_load_idx %arg8[%get3A_18] : memref<10240xf32, #tpu.memory_space<vmem>>[vector<16xi32>], vector<16xf32>,
      %get3A_19 = arith.index_cast %scan3A_16 : i32 to index
      %get3A_20 = arith.constant 0 : index
      %get3A_21 = tpu.vector_load %arg6[%get3A_19, %get3A_20] {strides = array<i32>} : memref<160x64xi32, #tpu.memory_space<vmem>>, vector<16xi32>,
      tpu.vector_store_idx %arg9[%get3A_21], %gather3A {add = true} : memref<10240xf32, #tpu.memory_space<vmem>>[vector<16xi32>], vector<16xf32>,
      %get3A_22 = arith.index_cast %scan3A_16 : i32 to index
      %get3A_23 = arith.constant 16 : index
      %get3A_24 = tpu.vector_load %arg7[%get3A_22, %get3A_23] {strides = array<i32>} : memref<160x64xi32, #tpu.memory_space<vmem>>, vector<16xi32>,
      %gather3A_25 = tpu.vector_load_idx %arg8[%get3A_24] : memref<10240xf32, #tpu.memory_space<vmem>>[vector<16xi32>], vector<16xf32>,
      %get3A_26 = arith.index_cast %scan3A_16 : i32 to index
      %get3A_27 = arith.constant 16 : index
      %get3A_28 = tpu.vector_load %arg6[%get3A_26, %get3A_27] {strides = array<i32>} : memref<160x64xi32, #tpu.memory_space<vmem>>, vector<16xi32>,
      tpu.vector_store_idx %arg9[%get3A_28], %gather3A_25 {add = true} : memref<10240xf32, #tpu.memory_space<vmem>>[vector<16xi32>], vector<16xf32>,
      %get3A_29 = arith.index_cast %scan3A_16 : i32 to index
      %get3A_30 = arith.constant 32 : index
      %get3A_31 = tpu.vector_load %arg7[%get3A_29, %get3A_30] {strides = array<i32>} : memref<160x64xi32, #tpu.memory_space<vmem>>, vector<16xi32>,
      %gather3A_32 = tpu.vector_load_idx %arg8[%get3A_31] : memref<10240xf32, #tpu.memory_space<vmem>>[vector<16xi32>], vector<16xf32>,
      %get3A_33 = arith.index_cast %scan3A_16 : i32 to index
      %get3A_34 = arith.constant 32 : index
      %get3A_35 = tpu.vector_load %arg6[%get3A_33, %get3A_34] {strides = array<i32>} : memref<160x64xi32, #tpu.memory_space<vmem>>, vector<16xi32>,
      tpu.vector_store_idx %arg9[%get3A_35], %gather3A_32 {add = true} : memref<10240xf32, #tpu.memory_space<vmem>>[vector<16xi32>], vector<16xf32>,
      %get3A_36 = arith.index_cast %scan3A_16 : i32 to index
      %get3A_37 = arith.constant 48 : index
      %get3A_38 = tpu.vector_load %arg7[%get3A_36, %get3A_37] {strides = array<i32>} : memref<160x64xi32, #tpu.memory_space<vmem>>, vector<16xi32>,
      %gather3A_39 = tpu.vector_load_idx %arg8[%get3A_38] : memref<10240xf32, #tpu.memory_space<vmem>>[vector<16xi32>], vector<16xf32>,
      %get3A_40 = arith.index_cast %scan3A_16 : i32 to index
      %get3A_41 = arith.constant 48 : index
      %get3A_42 = tpu.vector_load %arg6[%get3A_40, %get3A_41] {strides = array<i32>} : memref<160x64xi32, #tpu.memory_space<vmem>>, vector<16xi32>,
      tpu.vector_store_idx %arg9[%get3A_42], %gather3A_39 {add = true} : memref<10240xf32, #tpu.memory_space<vmem>>[vector<16xi32>], vector<16xf32>,
    }
    %scan3A_15 = arith.constant 160 : i32
    %run_scoped3A = arith.constant 0 : i32
    "tpu.region"() ({
      %run_scoped3A_16 = tpu.sem_alloc : memref<!tpu.dma_semaphore, #tpu.memory_space<semaphore_mem>>
      %dma_start3A = arith.constant 0 : i32
      %dma_start3A_17 = tpu.memref_slice %arg5[%add3A, %run_scoped3A, %dma_start3A] : memref<32x1x10240xf32, #tpu.memory_space<hbm>> -> memref<1x1x10240xf32, #tpu.memory_space<hbm>>
      %dma_start3A_18 = tpu.memref_squeeze %dma_start3A_17 : memref<1x1x10240xf32, #tpu.memory_space<hbm>> -> memref<10240xf32, #tpu.memory_space<hbm>>
      %dma_start3A_19 = arith.constant 0 : i32
      %dma_start3A_20 = tpu.memref_slice %arg5[%add3A, %run_scoped3A, %dma_start3A_19] : memref<32x1x10240xf32, #tpu.memory_space<hbm>> -> memref<1x1x10240xf32, #tpu.memory_space<hbm>>
      %dma_start3A_21 = tpu.memref_squeeze %dma_start3A_20 : memref<1x1x10240xf32, #tpu.memory_space<hbm>> -> memref<10240xf32, #tpu.memory_space<hbm>>
      tpu.enqueue_dma source(%arg9 : memref<10240xf32, #tpu.memory_space<vmem>>) target(%dma_start3A_21 : memref<10240xf32, #tpu.memory_space<hbm>>) target_semaphore(%run_scoped3A_16 : memref<!tpu.dma_semaphore, #tpu.memory_space<semaphore_mem>>)
      %dma_wait3A = arith.constant 0 : i32
      %dma_wait3A_22 = tpu.memref_slice %arg5[%add3A, %run_scoped3A, %dma_wait3A] : memref<32x1x10240xf32, #tpu.memory_space<hbm>> -> memref<1x1x10240xf32, #tpu.memory_space<hbm>>
      %dma_wait3A_23 = tpu.memref_squeeze %dma_wait3A_22 : memref<1x1x10240xf32, #tpu.memory_space<hbm>> -> memref<10240xf32, #tpu.memory_space<hbm>>
      %dma_wait3A_24 = arith.constant 0 : i32
      %dma_wait3A_25 = tpu.memref_slice %arg5[%add3A, %run_scoped3A, %dma_wait3A_24] : memref<32x1x10240xf32, #tpu.memory_space<hbm>> -> memref<1x1x10240xf32, #tpu.memory_space<hbm>>
      %dma_wait3A_26 = tpu.memref_squeeze %dma_wait3A_25 : memref<1x1x10240xf32, #tpu.memory_space<hbm>> -> memref<10240xf32, #tpu.memory_space<hbm>>
      tpu.wait_dma2 semaphore(%run_scoped3A_16 : memref<!tpu.dma_semaphore, #tpu.memory_space<semaphore_mem>>) src(%arg9 : memref<10240xf32, #tpu.memory_space<vmem>>) dst(%dma_wait3A_26 : memref<10240xf32, #tpu.memory_space<hbm>>)
      tpu.yield
    }) : () -> ()
    return
  }
}

#map = affine_map<(d0, d1) -> (0, 0)>
#map1 = affine_map<(d0, d1) -> (0, 0, 0)>
module attributes {stable_mosaic.version = 14 : i64} {
  func.func @_k4_body(%arg0: i32, %arg1: i32, %arg2: memref<10240x128xf32, #tpu.memory_space<hbm>>, %arg3: memref<5120x64xi32, #tpu.memory_space<hbm>>, %arg4: memref<5120x64xi32, #tpu.memory_space<hbm>>, %arg5: memref<2x10240x128xf32, #tpu.memory_space<hbm>>, %arg6: memref<8x64xi32, #tpu.memory_space<vmem>>, %arg7: memref<8x64xi32, #tpu.memory_space<vmem>>, %arg8: memref<8x64xi32, #tpu.memory_space<vmem>>, %arg9: memref<8x64xi32, #tpu.memory_space<vmem>>, %arg10: memref<!tpu.dma_semaphore, #tpu.memory_space<semaphore_mem>>, %arg11: memref<!tpu.dma_semaphore, #tpu.memory_space<semaphore_mem>>, %arg12: memref<!tpu.dma_semaphore, #tpu.memory_space<semaphore_mem>>, %arg13: memref<!tpu.dma_semaphore, #tpu.memory_space<semaphore_mem>>, %arg14: memref<64x128xf32, #tpu.memory_space<vmem>>, %arg15: memref<64x128xf32, #tpu.memory_space<vmem>>, %arg16: memref<64x128xf32, #tpu.memory_space<vmem>>, %arg17: memref<64x128xf32, #tpu.memory_space<vmem>>, %arg18: memref<!tpu.dma_semaphore, #tpu.memory_space<semaphore_mem>>, %arg19: memref<!tpu.dma_semaphore, #tpu.memory_space<semaphore_mem>>, %arg20: memref<!tpu.dma_semaphore, #tpu.memory_space<semaphore_mem>>, %arg21: memref<!tpu.dma_semaphore, #tpu.memory_space<semaphore_mem>>, %arg22: memref<!tpu.dma_semaphore, #tpu.memory_space<semaphore_mem>>, %arg23: memref<!tpu.dma_semaphore, #tpu.memory_space<semaphore_mem>>, %arg24: memref<!tpu.dma_semaphore, #tpu.memory_space<semaphore_mem>>, %arg25: memref<!tpu.dma_semaphore, #tpu.memory_space<semaphore_mem>>, %arg26: memref<10240x128xf32, #tpu.memory_space<vmem_shared>>) attributes {dimension_semantics = [#tpu.dimension_semantics<core_parallel>, #tpu.dimension_semantics<subcore_parallel>], iteration_bounds = array<i64: 2, 16>, scalar_prefetch = 0 : i64, scratch_operands = 21 : i64, tpu.core_type = #tpu.core_type<sc_vector_subcore>, window_params = [{transform_indices = #map}, {transform_indices = #map}, {transform_indices = #map}, {transform_indices = #map1}]} {
    %scan3A = arith.constant 0 : i32
    %scan3A_0 = arith.constant 0 : i32
    %scan3A_1 = arith.constant 64 : i32
    %scan3A_2 = arith.addi %scan3A_0, %scan3A_1 : i32
    %scan3A_3 = arith.constant 1 : i32
    scf.for %scan3A_1143 = %scan3A_0 to %scan3A_2 step %scan3A_3  : i32 {
      %broadcast_in_dim3A = arith.constant 0.000000e+00 : f32
      %broadcast_in_dim3A_1144 = vector.broadcast %broadcast_in_dim3A : f32 to vector<16xf32>
      %swap3A = arith.index_cast %scan3A_1143 : i32 to index
      %swap3A_1145 = arith.constant 0 : index
      %swap3A_1146 = tpu.vector_load %arg14[%swap3A, %swap3A_1145] {strides = array<i32>} : memref<64x128xf32, #tpu.memory_space<vmem>>, vector<16xf32>,
      tpu.vector_store %arg14[%swap3A, %swap3A_1145], %broadcast_in_dim3A_1144 {strides = array<i32>} : memref<64x128xf32, #tpu.memory_space<vmem>>, vector<16xf32>,
      %broadcast_in_dim3A_1147 = arith.constant 0.000000e+00 : f32
      %broadcast_in_dim3A_1148 = vector.broadcast %broadcast_in_dim3A_1147 : f32 to vector<16xf32>
      %swap3A_1149 = arith.index_cast %scan3A_1143 : i32 to index
      %swap3A_1150 = arith.constant 16 : index
      %swap3A_1151 = tpu.vector_load %arg14[%swap3A_1149, %swap3A_1150] {strides = array<i32>} : memref<64x128xf32, #tpu.memory_space<vmem>>, vector<16xf32>,
      tpu.vector_store %arg14[%swap3A_1149, %swap3A_1150], %broadcast_in_dim3A_1148 {strides = array<i32>} : memref<64x128xf32, #tpu.memory_space<vmem>>, vector<16xf32>,
      %broadcast_in_dim3A_1152 = arith.constant 0.000000e+00 : f32
      %broadcast_in_dim3A_1153 = vector.broadcast %broadcast_in_dim3A_1152 : f32 to vector<16xf32>
      %swap3A_1154 = arith.index_cast %scan3A_1143 : i32 to index
      %swap3A_1155 = arith.constant 32 : index
      %swap3A_1156 = tpu.vector_load %arg14[%swap3A_1154, %swap3A_1155] {strides = array<i32>} : memref<64x128xf32, #tpu.memory_space<vmem>>, vector<16xf32>,
      tpu.vector_store %arg14[%swap3A_1154, %swap3A_1155], %broadcast_in_dim3A_1153 {strides = array<i32>} : memref<64x128xf32, #tpu.memory_space<vmem>>, vector<16xf32>,
      %broadcast_in_dim3A_1157 = arith.constant 0.000000e+00 : f32
      %broadcast_in_dim3A_1158 = vector.broadcast %broadcast_in_dim3A_1157 : f32 to vector<16xf32>
      %swap3A_1159 = arith.index_cast %scan3A_1143 : i32 to index
      %swap3A_1160 = arith.constant 48 : index
      %swap3A_1161 = tpu.vector_load %arg14[%swap3A_1159, %swap3A_1160] {strides = array<i32>} : memref<64x128xf32, #tpu.memory_space<vmem>>, vector<16xf32>,
      tpu.vector_store %arg14[%swap3A_1159, %swap3A_1160], %broadcast_in_dim3A_1158 {strides = array<i32>} : memref<64x128xf32, #tpu.memory_space<vmem>>, vector<16xf32>,
      %broadcast_in_dim3A_1162 = arith.constant 0.000000e+00 : f32
      %broadcast_in_dim3A_1163 = vector.broadcast %broadcast_in_dim3A_1162 : f32 to vector<16xf32>
      %swap3A_1164 = arith.index_cast %scan3A_1143 : i32 to index
      %swap3A_1165 = arith.constant 64 : index
      %swap3A_1166 = tpu.vector_load %arg14[%swap3A_1164, %swap3A_1165] {strides = array<i32>} : memref<64x128xf32, #tpu.memory_space<vmem>>, vector<16xf32>,
      tpu.vector_store %arg14[%swap3A_1164, %swap3A_1165], %broadcast_in_dim3A_1163 {strides = array<i32>} : memref<64x128xf32, #tpu.memory_space<vmem>>, vector<16xf32>,
      %broadcast_in_dim3A_1167 = arith.constant 0.000000e+00 : f32
      %broadcast_in_dim3A_1168 = vector.broadcast %broadcast_in_dim3A_1167 : f32 to vector<16xf32>
      %swap3A_1169 = arith.index_cast %scan3A_1143 : i32 to index
      %swap3A_1170 = arith.constant 80 : index
      %swap3A_1171 = tpu.vector_load %arg14[%swap3A_1169, %swap3A_1170] {strides = array<i32>} : memref<64x128xf32, #tpu.memory_space<vmem>>, vector<16xf32>,
      tpu.vector_store %arg14[%swap3A_1169, %swap3A_1170], %broadcast_in_dim3A_1168 {strides = array<i32>} : memref<64x128xf32, #tpu.memory_space<vmem>>, vector<16xf32>,
      %broadcast_in_dim3A_1172 = arith.constant 0.000000e+00 : f32
      %broadcast_in_dim3A_1173 = vector.broadcast %broadcast_in_dim3A_1172 : f32 to vector<16xf32>
      %swap3A_1174 = arith.index_cast %scan3A_1143 : i32 to index
      %swap3A_1175 = arith.constant 96 : index
      %swap3A_1176 = tpu.vector_load %arg14[%swap3A_1174, %swap3A_1175] {strides = array<i32>} : memref<64x128xf32, #tpu.memory_space<vmem>>, vector<16xf32>,
      tpu.vector_store %arg14[%swap3A_1174, %swap3A_1175], %broadcast_in_dim3A_1173 {strides = array<i32>} : memref<64x128xf32, #tpu.memory_space<vmem>>, vector<16xf32>,
      %broadcast_in_dim3A_1177 = arith.constant 0.000000e+00 : f32
      %broadcast_in_dim3A_1178 = vector.broadcast %broadcast_in_dim3A_1177 : f32 to vector<16xf32>
      %swap3A_1179 = arith.index_cast %scan3A_1143 : i32 to index
      %swap3A_1180 = arith.constant 112 : index
      %swap3A_1181 = tpu.vector_load %arg14[%swap3A_1179, %swap3A_1180] {strides = array<i32>} : memref<64x128xf32, #tpu.memory_space<vmem>>, vector<16xf32>,
      tpu.vector_store %arg14[%swap3A_1179, %swap3A_1180], %broadcast_in_dim3A_1178 {strides = array<i32>} : memref<64x128xf32, #tpu.memory_space<vmem>>, vector<16xf32>,
    }
    %scan3A_4 = arith.constant 64 : i32
    %mul3A = arith.constant 640 : i32
    %mul3A_5 = arith.muli %arg1, %mul3A : i32
    %add3A = arith.constant 0 : i32
    %add3A_6 = arith.addi %mul3A_5, %add3A : i32
    "tpu.region"() ({
      %run_scoped3A = tpu.sem_alloc : memref<!tpu.dma_semaphore, #tpu.memory_space<semaphore_mem>>
      %dma_start3A_1143 = arith.constant 0 : i32
      %dma_start3A_1144 = tpu.memref_slice %arg26[%add3A_6, %dma_start3A_1143] : memref<10240x128xf32, #tpu.memory_space<vmem_shared>> -> memref<64x128xf32, #tpu.memory_space<vmem_shared>>
      %dma_start3A_1145 = arith.constant 0 : i32
      %dma_start3A_1146 = tpu.memref_slice %arg26[%add3A_6, %dma_start3A_1145] : memref<10240x128xf32, #tpu.memory_space<vmem_shared>> -> memref<64x128xf32, #tpu.memory_space<vmem_shared>>
      tpu.enqueue_dma source(%arg14 : memref<64x128xf32, #tpu.memory_space<vmem>>) target(%dma_start3A_1146 : memref<64x128xf32, #tpu.memory_space<vmem_shared>>) target_semaphore(%run_scoped3A : memref<!tpu.dma_semaphore, #tpu.memory_space<semaphore_mem>>)
      %dma_wait3A_1147 = arith.constant 0 : i32
      %dma_wait3A_1148 = tpu.memref_slice %arg26[%add3A_6, %dma_wait3A_1147] : memref<10240x128xf32, #tpu.memory_space<vmem_shared>> -> memref<64x128xf32, #tpu.memory_space<vmem_shared>>
      %dma_wait3A_1149 = arith.constant 0 : i32
      %dma_wait3A_1150 = tpu.memref_slice %arg26[%add3A_6, %dma_wait3A_1149] : memref<10240x128xf32, #tpu.memory_space<vmem_shared>> -> memref<64x128xf32, #tpu.memory_space<vmem_shared>>
      tpu.wait_dma2 semaphore(%run_scoped3A : memref<!tpu.dma_semaphore, #tpu.memory_space<semaphore_mem>>) src(%arg14 : memref<64x128xf32, #tpu.memory_space<vmem>>) dst(%dma_wait3A_1150 : memref<64x128xf32, #tpu.memory_space<vmem_shared>>)
      tpu.yield
    }) : () -> ()
    %mul3A_7 = arith.constant 640 : i32
    %mul3A_8 = arith.muli %arg1, %mul3A_7 : i32
    %add3A_9 = arith.constant 64 : i32
    %add3A_10 = arith.addi %mul3A_8, %add3A_9 : i32
    "tpu.region"() ({
      %run_scoped3A = tpu.sem_alloc : memref<!tpu.dma_semaphore, #tpu.memory_space<semaphore_mem>>
      %dma_start3A_1143 = arith.constant 0 : i32
      %dma_start3A_1144 = tpu.memref_slice %arg26[%add3A_10, %dma_start3A_1143] : memref<10240x128xf32, #tpu.memory_space<vmem_shared>> -> memref<64x128xf32, #tpu.memory_space<vmem_shared>>
      %dma_start3A_1145 = arith.constant 0 : i32
      %dma_start3A_1146 = tpu.memref_slice %arg26[%add3A_10, %dma_start3A_1145] : memref<10240x128xf32, #tpu.memory_space<vmem_shared>> -> memref<64x128xf32, #tpu.memory_space<vmem_shared>>
      tpu.enqueue_dma source(%arg14 : memref<64x128xf32, #tpu.memory_space<vmem>>) target(%dma_start3A_1146 : memref<64x128xf32, #tpu.memory_space<vmem_shared>>) target_semaphore(%run_scoped3A : memref<!tpu.dma_semaphore, #tpu.memory_space<semaphore_mem>>)
      %dma_wait3A_1147 = arith.constant 0 : i32
      %dma_wait3A_1148 = tpu.memref_slice %arg26[%add3A_10, %dma_wait3A_1147] : memref<10240x128xf32, #tpu.memory_space<vmem_shared>> -> memref<64x128xf32, #tpu.memory_space<vmem_shared>>
      %dma_wait3A_1149 = arith.constant 0 : i32
      %dma_wait3A_1150 = tpu.memref_slice %arg26[%add3A_10, %dma_wait3A_1149] : memref<10240x128xf32, #tpu.memory_space<vmem_shared>> -> memref<64x128xf32, #tpu.memory_space<vmem_shared>>
      tpu.wait_dma2 semaphore(%run_scoped3A : memref<!tpu.dma_semaphore, #tpu.memory_space<semaphore_mem>>) src(%arg14 : memref<64x128xf32, #tpu.memory_space<vmem>>) dst(%dma_wait3A_1150 : memref<64x128xf32, #tpu.memory_space<vmem_shared>>)
      tpu.yield
    }) : () -> ()
    %mul3A_11 = arith.constant 640 : i32
    %mul3A_12 = arith.muli %arg1, %mul3A_11 : i32
    %add3A_13 = arith.constant 128 : i32
    %add3A_14 = arith.addi %mul3A_12, %add3A_13 : i32
    "tpu.region"() ({
      %run_scoped3A = tpu.sem_alloc : memref<!tpu.dma_semaphore, #tpu.memory_space<semaphore_mem>>
      %dma_start3A_1143 = arith.constant 0 : i32
      %dma_start3A_1144 = tpu.memref_slice %arg26[%add3A_14, %dma_start3A_1143] : memref<10240x128xf32, #tpu.memory_space<vmem_shared>> -> memref<64x128xf32, #tpu.memory_space<vmem_shared>>
      %dma_start3A_1145 = arith.constant 0 : i32
      %dma_start3A_1146 = tpu.memref_slice %arg26[%add3A_14, %dma_start3A_1145] : memref<10240x128xf32, #tpu.memory_space<vmem_shared>> -> memref<64x128xf32, #tpu.memory_space<vmem_shared>>
      tpu.enqueue_dma source(%arg14 : memref<64x128xf32, #tpu.memory_space<vmem>>) target(%dma_start3A_1146 : memref<64x128xf32, #tpu.memory_space<vmem_shared>>) target_semaphore(%run_scoped3A : memref<!tpu.dma_semaphore, #tpu.memory_space<semaphore_mem>>)
      %dma_wait3A_1147 = arith.constant 0 : i32
      %dma_wait3A_1148 = tpu.memref_slice %arg26[%add3A_14, %dma_wait3A_1147] : memref<10240x128xf32, #tpu.memory_space<vmem_shared>> -> memref<64x128xf32, #tpu.memory_space<vmem_shared>>
      %dma_wait3A_1149 = arith.constant 0 : i32
      %dma_wait3A_1150 = tpu.memref_slice %arg26[%add3A_14, %dma_wait3A_1149] : memref<10240x128xf32, #tpu.memory_space<vmem_shared>> -> memref<64x128xf32, #tpu.memory_space<vmem_shared>>
      tpu.wait_dma2 semaphore(%run_scoped3A : memref<!tpu.dma_semaphore, #tpu.memory_space<semaphore_mem>>) src(%arg14 : memref<64x128xf32, #tpu.memory_space<vmem>>) dst(%dma_wait3A_1150 : memref<64x128xf32, #tpu.memory_space<vmem_shared>>)
      tpu.yield
    }) : () -> ()
    %mul3A_15 = arith.constant 640 : i32
    %mul3A_16 = arith.muli %arg1, %mul3A_15 : i32
    %add3A_17 = arith.constant 192 : i32
    %add3A_18 = arith.addi %mul3A_16, %add3A_17 : i32
    "tpu.region"() ({
      %run_scoped3A = tpu.sem_alloc : memref<!tpu.dma_semaphore, #tpu.memory_space<semaphore_mem>>
      %dma_start3A_1143 = arith.constant 0 : i32
      %dma_start3A_1144 = tpu.memref_slice %arg26[%add3A_18, %dma_start3A_1143] : memref<10240x128xf32, #tpu.memory_space<vmem_shared>> -> memref<64x128xf32, #tpu.memory_space<vmem_shared>>
      %dma_start3A_1145 = arith.constant 0 : i32
      %dma_start3A_1146 = tpu.memref_slice %arg26[%add3A_18, %dma_start3A_1145] : memref<10240x128xf32, #tpu.memory_space<vmem_shared>> -> memref<64x128xf32, #tpu.memory_space<vmem_shared>>
      tpu.enqueue_dma source(%arg14 : memref<64x128xf32, #tpu.memory_space<vmem>>) target(%dma_start3A_1146 : memref<64x128xf32, #tpu.memory_space<vmem_shared>>) target_semaphore(%run_scoped3A : memref<!tpu.dma_semaphore, #tpu.memory_space<semaphore_mem>>)
      %dma_wait3A_1147 = arith.constant 0 : i32
      %dma_wait3A_1148 = tpu.memref_slice %arg26[%add3A_18, %dma_wait3A_1147] : memref<10240x128xf32, #tpu.memory_space<vmem_shared>> -> memref<64x128xf32, #tpu.memory_space<vmem_shared>>
      %dma_wait3A_1149 = arith.constant 0 : i32
      %dma_wait3A_1150 = tpu.memref_slice %arg26[%add3A_18, %dma_wait3A_1149] : memref<10240x128xf32, #tpu.memory_space<vmem_shared>> -> memref<64x128xf32, #tpu.memory_space<vmem_shared>>
      tpu.wait_dma2 semaphore(%run_scoped3A : memref<!tpu.dma_semaphore, #tpu.memory_space<semaphore_mem>>) src(%arg14 : memref<64x128xf32, #tpu.memory_space<vmem>>) dst(%dma_wait3A_1150 : memref<64x128xf32, #tpu.memory_space<vmem_shared>>)
      tpu.yield
    }) : () -> ()
    %mul3A_19 = arith.constant 640 : i32
    %mul3A_20 = arith.muli %arg1, %mul3A_19 : i32
    %add3A_21 = arith.constant 256 : i32
    %add3A_22 = arith.addi %mul3A_20, %add3A_21 : i32
    "tpu.region"() ({
      %run_scoped3A = tpu.sem_alloc : memref<!tpu.dma_semaphore, #tpu.memory_space<semaphore_mem>>
      %dma_start3A_1143 = arith.constant 0 : i32
      %dma_start3A_1144 = tpu.memref_slice %arg26[%add3A_22, %dma_start3A_1143] : memref<10240x128xf32, #tpu.memory_space<vmem_shared>> -> memref<64x128xf32, #tpu.memory_space<vmem_shared>>
      %dma_start3A_1145 = arith.constant 0 : i32
      %dma_start3A_1146 = tpu.memref_slice %arg26[%add3A_22, %dma_start3A_1145] : memref<10240x128xf32, #tpu.memory_space<vmem_shared>> -> memref<64x128xf32, #tpu.memory_space<vmem_shared>>
      tpu.enqueue_dma source(%arg14 : memref<64x128xf32, #tpu.memory_space<vmem>>) target(%dma_start3A_1146 : memref<64x128xf32, #tpu.memory_space<vmem_shared>>) target_semaphore(%run_scoped3A : memref<!tpu.dma_semaphore, #tpu.memory_space<semaphore_mem>>)
      %dma_wait3A_1147 = arith.constant 0 : i32
      %dma_wait3A_1148 = tpu.memref_slice %arg26[%add3A_22, %dma_wait3A_1147] : memref<10240x128xf32, #tpu.memory_space<vmem_shared>> -> memref<64x128xf32, #tpu.memory_space<vmem_shared>>
      %dma_wait3A_1149 = arith.constant 0 : i32
      %dma_wait3A_1150 = tpu.memref_slice %arg26[%add3A_22, %dma_wait3A_1149] : memref<10240x128xf32, #tpu.memory_space<vmem_shared>> -> memref<64x128xf32, #tpu.memory_space<vmem_shared>>
      tpu.wait_dma2 semaphore(%run_scoped3A : memref<!tpu.dma_semaphore, #tpu.memory_space<semaphore_mem>>) src(%arg14 : memref<64x128xf32, #tpu.memory_space<vmem>>) dst(%dma_wait3A_1150 : memref<64x128xf32, #tpu.memory_space<vmem_shared>>)
      tpu.yield
    }) : () -> ()
    %mul3A_23 = arith.constant 640 : i32
    %mul3A_24 = arith.muli %arg1, %mul3A_23 : i32
    %add3A_25 = arith.constant 320 : i32
    %add3A_26 = arith.addi %mul3A_24, %add3A_25 : i32
    "tpu.region"() ({
      %run_scoped3A = tpu.sem_alloc : memref<!tpu.dma_semaphore, #tpu.memory_space<semaphore_mem>>
      %dma_start3A_1143 = arith.constant 0 : i32
      %dma_start3A_1144 = tpu.memref_slice %arg26[%add3A_26, %dma_start3A_1143] : memref<10240x128xf32, #tpu.memory_space<vmem_shared>> -> memref<64x128xf32, #tpu.memory_space<vmem_shared>>
      %dma_start3A_1145 = arith.constant 0 : i32
      %dma_start3A_1146 = tpu.memref_slice %arg26[%add3A_26, %dma_start3A_1145] : memref<10240x128xf32, #tpu.memory_space<vmem_shared>> -> memref<64x128xf32, #tpu.memory_space<vmem_shared>>
      tpu.enqueue_dma source(%arg14 : memref<64x128xf32, #tpu.memory_space<vmem>>) target(%dma_start3A_1146 : memref<64x128xf32, #tpu.memory_space<vmem_shared>>) target_semaphore(%run_scoped3A : memref<!tpu.dma_semaphore, #tpu.memory_space<semaphore_mem>>)
      %dma_wait3A_1147 = arith.constant 0 : i32
      %dma_wait3A_1148 = tpu.memref_slice %arg26[%add3A_26, %dma_wait3A_1147] : memref<10240x128xf32, #tpu.memory_space<vmem_shared>> -> memref<64x128xf32, #tpu.memory_space<vmem_shared>>
      %dma_wait3A_1149 = arith.constant 0 : i32
      %dma_wait3A_1150 = tpu.memref_slice %arg26[%add3A_26, %dma_wait3A_1149] : memref<10240x128xf32, #tpu.memory_space<vmem_shared>> -> memref<64x128xf32, #tpu.memory_space<vmem_shared>>
      tpu.wait_dma2 semaphore(%run_scoped3A : memref<!tpu.dma_semaphore, #tpu.memory_space<semaphore_mem>>) src(%arg14 : memref<64x128xf32, #tpu.memory_space<vmem>>) dst(%dma_wait3A_1150 : memref<64x128xf32, #tpu.memory_space<vmem_shared>>)
      tpu.yield
    }) : () -> ()
    %mul3A_27 = arith.constant 640 : i32
    %mul3A_28 = arith.muli %arg1, %mul3A_27 : i32
    %add3A_29 = arith.constant 384 : i32
    %add3A_30 = arith.addi %mul3A_28, %add3A_29 : i32
    "tpu.region"() ({
      %run_scoped3A = tpu.sem_alloc : memref<!tpu.dma_semaphore, #tpu.memory_space<semaphore_mem>>
      %dma_start3A_1143 = arith.constant 0 : i32
      %dma_start3A_1144 = tpu.memref_slice %arg26[%add3A_30, %dma_start3A_1143] : memref<10240x128xf32, #tpu.memory_space<vmem_shared>> -> memref<64x128xf32, #tpu.memory_space<vmem_shared>>
      %dma_start3A_1145 = arith.constant 0 : i32
      %dma_start3A_1146 = tpu.memref_slice %arg26[%add3A_30, %dma_start3A_1145] : memref<10240x128xf32, #tpu.memory_space<vmem_shared>> -> memref<64x128xf32, #tpu.memory_space<vmem_shared>>
      tpu.enqueue_dma source(%arg14 : memref<64x128xf32, #tpu.memory_space<vmem>>) target(%dma_start3A_1146 : memref<64x128xf32, #tpu.memory_space<vmem_shared>>) target_semaphore(%run_scoped3A : memref<!tpu.dma_semaphore, #tpu.memory_space<semaphore_mem>>)
      %dma_wait3A_1147 = arith.constant 0 : i32
      %dma_wait3A_1148 = tpu.memref_slice %arg26[%add3A_30, %dma_wait3A_1147] : memref<10240x128xf32, #tpu.memory_space<vmem_shared>> -> memref<64x128xf32, #tpu.memory_space<vmem_shared>>
      %dma_wait3A_1149 = arith.constant 0 : i32
      %dma_wait3A_1150 = tpu.memref_slice %arg26[%add3A_30, %dma_wait3A_1149] : memref<10240x128xf32, #tpu.memory_space<vmem_shared>> -> memref<64x128xf32, #tpu.memory_space<vmem_shared>>
      tpu.wait_dma2 semaphore(%run_scoped3A : memref<!tpu.dma_semaphore, #tpu.memory_space<semaphore_mem>>) src(%arg14 : memref<64x128xf32, #tpu.memory_space<vmem>>) dst(%dma_wait3A_1150 : memref<64x128xf32, #tpu.memory_space<vmem_shared>>)
      tpu.yield
    }) : () -> ()
    %mul3A_31 = arith.constant 640 : i32
    %mul3A_32 = arith.muli %arg1, %mul3A_31 : i32
    %add3A_33 = arith.constant 448 : i32
    %add3A_34 = arith.addi %mul3A_32, %add3A_33 : i32
    "tpu.region"() ({
      %run_scoped3A = tpu.sem_alloc : memref<!tpu.dma_semaphore, #tpu.memory_space<semaphore_mem>>
      %dma_start3A_1143 = arith.constant 0 : i32
      %dma_start3A_1144 = tpu.memref_slice %arg26[%add3A_34, %dma_start3A_1143] : memref<10240x128xf32, #tpu.memory_space<vmem_shared>> -> memref<64x128xf32, #tpu.memory_space<vmem_shared>>
      %dma_start3A_1145 = arith.constant 0 : i32
      %dma_start3A_1146 = tpu.memref_slice %arg26[%add3A_34, %dma_start3A_1145] : memref<10240x128xf32, #tpu.memory_space<vmem_shared>> -> memref<64x128xf32, #tpu.memory_space<vmem_shared>>
      tpu.enqueue_dma source(%arg14 : memref<64x128xf32, #tpu.memory_space<vmem>>) target(%dma_start3A_1146 : memref<64x128xf32, #tpu.memory_space<vmem_shared>>) target_semaphore(%run_scoped3A : memref<!tpu.dma_semaphore, #tpu.memory_space<semaphore_mem>>)
      %dma_wait3A_1147 = arith.constant 0 : i32
      %dma_wait3A_1148 = tpu.memref_slice %arg26[%add3A_34, %dma_wait3A_1147] : memref<10240x128xf32, #tpu.memory_space<vmem_shared>> -> memref<64x128xf32, #tpu.memory_space<vmem_shared>>
      %dma_wait3A_1149 = arith.constant 0 : i32
      %dma_wait3A_1150 = tpu.memref_slice %arg26[%add3A_34, %dma_wait3A_1149] : memref<10240x128xf32, #tpu.memory_space<vmem_shared>> -> memref<64x128xf32, #tpu.memory_space<vmem_shared>>
      tpu.wait_dma2 semaphore(%run_scoped3A : memref<!tpu.dma_semaphore, #tpu.memory_space<semaphore_mem>>) src(%arg14 : memref<64x128xf32, #tpu.memory_space<vmem>>) dst(%dma_wait3A_1150 : memref<64x128xf32, #tpu.memory_space<vmem_shared>>)
      tpu.yield
    }) : () -> ()
    %mul3A_35 = arith.constant 640 : i32
    %mul3A_36 = arith.muli %arg1, %mul3A_35 : i32
    %add3A_37 = arith.constant 512 : i32
    %add3A_38 = arith.addi %mul3A_36, %add3A_37 : i32
    "tpu.region"() ({
      %run_scoped3A = tpu.sem_alloc : memref<!tpu.dma_semaphore, #tpu.memory_space<semaphore_mem>>
      %dma_start3A_1143 = arith.constant 0 : i32
      %dma_start3A_1144 = tpu.memref_slice %arg26[%add3A_38, %dma_start3A_1143] : memref<10240x128xf32, #tpu.memory_space<vmem_shared>> -> memref<64x128xf32, #tpu.memory_space<vmem_shared>>
      %dma_start3A_1145 = arith.constant 0 : i32
      %dma_start3A_1146 = tpu.memref_slice %arg26[%add3A_38, %dma_start3A_1145] : memref<10240x128xf32, #tpu.memory_space<vmem_shared>> -> memref<64x128xf32, #tpu.memory_space<vmem_shared>>
      tpu.enqueue_dma source(%arg14 : memref<64x128xf32, #tpu.memory_space<vmem>>) target(%dma_start3A_1146 : memref<64x128xf32, #tpu.memory_space<vmem_shared>>) target_semaphore(%run_scoped3A : memref<!tpu.dma_semaphore, #tpu.memory_space<semaphore_mem>>)
      %dma_wait3A_1147 = arith.constant 0 : i32
      %dma_wait3A_1148 = tpu.memref_slice %arg26[%add3A_38, %dma_wait3A_1147] : memref<10240x128xf32, #tpu.memory_space<vmem_shared>> -> memref<64x128xf32, #tpu.memory_space<vmem_shared>>
      %dma_wait3A_1149 = arith.constant 0 : i32
      %dma_wait3A_1150 = tpu.memref_slice %arg26[%add3A_38, %dma_wait3A_1149] : memref<10240x128xf32, #tpu.memory_space<vmem_shared>> -> memref<64x128xf32, #tpu.memory_space<vmem_shared>>
      tpu.wait_dma2 semaphore(%run_scoped3A : memref<!tpu.dma_semaphore, #tpu.memory_space<semaphore_mem>>) src(%arg14 : memref<64x128xf32, #tpu.memory_space<vmem>>) dst(%dma_wait3A_1150 : memref<64x128xf32, #tpu.memory_space<vmem_shared>>)
      tpu.yield
    }) : () -> ()
    %mul3A_39 = arith.constant 640 : i32
    %mul3A_40 = arith.muli %arg1, %mul3A_39 : i32
    %add3A_41 = arith.constant 576 : i32
    %add3A_42 = arith.addi %mul3A_40, %add3A_41 : i32
    "tpu.region"() ({
      %run_scoped3A = tpu.sem_alloc : memref<!tpu.dma_semaphore, #tpu.memory_space<semaphore_mem>>
      %dma_start3A_1143 = arith.constant 0 : i32
      %dma_start3A_1144 = tpu.memref_slice %arg26[%add3A_42, %dma_start3A_1143] : memref<10240x128xf32, #tpu.memory_space<vmem_shared>> -> memref<64x128xf32, #tpu.memory_space<vmem_shared>>
      %dma_start3A_1145 = arith.constant 0 : i32
      %dma_start3A_1146 = tpu.memref_slice %arg26[%add3A_42, %dma_start3A_1145] : memref<10240x128xf32, #tpu.memory_space<vmem_shared>> -> memref<64x128xf32, #tpu.memory_space<vmem_shared>>
      tpu.enqueue_dma source(%arg14 : memref<64x128xf32, #tpu.memory_space<vmem>>) target(%dma_start3A_1146 : memref<64x128xf32, #tpu.memory_space<vmem_shared>>) target_semaphore(%run_scoped3A : memref<!tpu.dma_semaphore, #tpu.memory_space<semaphore_mem>>)
      %dma_wait3A_1147 = arith.constant 0 : i32
      %dma_wait3A_1148 = tpu.memref_slice %arg26[%add3A_42, %dma_wait3A_1147] : memref<10240x128xf32, #tpu.memory_space<vmem_shared>> -> memref<64x128xf32, #tpu.memory_space<vmem_shared>>
      %dma_wait3A_1149 = arith.constant 0 : i32
      %dma_wait3A_1150 = tpu.memref_slice %arg26[%add3A_42, %dma_wait3A_1149] : memref<10240x128xf32, #tpu.memory_space<vmem_shared>> -> memref<64x128xf32, #tpu.memory_space<vmem_shared>>
      tpu.wait_dma2 semaphore(%run_scoped3A : memref<!tpu.dma_semaphore, #tpu.memory_space<semaphore_mem>>) src(%arg14 : memref<64x128xf32, #tpu.memory_space<vmem>>) dst(%dma_wait3A_1150 : memref<64x128xf32, #tpu.memory_space<vmem_shared>>)
      tpu.yield
    }) : () -> ()
    %barrier3A = arith.constant 0 : index
    tpu.barrier barrier_id(%barrier3A)
    %eq3A = arith.constant 0 : i32
    %eq3A_43 = arith.cmpi eq, %arg0, %eq3A : i32
    %mul3A_44 = arith.constant 160 : i32
    %mul3A_45 = arith.muli %arg1, %mul3A_44 : i32
    %mul3A_46 = arith.constant 160 : i32
    %mul3A_47 = arith.muli %arg1, %mul3A_46 : i32
    %add3A_48 = arith.constant 2560 : i32
    %add3A_49 = arith.addi %add3A_48, %mul3A_47 : i32
    %select_n3A = arith.select %eq3A_43, %mul3A_45, %add3A_49 : i32
    %jit3A = arith.constant 10 : i32
    %jit3A_50 = arith.constant 10 : i32
    %select_n3A_51 = arith.select %eq3A_43, %jit3A, %jit3A_50 : i32
    "tpu.region"() ({
      %run_scoped3A = tpu.sem_alloc : memref<!tpu.dma_semaphore, #tpu.memory_space<semaphore_mem>>
      %dma_start3A_1143 = arith.constant 0 : i32
      %dma_start3A_1144 = tpu.memref_slice %arg3[%select_n3A, %dma_start3A_1143] : memref<5120x64xi32, #tpu.memory_space<hbm>> -> memref<8x64xi32, #tpu.memory_space<hbm>>
      %dma_start3A_1145 = arith.constant 0 : i32
      %dma_start3A_1146 = tpu.memref_slice %arg3[%select_n3A, %dma_start3A_1145] : memref<5120x64xi32, #tpu.memory_space<hbm>> -> memref<8x64xi32, #tpu.memory_space<hbm>>
      tpu.enqueue_dma source(%dma_start3A_1146 : memref<8x64xi32, #tpu.memory_space<hbm>>) target(%arg6 : memref<8x64xi32, #tpu.memory_space<vmem>>) target_semaphore(%run_scoped3A : memref<!tpu.dma_semaphore, #tpu.memory_space<semaphore_mem>>)
      %dma_wait3A_1147 = arith.constant 0 : i32
      %dma_wait3A_1148 = tpu.memref_slice %arg3[%select_n3A, %dma_wait3A_1147] : memref<5120x64xi32, #tpu.memory_space<hbm>> -> memref<8x64xi32, #tpu.memory_space<hbm>>
      %dma_wait3A_1149 = arith.constant 0 : i32
      %dma_wait3A_1150 = tpu.memref_slice %arg3[%select_n3A, %dma_wait3A_1149] : memref<5120x64xi32, #tpu.memory_space<hbm>> -> memref<8x64xi32, #tpu.memory_space<hbm>>
      tpu.wait_dma2 semaphore(%run_scoped3A : memref<!tpu.dma_semaphore, #tpu.memory_space<semaphore_mem>>) src(%dma_wait3A_1150 : memref<8x64xi32, #tpu.memory_space<hbm>>) dst(%arg6 : memref<8x64xi32, #tpu.memory_space<vmem>>)
      tpu.yield
    }) : () -> ()
    "tpu.region"() ({
      %run_scoped3A = tpu.sem_alloc : memref<!tpu.dma_semaphore, #tpu.memory_space<semaphore_mem>>
      %dma_start3A_1143 = arith.constant 0 : i32
      %dma_start3A_1144 = tpu.memref_slice %arg4[%select_n3A, %dma_start3A_1143] : memref<5120x64xi32, #tpu.memory_space<hbm>> -> memref<8x64xi32, #tpu.memory_space<hbm>>
      %dma_start3A_1145 = arith.constant 0 : i32
      %dma_start3A_1146 = tpu.memref_slice %arg4[%select_n3A, %dma_start3A_1145] : memref<5120x64xi32, #tpu.memory_space<hbm>> -> memref<8x64xi32, #tpu.memory_space<hbm>>
      tpu.enqueue_dma source(%dma_start3A_1146 : memref<8x64xi32, #tpu.memory_space<hbm>>) target(%arg8 : memref<8x64xi32, #tpu.memory_space<vmem>>) target_semaphore(%run_scoped3A : memref<!tpu.dma_semaphore, #tpu.memory_space<semaphore_mem>>)
      %dma_wait3A_1147 = arith.constant 0 : i32
      %dma_wait3A_1148 = tpu.memref_slice %arg4[%select_n3A, %dma_wait3A_1147] : memref<5120x64xi32, #tpu.memory_space<hbm>> -> memref<8x64xi32, #tpu.memory_space<hbm>>
      %dma_wait3A_1149 = arith.constant 0 : i32
      %dma_wait3A_1150 = tpu.memref_slice %arg4[%select_n3A, %dma_wait3A_1149] : memref<5120x64xi32, #tpu.memory_space<hbm>> -> memref<8x64xi32, #tpu.memory_space<hbm>>
      tpu.wait_dma2 semaphore(%run_scoped3A : memref<!tpu.dma_semaphore, #tpu.memory_space<semaphore_mem>>) src(%dma_wait3A_1150 : memref<8x64xi32, #tpu.memory_space<hbm>>) dst(%arg8 : memref<8x64xi32, #tpu.memory_space<vmem>>)
      tpu.yield
    }) : () -> ()
    %dma_start3A = arith.constant 0 : i32
    %dma_start3A_52 = arith.constant 0 : i32
    %dma_start3A_53 = tpu.memref_slice %arg6[%dma_start3A, %dma_start3A_52] : memref<8x64xi32, #tpu.memory_space<vmem>> -> memref<1x64xi32, #tpu.memory_space<vmem>>
    %dma_start3A_54 = tpu.memref_squeeze %dma_start3A_53 : memref<1x64xi32, #tpu.memory_space<vmem>> -> memref<64xi32, #tpu.memory_space<vmem>>
    %dma_start3A_55 = arith.constant 0 : i32
    %dma_start3A_56 = arith.constant 0 : i32
    %dma_start3A_57 = tpu.memref_slice %arg2[%dma_start3A_55, %dma_start3A_56] : memref<10240x128xf32, #tpu.memory_space<hbm>> -> memref<10240x128xf32, #tpu.memory_space<hbm>>
    tpu.enqueue_indirect_dma source(%dma_start3A_57 : memref<10240x128xf32, #tpu.memory_space<hbm>>) target(%arg14 : memref<64x128xf32, #tpu.memory_space<vmem>>) offsets(%dma_start3A_54 : memref<64xi32, #tpu.memory_space<vmem>>) semaphore(%arg18 : memref<!tpu.dma_semaphore, #tpu.memory_space<semaphore_mem>>)
    %dma_start3A_58 = arith.constant 1 : i32
    %dma_start3A_59 = arith.constant 0 : i32
    %dma_start3A_60 = tpu.memref_slice %arg6[%dma_start3A_58, %dma_start3A_59] : memref<8x64xi32, #tpu.memory_space<vmem>> -> memref<1x64xi32, #tpu.memory_space<vmem>>
    %dma_start3A_61 = tpu.memref_squeeze %dma_start3A_60 : memref<1x64xi32, #tpu.memory_space<vmem>> -> memref<64xi32, #tpu.memory_space<vmem>>
    %dma_start3A_62 = arith.constant 0 : i32
    %dma_start3A_63 = arith.constant 0 : i32
    %dma_start3A_64 = tpu.memref_slice %arg2[%dma_start3A_62, %dma_start3A_63] : memref<10240x128xf32, #tpu.memory_space<hbm>> -> memref<10240x128xf32, #tpu.memory_space<hbm>>
    tpu.enqueue_indirect_dma source(%dma_start3A_64 : memref<10240x128xf32, #tpu.memory_space<hbm>>) target(%arg15 : memref<64x128xf32, #tpu.memory_space<vmem>>) offsets(%dma_start3A_61 : memref<64xi32, #tpu.memory_space<vmem>>) semaphore(%arg19 : memref<!tpu.dma_semaphore, #tpu.memory_space<semaphore_mem>>)
    %dma_start3A_65 = arith.constant 2 : i32
    %dma_start3A_66 = arith.constant 0 : i32
    %dma_start3A_67 = tpu.memref_slice %arg6[%dma_start3A_65, %dma_start3A_66] : memref<8x64xi32, #tpu.memory_space<vmem>> -> memref<1x64xi32, #tpu.memory_space<vmem>>
    %dma_start3A_68 = tpu.memref_squeeze %dma_start3A_67 : memref<1x64xi32, #tpu.memory_space<vmem>> -> memref<64xi32, #tpu.memory_space<vmem>>
    %dma_start3A_69 = arith.constant 0 : i32
    %dma_start3A_70 = arith.constant 0 : i32
    %dma_start3A_71 = tpu.memref_slice %arg2[%dma_start3A_69, %dma_start3A_70] : memref<10240x128xf32, #tpu.memory_space<hbm>> -> memref<10240x128xf32, #tpu.memory_space<hbm>>
    tpu.enqueue_indirect_dma source(%dma_start3A_71 : memref<10240x128xf32, #tpu.memory_space<hbm>>) target(%arg16 : memref<64x128xf32, #tpu.memory_space<vmem>>) offsets(%dma_start3A_68 : memref<64xi32, #tpu.memory_space<vmem>>) semaphore(%arg20 : memref<!tpu.dma_semaphore, #tpu.memory_space<semaphore_mem>>)
    %dma_wait3A = arith.constant 0 : i32
    %dma_wait3A_72 = arith.constant 0 : i32
    %dma_wait3A_73 = tpu.memref_slice %arg6[%dma_wait3A, %dma_wait3A_72] : memref<8x64xi32, #tpu.memory_space<vmem>> -> memref<1x64xi32, #tpu.memory_space<vmem>>
    %dma_wait3A_74 = tpu.memref_squeeze %dma_wait3A_73 : memref<1x64xi32, #tpu.memory_space<vmem>> -> memref<64xi32, #tpu.memory_space<vmem>>
    %dma_wait3A_75 = arith.constant 0 : i32
    %dma_wait3A_76 = arith.constant 0 : i32
    %dma_wait3A_77 = tpu.memref_slice %arg2[%dma_wait3A_75, %dma_wait3A_76] : memref<10240x128xf32, #tpu.memory_space<hbm>> -> memref<10240x128xf32, #tpu.memory_space<hbm>>
    tpu.wait_indirect_dma semaphore(%arg18 : memref<!tpu.dma_semaphore, #tpu.memory_space<semaphore_mem>>) src(%dma_wait3A_77 : memref<10240x128xf32, #tpu.memory_space<hbm>>) dst(%arg14 : memref<64x128xf32, #tpu.memory_space<vmem>>)
    %dma_start3A_78 = arith.constant 3 : i32
    %dma_start3A_79 = arith.constant 0 : i32
    %dma_start3A_80 = tpu.memref_slice %arg6[%dma_start3A_78, %dma_start3A_79] : memref<8x64xi32, #tpu.memory_space<vmem>> -> memref<1x64xi32, #tpu.memory_space<vmem>>
    %dma_start3A_81 = tpu.memref_squeeze %dma_start3A_80 : memref<1x64xi32, #tpu.memory_space<vmem>> -> memref<64xi32, #tpu.memory_space<vmem>>
    %dma_start3A_82 = arith.constant 0 : i32
    %dma_start3A_83 = arith.constant 0 : i32
    %dma_start3A_84 = tpu.memref_slice %arg2[%dma_start3A_82, %dma_start3A_83] : memref<10240x128xf32, #tpu.memory_space<hbm>> -> memref<10240x128xf32, #tpu.memory_space<hbm>>
    tpu.enqueue_indirect_dma source(%dma_start3A_84 : memref<10240x128xf32, #tpu.memory_space<hbm>>) target(%arg17 : memref<64x128xf32, #tpu.memory_space<vmem>>) offsets(%dma_start3A_81 : memref<64xi32, #tpu.memory_space<vmem>>) semaphore(%arg21 : memref<!tpu.dma_semaphore, #tpu.memory_space<semaphore_mem>>)
    %dma_start3A_85 = arith.constant 0 : i32
    %dma_start3A_86 = arith.constant 0 : i32
    %dma_start3A_87 = tpu.memref_slice %arg8[%dma_start3A_85, %dma_start3A_86] : memref<8x64xi32, #tpu.memory_space<vmem>> -> memref<1x64xi32, #tpu.memory_space<vmem>>
    %dma_start3A_88 = tpu.memref_squeeze %dma_start3A_87 : memref<1x64xi32, #tpu.memory_space<vmem>> -> memref<64xi32, #tpu.memory_space<vmem>>
    %dma_start3A_89 = arith.constant 0 : i32
    %dma_start3A_90 = arith.constant 0 : i32
    %dma_start3A_91 = tpu.memref_slice %arg26[%dma_start3A_89, %dma_start3A_90] : memref<10240x128xf32, #tpu.memory_space<vmem_shared>> -> memref<10240x128xf32, #tpu.memory_space<vmem_shared>>
    tpu.enqueue_indirect_dma source(%arg14 : memref<64x128xf32, #tpu.memory_space<vmem>>) target(%dma_start3A_91 : memref<10240x128xf32, #tpu.memory_space<vmem_shared>>) offsets(%dma_start3A_88 : memref<64xi32, #tpu.memory_space<vmem>>) semaphore(%arg22 : memref<!tpu.dma_semaphore, #tpu.memory_space<semaphore_mem>>) {add = true}
    %dma_wait3A_92 = arith.constant 1 : i32
    %dma_wait3A_93 = arith.constant 0 : i32
    %dma_wait3A_94 = tpu.memref_slice %arg6[%dma_wait3A_92, %dma_wait3A_93] : memref<8x64xi32, #tpu.memory_space<vmem>> -> memref<1x64xi32, #tpu.memory_space<vmem>>
    %dma_wait3A_95 = tpu.memref_squeeze %dma_wait3A_94 : memref<1x64xi32, #tpu.memory_space<vmem>> -> memref<64xi32, #tpu.memory_space<vmem>>
    %dma_wait3A_96 = arith.constant 0 : i32
    %dma_wait3A_97 = arith.constant 0 : i32
    %dma_wait3A_98 = tpu.memref_slice %arg2[%dma_wait3A_96, %dma_wait3A_97] : memref<10240x128xf32, #tpu.memory_space<hbm>> -> memref<10240x128xf32, #tpu.memory_space<hbm>>
    tpu.wait_indirect_dma semaphore(%arg19 : memref<!tpu.dma_semaphore, #tpu.memory_space<semaphore_mem>>) src(%dma_wait3A_98 : memref<10240x128xf32, #tpu.memory_space<hbm>>) dst(%arg15 : memref<64x128xf32, #tpu.memory_space<vmem>>)
    %dma_wait3A_99 = arith.constant 1 : i32
    %dma_wait3A_100 = arith.constant 0 : i32
    %dma_wait3A_101 = tpu.memref_slice %arg8[%dma_wait3A_99, %dma_wait3A_100] : memref<8x64xi32, #tpu.memory_space<vmem>> -> memref<1x64xi32, #tpu.memory_space<vmem>>
    %dma_wait3A_102 = tpu.memref_squeeze %dma_wait3A_101 : memref<1x64xi32, #tpu.memory_space<vmem>> -> memref<64xi32, #tpu.memory_space<vmem>>
    %dma_wait3A_103 = arith.constant 0 : i32
    %dma_wait3A_104 = arith.constant 0 : i32
    %dma_wait3A_105 = tpu.memref_slice %arg26[%dma_wait3A_103, %dma_wait3A_104] : memref<10240x128xf32, #tpu.memory_space<vmem_shared>> -> memref<10240x128xf32, #tpu.memory_space<vmem_shared>>
    tpu.wait_indirect_dma semaphore(%arg22 : memref<!tpu.dma_semaphore, #tpu.memory_space<semaphore_mem>>) src(%arg14 : memref<64x128xf32, #tpu.memory_space<vmem>>) dst(%dma_wait3A_105 : memref<10240x128xf32, #tpu.memory_space<vmem_shared>>)
    %add3A_106 = arith.constant 8 : i32
    %add3A_107 = arith.addi %select_n3A, %add3A_106 : i32
    %dma_start3A_108 = arith.constant 0 : i32
    %dma_start3A_109 = tpu.memref_slice %arg3[%add3A_107, %dma_start3A_108] : memref<5120x64xi32, #tpu.memory_space<hbm>> -> memref<8x64xi32, #tpu.memory_space<hbm>>
    %dma_start3A_110 = arith.constant 0 : i32
    %dma_start3A_111 = tpu.memref_slice %arg3[%add3A_107, %dma_start3A_110] : memref<5120x64xi32, #tpu.memory_space<hbm>> -> memref<8x64xi32, #tpu.memory_space<hbm>>
    tpu.enqueue_dma source(%dma_start3A_111 : memref<8x64xi32, #tpu.memory_space<hbm>>) target(%arg7 : memref<8x64xi32, #tpu.memory_space<vmem>>) target_semaphore(%arg12 : memref<!tpu.dma_semaphore, #tpu.memory_space<semaphore_mem>>)
    %dma_start3A_112 = arith.constant 0 : i32
    %dma_start3A_113 = tpu.memref_slice %arg4[%add3A_107, %dma_start3A_112] : memref<5120x64xi32, #tpu.memory_space<hbm>> -> memref<8x64xi32, #tpu.memory_space<hbm>>
    %dma_start3A_114 = arith.constant 0 : i32
    %dma_start3A_115 = tpu.memref_slice %arg4[%add3A_107, %dma_start3A_114] : memref<5120x64xi32, #tpu.memory_space<hbm>> -> memref<8x64xi32, #tpu.memory_space<hbm>>
    tpu.enqueue_dma source(%dma_start3A_115 : memref<8x64xi32, #tpu.memory_space<hbm>>) target(%arg9 : memref<8x64xi32, #tpu.memory_space<vmem>>) target_semaphore(%arg13 : memref<!tpu.dma_semaphore, #tpu.memory_space<semaphore_mem>>)
    %dma_start3A_116 = arith.constant 4 : i32
    %dma_start3A_117 = arith.constant 0 : i32
    %dma_start3A_118 = tpu.memref_slice %arg6[%dma_start3A_116, %dma_start3A_117] : memref<8x64xi32, #tpu.memory_space<vmem>> -> memref<1x64xi32, #tpu.memory_space<vmem>>
    %dma_start3A_119 = tpu.memref_squeeze %dma_start3A_118 : memref<1x64xi32, #tpu.memory_space<vmem>> -> memref<64xi32, #tpu.memory_space<vmem>>
    %dma_start3A_120 = arith.constant 0 : i32
    %dma_start3A_121 = arith.constant 0 : i32
    %dma_start3A_122 = tpu.memref_slice %arg2[%dma_start3A_120, %dma_start3A_121] : memref<10240x128xf32, #tpu.memory_space<hbm>> -> memref<10240x128xf32, #tpu.memory_space<hbm>>
    tpu.enqueue_indirect_dma source(%dma_start3A_122 : memref<10240x128xf32, #tpu.memory_space<hbm>>) target(%arg14 : memref<64x128xf32, #tpu.memory_space<vmem>>) offsets(%dma_start3A_119 : memref<64xi32, #tpu.memory_space<vmem>>) semaphore(%arg18 : memref<!tpu.dma_semaphore, #tpu.memory_space<semaphore_mem>>)
    %dma_start3A_123 = arith.constant 1 : i32
    %dma_start3A_124 = arith.constant 0 : i32
    %dma_start3A_125 = tpu.memref_slice %arg8[%dma_start3A_123, %dma_start3A_124] : memref<8x64xi32, #tpu.memory_space<vmem>> -> memref<1x64xi32, #tpu.memory_space<vmem>>
    %dma_start3A_126 = tpu.memref_squeeze %dma_start3A_125 : memref<1x64xi32, #tpu.memory_space<vmem>> -> memref<64xi32, #tpu.memory_space<vmem>>
    %dma_start3A_127 = arith.constant 0 : i32
    %dma_start3A_128 = arith.constant 0 : i32
    %dma_start3A_129 = tpu.memref_slice %arg26[%dma_start3A_127, %dma_start3A_128] : memref<10240x128xf32, #tpu.memory_space<vmem_shared>> -> memref<10240x128xf32, #tpu.memory_space<vmem_shared>>
    tpu.enqueue_indirect_dma source(%arg15 : memref<64x128xf32, #tpu.memory_space<vmem>>) target(%dma_start3A_129 : memref<10240x128xf32, #tpu.memory_space<vmem_shared>>) offsets(%dma_start3A_126 : memref<64xi32, #tpu.memory_space<vmem>>) semaphore(%arg23 : memref<!tpu.dma_semaphore, #tpu.memory_space<semaphore_mem>>) {add = true}
    %dma_wait3A_130 = arith.constant 2 : i32
    %dma_wait3A_131 = arith.constant 0 : i32
    %dma_wait3A_132 = tpu.memref_slice %arg6[%dma_wait3A_130, %dma_wait3A_131] : memref<8x64xi32, #tpu.memory_space<vmem>> -> memref<1x64xi32, #tpu.memory_space<vmem>>
    %dma_wait3A_133 = tpu.memref_squeeze %dma_wait3A_132 : memref<1x64xi32, #tpu.memory_space<vmem>> -> memref<64xi32, #tpu.memory_space<vmem>>
    %dma_wait3A_134 = arith.constant 0 : i32
    %dma_wait3A_135 = arith.constant 0 : i32
    %dma_wait3A_136 = tpu.memref_slice %arg2[%dma_wait3A_134, %dma_wait3A_135] : memref<10240x128xf32, #tpu.memory_space<hbm>> -> memref<10240x128xf32, #tpu.memory_space<hbm>>
    tpu.wait_indirect_dma semaphore(%arg20 : memref<!tpu.dma_semaphore, #tpu.memory_space<semaphore_mem>>) src(%dma_wait3A_136 : memref<10240x128xf32, #tpu.memory_space<hbm>>) dst(%arg16 : memref<64x128xf32, #tpu.memory_space<vmem>>)
    %dma_wait3A_137 = arith.constant 2 : i32
    %dma_wait3A_138 = arith.constant 0 : i32
    %dma_wait3A_139 = tpu.memref_slice %arg8[%dma_wait3A_137, %dma_wait3A_138] : memref<8x64xi32, #tpu.memory_space<vmem>> -> memref<1x64xi32, #tpu.memory_space<vmem>>
    %dma_wait3A_140 = tpu.memref_squeeze %dma_wait3A_139 : memref<1x64xi32, #tpu.memory_space<vmem>> -> memref<64xi32, #tpu.memory_space<vmem>>
    %dma_wait3A_141 = arith.constant 0 : i32
    %dma_wait3A_142 = arith.constant 0 : i32
    %dma_wait3A_143 = tpu.memref_slice %arg26[%dma_wait3A_141, %dma_wait3A_142] : memref<10240x128xf32, #tpu.memory_space<vmem_shared>> -> memref<10240x128xf32, #tpu.memory_space<vmem_shared>>
    tpu.wait_indirect_dma semaphore(%arg23 : memref<!tpu.dma_semaphore, #tpu.memory_space<semaphore_mem>>) src(%arg15 : memref<64x128xf32, #tpu.memory_space<vmem>>) dst(%dma_wait3A_143 : memref<10240x128xf32, #tpu.memory_space<vmem_shared>>)
    %dma_start3A_144 = arith.constant 5 : i32
    %dma_start3A_145 = arith.constant 0 : i32
    %dma_start3A_146 = tpu.memref_slice %arg6[%dma_start3A_144, %dma_start3A_145] : memref<8x64xi32, #tpu.memory_space<vmem>> -> memref<1x64xi32, #tpu.memory_space<vmem>>
    %dma_start3A_147 = tpu.memref_squeeze %dma_start3A_146 : memref<1x64xi32, #tpu.memory_space<vmem>> -> memref<64xi32, #tpu.memory_space<vmem>>
    %dma_start3A_148 = arith.constant 0 : i32
    %dma_start3A_149 = arith.constant 0 : i32
    %dma_start3A_150 = tpu.memref_slice %arg2[%dma_start3A_148, %dma_start3A_149] : memref<10240x128xf32, #tpu.memory_space<hbm>> -> memref<10240x128xf32, #tpu.memory_space<hbm>>
    tpu.enqueue_indirect_dma source(%dma_start3A_150 : memref<10240x128xf32, #tpu.memory_space<hbm>>) target(%arg15 : memref<64x128xf32, #tpu.memory_space<vmem>>) offsets(%dma_start3A_147 : memref<64xi32, #tpu.memory_space<vmem>>) semaphore(%arg19 : memref<!tpu.dma_semaphore, #tpu.memory_space<semaphore_mem>>)
    %dma_start3A_151 = arith.constant 2 : i32
    %dma_start3A_152 = arith.constant 0 : i32
    %dma_start3A_153 = tpu.memref_slice %arg8[%dma_start3A_151, %dma_start3A_152] : memref<8x64xi32, #tpu.memory_space<vmem>> -> memref<1x64xi32, #tpu.memory_space<vmem>>
    %dma_start3A_154 = tpu.memref_squeeze %dma_start3A_153 : memref<1x64xi32, #tpu.memory_space<vmem>> -> memref<64xi32, #tpu.memory_space<vmem>>
    %dma_start3A_155 = arith.constant 0 : i32
    %dma_start3A_156 = arith.constant 0 : i32
    %dma_start3A_157 = tpu.memref_slice %arg26[%dma_start3A_155, %dma_start3A_156] : memref<10240x128xf32, #tpu.memory_space<vmem_shared>> -> memref<10240x128xf32, #tpu.memory_space<vmem_shared>>
    tpu.enqueue_indirect_dma source(%arg16 : memref<64x128xf32, #tpu.memory_space<vmem>>) target(%dma_start3A_157 : memref<10240x128xf32, #tpu.memory_space<vmem_shared>>) offsets(%dma_start3A_154 : memref<64xi32, #tpu.memory_space<vmem>>) semaphore(%arg24 : memref<!tpu.dma_semaphore, #tpu.memory_space<semaphore_mem>>) {add = true}
    %dma_wait3A_158 = arith.constant 3 : i32
    %dma_wait3A_159 = arith.constant 0 : i32
    %dma_wait3A_160 = tpu.memref_slice %arg6[%dma_wait3A_158, %dma_wait3A_159] : memref<8x64xi32, #tpu.memory_space<vmem>> -> memref<1x64xi32, #tpu.memory_space<vmem>>
    %dma_wait3A_161 = tpu.memref_squeeze %dma_wait3A_160 : memref<1x64xi32, #tpu.memory_space<vmem>> -> memref<64xi32, #tpu.memory_space<vmem>>
    %dma_wait3A_162 = arith.constant 0 : i32
    %dma_wait3A_163 = arith.constant 0 : i32
    %dma_wait3A_164 = tpu.memref_slice %arg2[%dma_wait3A_162, %dma_wait3A_163] : memref<10240x128xf32, #tpu.memory_space<hbm>> -> memref<10240x128xf32, #tpu.memory_space<hbm>>
    tpu.wait_indirect_dma semaphore(%arg21 : memref<!tpu.dma_semaphore, #tpu.memory_space<semaphore_mem>>) src(%dma_wait3A_164 : memref<10240x128xf32, #tpu.memory_space<hbm>>) dst(%arg17 : memref<64x128xf32, #tpu.memory_space<vmem>>)
    %dma_wait3A_165 = arith.constant 3 : i32
    %dma_wait3A_166 = arith.constant 0 : i32
    %dma_wait3A_167 = tpu.memref_slice %arg8[%dma_wait3A_165, %dma_wait3A_166] : memref<8x64xi32, #tpu.memory_space<vmem>> -> memref<1x64xi32, #tpu.memory_space<vmem>>
    %dma_wait3A_168 = tpu.memref_squeeze %dma_wait3A_167 : memref<1x64xi32, #tpu.memory_space<vmem>> -> memref<64xi32, #tpu.memory_space<vmem>>
    %dma_wait3A_169 = arith.constant 0 : i32
    %dma_wait3A_170 = arith.constant 0 : i32
    %dma_wait3A_171 = tpu.memref_slice %arg26[%dma_wait3A_169, %dma_wait3A_170] : memref<10240x128xf32, #tpu.memory_space<vmem_shared>> -> memref<10240x128xf32, #tpu.memory_space<vmem_shared>>
    tpu.wait_indirect_dma semaphore(%arg24 : memref<!tpu.dma_semaphore, #tpu.memory_space<semaphore_mem>>) src(%arg16 : memref<64x128xf32, #tpu.memory_space<vmem>>) dst(%dma_wait3A_171 : memref<10240x128xf32, #tpu.memory_space<vmem_shared>>)
    %dma_start3A_172 = arith.constant 6 : i32
    %dma_start3A_173 = arith.constant 0 : i32
    %dma_start3A_174 = tpu.memref_slice %arg6[%dma_start3A_172, %dma_start3A_173] : memref<8x64xi32, #tpu.memory_space<vmem>> -> memref<1x64xi32, #tpu.memory_space<vmem>>
    %dma_start3A_175 = tpu.memref_squeeze %dma_start3A_174 : memref<1x64xi32, #tpu.memory_space<vmem>> -> memref<64xi32, #tpu.memory_space<vmem>>
    %dma_start3A_176 = arith.constant 0 : i32
    %dma_start3A_177 = arith.constant 0 : i32
    %dma_start3A_178 = tpu.memref_slice %arg2[%dma_start3A_176, %dma_start3A_177] : memref<10240x128xf32, #tpu.memory_space<hbm>> -> memref<10240x128xf32, #tpu.memory_space<hbm>>
    tpu.enqueue_indirect_dma source(%dma_start3A_178 : memref<10240x128xf32, #tpu.memory_space<hbm>>) target(%arg16 : memref<64x128xf32, #tpu.memory_space<vmem>>) offsets(%dma_start3A_175 : memref<64xi32, #tpu.memory_space<vmem>>) semaphore(%arg20 : memref<!tpu.dma_semaphore, #tpu.memory_space<semaphore_mem>>)
    %dma_start3A_179 = arith.constant 3 : i32
    %dma_start3A_180 = arith.constant 0 : i32
    %dma_start3A_181 = tpu.memref_slice %arg8[%dma_start3A_179, %dma_start3A_180] : memref<8x64xi32, #tpu.memory_space<vmem>> -> memref<1x64xi32, #tpu.memory_space<vmem>>
    %dma_start3A_182 = tpu.memref_squeeze %dma_start3A_181 : memref<1x64xi32, #tpu.memory_space<vmem>> -> memref<64xi32, #tpu.memory_space<vmem>>
    %dma_start3A_183 = arith.constant 0 : i32
    %dma_start3A_184 = arith.constant 0 : i32
    %dma_start3A_185 = tpu.memref_slice %arg26[%dma_start3A_183, %dma_start3A_184] : memref<10240x128xf32, #tpu.memory_space<vmem_shared>> -> memref<10240x128xf32, #tpu.memory_space<vmem_shared>>
    tpu.enqueue_indirect_dma source(%arg17 : memref<64x128xf32, #tpu.memory_space<vmem>>) target(%dma_start3A_185 : memref<10240x128xf32, #tpu.memory_space<vmem_shared>>) offsets(%dma_start3A_182 : memref<64xi32, #tpu.memory_space<vmem>>) semaphore(%arg25 : memref<!tpu.dma_semaphore, #tpu.memory_space<semaphore_mem>>) {add = true}
    %dma_wait3A_186 = arith.constant 4 : i32
    %dma_wait3A_187 = arith.constant 0 : i32
    %dma_wait3A_188 = tpu.memref_slice %arg6[%dma_wait3A_186, %dma_wait3A_187] : memref<8x64xi32, #tpu.memory_space<vmem>> -> memref<1x64xi32, #tpu.memory_space<vmem>>
    %dma_wait3A_189 = tpu.memref_squeeze %dma_wait3A_188 : memref<1x64xi32, #tpu.memory_space<vmem>> -> memref<64xi32, #tpu.memory_space<vmem>>
    %dma_wait3A_190 = arith.constant 0 : i32
    %dma_wait3A_191 = arith.constant 0 : i32
    %dma_wait3A_192 = tpu.memref_slice %arg2[%dma_wait3A_190, %dma_wait3A_191] : memref<10240x128xf32, #tpu.memory_space<hbm>> -> memref<10240x128xf32, #tpu.memory_space<hbm>>
    tpu.wait_indirect_dma semaphore(%arg18 : memref<!tpu.dma_semaphore, #tpu.memory_space<semaphore_mem>>) src(%dma_wait3A_192 : memref<10240x128xf32, #tpu.memory_space<hbm>>) dst(%arg14 : memref<64x128xf32, #tpu.memory_space<vmem>>)
    %dma_wait3A_193 = arith.constant 4 : i32
    %dma_wait3A_194 = arith.constant 0 : i32
    %dma_wait3A_195 = tpu.memref_slice %arg8[%dma_wait3A_193, %dma_wait3A_194] : memref<8x64xi32, #tpu.memory_space<vmem>> -> memref<1x64xi32, #tpu.memory_space<vmem>>
    %dma_wait3A_196 = tpu.memref_squeeze %dma_wait3A_195 : memref<1x64xi32, #tpu.memory_space<vmem>> -> memref<64xi32, #tpu.memory_space<vmem>>
    %dma_wait3A_197 = arith.constant 0 : i32
    %dma_wait3A_198 = arith.constant 0 : i32
    %dma_wait3A_199 = tpu.memref_slice %arg26[%dma_wait3A_197, %dma_wait3A_198] : memref<10240x128xf32, #tpu.memory_space<vmem_shared>> -> memref<10240x128xf32, #tpu.memory_space<vmem_shared>>
    tpu.wait_indirect_dma semaphore(%arg25 : memref<!tpu.dma_semaphore, #tpu.memory_space<semaphore_mem>>) src(%arg17 : memref<64x128xf32, #tpu.memory_space<vmem>>) dst(%dma_wait3A_199 : memref<10240x128xf32, #tpu.memory_space<vmem_shared>>)
    %dma_start3A_200 = arith.constant 7 : i32
    %dma_start3A_201 = arith.constant 0 : i32
    %dma_start3A_202 = tpu.memref_slice %arg6[%dma_start3A_200, %dma_start3A_201] : memref<8x64xi32, #tpu.memory_space<vmem>> -> memref<1x64xi32, #tpu.memory_space<vmem>>
    %dma_start3A_203 = tpu.memref_squeeze %dma_start3A_202 : memref<1x64xi32, #tpu.memory_space<vmem>> -> memref<64xi32, #tpu.memory_space<vmem>>
    %dma_start3A_204 = arith.constant 0 : i32
    %dma_start3A_205 = arith.constant 0 : i32
    %dma_start3A_206 = tpu.memref_slice %arg2[%dma_start3A_204, %dma_start3A_205] : memref<10240x128xf32, #tpu.memory_space<hbm>> -> memref<10240x128xf32, #tpu.memory_space<hbm>>
    tpu.enqueue_indirect_dma source(%dma_start3A_206 : memref<10240x128xf32, #tpu.memory_space<hbm>>) target(%arg17 : memref<64x128xf32, #tpu.memory_space<vmem>>) offsets(%dma_start3A_203 : memref<64xi32, #tpu.memory_space<vmem>>) semaphore(%arg21 : memref<!tpu.dma_semaphore, #tpu.memory_space<semaphore_mem>>)
    %dma_start3A_207 = arith.constant 4 : i32
    %dma_start3A_208 = arith.constant 0 : i32
    %dma_start3A_209 = tpu.memref_slice %arg8[%dma_start3A_207, %dma_start3A_208] : memref<8x64xi32, #tpu.memory_space<vmem>> -> memref<1x64xi32, #tpu.memory_space<vmem>>
    %dma_start3A_210 = tpu.memref_squeeze %dma_start3A_209 : memref<1x64xi32, #tpu.memory_space<vmem>> -> memref<64xi32, #tpu.memory_space<vmem>>
    %dma_start3A_211 = arith.constant 0 : i32
    %dma_start3A_212 = arith.constant 0 : i32
    %dma_start3A_213 = tpu.memref_slice %arg26[%dma_start3A_211, %dma_start3A_212] : memref<10240x128xf32, #tpu.memory_space<vmem_shared>> -> memref<10240x128xf32, #tpu.memory_space<vmem_shared>>
    tpu.enqueue_indirect_dma source(%arg14 : memref<64x128xf32, #tpu.memory_space<vmem>>) target(%dma_start3A_213 : memref<10240x128xf32, #tpu.memory_space<vmem_shared>>) offsets(%dma_start3A_210 : memref<64xi32, #tpu.memory_space<vmem>>) semaphore(%arg22 : memref<!tpu.dma_semaphore, #tpu.memory_space<semaphore_mem>>) {add = true}
    %dma_wait3A_214 = arith.constant 5 : i32
    %dma_wait3A_215 = arith.constant 0 : i32
    %dma_wait3A_216 = tpu.memref_slice %arg6[%dma_wait3A_214, %dma_wait3A_215] : memref<8x64xi32, #tpu.memory_space<vmem>> -> memref<1x64xi32, #tpu.memory_space<vmem>>
    %dma_wait3A_217 = tpu.memref_squeeze %dma_wait3A_216 : memref<1x64xi32, #tpu.memory_space<vmem>> -> memref<64xi32, #tpu.memory_space<vmem>>
    %dma_wait3A_218 = arith.constant 0 : i32
    %dma_wait3A_219 = arith.constant 0 : i32
    %dma_wait3A_220 = tpu.memref_slice %arg2[%dma_wait3A_218, %dma_wait3A_219] : memref<10240x128xf32, #tpu.memory_space<hbm>> -> memref<10240x128xf32, #tpu.memory_space<hbm>>
    tpu.wait_indirect_dma semaphore(%arg19 : memref<!tpu.dma_semaphore, #tpu.memory_space<semaphore_mem>>) src(%dma_wait3A_220 : memref<10240x128xf32, #tpu.memory_space<hbm>>) dst(%arg15 : memref<64x128xf32, #tpu.memory_space<vmem>>)
    %dma_wait3A_221 = arith.constant 5 : i32
    %dma_wait3A_222 = arith.constant 0 : i32
    %dma_wait3A_223 = tpu.memref_slice %arg8[%dma_wait3A_221, %dma_wait3A_222] : memref<8x64xi32, #tpu.memory_space<vmem>> -> memref<1x64xi32, #tpu.memory_space<vmem>>
    %dma_wait3A_224 = tpu.memref_squeeze %dma_wait3A_223 : memref<1x64xi32, #tpu.memory_space<vmem>> -> memref<64xi32, #tpu.memory_space<vmem>>
    %dma_wait3A_225 = arith.constant 0 : i32
    %dma_wait3A_226 = arith.constant 0 : i32
    %dma_wait3A_227 = tpu.memref_slice %arg26[%dma_wait3A_225, %dma_wait3A_226] : memref<10240x128xf32, #tpu.memory_space<vmem_shared>> -> memref<10240x128xf32, #tpu.memory_space<vmem_shared>>
    tpu.wait_indirect_dma semaphore(%arg22 : memref<!tpu.dma_semaphore, #tpu.memory_space<semaphore_mem>>) src(%arg14 : memref<64x128xf32, #tpu.memory_space<vmem>>) dst(%dma_wait3A_227 : memref<10240x128xf32, #tpu.memory_space<vmem_shared>>)
    %dma_wait3A_228 = arith.constant 0 : i32
    %dma_wait3A_229 = arith.constant 0 : i32
    %dma_wait3A_230 = tpu.memref_slice %arg3[%dma_wait3A_228, %dma_wait3A_229] : memref<5120x64xi32, #tpu.memory_space<hbm>> -> memref<8x64xi32, #tpu.memory_space<hbm>>
    %dma_wait3A_231 = arith.constant 0 : i32
    %dma_wait3A_232 = arith.constant 0 : i32
    %dma_wait3A_233 = tpu.memref_slice %arg3[%dma_wait3A_231, %dma_wait3A_232] : memref<5120x64xi32, #tpu.memory_space<hbm>> -> memref<8x64xi32, #tpu.memory_space<hbm>>
    tpu.wait_dma2 semaphore(%arg12 : memref<!tpu.dma_semaphore, #tpu.memory_space<semaphore_mem>>) src(%dma_wait3A_233 : memref<8x64xi32, #tpu.memory_space<hbm>>) dst(%arg7 : memref<8x64xi32, #tpu.memory_space<vmem>>)
    %dma_wait3A_234 = arith.constant 0 : i32
    %dma_wait3A_235 = arith.constant 0 : i32
    %dma_wait3A_236 = tpu.memref_slice %arg4[%dma_wait3A_234, %dma_wait3A_235] : memref<5120x64xi32, #tpu.memory_space<hbm>> -> memref<8x64xi32, #tpu.memory_space<hbm>>
    %dma_wait3A_237 = arith.constant 0 : i32
    %dma_wait3A_238 = arith.constant 0 : i32
    %dma_wait3A_239 = tpu.memref_slice %arg4[%dma_wait3A_237, %dma_wait3A_238] : memref<5120x64xi32, #tpu.memory_space<hbm>> -> memref<8x64xi32, #tpu.memory_space<hbm>>
    tpu.wait_dma2 semaphore(%arg13 : memref<!tpu.dma_semaphore, #tpu.memory_space<semaphore_mem>>) src(%dma_wait3A_239 : memref<8x64xi32, #tpu.memory_space<hbm>>) dst(%arg9 : memref<8x64xi32, #tpu.memory_space<vmem>>)
    %dma_start3A_240 = arith.constant 0 : i32
    %dma_start3A_241 = arith.constant 0 : i32
    %dma_start3A_242 = tpu.memref_slice %arg7[%dma_start3A_240, %dma_start3A_241] : memref<8x64xi32, #tpu.memory_space<vmem>> -> memref<1x64xi32, #tpu.memory_space<vmem>>
    %dma_start3A_243 = tpu.memref_squeeze %dma_start3A_242 : memref<1x64xi32, #tpu.memory_space<vmem>> -> memref<64xi32, #tpu.memory_space<vmem>>
    %dma_start3A_244 = arith.constant 0 : i32
    %dma_start3A_245 = arith.constant 0 : i32
    %dma_start3A_246 = tpu.memref_slice %arg2[%dma_start3A_244, %dma_start3A_245] : memref<10240x128xf32, #tpu.memory_space<hbm>> -> memref<10240x128xf32, #tpu.memory_space<hbm>>
    tpu.enqueue_indirect_dma source(%dma_start3A_246 : memref<10240x128xf32, #tpu.memory_space<hbm>>) target(%arg14 : memref<64x128xf32, #tpu.memory_space<vmem>>) offsets(%dma_start3A_243 : memref<64xi32, #tpu.memory_space<vmem>>) semaphore(%arg18 : memref<!tpu.dma_semaphore, #tpu.memory_space<semaphore_mem>>)
    %dma_start3A_247 = arith.constant 5 : i32
    %dma_start3A_248 = arith.constant 0 : i32
    %dma_start3A_249 = tpu.memref_slice %arg8[%dma_start3A_247, %dma_start3A_248] : memref<8x64xi32, #tpu.memory_space<vmem>> -> memref<1x64xi32, #tpu.memory_space<vmem>>
    %dma_start3A_250 = tpu.memref_squeeze %dma_start3A_249 : memref<1x64xi32, #tpu.memory_space<vmem>> -> memref<64xi32, #tpu.memory_space<vmem>>
    %dma_start3A_251 = arith.constant 0 : i32
    %dma_start3A_252 = arith.constant 0 : i32
    %dma_start3A_253 = tpu.memref_slice %arg26[%dma_start3A_251, %dma_start3A_252] : memref<10240x128xf32, #tpu.memory_space<vmem_shared>> -> memref<10240x128xf32, #tpu.memory_space<vmem_shared>>
    tpu.enqueue_indirect_dma source(%arg15 : memref<64x128xf32, #tpu.memory_space<vmem>>) target(%dma_start3A_253 : memref<10240x128xf32, #tpu.memory_space<vmem_shared>>) offsets(%dma_start3A_250 : memref<64xi32, #tpu.memory_space<vmem>>) semaphore(%arg23 : memref<!tpu.dma_semaphore, #tpu.memory_space<semaphore_mem>>) {add = true}
    %dma_wait3A_254 = arith.constant 6 : i32
    %dma_wait3A_255 = arith.constant 0 : i32
    %dma_wait3A_256 = tpu.memref_slice %arg6[%dma_wait3A_254, %dma_wait3A_255] : memref<8x64xi32, #tpu.memory_space<vmem>> -> memref<1x64xi32, #tpu.memory_space<vmem>>
    %dma_wait3A_257 = tpu.memref_squeeze %dma_wait3A_256 : memref<1x64xi32, #tpu.memory_space<vmem>> -> memref<64xi32, #tpu.memory_space<vmem>>
    %dma_wait3A_258 = arith.constant 0 : i32
    %dma_wait3A_259 = arith.constant 0 : i32
    %dma_wait3A_260 = tpu.memref_slice %arg2[%dma_wait3A_258, %dma_wait3A_259] : memref<10240x128xf32, #tpu.memory_space<hbm>> -> memref<10240x128xf32, #tpu.memory_space<hbm>>
    tpu.wait_indirect_dma semaphore(%arg20 : memref<!tpu.dma_semaphore, #tpu.memory_space<semaphore_mem>>) src(%dma_wait3A_260 : memref<10240x128xf32, #tpu.memory_space<hbm>>) dst(%arg16 : memref<64x128xf32, #tpu.memory_space<vmem>>)
    %dma_wait3A_261 = arith.constant 6 : i32
    %dma_wait3A_262 = arith.constant 0 : i32
    %dma_wait3A_263 = tpu.memref_slice %arg8[%dma_wait3A_261, %dma_wait3A_262] : memref<8x64xi32, #tpu.memory_space<vmem>> -> memref<1x64xi32, #tpu.memory_space<vmem>>
    %dma_wait3A_264 = tpu.memref_squeeze %dma_wait3A_263 : memref<1x64xi32, #tpu.memory_space<vmem>> -> memref<64xi32, #tpu.memory_space<vmem>>
    %dma_wait3A_265 = arith.constant 0 : i32
    %dma_wait3A_266 = arith.constant 0 : i32
    %dma_wait3A_267 = tpu.memref_slice %arg26[%dma_wait3A_265, %dma_wait3A_266] : memref<10240x128xf32, #tpu.memory_space<vmem_shared>> -> memref<10240x128xf32, #tpu.memory_space<vmem_shared>>
    tpu.wait_indirect_dma semaphore(%arg23 : memref<!tpu.dma_semaphore, #tpu.memory_space<semaphore_mem>>) src(%arg15 : memref<64x128xf32, #tpu.memory_space<vmem>>) dst(%dma_wait3A_267 : memref<10240x128xf32, #tpu.memory_space<vmem_shared>>)
    %dma_start3A_268 = arith.constant 1 : i32
    %dma_start3A_269 = arith.constant 0 : i32
    %dma_start3A_270 = tpu.memref_slice %arg7[%dma_start3A_268, %dma_start3A_269] : memref<8x64xi32, #tpu.memory_space<vmem>> -> memref<1x64xi32, #tpu.memory_space<vmem>>
    %dma_start3A_271 = tpu.memref_squeeze %dma_start3A_270 : memref<1x64xi32, #tpu.memory_space<vmem>> -> memref<64xi32, #tpu.memory_space<vmem>>
    %dma_start3A_272 = arith.constant 0 : i32
    %dma_start3A_273 = arith.constant 0 : i32
    %dma_start3A_274 = tpu.memref_slice %arg2[%dma_start3A_272, %dma_start3A_273] : memref<10240x128xf32, #tpu.memory_space<hbm>> -> memref<10240x128xf32, #tpu.memory_space<hbm>>
    tpu.enqueue_indirect_dma source(%dma_start3A_274 : memref<10240x128xf32, #tpu.memory_space<hbm>>) target(%arg15 : memref<64x128xf32, #tpu.memory_space<vmem>>) offsets(%dma_start3A_271 : memref<64xi32, #tpu.memory_space<vmem>>) semaphore(%arg19 : memref<!tpu.dma_semaphore, #tpu.memory_space<semaphore_mem>>)
    %dma_start3A_275 = arith.constant 6 : i32
    %dma_start3A_276 = arith.constant 0 : i32
    %dma_start3A_277 = tpu.memref_slice %arg8[%dma_start3A_275, %dma_start3A_276] : memref<8x64xi32, #tpu.memory_space<vmem>> -> memref<1x64xi32, #tpu.memory_space<vmem>>
    %dma_start3A_278 = tpu.memref_squeeze %dma_start3A_277 : memref<1x64xi32, #tpu.memory_space<vmem>> -> memref<64xi32, #tpu.memory_space<vmem>>
    %dma_start3A_279 = arith.constant 0 : i32
    %dma_start3A_280 = arith.constant 0 : i32
    %dma_start3A_281 = tpu.memref_slice %arg26[%dma_start3A_279, %dma_start3A_280] : memref<10240x128xf32, #tpu.memory_space<vmem_shared>> -> memref<10240x128xf32, #tpu.memory_space<vmem_shared>>
    tpu.enqueue_indirect_dma source(%arg16 : memref<64x128xf32, #tpu.memory_space<vmem>>) target(%dma_start3A_281 : memref<10240x128xf32, #tpu.memory_space<vmem_shared>>) offsets(%dma_start3A_278 : memref<64xi32, #tpu.memory_space<vmem>>) semaphore(%arg24 : memref<!tpu.dma_semaphore, #tpu.memory_space<semaphore_mem>>) {add = true}
    %dma_wait3A_282 = arith.constant 7 : i32
    %dma_wait3A_283 = arith.constant 0 : i32
    %dma_wait3A_284 = tpu.memref_slice %arg6[%dma_wait3A_282, %dma_wait3A_283] : memref<8x64xi32, #tpu.memory_space<vmem>> -> memref<1x64xi32, #tpu.memory_space<vmem>>
    %dma_wait3A_285 = tpu.memref_squeeze %dma_wait3A_284 : memref<1x64xi32, #tpu.memory_space<vmem>> -> memref<64xi32, #tpu.memory_space<vmem>>
    %dma_wait3A_286 = arith.constant 0 : i32
    %dma_wait3A_287 = arith.constant 0 : i32
    %dma_wait3A_288 = tpu.memref_slice %arg2[%dma_wait3A_286, %dma_wait3A_287] : memref<10240x128xf32, #tpu.memory_space<hbm>> -> memref<10240x128xf32, #tpu.memory_space<hbm>>
    tpu.wait_indirect_dma semaphore(%arg21 : memref<!tpu.dma_semaphore, #tpu.memory_space<semaphore_mem>>) src(%dma_wait3A_288 : memref<10240x128xf32, #tpu.memory_space<hbm>>) dst(%arg17 : memref<64x128xf32, #tpu.memory_space<vmem>>)
    %dma_wait3A_289 = arith.constant 7 : i32
    %dma_wait3A_290 = arith.constant 0 : i32
    %dma_wait3A_291 = tpu.memref_slice %arg8[%dma_wait3A_289, %dma_wait3A_290] : memref<8x64xi32, #tpu.memory_space<vmem>> -> memref<1x64xi32, #tpu.memory_space<vmem>>
    %dma_wait3A_292 = tpu.memref_squeeze %dma_wait3A_291 : memref<1x64xi32, #tpu.memory_space<vmem>> -> memref<64xi32, #tpu.memory_space<vmem>>
    %dma_wait3A_293 = arith.constant 0 : i32
    %dma_wait3A_294 = arith.constant 0 : i32
    %dma_wait3A_295 = tpu.memref_slice %arg26[%dma_wait3A_293, %dma_wait3A_294] : memref<10240x128xf32, #tpu.memory_space<vmem_shared>> -> memref<10240x128xf32, #tpu.memory_space<vmem_shared>>
    tpu.wait_indirect_dma semaphore(%arg24 : memref<!tpu.dma_semaphore, #tpu.memory_space<semaphore_mem>>) src(%arg16 : memref<64x128xf32, #tpu.memory_space<vmem>>) dst(%dma_wait3A_295 : memref<10240x128xf32, #tpu.memory_space<vmem_shared>>)
    %dma_start3A_296 = arith.constant 2 : i32
    %dma_start3A_297 = arith.constant 0 : i32
    %dma_start3A_298 = tpu.memref_slice %arg7[%dma_start3A_296, %dma_start3A_297] : memref<8x64xi32, #tpu.memory_space<vmem>> -> memref<1x64xi32, #tpu.memory_space<vmem>>
    %dma_start3A_299 = tpu.memref_squeeze %dma_start3A_298 : memref<1x64xi32, #tpu.memory_space<vmem>> -> memref<64xi32, #tpu.memory_space<vmem>>
    %dma_start3A_300 = arith.constant 0 : i32
    %dma_start3A_301 = arith.constant 0 : i32
    %dma_start3A_302 = tpu.memref_slice %arg2[%dma_start3A_300, %dma_start3A_301] : memref<10240x128xf32, #tpu.memory_space<hbm>> -> memref<10240x128xf32, #tpu.memory_space<hbm>>
    tpu.enqueue_indirect_dma source(%dma_start3A_302 : memref<10240x128xf32, #tpu.memory_space<hbm>>) target(%arg16 : memref<64x128xf32, #tpu.memory_space<vmem>>) offsets(%dma_start3A_299 : memref<64xi32, #tpu.memory_space<vmem>>) semaphore(%arg20 : memref<!tpu.dma_semaphore, #tpu.memory_space<semaphore_mem>>)
    %dma_start3A_303 = arith.constant 7 : i32
    %dma_start3A_304 = arith.constant 0 : i32
    %dma_start3A_305 = tpu.memref_slice %arg8[%dma_start3A_303, %dma_start3A_304] : memref<8x64xi32, #tpu.memory_space<vmem>> -> memref<1x64xi32, #tpu.memory_space<vmem>>
    %dma_start3A_306 = tpu.memref_squeeze %dma_start3A_305 : memref<1x64xi32, #tpu.memory_space<vmem>> -> memref<64xi32, #tpu.memory_space<vmem>>
    %dma_start3A_307 = arith.constant 0 : i32
    %dma_start3A_308 = arith.constant 0 : i32
    %dma_start3A_309 = tpu.memref_slice %arg26[%dma_start3A_307, %dma_start3A_308] : memref<10240x128xf32, #tpu.memory_space<vmem_shared>> -> memref<10240x128xf32, #tpu.memory_space<vmem_shared>>
    tpu.enqueue_indirect_dma source(%arg17 : memref<64x128xf32, #tpu.memory_space<vmem>>) target(%dma_start3A_309 : memref<10240x128xf32, #tpu.memory_space<vmem_shared>>) offsets(%dma_start3A_306 : memref<64xi32, #tpu.memory_space<vmem>>) semaphore(%arg25 : memref<!tpu.dma_semaphore, #tpu.memory_space<semaphore_mem>>) {add = true}
    %dma_wait3A_310 = arith.constant 0 : i32
    %dma_wait3A_311 = arith.constant 0 : i32
    %dma_wait3A_312 = tpu.memref_slice %arg7[%dma_wait3A_310, %dma_wait3A_311] : memref<8x64xi32, #tpu.memory_space<vmem>> -> memref<1x64xi32, #tpu.memory_space<vmem>>
    %dma_wait3A_313 = tpu.memref_squeeze %dma_wait3A_312 : memref<1x64xi32, #tpu.memory_space<vmem>> -> memref<64xi32, #tpu.memory_space<vmem>>
    %dma_wait3A_314 = arith.constant 0 : i32
    %dma_wait3A_315 = arith.constant 0 : i32
    %dma_wait3A_316 = tpu.memref_slice %arg2[%dma_wait3A_314, %dma_wait3A_315] : memref<10240x128xf32, #tpu.memory_space<hbm>> -> memref<10240x128xf32, #tpu.memory_space<hbm>>
    tpu.wait_indirect_dma semaphore(%arg18 : memref<!tpu.dma_semaphore, #tpu.memory_space<semaphore_mem>>) src(%dma_wait3A_316 : memref<10240x128xf32, #tpu.memory_space<hbm>>) dst(%arg14 : memref<64x128xf32, #tpu.memory_space<vmem>>)
    %dma_wait3A_317 = arith.constant 0 : i32
    %dma_wait3A_318 = arith.constant 0 : i32
    %dma_wait3A_319 = tpu.memref_slice %arg9[%dma_wait3A_317, %dma_wait3A_318] : memref<8x64xi32, #tpu.memory_space<vmem>> -> memref<1x64xi32, #tpu.memory_space<vmem>>
    %dma_wait3A_320 = tpu.memref_squeeze %dma_wait3A_319 : memref<1x64xi32, #tpu.memory_space<vmem>> -> memref<64xi32, #tpu.memory_space<vmem>>
    %dma_wait3A_321 = arith.constant 0 : i32
    %dma_wait3A_322 = arith.constant 0 : i32
    %dma_wait3A_323 = tpu.memref_slice %arg26[%dma_wait3A_321, %dma_wait3A_322] : memref<10240x128xf32, #tpu.memory_space<vmem_shared>> -> memref<10240x128xf32, #tpu.memory_space<vmem_shared>>
    tpu.wait_indirect_dma semaphore(%arg25 : memref<!tpu.dma_semaphore, #tpu.memory_space<semaphore_mem>>) src(%arg17 : memref<64x128xf32, #tpu.memory_space<vmem>>) dst(%dma_wait3A_323 : memref<10240x128xf32, #tpu.memory_space<vmem_shared>>)
    %add3A_324 = arith.constant 16 : i32
    %add3A_325 = arith.addi %select_n3A, %add3A_324 : i32
    %dma_start3A_326 = arith.constant 0 : i32
    %dma_start3A_327 = tpu.memref_slice %arg3[%add3A_325, %dma_start3A_326] : memref<5120x64xi32, #tpu.memory_space<hbm>> -> memref<8x64xi32, #tpu.memory_space<hbm>>
    %dma_start3A_328 = arith.constant 0 : i32
    %dma_start3A_329 = tpu.memref_slice %arg3[%add3A_325, %dma_start3A_328] : memref<5120x64xi32, #tpu.memory_space<hbm>> -> memref<8x64xi32, #tpu.memory_space<hbm>>
    tpu.enqueue_dma source(%dma_start3A_329 : memref<8x64xi32, #tpu.memory_space<hbm>>) target(%arg6 : memref<8x64xi32, #tpu.memory_space<vmem>>) target_semaphore(%arg10 : memref<!tpu.dma_semaphore, #tpu.memory_space<semaphore_mem>>)
    %dma_start3A_330 = arith.constant 0 : i32
    %dma_start3A_331 = tpu.memref_slice %arg4[%add3A_325, %dma_start3A_330] : memref<5120x64xi32, #tpu.memory_space<hbm>> -> memref<8x64xi32, #tpu.memory_space<hbm>>
    %dma_start3A_332 = arith.constant 0 : i32
    %dma_start3A_333 = tpu.memref_slice %arg4[%add3A_325, %dma_start3A_332] : memref<5120x64xi32, #tpu.memory_space<hbm>> -> memref<8x64xi32, #tpu.memory_space<hbm>>
    tpu.enqueue_dma source(%dma_start3A_333 : memref<8x64xi32, #tpu.memory_space<hbm>>) target(%arg8 : memref<8x64xi32, #tpu.memory_space<vmem>>) target_semaphore(%arg11 : memref<!tpu.dma_semaphore, #tpu.memory_space<semaphore_mem>>)
    %dma_start3A_334 = arith.constant 3 : i32
    %dma_start3A_335 = arith.constant 0 : i32
    %dma_start3A_336 = tpu.memref_slice %arg7[%dma_start3A_334, %dma_start3A_335] : memref<8x64xi32, #tpu.memory_space<vmem>> -> memref<1x64xi32, #tpu.memory_space<vmem>>
    %dma_start3A_337 = tpu.memref_squeeze %dma_start3A_336 : memref<1x64xi32, #tpu.memory_space<vmem>> -> memref<64xi32, #tpu.memory_space<vmem>>
    %dma_start3A_338 = arith.constant 0 : i32
    %dma_start3A_339 = arith.constant 0 : i32
    %dma_start3A_340 = tpu.memref_slice %arg2[%dma_start3A_338, %dma_start3A_339] : memref<10240x128xf32, #tpu.memory_space<hbm>> -> memref<10240x128xf32, #tpu.memory_space<hbm>>
    tpu.enqueue_indirect_dma source(%dma_start3A_340 : memref<10240x128xf32, #tpu.memory_space<hbm>>) target(%arg17 : memref<64x128xf32, #tpu.memory_space<vmem>>) offsets(%dma_start3A_337 : memref<64xi32, #tpu.memory_space<vmem>>) semaphore(%arg21 : memref<!tpu.dma_semaphore, #tpu.memory_space<semaphore_mem>>)
    %dma_start3A_341 = arith.constant 0 : i32
    %dma_start3A_342 = arith.constant 0 : i32
    %dma_start3A_343 = tpu.memref_slice %arg9[%dma_start3A_341, %dma_start3A_342] : memref<8x64xi32, #tpu.memory_space<vmem>> -> memref<1x64xi32, #tpu.memory_space<vmem>>
    %dma_start3A_344 = tpu.memref_squeeze %dma_start3A_343 : memref<1x64xi32, #tpu.memory_space<vmem>> -> memref<64xi32, #tpu.memory_space<vmem>>
    %dma_start3A_345 = arith.constant 0 : i32
    %dma_start3A_346 = arith.constant 0 : i32
    %dma_start3A_347 = tpu.memref_slice %arg26[%dma_start3A_345, %dma_start3A_346] : memref<10240x128xf32, #tpu.memory_space<vmem_shared>> -> memref<10240x128xf32, #tpu.memory_space<vmem_shared>>
    tpu.enqueue_indirect_dma source(%arg14 : memref<64x128xf32, #tpu.memory_space<vmem>>) target(%dma_start3A_347 : memref<10240x128xf32, #tpu.memory_space<vmem_shared>>) offsets(%dma_start3A_344 : memref<64xi32, #tpu.memory_space<vmem>>) semaphore(%arg22 : memref<!tpu.dma_semaphore, #tpu.memory_space<semaphore_mem>>) {add = true}
    %dma_wait3A_348 = arith.constant 1 : i32
    %dma_wait3A_349 = arith.constant 0 : i32
    %dma_wait3A_350 = tpu.memref_slice %arg7[%dma_wait3A_348, %dma_wait3A_349] : memref<8x64xi32, #tpu.memory_space<vmem>> -> memref<1x64xi32, #tpu.memory_space<vmem>>
    %dma_wait3A_351 = tpu.memref_squeeze %dma_wait3A_350 : memref<1x64xi32, #tpu.memory_space<vmem>> -> memref<64xi32, #tpu.memory_space<vmem>>
    %dma_wait3A_352 = arith.constant 0 : i32
    %dma_wait3A_353 = arith.constant 0 : i32
    %dma_wait3A_354 = tpu.memref_slice %arg2[%dma_wait3A_352, %dma_wait3A_353] : memref<10240x128xf32, #tpu.memory_space<hbm>> -> memref<10240x128xf32, #tpu.memory_space<hbm>>
    tpu.wait_indirect_dma semaphore(%arg19 : memref<!tpu.dma_semaphore, #tpu.memory_space<semaphore_mem>>) src(%dma_wait3A_354 : memref<10240x128xf32, #tpu.memory_space<hbm>>) dst(%arg15 : memref<64x128xf32, #tpu.memory_space<vmem>>)
    %dma_wait3A_355 = arith.constant 1 : i32
    %dma_wait3A_356 = arith.constant 0 : i32
    %dma_wait3A_357 = tpu.memref_slice %arg9[%dma_wait3A_355, %dma_wait3A_356] : memref<8x64xi32, #tpu.memory_space<vmem>> -> memref<1x64xi32, #tpu.memory_space<vmem>>
    %dma_wait3A_358 = tpu.memref_squeeze %dma_wait3A_357 : memref<1x64xi32, #tpu.memory_space<vmem>> -> memref<64xi32, #tpu.memory_space<vmem>>
    %dma_wait3A_359 = arith.constant 0 : i32
    %dma_wait3A_360 = arith.constant 0 : i32
    %dma_wait3A_361 = tpu.memref_slice %arg26[%dma_wait3A_359, %dma_wait3A_360] : memref<10240x128xf32, #tpu.memory_space<vmem_shared>> -> memref<10240x128xf32, #tpu.memory_space<vmem_shared>>
    tpu.wait_indirect_dma semaphore(%arg22 : memref<!tpu.dma_semaphore, #tpu.memory_space<semaphore_mem>>) src(%arg14 : memref<64x128xf32, #tpu.memory_space<vmem>>) dst(%dma_wait3A_361 : memref<10240x128xf32, #tpu.memory_space<vmem_shared>>)
    %dma_start3A_362 = arith.constant 4 : i32
    %dma_start3A_363 = arith.constant 0 : i32
    %dma_start3A_364 = tpu.memref_slice %arg7[%dma_start3A_362, %dma_start3A_363] : memref<8x64xi32, #tpu.memory_space<vmem>> -> memref<1x64xi32, #tpu.memory_space<vmem>>
    %dma_start3A_365 = tpu.memref_squeeze %dma_start3A_364 : memref<1x64xi32, #tpu.memory_space<vmem>> -> memref<64xi32, #tpu.memory_space<vmem>>
    %dma_start3A_366 = arith.constant 0 : i32
    %dma_start3A_367 = arith.constant 0 : i32
    %dma_start3A_368 = tpu.memref_slice %arg2[%dma_start3A_366, %dma_start3A_367] : memref<10240x128xf32, #tpu.memory_space<hbm>> -> memref<10240x128xf32, #tpu.memory_space<hbm>>
    tpu.enqueue_indirect_dma source(%dma_start3A_368 : memref<10240x128xf32, #tpu.memory_space<hbm>>) target(%arg14 : memref<64x128xf32, #tpu.memory_space<vmem>>) offsets(%dma_start3A_365 : memref<64xi32, #tpu.memory_space<vmem>>) semaphore(%arg18 : memref<!tpu.dma_semaphore, #tpu.memory_space<semaphore_mem>>)
    %dma_start3A_369 = arith.constant 1 : i32
    %dma_start3A_370 = arith.constant 0 : i32
    %dma_start3A_371 = tpu.memref_slice %arg9[%dma_start3A_369, %dma_start3A_370] : memref<8x64xi32, #tpu.memory_space<vmem>> -> memref<1x64xi32, #tpu.memory_space<vmem>>
    %dma_start3A_372 = tpu.memref_squeeze %dma_start3A_371 : memref<1x64xi32, #tpu.memory_space<vmem>> -> memref<64xi32, #tpu.memory_space<vmem>>
    %dma_start3A_373 = arith.constant 0 : i32
    %dma_start3A_374 = arith.constant 0 : i32
    %dma_start3A_375 = tpu.memref_slice %arg26[%dma_start3A_373, %dma_start3A_374] : memref<10240x128xf32, #tpu.memory_space<vmem_shared>> -> memref<10240x128xf32, #tpu.memory_space<vmem_shared>>
    tpu.enqueue_indirect_dma source(%arg15 : memref<64x128xf32, #tpu.memory_space<vmem>>) target(%dma_start3A_375 : memref<10240x128xf32, #tpu.memory_space<vmem_shared>>) offsets(%dma_start3A_372 : memref<64xi32, #tpu.memory_space<vmem>>) semaphore(%arg23 : memref<!tpu.dma_semaphore, #tpu.memory_space<semaphore_mem>>) {add = true}
    %dma_wait3A_376 = arith.constant 2 : i32
    %dma_wait3A_377 = arith.constant 0 : i32
    %dma_wait3A_378 = tpu.memref_slice %arg7[%dma_wait3A_376, %dma_wait3A_377] : memref<8x64xi32, #tpu.memory_space<vmem>> -> memref<1x64xi32, #tpu.memory_space<vmem>>
    %dma_wait3A_379 = tpu.memref_squeeze %dma_wait3A_378 : memref<1x64xi32, #tpu.memory_space<vmem>> -> memref<64xi32, #tpu.memory_space<vmem>>
    %dma_wait3A_380 = arith.constant 0 : i32
    %dma_wait3A_381 = arith.constant 0 : i32
    %dma_wait3A_382 = tpu.memref_slice %arg2[%dma_wait3A_380, %dma_wait3A_381] : memref<10240x128xf32, #tpu.memory_space<hbm>> -> memref<10240x128xf32, #tpu.memory_space<hbm>>
    tpu.wait_indirect_dma semaphore(%arg20 : memref<!tpu.dma_semaphore, #tpu.memory_space<semaphore_mem>>) src(%dma_wait3A_382 : memref<10240x128xf32, #tpu.memory_space<hbm>>) dst(%arg16 : memref<64x128xf32, #tpu.memory_space<vmem>>)
    %dma_wait3A_383 = arith.constant 2 : i32
    %dma_wait3A_384 = arith.constant 0 : i32
    %dma_wait3A_385 = tpu.memref_slice %arg9[%dma_wait3A_383, %dma_wait3A_384] : memref<8x64xi32, #tpu.memory_space<vmem>> -> memref<1x64xi32, #tpu.memory_space<vmem>>
    %dma_wait3A_386 = tpu.memref_squeeze %dma_wait3A_385 : memref<1x64xi32, #tpu.memory_space<vmem>> -> memref<64xi32, #tpu.memory_space<vmem>>
    %dma_wait3A_387 = arith.constant 0 : i32
    %dma_wait3A_388 = arith.constant 0 : i32
    %dma_wait3A_389 = tpu.memref_slice %arg26[%dma_wait3A_387, %dma_wait3A_388] : memref<10240x128xf32, #tpu.memory_space<vmem_shared>> -> memref<10240x128xf32, #tpu.memory_space<vmem_shared>>
    tpu.wait_indirect_dma semaphore(%arg23 : memref<!tpu.dma_semaphore, #tpu.memory_space<semaphore_mem>>) src(%arg15 : memref<64x128xf32, #tpu.memory_space<vmem>>) dst(%dma_wait3A_389 : memref<10240x128xf32, #tpu.memory_space<vmem_shared>>)
    %dma_start3A_390 = arith.constant 5 : i32
    %dma_start3A_391 = arith.constant 0 : i32
    %dma_start3A_392 = tpu.memref_slice %arg7[%dma_start3A_390, %dma_start3A_391] : memref<8x64xi32, #tpu.memory_space<vmem>> -> memref<1x64xi32, #tpu.memory_space<vmem>>
    %dma_start3A_393 = tpu.memref_squeeze %dma_start3A_392 : memref<1x64xi32, #tpu.memory_space<vmem>> -> memref<64xi32, #tpu.memory_space<vmem>>
    %dma_start3A_394 = arith.constant 0 : i32
    %dma_start3A_395 = arith.constant 0 : i32
    %dma_start3A_396 = tpu.memref_slice %arg2[%dma_start3A_394, %dma_start3A_395] : memref<10240x128xf32, #tpu.memory_space<hbm>> -> memref<10240x128xf32, #tpu.memory_space<hbm>>
    tpu.enqueue_indirect_dma source(%dma_start3A_396 : memref<10240x128xf32, #tpu.memory_space<hbm>>) target(%arg15 : memref<64x128xf32, #tpu.memory_space<vmem>>) offsets(%dma_start3A_393 : memref<64xi32, #tpu.memory_space<vmem>>) semaphore(%arg19 : memref<!tpu.dma_semaphore, #tpu.memory_space<semaphore_mem>>)
    %dma_start3A_397 = arith.constant 2 : i32
    %dma_start3A_398 = arith.constant 0 : i32
    %dma_start3A_399 = tpu.memref_slice %arg9[%dma_start3A_397, %dma_start3A_398] : memref<8x64xi32, #tpu.memory_space<vmem>> -> memref<1x64xi32, #tpu.memory_space<vmem>>
    %dma_start3A_400 = tpu.memref_squeeze %dma_start3A_399 : memref<1x64xi32, #tpu.memory_space<vmem>> -> memref<64xi32, #tpu.memory_space<vmem>>
    %dma_start3A_401 = arith.constant 0 : i32
    %dma_start3A_402 = arith.constant 0 : i32
    %dma_start3A_403 = tpu.memref_slice %arg26[%dma_start3A_401, %dma_start3A_402] : memref<10240x128xf32, #tpu.memory_space<vmem_shared>> -> memref<10240x128xf32, #tpu.memory_space<vmem_shared>>
    tpu.enqueue_indirect_dma source(%arg16 : memref<64x128xf32, #tpu.memory_space<vmem>>) target(%dma_start3A_403 : memref<10240x128xf32, #tpu.memory_space<vmem_shared>>) offsets(%dma_start3A_400 : memref<64xi32, #tpu.memory_space<vmem>>) semaphore(%arg24 : memref<!tpu.dma_semaphore, #tpu.memory_space<semaphore_mem>>) {add = true}
    %dma_wait3A_404 = arith.constant 3 : i32
    %dma_wait3A_405 = arith.constant 0 : i32
    %dma_wait3A_406 = tpu.memref_slice %arg7[%dma_wait3A_404, %dma_wait3A_405] : memref<8x64xi32, #tpu.memory_space<vmem>> -> memref<1x64xi32, #tpu.memory_space<vmem>>
    %dma_wait3A_407 = tpu.memref_squeeze %dma_wait3A_406 : memref<1x64xi32, #tpu.memory_space<vmem>> -> memref<64xi32, #tpu.memory_space<vmem>>
    %dma_wait3A_408 = arith.constant 0 : i32
    %dma_wait3A_409 = arith.constant 0 : i32
    %dma_wait3A_410 = tpu.memref_slice %arg2[%dma_wait3A_408, %dma_wait3A_409] : memref<10240x128xf32, #tpu.memory_space<hbm>> -> memref<10240x128xf32, #tpu.memory_space<hbm>>
    tpu.wait_indirect_dma semaphore(%arg21 : memref<!tpu.dma_semaphore, #tpu.memory_space<semaphore_mem>>) src(%dma_wait3A_410 : memref<10240x128xf32, #tpu.memory_space<hbm>>) dst(%arg17 : memref<64x128xf32, #tpu.memory_space<vmem>>)
    %dma_wait3A_411 = arith.constant 3 : i32
    %dma_wait3A_412 = arith.constant 0 : i32
    %dma_wait3A_413 = tpu.memref_slice %arg9[%dma_wait3A_411, %dma_wait3A_412] : memref<8x64xi32, #tpu.memory_space<vmem>> -> memref<1x64xi32, #tpu.memory_space<vmem>>
    %dma_wait3A_414 = tpu.memref_squeeze %dma_wait3A_413 : memref<1x64xi32, #tpu.memory_space<vmem>> -> memref<64xi32, #tpu.memory_space<vmem>>
    %dma_wait3A_415 = arith.constant 0 : i32
    %dma_wait3A_416 = arith.constant 0 : i32
    %dma_wait3A_417 = tpu.memref_slice %arg26[%dma_wait3A_415, %dma_wait3A_416] : memref<10240x128xf32, #tpu.memory_space<vmem_shared>> -> memref<10240x128xf32, #tpu.memory_space<vmem_shared>>
    tpu.wait_indirect_dma semaphore(%arg24 : memref<!tpu.dma_semaphore, #tpu.memory_space<semaphore_mem>>) src(%arg16 : memref<64x128xf32, #tpu.memory_space<vmem>>) dst(%dma_wait3A_417 : memref<10240x128xf32, #tpu.memory_space<vmem_shared>>)
    %dma_start3A_418 = arith.constant 6 : i32
    %dma_start3A_419 = arith.constant 0 : i32
    %dma_start3A_420 = tpu.memref_slice %arg7[%dma_start3A_418, %dma_start3A_419] : memref<8x64xi32, #tpu.memory_space<vmem>> -> memref<1x64xi32, #tpu.memory_space<vmem>>
    %dma_start3A_421 = tpu.memref_squeeze %dma_start3A_420 : memref<1x64xi32, #tpu.memory_space<vmem>> -> memref<64xi32, #tpu.memory_space<vmem>>
    %dma_start3A_422 = arith.constant 0 : i32
    %dma_start3A_423 = arith.constant 0 : i32
    %dma_start3A_424 = tpu.memref_slice %arg2[%dma_start3A_422, %dma_start3A_423] : memref<10240x128xf32, #tpu.memory_space<hbm>> -> memref<10240x128xf32, #tpu.memory_space<hbm>>
    tpu.enqueue_indirect_dma source(%dma_start3A_424 : memref<10240x128xf32, #tpu.memory_space<hbm>>) target(%arg16 : memref<64x128xf32, #tpu.memory_space<vmem>>) offsets(%dma_start3A_421 : memref<64xi32, #tpu.memory_space<vmem>>) semaphore(%arg20 : memref<!tpu.dma_semaphore, #tpu.memory_space<semaphore_mem>>)
    %dma_start3A_425 = arith.constant 3 : i32
    %dma_start3A_426 = arith.constant 0 : i32
    %dma_start3A_427 = tpu.memref_slice %arg9[%dma_start3A_425, %dma_start3A_426] : memref<8x64xi32, #tpu.memory_space<vmem>> -> memref<1x64xi32, #tpu.memory_space<vmem>>
    %dma_start3A_428 = tpu.memref_squeeze %dma_start3A_427 : memref<1x64xi32, #tpu.memory_space<vmem>> -> memref<64xi32, #tpu.memory_space<vmem>>
    %dma_start3A_429 = arith.constant 0 : i32
    %dma_start3A_430 = arith.constant 0 : i32
    %dma_start3A_431 = tpu.memref_slice %arg26[%dma_start3A_429, %dma_start3A_430] : memref<10240x128xf32, #tpu.memory_space<vmem_shared>> -> memref<10240x128xf32, #tpu.memory_space<vmem_shared>>
    tpu.enqueue_indirect_dma source(%arg17 : memref<64x128xf32, #tpu.memory_space<vmem>>) target(%dma_start3A_431 : memref<10240x128xf32, #tpu.memory_space<vmem_shared>>) offsets(%dma_start3A_428 : memref<64xi32, #tpu.memory_space<vmem>>) semaphore(%arg25 : memref<!tpu.dma_semaphore, #tpu.memory_space<semaphore_mem>>) {add = true}
    %dma_wait3A_432 = arith.constant 4 : i32
    %dma_wait3A_433 = arith.constant 0 : i32
    %dma_wait3A_434 = tpu.memref_slice %arg7[%dma_wait3A_432, %dma_wait3A_433] : memref<8x64xi32, #tpu.memory_space<vmem>> -> memref<1x64xi32, #tpu.memory_space<vmem>>
    %dma_wait3A_435 = tpu.memref_squeeze %dma_wait3A_434 : memref<1x64xi32, #tpu.memory_space<vmem>> -> memref<64xi32, #tpu.memory_space<vmem>>
    %dma_wait3A_436 = arith.constant 0 : i32
    %dma_wait3A_437 = arith.constant 0 : i32
    %dma_wait3A_438 = tpu.memref_slice %arg2[%dma_wait3A_436, %dma_wait3A_437] : memref<10240x128xf32, #tpu.memory_space<hbm>> -> memref<10240x128xf32, #tpu.memory_space<hbm>>
    tpu.wait_indirect_dma semaphore(%arg18 : memref<!tpu.dma_semaphore, #tpu.memory_space<semaphore_mem>>) src(%dma_wait3A_438 : memref<10240x128xf32, #tpu.memory_space<hbm>>) dst(%arg14 : memref<64x128xf32, #tpu.memory_space<vmem>>)
    %dma_wait3A_439 = arith.constant 4 : i32
    %dma_wait3A_440 = arith.constant 0 : i32
    %dma_wait3A_441 = tpu.memref_slice %arg9[%dma_wait3A_439, %dma_wait3A_440] : memref<8x64xi32, #tpu.memory_space<vmem>> -> memref<1x64xi32, #tpu.memory_space<vmem>>
    %dma_wait3A_442 = tpu.memref_squeeze %dma_wait3A_441 : memref<1x64xi32, #tpu.memory_space<vmem>> -> memref<64xi32, #tpu.memory_space<vmem>>
    %dma_wait3A_443 = arith.constant 0 : i32
    %dma_wait3A_444 = arith.constant 0 : i32
    %dma_wait3A_445 = tpu.memref_slice %arg26[%dma_wait3A_443, %dma_wait3A_444] : memref<10240x128xf32, #tpu.memory_space<vmem_shared>> -> memref<10240x128xf32, #tpu.memory_space<vmem_shared>>
    tpu.wait_indirect_dma semaphore(%arg25 : memref<!tpu.dma_semaphore, #tpu.memory_space<semaphore_mem>>) src(%arg17 : memref<64x128xf32, #tpu.memory_space<vmem>>) dst(%dma_wait3A_445 : memref<10240x128xf32, #tpu.memory_space<vmem_shared>>)
    %dma_start3A_446 = arith.constant 7 : i32
    %dma_start3A_447 = arith.constant 0 : i32
    %dma_start3A_448 = tpu.memref_slice %arg7[%dma_start3A_446, %dma_start3A_447] : memref<8x64xi32, #tpu.memory_space<vmem>> -> memref<1x64xi32, #tpu.memory_space<vmem>>
    %dma_start3A_449 = tpu.memref_squeeze %dma_start3A_448 : memref<1x64xi32, #tpu.memory_space<vmem>> -> memref<64xi32, #tpu.memory_space<vmem>>
    %dma_start3A_450 = arith.constant 0 : i32
    %dma_start3A_451 = arith.constant 0 : i32
    %dma_start3A_452 = tpu.memref_slice %arg2[%dma_start3A_450, %dma_start3A_451] : memref<10240x128xf32, #tpu.memory_space<hbm>> -> memref<10240x128xf32, #tpu.memory_space<hbm>>
    tpu.enqueue_indirect_dma source(%dma_start3A_452 : memref<10240x128xf32, #tpu.memory_space<hbm>>) target(%arg17 : memref<64x128xf32, #tpu.memory_space<vmem>>) offsets(%dma_start3A_449 : memref<64xi32, #tpu.memory_space<vmem>>) semaphore(%arg21 : memref<!tpu.dma_semaphore, #tpu.memory_space<semaphore_mem>>)
    %dma_start3A_453 = arith.constant 4 : i32
    %dma_start3A_454 = arith.constant 0 : i32
    %dma_start3A_455 = tpu.memref_slice %arg9[%dma_start3A_453, %dma_start3A_454] : memref<8x64xi32, #tpu.memory_space<vmem>> -> memref<1x64xi32, #tpu.memory_space<vmem>>
    %dma_start3A_456 = tpu.memref_squeeze %dma_start3A_455 : memref<1x64xi32, #tpu.memory_space<vmem>> -> memref<64xi32, #tpu.memory_space<vmem>>
    %dma_start3A_457 = arith.constant 0 : i32
    %dma_start3A_458 = arith.constant 0 : i32
    %dma_start3A_459 = tpu.memref_slice %arg26[%dma_start3A_457, %dma_start3A_458] : memref<10240x128xf32, #tpu.memory_space<vmem_shared>> -> memref<10240x128xf32, #tpu.memory_space<vmem_shared>>
    tpu.enqueue_indirect_dma source(%arg14 : memref<64x128xf32, #tpu.memory_space<vmem>>) target(%dma_start3A_459 : memref<10240x128xf32, #tpu.memory_space<vmem_shared>>) offsets(%dma_start3A_456 : memref<64xi32, #tpu.memory_space<vmem>>) semaphore(%arg22 : memref<!tpu.dma_semaphore, #tpu.memory_space<semaphore_mem>>) {add = true}
    %dma_wait3A_460 = arith.constant 5 : i32
    %dma_wait3A_461 = arith.constant 0 : i32
    %dma_wait3A_462 = tpu.memref_slice %arg7[%dma_wait3A_460, %dma_wait3A_461] : memref<8x64xi32, #tpu.memory_space<vmem>> -> memref<1x64xi32, #tpu.memory_space<vmem>>
    %dma_wait3A_463 = tpu.memref_squeeze %dma_wait3A_462 : memref<1x64xi32, #tpu.memory_space<vmem>> -> memref<64xi32, #tpu.memory_space<vmem>>
    %dma_wait3A_464 = arith.constant 0 : i32
    %dma_wait3A_465 = arith.constant 0 : i32
    %dma_wait3A_466 = tpu.memref_slice %arg2[%dma_wait3A_464, %dma_wait3A_465] : memref<10240x128xf32, #tpu.memory_space<hbm>> -> memref<10240x128xf32, #tpu.memory_space<hbm>>
    tpu.wait_indirect_dma semaphore(%arg19 : memref<!tpu.dma_semaphore, #tpu.memory_space<semaphore_mem>>) src(%dma_wait3A_466 : memref<10240x128xf32, #tpu.memory_space<hbm>>) dst(%arg15 : memref<64x128xf32, #tpu.memory_space<vmem>>)
    %dma_wait3A_467 = arith.constant 5 : i32
    %dma_wait3A_468 = arith.constant 0 : i32
    %dma_wait3A_469 = tpu.memref_slice %arg9[%dma_wait3A_467, %dma_wait3A_468] : memref<8x64xi32, #tpu.memory_space<vmem>> -> memref<1x64xi32, #tpu.memory_space<vmem>>
    %dma_wait3A_470 = tpu.memref_squeeze %dma_wait3A_469 : memref<1x64xi32, #tpu.memory_space<vmem>> -> memref<64xi32, #tpu.memory_space<vmem>>
    %dma_wait3A_471 = arith.constant 0 : i32
    %dma_wait3A_472 = arith.constant 0 : i32
    %dma_wait3A_473 = tpu.memref_slice %arg26[%dma_wait3A_471, %dma_wait3A_472] : memref<10240x128xf32, #tpu.memory_space<vmem_shared>> -> memref<10240x128xf32, #tpu.memory_space<vmem_shared>>
    tpu.wait_indirect_dma semaphore(%arg22 : memref<!tpu.dma_semaphore, #tpu.memory_space<semaphore_mem>>) src(%arg14 : memref<64x128xf32, #tpu.memory_space<vmem>>) dst(%dma_wait3A_473 : memref<10240x128xf32, #tpu.memory_space<vmem_shared>>)
    %dma_wait3A_474 = arith.constant 0 : i32
    %dma_wait3A_475 = arith.constant 0 : i32
    %dma_wait3A_476 = tpu.memref_slice %arg3[%dma_wait3A_474, %dma_wait3A_475] : memref<5120x64xi32, #tpu.memory_space<hbm>> -> memref<8x64xi32, #tpu.memory_space<hbm>>
    %dma_wait3A_477 = arith.constant 0 : i32
    %dma_wait3A_478 = arith.constant 0 : i32
    %dma_wait3A_479 = tpu.memref_slice %arg3[%dma_wait3A_477, %dma_wait3A_478] : memref<5120x64xi32, #tpu.memory_space<hbm>> -> memref<8x64xi32, #tpu.memory_space<hbm>>
    tpu.wait_dma2 semaphore(%arg10 : memref<!tpu.dma_semaphore, #tpu.memory_space<semaphore_mem>>) src(%dma_wait3A_479 : memref<8x64xi32, #tpu.memory_space<hbm>>) dst(%arg6 : memref<8x64xi32, #tpu.memory_space<vmem>>)
    %dma_wait3A_480 = arith.constant 0 : i32
    %dma_wait3A_481 = arith.constant 0 : i32
    %dma_wait3A_482 = tpu.memref_slice %arg4[%dma_wait3A_480, %dma_wait3A_481] : memref<5120x64xi32, #tpu.memory_space<hbm>> -> memref<8x64xi32, #tpu.memory_space<hbm>>
    %dma_wait3A_483 = arith.constant 0 : i32
    %dma_wait3A_484 = arith.constant 0 : i32
    %dma_wait3A_485 = tpu.memref_slice %arg4[%dma_wait3A_483, %dma_wait3A_484] : memref<5120x64xi32, #tpu.memory_space<hbm>> -> memref<8x64xi32, #tpu.memory_space<hbm>>
    tpu.wait_dma2 semaphore(%arg11 : memref<!tpu.dma_semaphore, #tpu.memory_space<semaphore_mem>>) src(%dma_wait3A_485 : memref<8x64xi32, #tpu.memory_space<hbm>>) dst(%arg8 : memref<8x64xi32, #tpu.memory_space<vmem>>)
    %dma_start3A_486 = arith.constant 0 : i32
    %dma_start3A_487 = arith.constant 0 : i32
    %dma_start3A_488 = tpu.memref_slice %arg6[%dma_start3A_486, %dma_start3A_487] : memref<8x64xi32, #tpu.memory_space<vmem>> -> memref<1x64xi32, #tpu.memory_space<vmem>>
    %dma_start3A_489 = tpu.memref_squeeze %dma_start3A_488 : memref<1x64xi32, #tpu.memory_space<vmem>> -> memref<64xi32, #tpu.memory_space<vmem>>
    %dma_start3A_490 = arith.constant 0 : i32
    %dma_start3A_491 = arith.constant 0 : i32
    %dma_start3A_492 = tpu.memref_slice %arg2[%dma_start3A_490, %dma_start3A_491] : memref<10240x128xf32, #tpu.memory_space<hbm>> -> memref<10240x128xf32, #tpu.memory_space<hbm>>
    tpu.enqueue_indirect_dma source(%dma_start3A_492 : memref<10240x128xf32, #tpu.memory_space<hbm>>) target(%arg14 : memref<64x128xf32, #tpu.memory_space<vmem>>) offsets(%dma_start3A_489 : memref<64xi32, #tpu.memory_space<vmem>>) semaphore(%arg18 : memref<!tpu.dma_semaphore, #tpu.memory_space<semaphore_mem>>)
    %dma_start3A_493 = arith.constant 5 : i32
    %dma_start3A_494 = arith.constant 0 : i32
    %dma_start3A_495 = tpu.memref_slice %arg9[%dma_start3A_493, %dma_start3A_494] : memref<8x64xi32, #tpu.memory_space<vmem>> -> memref<1x64xi32, #tpu.memory_space<vmem>>
    %dma_start3A_496 = tpu.memref_squeeze %dma_start3A_495 : memref<1x64xi32, #tpu.memory_space<vmem>> -> memref<64xi32, #tpu.memory_space<vmem>>
    %dma_start3A_497 = arith.constant 0 : i32
    %dma_start3A_498 = arith.constant 0 : i32
    %dma_start3A_499 = tpu.memref_slice %arg26[%dma_start3A_497, %dma_start3A_498] : memref<10240x128xf32, #tpu.memory_space<vmem_shared>> -> memref<10240x128xf32, #tpu.memory_space<vmem_shared>>
    tpu.enqueue_indirect_dma source(%arg15 : memref<64x128xf32, #tpu.memory_space<vmem>>) target(%dma_start3A_499 : memref<10240x128xf32, #tpu.memory_space<vmem_shared>>) offsets(%dma_start3A_496 : memref<64xi32, #tpu.memory_space<vmem>>) semaphore(%arg23 : memref<!tpu.dma_semaphore, #tpu.memory_space<semaphore_mem>>) {add = true}
    %dma_wait3A_500 = arith.constant 6 : i32
    %dma_wait3A_501 = arith.constant 0 : i32
    %dma_wait3A_502 = tpu.memref_slice %arg7[%dma_wait3A_500, %dma_wait3A_501] : memref<8x64xi32, #tpu.memory_space<vmem>> -> memref<1x64xi32, #tpu.memory_space<vmem>>
    %dma_wait3A_503 = tpu.memref_squeeze %dma_wait3A_502 : memref<1x64xi32, #tpu.memory_space<vmem>> -> memref<64xi32, #tpu.memory_space<vmem>>
    %dma_wait3A_504 = arith.constant 0 : i32
    %dma_wait3A_505 = arith.constant 0 : i32
    %dma_wait3A_506 = tpu.memref_slice %arg2[%dma_wait3A_504, %dma_wait3A_505] : memref<10240x128xf32, #tpu.memory_space<hbm>> -> memref<10240x128xf32, #tpu.memory_space<hbm>>
    tpu.wait_indirect_dma semaphore(%arg20 : memref<!tpu.dma_semaphore, #tpu.memory_space<semaphore_mem>>) src(%dma_wait3A_506 : memref<10240x128xf32, #tpu.memory_space<hbm>>) dst(%arg16 : memref<64x128xf32, #tpu.memory_space<vmem>>)
    %dma_wait3A_507 = arith.constant 6 : i32
    %dma_wait3A_508 = arith.constant 0 : i32
    %dma_wait3A_509 = tpu.memref_slice %arg9[%dma_wait3A_507, %dma_wait3A_508] : memref<8x64xi32, #tpu.memory_space<vmem>> -> memref<1x64xi32, #tpu.memory_space<vmem>>
    %dma_wait3A_510 = tpu.memref_squeeze %dma_wait3A_509 : memref<1x64xi32, #tpu.memory_space<vmem>> -> memref<64xi32, #tpu.memory_space<vmem>>
    %dma_wait3A_511 = arith.constant 0 : i32
    %dma_wait3A_512 = arith.constant 0 : i32
    %dma_wait3A_513 = tpu.memref_slice %arg26[%dma_wait3A_511, %dma_wait3A_512] : memref<10240x128xf32, #tpu.memory_space<vmem_shared>> -> memref<10240x128xf32, #tpu.memory_space<vmem_shared>>
    tpu.wait_indirect_dma semaphore(%arg23 : memref<!tpu.dma_semaphore, #tpu.memory_space<semaphore_mem>>) src(%arg15 : memref<64x128xf32, #tpu.memory_space<vmem>>) dst(%dma_wait3A_513 : memref<10240x128xf32, #tpu.memory_space<vmem_shared>>)
    %dma_start3A_514 = arith.constant 1 : i32
    %dma_start3A_515 = arith.constant 0 : i32
    %dma_start3A_516 = tpu.memref_slice %arg6[%dma_start3A_514, %dma_start3A_515] : memref<8x64xi32, #tpu.memory_space<vmem>> -> memref<1x64xi32, #tpu.memory_space<vmem>>
    %dma_start3A_517 = tpu.memref_squeeze %dma_start3A_516 : memref<1x64xi32, #tpu.memory_space<vmem>> -> memref<64xi32, #tpu.memory_space<vmem>>
    %dma_start3A_518 = arith.constant 0 : i32
    %dma_start3A_519 = arith.constant 0 : i32
    %dma_start3A_520 = tpu.memref_slice %arg2[%dma_start3A_518, %dma_start3A_519] : memref<10240x128xf32, #tpu.memory_space<hbm>> -> memref<10240x128xf32, #tpu.memory_space<hbm>>
    tpu.enqueue_indirect_dma source(%dma_start3A_520 : memref<10240x128xf32, #tpu.memory_space<hbm>>) target(%arg15 : memref<64x128xf32, #tpu.memory_space<vmem>>) offsets(%dma_start3A_517 : memref<64xi32, #tpu.memory_space<vmem>>) semaphore(%arg19 : memref<!tpu.dma_semaphore, #tpu.memory_space<semaphore_mem>>)
    %dma_start3A_521 = arith.constant 6 : i32
    %dma_start3A_522 = arith.constant 0 : i32
    %dma_start3A_523 = tpu.memref_slice %arg9[%dma_start3A_521, %dma_start3A_522] : memref<8x64xi32, #tpu.memory_space<vmem>> -> memref<1x64xi32, #tpu.memory_space<vmem>>
    %dma_start3A_524 = tpu.memref_squeeze %dma_start3A_523 : memref<1x64xi32, #tpu.memory_space<vmem>> -> memref<64xi32, #tpu.memory_space<vmem>>
    %dma_start3A_525 = arith.constant 0 : i32
    %dma_start3A_526 = arith.constant 0 : i32
    %dma_start3A_527 = tpu.memref_slice %arg26[%dma_start3A_525, %dma_start3A_526] : memref<10240x128xf32, #tpu.memory_space<vmem_shared>> -> memref<10240x128xf32, #tpu.memory_space<vmem_shared>>
    tpu.enqueue_indirect_dma source(%arg16 : memref<64x128xf32, #tpu.memory_space<vmem>>) target(%dma_start3A_527 : memref<10240x128xf32, #tpu.memory_space<vmem_shared>>) offsets(%dma_start3A_524 : memref<64xi32, #tpu.memory_space<vmem>>) semaphore(%arg24 : memref<!tpu.dma_semaphore, #tpu.memory_space<semaphore_mem>>) {add = true}
    %dma_wait3A_528 = arith.constant 7 : i32
    %dma_wait3A_529 = arith.constant 0 : i32
    %dma_wait3A_530 = tpu.memref_slice %arg7[%dma_wait3A_528, %dma_wait3A_529] : memref<8x64xi32, #tpu.memory_space<vmem>> -> memref<1x64xi32, #tpu.memory_space<vmem>>
    %dma_wait3A_531 = tpu.memref_squeeze %dma_wait3A_530 : memref<1x64xi32, #tpu.memory_space<vmem>> -> memref<64xi32, #tpu.memory_space<vmem>>
    %dma_wait3A_532 = arith.constant 0 : i32
    %dma_wait3A_533 = arith.constant 0 : i32
    %dma_wait3A_534 = tpu.memref_slice %arg2[%dma_wait3A_532, %dma_wait3A_533] : memref<10240x128xf32, #tpu.memory_space<hbm>> -> memref<10240x128xf32, #tpu.memory_space<hbm>>
    tpu.wait_indirect_dma semaphore(%arg21 : memref<!tpu.dma_semaphore, #tpu.memory_space<semaphore_mem>>) src(%dma_wait3A_534 : memref<10240x128xf32, #tpu.memory_space<hbm>>) dst(%arg17 : memref<64x128xf32, #tpu.memory_space<vmem>>)
    %dma_wait3A_535 = arith.constant 7 : i32
    %dma_wait3A_536 = arith.constant 0 : i32
    %dma_wait3A_537 = tpu.memref_slice %arg9[%dma_wait3A_535, %dma_wait3A_536] : memref<8x64xi32, #tpu.memory_space<vmem>> -> memref<1x64xi32, #tpu.memory_space<vmem>>
    %dma_wait3A_538 = tpu.memref_squeeze %dma_wait3A_537 : memref<1x64xi32, #tpu.memory_space<vmem>> -> memref<64xi32, #tpu.memory_space<vmem>>
    %dma_wait3A_539 = arith.constant 0 : i32
    %dma_wait3A_540 = arith.constant 0 : i32
    %dma_wait3A_541 = tpu.memref_slice %arg26[%dma_wait3A_539, %dma_wait3A_540] : memref<10240x128xf32, #tpu.memory_space<vmem_shared>> -> memref<10240x128xf32, #tpu.memory_space<vmem_shared>>
    tpu.wait_indirect_dma semaphore(%arg24 : memref<!tpu.dma_semaphore, #tpu.memory_space<semaphore_mem>>) src(%arg16 : memref<64x128xf32, #tpu.memory_space<vmem>>) dst(%dma_wait3A_541 : memref<10240x128xf32, #tpu.memory_space<vmem_shared>>)
    %dma_start3A_542 = arith.constant 2 : i32
    %dma_start3A_543 = arith.constant 0 : i32
    %dma_start3A_544 = tpu.memref_slice %arg6[%dma_start3A_542, %dma_start3A_543] : memref<8x64xi32, #tpu.memory_space<vmem>> -> memref<1x64xi32, #tpu.memory_space<vmem>>
    %dma_start3A_545 = tpu.memref_squeeze %dma_start3A_544 : memref<1x64xi32, #tpu.memory_space<vmem>> -> memref<64xi32, #tpu.memory_space<vmem>>
    %dma_start3A_546 = arith.constant 0 : i32
    %dma_start3A_547 = arith.constant 0 : i32
    %dma_start3A_548 = tpu.memref_slice %arg2[%dma_start3A_546, %dma_start3A_547] : memref<10240x128xf32, #tpu.memory_space<hbm>> -> memref<10240x128xf32, #tpu.memory_space<hbm>>
    tpu.enqueue_indirect_dma source(%dma_start3A_548 : memref<10240x128xf32, #tpu.memory_space<hbm>>) target(%arg16 : memref<64x128xf32, #tpu.memory_space<vmem>>) offsets(%dma_start3A_545 : memref<64xi32, #tpu.memory_space<vmem>>) semaphore(%arg20 : memref<!tpu.dma_semaphore, #tpu.memory_space<semaphore_mem>>)
    %dma_start3A_549 = arith.constant 7 : i32
    %dma_start3A_550 = arith.constant 0 : i32
    %dma_start3A_551 = tpu.memref_slice %arg9[%dma_start3A_549, %dma_start3A_550] : memref<8x64xi32, #tpu.memory_space<vmem>> -> memref<1x64xi32, #tpu.memory_space<vmem>>
    %dma_start3A_552 = tpu.memref_squeeze %dma_start3A_551 : memref<1x64xi32, #tpu.memory_space<vmem>> -> memref<64xi32, #tpu.memory_space<vmem>>
    %dma_start3A_553 = arith.constant 0 : i32
    %dma_start3A_554 = arith.constant 0 : i32
    %dma_start3A_555 = tpu.memref_slice %arg26[%dma_start3A_553, %dma_start3A_554] : memref<10240x128xf32, #tpu.memory_space<vmem_shared>> -> memref<10240x128xf32, #tpu.memory_space<vmem_shared>>
    tpu.enqueue_indirect_dma source(%arg17 : memref<64x128xf32, #tpu.memory_space<vmem>>) target(%dma_start3A_555 : memref<10240x128xf32, #tpu.memory_space<vmem_shared>>) offsets(%dma_start3A_552 : memref<64xi32, #tpu.memory_space<vmem>>) semaphore(%arg25 : memref<!tpu.dma_semaphore, #tpu.memory_space<semaphore_mem>>) {add = true}
    %sub3A = arith.constant 1 : i32
    %sub3A_556 = arith.subi %select_n3A_51, %sub3A : i32
    %while3A = arith.constant 0 : i32
    %while3A_557 = arith.constant 1 : i32
    %while3A_558 = arith.subi %sub3A_556, %while3A_557 : i32
    %while3A_559 = arith.addi %while3A_557, %while3A_558 : i32
    %while3A_560 = arith.constant 1 : i32
    %while3A_561 = arith.divsi %while3A_558, %while3A_560 : i32
    %while3A_562 = arith.muli %while3A_561, %while3A_560 : i32
    %while3A_563 = arith.addi %while3A_557, %while3A_562 : i32
    %while3A_564 = arith.constant 1 : i32
    scf.for %while3A_1143 = %while3A_557 to %while3A_563 step %while3A_564  : i32 {
      %mul3A_1144 = arith.constant 16 : i32
      %mul3A_1145 = arith.muli %while3A_1143, %mul3A_1144 : i32
      %add3A_1146 = arith.addi %select_n3A, %mul3A_1145 : i32
      %dma_wait3A_1147 = arith.constant 0 : i32
      %dma_wait3A_1148 = arith.constant 0 : i32
      %dma_wait3A_1149 = tpu.memref_slice %arg6[%dma_wait3A_1147, %dma_wait3A_1148] : memref<8x64xi32, #tpu.memory_space<vmem>> -> memref<1x64xi32, #tpu.memory_space<vmem>>
      %dma_wait3A_1150 = tpu.memref_squeeze %dma_wait3A_1149 : memref<1x64xi32, #tpu.memory_space<vmem>> -> memref<64xi32, #tpu.memory_space<vmem>>
      %dma_wait3A_1151 = arith.constant 0 : i32
      %dma_wait3A_1152 = arith.constant 0 : i32
      %dma_wait3A_1153 = tpu.memref_slice %arg2[%dma_wait3A_1151, %dma_wait3A_1152] : memref<10240x128xf32, #tpu.memory_space<hbm>> -> memref<10240x128xf32, #tpu.memory_space<hbm>>
      tpu.wait_indirect_dma semaphore(%arg18 : memref<!tpu.dma_semaphore, #tpu.memory_space<semaphore_mem>>) src(%dma_wait3A_1153 : memref<10240x128xf32, #tpu.memory_space<hbm>>) dst(%arg14 : memref<64x128xf32, #tpu.memory_space<vmem>>)
      %dma_wait3A_1154 = arith.constant 0 : i32
      %dma_wait3A_1155 = arith.constant 0 : i32
      %dma_wait3A_1156 = tpu.memref_slice %arg8[%dma_wait3A_1154, %dma_wait3A_1155] : memref<8x64xi32, #tpu.memory_space<vmem>> -> memref<1x64xi32, #tpu.memory_space<vmem>>
      %dma_wait3A_1157 = tpu.memref_squeeze %dma_wait3A_1156 : memref<1x64xi32, #tpu.memory_space<vmem>> -> memref<64xi32, #tpu.memory_space<vmem>>
      %dma_wait3A_1158 = arith.constant 0 : i32
      %dma_wait3A_1159 = arith.constant 0 : i32
      %dma_wait3A_1160 = tpu.memref_slice %arg26[%dma_wait3A_1158, %dma_wait3A_1159] : memref<10240x128xf32, #tpu.memory_space<vmem_shared>> -> memref<10240x128xf32, #tpu.memory_space<vmem_shared>>
      tpu.wait_indirect_dma semaphore(%arg25 : memref<!tpu.dma_semaphore, #tpu.memory_space<semaphore_mem>>) src(%arg17 : memref<64x128xf32, #tpu.memory_space<vmem>>) dst(%dma_wait3A_1160 : memref<10240x128xf32, #tpu.memory_space<vmem_shared>>)
      %dma_start3A_1161 = arith.constant 3 : i32
      %dma_start3A_1162 = arith.constant 0 : i32
      %dma_start3A_1163 = tpu.memref_slice %arg6[%dma_start3A_1161, %dma_start3A_1162] : memref<8x64xi32, #tpu.memory_space<vmem>> -> memref<1x64xi32, #tpu.memory_space<vmem>>
      %dma_start3A_1164 = tpu.memref_squeeze %dma_start3A_1163 : memref<1x64xi32, #tpu.memory_space<vmem>> -> memref<64xi32, #tpu.memory_space<vmem>>
      %dma_start3A_1165 = arith.constant 0 : i32
      %dma_start3A_1166 = arith.constant 0 : i32
      %dma_start3A_1167 = tpu.memref_slice %arg2[%dma_start3A_1165, %dma_start3A_1166] : memref<10240x128xf32, #tpu.memory_space<hbm>> -> memref<10240x128xf32, #tpu.memory_space<hbm>>
      tpu.enqueue_indirect_dma source(%dma_start3A_1167 : memref<10240x128xf32, #tpu.memory_space<hbm>>) target(%arg17 : memref<64x128xf32, #tpu.memory_space<vmem>>) offsets(%dma_start3A_1164 : memref<64xi32, #tpu.memory_space<vmem>>) semaphore(%arg21 : memref<!tpu.dma_semaphore, #tpu.memory_space<semaphore_mem>>)
      %dma_start3A_1168 = arith.constant 0 : i32
      %dma_start3A_1169 = arith.constant 0 : i32
      %dma_start3A_1170 = tpu.memref_slice %arg8[%dma_start3A_1168, %dma_start3A_1169] : memref<8x64xi32, #tpu.memory_space<vmem>> -> memref<1x64xi32, #tpu.memory_space<vmem>>
      %dma_start3A_1171 = tpu.memref_squeeze %dma_start3A_1170 : memref<1x64xi32, #tpu.memory_space<vmem>> -> memref<64xi32, #tpu.memory_space<vmem>>
      %dma_start3A_1172 = arith.constant 0 : i32
      %dma_start3A_1173 = arith.constant 0 : i32
      %dma_start3A_1174 = tpu.memref_slice %arg26[%dma_start3A_1172, %dma_start3A_1173] : memref<10240x128xf32, #tpu.memory_space<vmem_shared>> -> memref<10240x128xf32, #tpu.memory_space<vmem_shared>>
      tpu.enqueue_indirect_dma source(%arg14 : memref<64x128xf32, #tpu.memory_space<vmem>>) target(%dma_start3A_1174 : memref<10240x128xf32, #tpu.memory_space<vmem_shared>>) offsets(%dma_start3A_1171 : memref<64xi32, #tpu.memory_space<vmem>>) semaphore(%arg22 : memref<!tpu.dma_semaphore, #tpu.memory_space<semaphore_mem>>) {add = true}
      %mul3A_1175 = arith.constant 16 : i32
      %mul3A_1176 = arith.muli %while3A_1143, %mul3A_1175 : i32
      %add3A_1177 = arith.addi %select_n3A, %mul3A_1176 : i32
      %dma_wait3A_1178 = arith.constant 1 : i32
      %dma_wait3A_1179 = arith.constant 0 : i32
      %dma_wait3A_1180 = tpu.memref_slice %arg6[%dma_wait3A_1178, %dma_wait3A_1179] : memref<8x64xi32, #tpu.memory_space<vmem>> -> memref<1x64xi32, #tpu.memory_space<vmem>>
      %dma_wait3A_1181 = tpu.memref_squeeze %dma_wait3A_1180 : memref<1x64xi32, #tpu.memory_space<vmem>> -> memref<64xi32, #tpu.memory_space<vmem>>
      %dma_wait3A_1182 = arith.constant 0 : i32
      %dma_wait3A_1183 = arith.constant 0 : i32
      %dma_wait3A_1184 = tpu.memref_slice %arg2[%dma_wait3A_1182, %dma_wait3A_1183] : memref<10240x128xf32, #tpu.memory_space<hbm>> -> memref<10240x128xf32, #tpu.memory_space<hbm>>
      tpu.wait_indirect_dma semaphore(%arg19 : memref<!tpu.dma_semaphore, #tpu.memory_space<semaphore_mem>>) src(%dma_wait3A_1184 : memref<10240x128xf32, #tpu.memory_space<hbm>>) dst(%arg15 : memref<64x128xf32, #tpu.memory_space<vmem>>)
      %dma_wait3A_1185 = arith.constant 1 : i32
      %dma_wait3A_1186 = arith.constant 0 : i32
      %dma_wait3A_1187 = tpu.memref_slice %arg8[%dma_wait3A_1185, %dma_wait3A_1186] : memref<8x64xi32, #tpu.memory_space<vmem>> -> memref<1x64xi32, #tpu.memory_space<vmem>>
      %dma_wait3A_1188 = tpu.memref_squeeze %dma_wait3A_1187 : memref<1x64xi32, #tpu.memory_space<vmem>> -> memref<64xi32, #tpu.memory_space<vmem>>
      %dma_wait3A_1189 = arith.constant 0 : i32
      %dma_wait3A_1190 = arith.constant 0 : i32
      %dma_wait3A_1191 = tpu.memref_slice %arg26[%dma_wait3A_1189, %dma_wait3A_1190] : memref<10240x128xf32, #tpu.memory_space<vmem_shared>> -> memref<10240x128xf32, #tpu.memory_space<vmem_shared>>
      tpu.wait_indirect_dma semaphore(%arg22 : memref<!tpu.dma_semaphore, #tpu.memory_space<semaphore_mem>>) src(%arg14 : memref<64x128xf32, #tpu.memory_space<vmem>>) dst(%dma_wait3A_1191 : memref<10240x128xf32, #tpu.memory_space<vmem_shared>>)
      %add3A_1192 = arith.constant 8 : i32
      %add3A_1193 = arith.addi %add3A_1177, %add3A_1192 : i32
      %dma_start3A_1194 = arith.constant 0 : i32
      %dma_start3A_1195 = tpu.memref_slice %arg3[%add3A_1193, %dma_start3A_1194] : memref<5120x64xi32, #tpu.memory_space<hbm>> -> memref<8x64xi32, #tpu.memory_space<hbm>>
      %dma_start3A_1196 = arith.constant 0 : i32
      %dma_start3A_1197 = tpu.memref_slice %arg3[%add3A_1193, %dma_start3A_1196] : memref<5120x64xi32, #tpu.memory_space<hbm>> -> memref<8x64xi32, #tpu.memory_space<hbm>>
      tpu.enqueue_dma source(%dma_start3A_1197 : memref<8x64xi32, #tpu.memory_space<hbm>>) target(%arg7 : memref<8x64xi32, #tpu.memory_space<vmem>>) target_semaphore(%arg12 : memref<!tpu.dma_semaphore, #tpu.memory_space<semaphore_mem>>)
      %dma_start3A_1198 = arith.constant 0 : i32
      %dma_start3A_1199 = tpu.memref_slice %arg4[%add3A_1193, %dma_start3A_1198] : memref<5120x64xi32, #tpu.memory_space<hbm>> -> memref<8x64xi32, #tpu.memory_space<hbm>>
      %dma_start3A_1200 = arith.constant 0 : i32
      %dma_start3A_1201 = tpu.memref_slice %arg4[%add3A_1193, %dma_start3A_1200] : memref<5120x64xi32, #tpu.memory_space<hbm>> -> memref<8x64xi32, #tpu.memory_space<hbm>>
      tpu.enqueue_dma source(%dma_start3A_1201 : memref<8x64xi32, #tpu.memory_space<hbm>>) target(%arg9 : memref<8x64xi32, #tpu.memory_space<vmem>>) target_semaphore(%arg13 : memref<!tpu.dma_semaphore, #tpu.memory_space<semaphore_mem>>)
      %dma_start3A_1202 = arith.constant 4 : i32
      %dma_start3A_1203 = arith.constant 0 : i32
      %dma_start3A_1204 = tpu.memref_slice %arg6[%dma_start3A_1202, %dma_start3A_1203] : memref<8x64xi32, #tpu.memory_space<vmem>> -> memref<1x64xi32, #tpu.memory_space<vmem>>
      %dma_start3A_1205 = tpu.memref_squeeze %dma_start3A_1204 : memref<1x64xi32, #tpu.memory_space<vmem>> -> memref<64xi32, #tpu.memory_space<vmem>>
      %dma_start3A_1206 = arith.constant 0 : i32
      %dma_start3A_1207 = arith.constant 0 : i32
      %dma_start3A_1208 = tpu.memref_slice %arg2[%dma_start3A_1206, %dma_start3A_1207] : memref<10240x128xf32, #tpu.memory_space<hbm>> -> memref<10240x128xf32, #tpu.memory_space<hbm>>
      tpu.enqueue_indirect_dma source(%dma_start3A_1208 : memref<10240x128xf32, #tpu.memory_space<hbm>>) target(%arg14 : memref<64x128xf32, #tpu.memory_space<vmem>>) offsets(%dma_start3A_1205 : memref<64xi32, #tpu.memory_space<vmem>>) semaphore(%arg18 : memref<!tpu.dma_semaphore, #tpu.memory_space<semaphore_mem>>)
      %dma_start3A_1209 = arith.constant 1 : i32
      %dma_start3A_1210 = arith.constant 0 : i32
      %dma_start3A_1211 = tpu.memref_slice %arg8[%dma_start3A_1209, %dma_start3A_1210] : memref<8x64xi32, #tpu.memory_space<vmem>> -> memref<1x64xi32, #tpu.memory_space<vmem>>
      %dma_start3A_1212 = tpu.memref_squeeze %dma_start3A_1211 : memref<1x64xi32, #tpu.memory_space<vmem>> -> memref<64xi32, #tpu.memory_space<vmem>>
      %dma_start3A_1213 = arith.constant 0 : i32
      %dma_start3A_1214 = arith.constant 0 : i32
      %dma_start3A_1215 = tpu.memref_slice %arg26[%dma_start3A_1213, %dma_start3A_1214] : memref<10240x128xf32, #tpu.memory_space<vmem_shared>> -> memref<10240x128xf32, #tpu.memory_space<vmem_shared>>
      tpu.enqueue_indirect_dma source(%arg15 : memref<64x128xf32, #tpu.memory_space<vmem>>) target(%dma_start3A_1215 : memref<10240x128xf32, #tpu.memory_space<vmem_shared>>) offsets(%dma_start3A_1212 : memref<64xi32, #tpu.memory_space<vmem>>) semaphore(%arg23 : memref<!tpu.dma_semaphore, #tpu.memory_space<semaphore_mem>>) {add = true}
      %mul3A_1216 = arith.constant 16 : i32
      %mul3A_1217 = arith.muli %while3A_1143, %mul3A_1216 : i32
      %add3A_1218 = arith.addi %select_n3A, %mul3A_1217 : i32
      %dma_wait3A_1219 = arith.constant 2 : i32
      %dma_wait3A_1220 = arith.constant 0 : i32
      %dma_wait3A_1221 = tpu.memref_slice %arg6[%dma_wait3A_1219, %dma_wait3A_1220] : memref<8x64xi32, #tpu.memory_space<vmem>> -> memref<1x64xi32, #tpu.memory_space<vmem>>
      %dma_wait3A_1222 = tpu.memref_squeeze %dma_wait3A_1221 : memref<1x64xi32, #tpu.memory_space<vmem>> -> memref<64xi32, #tpu.memory_space<vmem>>
      %dma_wait3A_1223 = arith.constant 0 : i32
      %dma_wait3A_1224 = arith.constant 0 : i32
      %dma_wait3A_1225 = tpu.memref_slice %arg2[%dma_wait3A_1223, %dma_wait3A_1224] : memref<10240x128xf32, #tpu.memory_space<hbm>> -> memref<10240x128xf32, #tpu.memory_space<hbm>>
      tpu.wait_indirect_dma semaphore(%arg20 : memref<!tpu.dma_semaphore, #tpu.memory_space<semaphore_mem>>) src(%dma_wait3A_1225 : memref<10240x128xf32, #tpu.memory_space<hbm>>) dst(%arg16 : memref<64x128xf32, #tpu.memory_space<vmem>>)
      %dma_wait3A_1226 = arith.constant 2 : i32
      %dma_wait3A_1227 = arith.constant 0 : i32
      %dma_wait3A_1228 = tpu.memref_slice %arg8[%dma_wait3A_1226, %dma_wait3A_1227] : memref<8x64xi32, #tpu.memory_space<vmem>> -> memref<1x64xi32, #tpu.memory_space<vmem>>
      %dma_wait3A_1229 = tpu.memref_squeeze %dma_wait3A_1228 : memref<1x64xi32, #tpu.memory_space<vmem>> -> memref<64xi32, #tpu.memory_space<vmem>>
      %dma_wait3A_1230 = arith.constant 0 : i32
      %dma_wait3A_1231 = arith.constant 0 : i32
      %dma_wait3A_1232 = tpu.memref_slice %arg26[%dma_wait3A_1230, %dma_wait3A_1231] : memref<10240x128xf32, #tpu.memory_space<vmem_shared>> -> memref<10240x128xf32, #tpu.memory_space<vmem_shared>>
      tpu.wait_indirect_dma semaphore(%arg23 : memref<!tpu.dma_semaphore, #tpu.memory_space<semaphore_mem>>) src(%arg15 : memref<64x128xf32, #tpu.memory_space<vmem>>) dst(%dma_wait3A_1232 : memref<10240x128xf32, #tpu.memory_space<vmem_shared>>)
      %dma_start3A_1233 = arith.constant 5 : i32
      %dma_start3A_1234 = arith.constant 0 : i32
      %dma_start3A_1235 = tpu.memref_slice %arg6[%dma_start3A_1233, %dma_start3A_1234] : memref<8x64xi32, #tpu.memory_space<vmem>> -> memref<1x64xi32, #tpu.memory_space<vmem>>
      %dma_start3A_1236 = tpu.memref_squeeze %dma_start3A_1235 : memref<1x64xi32, #tpu.memory_space<vmem>> -> memref<64xi32, #tpu.memory_space<vmem>>
      %dma_start3A_1237 = arith.constant 0 : i32
      %dma_start3A_1238 = arith.constant 0 : i32
      %dma_start3A_1239 = tpu.memref_slice %arg2[%dma_start3A_1237, %dma_start3A_1238] : memref<10240x128xf32, #tpu.memory_space<hbm>> -> memref<10240x128xf32, #tpu.memory_space<hbm>>
      tpu.enqueue_indirect_dma source(%dma_start3A_1239 : memref<10240x128xf32, #tpu.memory_space<hbm>>) target(%arg15 : memref<64x128xf32, #tpu.memory_space<vmem>>) offsets(%dma_start3A_1236 : memref<64xi32, #tpu.memory_space<vmem>>) semaphore(%arg19 : memref<!tpu.dma_semaphore, #tpu.memory_space<semaphore_mem>>)
      %dma_start3A_1240 = arith.constant 2 : i32
      %dma_start3A_1241 = arith.constant 0 : i32
      %dma_start3A_1242 = tpu.memref_slice %arg8[%dma_start3A_1240, %dma_start3A_1241] : memref<8x64xi32, #tpu.memory_space<vmem>> -> memref<1x64xi32, #tpu.memory_space<vmem>>
      %dma_start3A_1243 = tpu.memref_squeeze %dma_start3A_1242 : memref<1x64xi32, #tpu.memory_space<vmem>> -> memref<64xi32, #tpu.memory_space<vmem>>
      %dma_start3A_1244 = arith.constant 0 : i32
      %dma_start3A_1245 = arith.constant 0 : i32
      %dma_start3A_1246 = tpu.memref_slice %arg26[%dma_start3A_1244, %dma_start3A_1245] : memref<10240x128xf32, #tpu.memory_space<vmem_shared>> -> memref<10240x128xf32, #tpu.memory_space<vmem_shared>>
      tpu.enqueue_indirect_dma source(%arg16 : memref<64x128xf32, #tpu.memory_space<vmem>>) target(%dma_start3A_1246 : memref<10240x128xf32, #tpu.memory_space<vmem_shared>>) offsets(%dma_start3A_1243 : memref<64xi32, #tpu.memory_space<vmem>>) semaphore(%arg24 : memref<!tpu.dma_semaphore, #tpu.memory_space<semaphore_mem>>) {add = true}
      %mul3A_1247 = arith.constant 16 : i32
      %mul3A_1248 = arith.muli %while3A_1143, %mul3A_1247 : i32
      %add3A_1249 = arith.addi %select_n3A, %mul3A_1248 : i32
      %dma_wait3A_1250 = arith.constant 3 : i32
      %dma_wait3A_1251 = arith.constant 0 : i32
      %dma_wait3A_1252 = tpu.memref_slice %arg6[%dma_wait3A_1250, %dma_wait3A_1251] : memref<8x64xi32, #tpu.memory_space<vmem>> -> memref<1x64xi32, #tpu.memory_space<vmem>>
      %dma_wait3A_1253 = tpu.memref_squeeze %dma_wait3A_1252 : memref<1x64xi32, #tpu.memory_space<vmem>> -> memref<64xi32, #tpu.memory_space<vmem>>
      %dma_wait3A_1254 = arith.constant 0 : i32
      %dma_wait3A_1255 = arith.constant 0 : i32
      %dma_wait3A_1256 = tpu.memref_slice %arg2[%dma_wait3A_1254, %dma_wait3A_1255] : memref<10240x128xf32, #tpu.memory_space<hbm>> -> memref<10240x128xf32, #tpu.memory_space<hbm>>
      tpu.wait_indirect_dma semaphore(%arg21 : memref<!tpu.dma_semaphore, #tpu.memory_space<semaphore_mem>>) src(%dma_wait3A_1256 : memref<10240x128xf32, #tpu.memory_space<hbm>>) dst(%arg17 : memref<64x128xf32, #tpu.memory_space<vmem>>)
      %dma_wait3A_1257 = arith.constant 3 : i32
      %dma_wait3A_1258 = arith.constant 0 : i32
      %dma_wait3A_1259 = tpu.memref_slice %arg8[%dma_wait3A_1257, %dma_wait3A_1258] : memref<8x64xi32, #tpu.memory_space<vmem>> -> memref<1x64xi32, #tpu.memory_space<vmem>>
      %dma_wait3A_1260 = tpu.memref_squeeze %dma_wait3A_1259 : memref<1x64xi32, #tpu.memory_space<vmem>> -> memref<64xi32, #tpu.memory_space<vmem>>
      %dma_wait3A_1261 = arith.constant 0 : i32
      %dma_wait3A_1262 = arith.constant 0 : i32
      %dma_wait3A_1263 = tpu.memref_slice %arg26[%dma_wait3A_1261, %dma_wait3A_1262] : memref<10240x128xf32, #tpu.memory_space<vmem_shared>> -> memref<10240x128xf32, #tpu.memory_space<vmem_shared>>
      tpu.wait_indirect_dma semaphore(%arg24 : memref<!tpu.dma_semaphore, #tpu.memory_space<semaphore_mem>>) src(%arg16 : memref<64x128xf32, #tpu.memory_space<vmem>>) dst(%dma_wait3A_1263 : memref<10240x128xf32, #tpu.memory_space<vmem_shared>>)
      %dma_start3A_1264 = arith.constant 6 : i32
      %dma_start3A_1265 = arith.constant 0 : i32
      %dma_start3A_1266 = tpu.memref_slice %arg6[%dma_start3A_1264, %dma_start3A_1265] : memref<8x64xi32, #tpu.memory_space<vmem>> -> memref<1x64xi32, #tpu.memory_space<vmem>>
      %dma_start3A_1267 = tpu.memref_squeeze %dma_start3A_1266 : memref<1x64xi32, #tpu.memory_space<vmem>> -> memref<64xi32, #tpu.memory_space<vmem>>
      %dma_start3A_1268 = arith.constant 0 : i32
      %dma_start3A_1269 = arith.constant 0 : i32
      %dma_start3A_1270 = tpu.memref_slice %arg2[%dma_start3A_1268, %dma_start3A_1269] : memref<10240x128xf32, #tpu.memory_space<hbm>> -> memref<10240x128xf32, #tpu.memory_space<hbm>>
      tpu.enqueue_indirect_dma source(%dma_start3A_1270 : memref<10240x128xf32, #tpu.memory_space<hbm>>) target(%arg16 : memref<64x128xf32, #tpu.memory_space<vmem>>) offsets(%dma_start3A_1267 : memref<64xi32, #tpu.memory_space<vmem>>) semaphore(%arg20 : memref<!tpu.dma_semaphore, #tpu.memory_space<semaphore_mem>>)
      %dma_start3A_1271 = arith.constant 3 : i32
      %dma_start3A_1272 = arith.constant 0 : i32
      %dma_start3A_1273 = tpu.memref_slice %arg8[%dma_start3A_1271, %dma_start3A_1272] : memref<8x64xi32, #tpu.memory_space<vmem>> -> memref<1x64xi32, #tpu.memory_space<vmem>>
      %dma_start3A_1274 = tpu.memref_squeeze %dma_start3A_1273 : memref<1x64xi32, #tpu.memory_space<vmem>> -> memref<64xi32, #tpu.memory_space<vmem>>
      %dma_start3A_1275 = arith.constant 0 : i32
      %dma_start3A_1276 = arith.constant 0 : i32
      %dma_start3A_1277 = tpu.memref_slice %arg26[%dma_start3A_1275, %dma_start3A_1276] : memref<10240x128xf32, #tpu.memory_space<vmem_shared>> -> memref<10240x128xf32, #tpu.memory_space<vmem_shared>>
      tpu.enqueue_indirect_dma source(%arg17 : memref<64x128xf32, #tpu.memory_space<vmem>>) target(%dma_start3A_1277 : memref<10240x128xf32, #tpu.memory_space<vmem_shared>>) offsets(%dma_start3A_1274 : memref<64xi32, #tpu.memory_space<vmem>>) semaphore(%arg25 : memref<!tpu.dma_semaphore, #tpu.memory_space<semaphore_mem>>) {add = true}
      %mul3A_1278 = arith.constant 16 : i32
      %mul3A_1279 = arith.muli %while3A_1143, %mul3A_1278 : i32
      %add3A_1280 = arith.addi %select_n3A, %mul3A_1279 : i32
      %dma_wait3A_1281 = arith.constant 4 : i32
      %dma_wait3A_1282 = arith.constant 0 : i32
      %dma_wait3A_1283 = tpu.memref_slice %arg6[%dma_wait3A_1281, %dma_wait3A_1282] : memref<8x64xi32, #tpu.memory_space<vmem>> -> memref<1x64xi32, #tpu.memory_space<vmem>>
      %dma_wait3A_1284 = tpu.memref_squeeze %dma_wait3A_1283 : memref<1x64xi32, #tpu.memory_space<vmem>> -> memref<64xi32, #tpu.memory_space<vmem>>
      %dma_wait3A_1285 = arith.constant 0 : i32
      %dma_wait3A_1286 = arith.constant 0 : i32
      %dma_wait3A_1287 = tpu.memref_slice %arg2[%dma_wait3A_1285, %dma_wait3A_1286] : memref<10240x128xf32, #tpu.memory_space<hbm>> -> memref<10240x128xf32, #tpu.memory_space<hbm>>
      tpu.wait_indirect_dma semaphore(%arg18 : memref<!tpu.dma_semaphore, #tpu.memory_space<semaphore_mem>>) src(%dma_wait3A_1287 : memref<10240x128xf32, #tpu.memory_space<hbm>>) dst(%arg14 : memref<64x128xf32, #tpu.memory_space<vmem>>)
      %dma_wait3A_1288 = arith.constant 4 : i32
      %dma_wait3A_1289 = arith.constant 0 : i32
      %dma_wait3A_1290 = tpu.memref_slice %arg8[%dma_wait3A_1288, %dma_wait3A_1289] : memref<8x64xi32, #tpu.memory_space<vmem>> -> memref<1x64xi32, #tpu.memory_space<vmem>>
      %dma_wait3A_1291 = tpu.memref_squeeze %dma_wait3A_1290 : memref<1x64xi32, #tpu.memory_space<vmem>> -> memref<64xi32, #tpu.memory_space<vmem>>
      %dma_wait3A_1292 = arith.constant 0 : i32
      %dma_wait3A_1293 = arith.constant 0 : i32
      %dma_wait3A_1294 = tpu.memref_slice %arg26[%dma_wait3A_1292, %dma_wait3A_1293] : memref<10240x128xf32, #tpu.memory_space<vmem_shared>> -> memref<10240x128xf32, #tpu.memory_space<vmem_shared>>
      tpu.wait_indirect_dma semaphore(%arg25 : memref<!tpu.dma_semaphore, #tpu.memory_space<semaphore_mem>>) src(%arg17 : memref<64x128xf32, #tpu.memory_space<vmem>>) dst(%dma_wait3A_1294 : memref<10240x128xf32, #tpu.memory_space<vmem_shared>>)
      %dma_start3A_1295 = arith.constant 7 : i32
      %dma_start3A_1296 = arith.constant 0 : i32
      %dma_start3A_1297 = tpu.memref_slice %arg6[%dma_start3A_1295, %dma_start3A_1296] : memref<8x64xi32, #tpu.memory_space<vmem>> -> memref<1x64xi32, #tpu.memory_space<vmem>>
      %dma_start3A_1298 = tpu.memref_squeeze %dma_start3A_1297 : memref<1x64xi32, #tpu.memory_space<vmem>> -> memref<64xi32, #tpu.memory_space<vmem>>
      %dma_start3A_1299 = arith.constant 0 : i32
      %dma_start3A_1300 = arith.constant 0 : i32
      %dma_start3A_1301 = tpu.memref_slice %arg2[%dma_start3A_1299, %dma_start3A_1300] : memref<10240x128xf32, #tpu.memory_space<hbm>> -> memref<10240x128xf32, #tpu.memory_space<hbm>>
      tpu.enqueue_indirect_dma source(%dma_start3A_1301 : memref<10240x128xf32, #tpu.memory_space<hbm>>) target(%arg17 : memref<64x128xf32, #tpu.memory_space<vmem>>) offsets(%dma_start3A_1298 : memref<64xi32, #tpu.memory_space<vmem>>) semaphore(%arg21 : memref<!tpu.dma_semaphore, #tpu.memory_space<semaphore_mem>>)
      %dma_start3A_1302 = arith.constant 4 : i32
      %dma_start3A_1303 = arith.constant 0 : i32
      %dma_start3A_1304 = tpu.memref_slice %arg8[%dma_start3A_1302, %dma_start3A_1303] : memref<8x64xi32, #tpu.memory_space<vmem>> -> memref<1x64xi32, #tpu.memory_space<vmem>>
      %dma_start3A_1305 = tpu.memref_squeeze %dma_start3A_1304 : memref<1x64xi32, #tpu.memory_space<vmem>> -> memref<64xi32, #tpu.memory_space<vmem>>
      %dma_start3A_1306 = arith.constant 0 : i32
      %dma_start3A_1307 = arith.constant 0 : i32
      %dma_start3A_1308 = tpu.memref_slice %arg26[%dma_start3A_1306, %dma_start3A_1307] : memref<10240x128xf32, #tpu.memory_space<vmem_shared>> -> memref<10240x128xf32, #tpu.memory_space<vmem_shared>>
      tpu.enqueue_indirect_dma source(%arg14 : memref<64x128xf32, #tpu.memory_space<vmem>>) target(%dma_start3A_1308 : memref<10240x128xf32, #tpu.memory_space<vmem_shared>>) offsets(%dma_start3A_1305 : memref<64xi32, #tpu.memory_space<vmem>>) semaphore(%arg22 : memref<!tpu.dma_semaphore, #tpu.memory_space<semaphore_mem>>) {add = true}
      %mul3A_1309 = arith.constant 16 : i32
      %mul3A_1310 = arith.muli %while3A_1143, %mul3A_1309 : i32
      %add3A_1311 = arith.addi %select_n3A, %mul3A_1310 : i32
      %dma_wait3A_1312 = arith.constant 5 : i32
      %dma_wait3A_1313 = arith.constant 0 : i32
      %dma_wait3A_1314 = tpu.memref_slice %arg6[%dma_wait3A_1312, %dma_wait3A_1313] : memref<8x64xi32, #tpu.memory_space<vmem>> -> memref<1x64xi32, #tpu.memory_space<vmem>>
      %dma_wait3A_1315 = tpu.memref_squeeze %dma_wait3A_1314 : memref<1x64xi32, #tpu.memory_space<vmem>> -> memref<64xi32, #tpu.memory_space<vmem>>
      %dma_wait3A_1316 = arith.constant 0 : i32
      %dma_wait3A_1317 = arith.constant 0 : i32
      %dma_wait3A_1318 = tpu.memref_slice %arg2[%dma_wait3A_1316, %dma_wait3A_1317] : memref<10240x128xf32, #tpu.memory_space<hbm>> -> memref<10240x128xf32, #tpu.memory_space<hbm>>
      tpu.wait_indirect_dma semaphore(%arg19 : memref<!tpu.dma_semaphore, #tpu.memory_space<semaphore_mem>>) src(%dma_wait3A_1318 : memref<10240x128xf32, #tpu.memory_space<hbm>>) dst(%arg15 : memref<64x128xf32, #tpu.memory_space<vmem>>)
      %dma_wait3A_1319 = arith.constant 5 : i32
      %dma_wait3A_1320 = arith.constant 0 : i32
      %dma_wait3A_1321 = tpu.memref_slice %arg8[%dma_wait3A_1319, %dma_wait3A_1320] : memref<8x64xi32, #tpu.memory_space<vmem>> -> memref<1x64xi32, #tpu.memory_space<vmem>>
      %dma_wait3A_1322 = tpu.memref_squeeze %dma_wait3A_1321 : memref<1x64xi32, #tpu.memory_space<vmem>> -> memref<64xi32, #tpu.memory_space<vmem>>
      %dma_wait3A_1323 = arith.constant 0 : i32
      %dma_wait3A_1324 = arith.constant 0 : i32
      %dma_wait3A_1325 = tpu.memref_slice %arg26[%dma_wait3A_1323, %dma_wait3A_1324] : memref<10240x128xf32, #tpu.memory_space<vmem_shared>> -> memref<10240x128xf32, #tpu.memory_space<vmem_shared>>
      tpu.wait_indirect_dma semaphore(%arg22 : memref<!tpu.dma_semaphore, #tpu.memory_space<semaphore_mem>>) src(%arg14 : memref<64x128xf32, #tpu.memory_space<vmem>>) dst(%dma_wait3A_1325 : memref<10240x128xf32, #tpu.memory_space<vmem_shared>>)
      %dma_wait3A_1326 = arith.constant 0 : i32
      %dma_wait3A_1327 = arith.constant 0 : i32
      %dma_wait3A_1328 = tpu.memref_slice %arg3[%dma_wait3A_1326, %dma_wait3A_1327] : memref<5120x64xi32, #tpu.memory_space<hbm>> -> memref<8x64xi32, #tpu.memory_space<hbm>>
      %dma_wait3A_1329 = arith.constant 0 : i32
      %dma_wait3A_1330 = arith.constant 0 : i32
      %dma_wait3A_1331 = tpu.memref_slice %arg3[%dma_wait3A_1329, %dma_wait3A_1330] : memref<5120x64xi32, #tpu.memory_space<hbm>> -> memref<8x64xi32, #tpu.memory_space<hbm>>
      tpu.wait_dma2 semaphore(%arg12 : memref<!tpu.dma_semaphore, #tpu.memory_space<semaphore_mem>>) src(%dma_wait3A_1331 : memref<8x64xi32, #tpu.memory_space<hbm>>) dst(%arg7 : memref<8x64xi32, #tpu.memory_space<vmem>>)
      %dma_wait3A_1332 = arith.constant 0 : i32
      %dma_wait3A_1333 = arith.constant 0 : i32
      %dma_wait3A_1334 = tpu.memref_slice %arg4[%dma_wait3A_1332, %dma_wait3A_1333] : memref<5120x64xi32, #tpu.memory_space<hbm>> -> memref<8x64xi32, #tpu.memory_space<hbm>>
      %dma_wait3A_1335 = arith.constant 0 : i32
      %dma_wait3A_1336 = arith.constant 0 : i32
      %dma_wait3A_1337 = tpu.memref_slice %arg4[%dma_wait3A_1335, %dma_wait3A_1336] : memref<5120x64xi32, #tpu.memory_space<hbm>> -> memref<8x64xi32, #tpu.memory_space<hbm>>
      tpu.wait_dma2 semaphore(%arg13 : memref<!tpu.dma_semaphore, #tpu.memory_space<semaphore_mem>>) src(%dma_wait3A_1337 : memref<8x64xi32, #tpu.memory_space<hbm>>) dst(%arg9 : memref<8x64xi32, #tpu.memory_space<vmem>>)
      %dma_start3A_1338 = arith.constant 0 : i32
      %dma_start3A_1339 = arith.constant 0 : i32
      %dma_start3A_1340 = tpu.memref_slice %arg7[%dma_start3A_1338, %dma_start3A_1339] : memref<8x64xi32, #tpu.memory_space<vmem>> -> memref<1x64xi32, #tpu.memory_space<vmem>>
      %dma_start3A_1341 = tpu.memref_squeeze %dma_start3A_1340 : memref<1x64xi32, #tpu.memory_space<vmem>> -> memref<64xi32, #tpu.memory_space<vmem>>
      %dma_start3A_1342 = arith.constant 0 : i32
      %dma_start3A_1343 = arith.constant 0 : i32
      %dma_start3A_1344 = tpu.memref_slice %arg2[%dma_start3A_1342, %dma_start3A_1343] : memref<10240x128xf32, #tpu.memory_space<hbm>> -> memref<10240x128xf32, #tpu.memory_space<hbm>>
      tpu.enqueue_indirect_dma source(%dma_start3A_1344 : memref<10240x128xf32, #tpu.memory_space<hbm>>) target(%arg14 : memref<64x128xf32, #tpu.memory_space<vmem>>) offsets(%dma_start3A_1341 : memref<64xi32, #tpu.memory_space<vmem>>) semaphore(%arg18 : memref<!tpu.dma_semaphore, #tpu.memory_space<semaphore_mem>>)
      %dma_start3A_1345 = arith.constant 5 : i32
      %dma_start3A_1346 = arith.constant 0 : i32
      %dma_start3A_1347 = tpu.memref_slice %arg8[%dma_start3A_1345, %dma_start3A_1346] : memref<8x64xi32, #tpu.memory_space<vmem>> -> memref<1x64xi32, #tpu.memory_space<vmem>>
      %dma_start3A_1348 = tpu.memref_squeeze %dma_start3A_1347 : memref<1x64xi32, #tpu.memory_space<vmem>> -> memref<64xi32, #tpu.memory_space<vmem>>
      %dma_start3A_1349 = arith.constant 0 : i32
      %dma_start3A_1350 = arith.constant 0 : i32
      %dma_start3A_1351 = tpu.memref_slice %arg26[%dma_start3A_1349, %dma_start3A_1350] : memref<10240x128xf32, #tpu.memory_space<vmem_shared>> -> memref<10240x128xf32, #tpu.memory_space<vmem_shared>>
      tpu.enqueue_indirect_dma source(%arg15 : memref<64x128xf32, #tpu.memory_space<vmem>>) target(%dma_start3A_1351 : memref<10240x128xf32, #tpu.memory_space<vmem_shared>>) offsets(%dma_start3A_1348 : memref<64xi32, #tpu.memory_space<vmem>>) semaphore(%arg23 : memref<!tpu.dma_semaphore, #tpu.memory_space<semaphore_mem>>) {add = true}
      %mul3A_1352 = arith.constant 16 : i32
      %mul3A_1353 = arith.muli %while3A_1143, %mul3A_1352 : i32
      %add3A_1354 = arith.addi %select_n3A, %mul3A_1353 : i32
      %dma_wait3A_1355 = arith.constant 6 : i32
      %dma_wait3A_1356 = arith.constant 0 : i32
      %dma_wait3A_1357 = tpu.memref_slice %arg6[%dma_wait3A_1355, %dma_wait3A_1356] : memref<8x64xi32, #tpu.memory_space<vmem>> -> memref<1x64xi32, #tpu.memory_space<vmem>>
      %dma_wait3A_1358 = tpu.memref_squeeze %dma_wait3A_1357 : memref<1x64xi32, #tpu.memory_space<vmem>> -> memref<64xi32, #tpu.memory_space<vmem>>
      %dma_wait3A_1359 = arith.constant 0 : i32
      %dma_wait3A_1360 = arith.constant 0 : i32
      %dma_wait3A_1361 = tpu.memref_slice %arg2[%dma_wait3A_1359, %dma_wait3A_1360] : memref<10240x128xf32, #tpu.memory_space<hbm>> -> memref<10240x128xf32, #tpu.memory_space<hbm>>
      tpu.wait_indirect_dma semaphore(%arg20 : memref<!tpu.dma_semaphore, #tpu.memory_space<semaphore_mem>>) src(%dma_wait3A_1361 : memref<10240x128xf32, #tpu.memory_space<hbm>>) dst(%arg16 : memref<64x128xf32, #tpu.memory_space<vmem>>)
      %dma_wait3A_1362 = arith.constant 6 : i32
      %dma_wait3A_1363 = arith.constant 0 : i32
      %dma_wait3A_1364 = tpu.memref_slice %arg8[%dma_wait3A_1362, %dma_wait3A_1363] : memref<8x64xi32, #tpu.memory_space<vmem>> -> memref<1x64xi32, #tpu.memory_space<vmem>>
      %dma_wait3A_1365 = tpu.memref_squeeze %dma_wait3A_1364 : memref<1x64xi32, #tpu.memory_space<vmem>> -> memref<64xi32, #tpu.memory_space<vmem>>
      %dma_wait3A_1366 = arith.constant 0 : i32
      %dma_wait3A_1367 = arith.constant 0 : i32
      %dma_wait3A_1368 = tpu.memref_slice %arg26[%dma_wait3A_1366, %dma_wait3A_1367] : memref<10240x128xf32, #tpu.memory_space<vmem_shared>> -> memref<10240x128xf32, #tpu.memory_space<vmem_shared>>
      tpu.wait_indirect_dma semaphore(%arg23 : memref<!tpu.dma_semaphore, #tpu.memory_space<semaphore_mem>>) src(%arg15 : memref<64x128xf32, #tpu.memory_space<vmem>>) dst(%dma_wait3A_1368 : memref<10240x128xf32, #tpu.memory_space<vmem_shared>>)
      %dma_start3A_1369 = arith.constant 1 : i32
      %dma_start3A_1370 = arith.constant 0 : i32
      %dma_start3A_1371 = tpu.memref_slice %arg7[%dma_start3A_1369, %dma_start3A_1370] : memref<8x64xi32, #tpu.memory_space<vmem>> -> memref<1x64xi32, #tpu.memory_space<vmem>>
      %dma_start3A_1372 = tpu.memref_squeeze %dma_start3A_1371 : memref<1x64xi32, #tpu.memory_space<vmem>> -> memref<64xi32, #tpu.memory_space<vmem>>
      %dma_start3A_1373 = arith.constant 0 : i32
      %dma_start3A_1374 = arith.constant 0 : i32
      %dma_start3A_1375 = tpu.memref_slice %arg2[%dma_start3A_1373, %dma_start3A_1374] : memref<10240x128xf32, #tpu.memory_space<hbm>> -> memref<10240x128xf32, #tpu.memory_space<hbm>>
      tpu.enqueue_indirect_dma source(%dma_start3A_1375 : memref<10240x128xf32, #tpu.memory_space<hbm>>) target(%arg15 : memref<64x128xf32, #tpu.memory_space<vmem>>) offsets(%dma_start3A_1372 : memref<64xi32, #tpu.memory_space<vmem>>) semaphore(%arg19 : memref<!tpu.dma_semaphore, #tpu.memory_space<semaphore_mem>>)
      %dma_start3A_1376 = arith.constant 6 : i32
      %dma_start3A_1377 = arith.constant 0 : i32
      %dma_start3A_1378 = tpu.memref_slice %arg8[%dma_start3A_1376, %dma_start3A_1377] : memref<8x64xi32, #tpu.memory_space<vmem>> -> memref<1x64xi32, #tpu.memory_space<vmem>>
      %dma_start3A_1379 = tpu.memref_squeeze %dma_start3A_1378 : memref<1x64xi32, #tpu.memory_space<vmem>> -> memref<64xi32, #tpu.memory_space<vmem>>
      %dma_start3A_1380 = arith.constant 0 : i32
      %dma_start3A_1381 = arith.constant 0 : i32
      %dma_start3A_1382 = tpu.memref_slice %arg26[%dma_start3A_1380, %dma_start3A_1381] : memref<10240x128xf32, #tpu.memory_space<vmem_shared>> -> memref<10240x128xf32, #tpu.memory_space<vmem_shared>>
      tpu.enqueue_indirect_dma source(%arg16 : memref<64x128xf32, #tpu.memory_space<vmem>>) target(%dma_start3A_1382 : memref<10240x128xf32, #tpu.memory_space<vmem_shared>>) offsets(%dma_start3A_1379 : memref<64xi32, #tpu.memory_space<vmem>>) semaphore(%arg24 : memref<!tpu.dma_semaphore, #tpu.memory_space<semaphore_mem>>) {add = true}
      %mul3A_1383 = arith.constant 16 : i32
      %mul3A_1384 = arith.muli %while3A_1143, %mul3A_1383 : i32
      %add3A_1385 = arith.addi %select_n3A, %mul3A_1384 : i32
      %dma_wait3A_1386 = arith.constant 7 : i32
      %dma_wait3A_1387 = arith.constant 0 : i32
      %dma_wait3A_1388 = tpu.memref_slice %arg6[%dma_wait3A_1386, %dma_wait3A_1387] : memref<8x64xi32, #tpu.memory_space<vmem>> -> memref<1x64xi32, #tpu.memory_space<vmem>>
      %dma_wait3A_1389 = tpu.memref_squeeze %dma_wait3A_1388 : memref<1x64xi32, #tpu.memory_space<vmem>> -> memref<64xi32, #tpu.memory_space<vmem>>
      %dma_wait3A_1390 = arith.constant 0 : i32
      %dma_wait3A_1391 = arith.constant 0 : i32
      %dma_wait3A_1392 = tpu.memref_slice %arg2[%dma_wait3A_1390, %dma_wait3A_1391] : memref<10240x128xf32, #tpu.memory_space<hbm>> -> memref<10240x128xf32, #tpu.memory_space<hbm>>
      tpu.wait_indirect_dma semaphore(%arg21 : memref<!tpu.dma_semaphore, #tpu.memory_space<semaphore_mem>>) src(%dma_wait3A_1392 : memref<10240x128xf32, #tpu.memory_space<hbm>>) dst(%arg17 : memref<64x128xf32, #tpu.memory_space<vmem>>)
      %dma_wait3A_1393 = arith.constant 7 : i32
      %dma_wait3A_1394 = arith.constant 0 : i32
      %dma_wait3A_1395 = tpu.memref_slice %arg8[%dma_wait3A_1393, %dma_wait3A_1394] : memref<8x64xi32, #tpu.memory_space<vmem>> -> memref<1x64xi32, #tpu.memory_space<vmem>>
      %dma_wait3A_1396 = tpu.memref_squeeze %dma_wait3A_1395 : memref<1x64xi32, #tpu.memory_space<vmem>> -> memref<64xi32, #tpu.memory_space<vmem>>
      %dma_wait3A_1397 = arith.constant 0 : i32
      %dma_wait3A_1398 = arith.constant 0 : i32
      %dma_wait3A_1399 = tpu.memref_slice %arg26[%dma_wait3A_1397, %dma_wait3A_1398] : memref<10240x128xf32, #tpu.memory_space<vmem_shared>> -> memref<10240x128xf32, #tpu.memory_space<vmem_shared>>
      tpu.wait_indirect_dma semaphore(%arg24 : memref<!tpu.dma_semaphore, #tpu.memory_space<semaphore_mem>>) src(%arg16 : memref<64x128xf32, #tpu.memory_space<vmem>>) dst(%dma_wait3A_1399 : memref<10240x128xf32, #tpu.memory_space<vmem_shared>>)
      %dma_start3A_1400 = arith.constant 2 : i32
      %dma_start3A_1401 = arith.constant 0 : i32
      %dma_start3A_1402 = tpu.memref_slice %arg7[%dma_start3A_1400, %dma_start3A_1401] : memref<8x64xi32, #tpu.memory_space<vmem>> -> memref<1x64xi32, #tpu.memory_space<vmem>>
      %dma_start3A_1403 = tpu.memref_squeeze %dma_start3A_1402 : memref<1x64xi32, #tpu.memory_space<vmem>> -> memref<64xi32, #tpu.memory_space<vmem>>
      %dma_start3A_1404 = arith.constant 0 : i32
      %dma_start3A_1405 = arith.constant 0 : i32
      %dma_start3A_1406 = tpu.memref_slice %arg2[%dma_start3A_1404, %dma_start3A_1405] : memref<10240x128xf32, #tpu.memory_space<hbm>> -> memref<10240x128xf32, #tpu.memory_space<hbm>>
      tpu.enqueue_indirect_dma source(%dma_start3A_1406 : memref<10240x128xf32, #tpu.memory_space<hbm>>) target(%arg16 : memref<64x128xf32, #tpu.memory_space<vmem>>) offsets(%dma_start3A_1403 : memref<64xi32, #tpu.memory_space<vmem>>) semaphore(%arg20 : memref<!tpu.dma_semaphore, #tpu.memory_space<semaphore_mem>>)
      %dma_start3A_1407 = arith.constant 7 : i32
      %dma_start3A_1408 = arith.constant 0 : i32
      %dma_start3A_1409 = tpu.memref_slice %arg8[%dma_start3A_1407, %dma_start3A_1408] : memref<8x64xi32, #tpu.memory_space<vmem>> -> memref<1x64xi32, #tpu.memory_space<vmem>>
      %dma_start3A_1410 = tpu.memref_squeeze %dma_start3A_1409 : memref<1x64xi32, #tpu.memory_space<vmem>> -> memref<64xi32, #tpu.memory_space<vmem>>
      %dma_start3A_1411 = arith.constant 0 : i32
      %dma_start3A_1412 = arith.constant 0 : i32
      %dma_start3A_1413 = tpu.memref_slice %arg26[%dma_start3A_1411, %dma_start3A_1412] : memref<10240x128xf32, #tpu.memory_space<vmem_shared>> -> memref<10240x128xf32, #tpu.memory_space<vmem_shared>>
      tpu.enqueue_indirect_dma source(%arg17 : memref<64x128xf32, #tpu.memory_space<vmem>>) target(%dma_start3A_1413 : memref<10240x128xf32, #tpu.memory_space<vmem_shared>>) offsets(%dma_start3A_1410 : memref<64xi32, #tpu.memory_space<vmem>>) semaphore(%arg25 : memref<!tpu.dma_semaphore, #tpu.memory_space<semaphore_mem>>) {add = true}
      %mul3A_1414 = arith.constant 16 : i32
      %mul3A_1415 = arith.muli %while3A_1143, %mul3A_1414 : i32
      %add3A_1416 = arith.addi %select_n3A, %mul3A_1415 : i32
      %dma_wait3A_1417 = arith.constant 0 : i32
      %dma_wait3A_1418 = arith.constant 0 : i32
      %dma_wait3A_1419 = tpu.memref_slice %arg7[%dma_wait3A_1417, %dma_wait3A_1418] : memref<8x64xi32, #tpu.memory_space<vmem>> -> memref<1x64xi32, #tpu.memory_space<vmem>>
      %dma_wait3A_1420 = tpu.memref_squeeze %dma_wait3A_1419 : memref<1x64xi32, #tpu.memory_space<vmem>> -> memref<64xi32, #tpu.memory_space<vmem>>
      %dma_wait3A_1421 = arith.constant 0 : i32
      %dma_wait3A_1422 = arith.constant 0 : i32
      %dma_wait3A_1423 = tpu.memref_slice %arg2[%dma_wait3A_1421, %dma_wait3A_1422] : memref<10240x128xf32, #tpu.memory_space<hbm>> -> memref<10240x128xf32, #tpu.memory_space<hbm>>
      tpu.wait_indirect_dma semaphore(%arg18 : memref<!tpu.dma_semaphore, #tpu.memory_space<semaphore_mem>>) src(%dma_wait3A_1423 : memref<10240x128xf32, #tpu.memory_space<hbm>>) dst(%arg14 : memref<64x128xf32, #tpu.memory_space<vmem>>)
      %dma_wait3A_1424 = arith.constant 0 : i32
      %dma_wait3A_1425 = arith.constant 0 : i32
      %dma_wait3A_1426 = tpu.memref_slice %arg9[%dma_wait3A_1424, %dma_wait3A_1425] : memref<8x64xi32, #tpu.memory_space<vmem>> -> memref<1x64xi32, #tpu.memory_space<vmem>>
      %dma_wait3A_1427 = tpu.memref_squeeze %dma_wait3A_1426 : memref<1x64xi32, #tpu.memory_space<vmem>> -> memref<64xi32, #tpu.memory_space<vmem>>
      %dma_wait3A_1428 = arith.constant 0 : i32
      %dma_wait3A_1429 = arith.constant 0 : i32
      %dma_wait3A_1430 = tpu.memref_slice %arg26[%dma_wait3A_1428, %dma_wait3A_1429] : memref<10240x128xf32, #tpu.memory_space<vmem_shared>> -> memref<10240x128xf32, #tpu.memory_space<vmem_shared>>
      tpu.wait_indirect_dma semaphore(%arg25 : memref<!tpu.dma_semaphore, #tpu.memory_space<semaphore_mem>>) src(%arg17 : memref<64x128xf32, #tpu.memory_space<vmem>>) dst(%dma_wait3A_1430 : memref<10240x128xf32, #tpu.memory_space<vmem_shared>>)
      %add3A_1431 = arith.constant 16 : i32
      %add3A_1432 = arith.addi %add3A_1416, %add3A_1431 : i32
      %dma_start3A_1433 = arith.constant 0 : i32
      %dma_start3A_1434 = tpu.memref_slice %arg3[%add3A_1432, %dma_start3A_1433] : memref<5120x64xi32, #tpu.memory_space<hbm>> -> memref<8x64xi32, #tpu.memory_space<hbm>>
      %dma_start3A_1435 = arith.constant 0 : i32
      %dma_start3A_1436 = tpu.memref_slice %arg3[%add3A_1432, %dma_start3A_1435] : memref<5120x64xi32, #tpu.memory_space<hbm>> -> memref<8x64xi32, #tpu.memory_space<hbm>>
      tpu.enqueue_dma source(%dma_start3A_1436 : memref<8x64xi32, #tpu.memory_space<hbm>>) target(%arg6 : memref<8x64xi32, #tpu.memory_space<vmem>>) target_semaphore(%arg10 : memref<!tpu.dma_semaphore, #tpu.memory_space<semaphore_mem>>)
      %dma_start3A_1437 = arith.constant 0 : i32
      %dma_start3A_1438 = tpu.memref_slice %arg4[%add3A_1432, %dma_start3A_1437] : memref<5120x64xi32, #tpu.memory_space<hbm>> -> memref<8x64xi32, #tpu.memory_space<hbm>>
      %dma_start3A_1439 = arith.constant 0 : i32
      %dma_start3A_1440 = tpu.memref_slice %arg4[%add3A_1432, %dma_start3A_1439] : memref<5120x64xi32, #tpu.memory_space<hbm>> -> memref<8x64xi32, #tpu.memory_space<hbm>>
      tpu.enqueue_dma source(%dma_start3A_1440 : memref<8x64xi32, #tpu.memory_space<hbm>>) target(%arg8 : memref<8x64xi32, #tpu.memory_space<vmem>>) target_semaphore(%arg11 : memref<!tpu.dma_semaphore, #tpu.memory_space<semaphore_mem>>)
      %dma_start3A_1441 = arith.constant 3 : i32
      %dma_start3A_1442 = arith.constant 0 : i32
      %dma_start3A_1443 = tpu.memref_slice %arg7[%dma_start3A_1441, %dma_start3A_1442] : memref<8x64xi32, #tpu.memory_space<vmem>> -> memref<1x64xi32, #tpu.memory_space<vmem>>
      %dma_start3A_1444 = tpu.memref_squeeze %dma_start3A_1443 : memref<1x64xi32, #tpu.memory_space<vmem>> -> memref<64xi32, #tpu.memory_space<vmem>>
      %dma_start3A_1445 = arith.constant 0 : i32
      %dma_start3A_1446 = arith.constant 0 : i32
      %dma_start3A_1447 = tpu.memref_slice %arg2[%dma_start3A_1445, %dma_start3A_1446] : memref<10240x128xf32, #tpu.memory_space<hbm>> -> memref<10240x128xf32, #tpu.memory_space<hbm>>
      tpu.enqueue_indirect_dma source(%dma_start3A_1447 : memref<10240x128xf32, #tpu.memory_space<hbm>>) target(%arg17 : memref<64x128xf32, #tpu.memory_space<vmem>>) offsets(%dma_start3A_1444 : memref<64xi32, #tpu.memory_space<vmem>>) semaphore(%arg21 : memref<!tpu.dma_semaphore, #tpu.memory_space<semaphore_mem>>)
      %dma_start3A_1448 = arith.constant 0 : i32
      %dma_start3A_1449 = arith.constant 0 : i32
      %dma_start3A_1450 = tpu.memref_slice %arg9[%dma_start3A_1448, %dma_start3A_1449] : memref<8x64xi32, #tpu.memory_space<vmem>> -> memref<1x64xi32, #tpu.memory_space<vmem>>
      %dma_start3A_1451 = tpu.memref_squeeze %dma_start3A_1450 : memref<1x64xi32, #tpu.memory_space<vmem>> -> memref<64xi32, #tpu.memory_space<vmem>>
      %dma_start3A_1452 = arith.constant 0 : i32
      %dma_start3A_1453 = arith.constant 0 : i32
      %dma_start3A_1454 = tpu.memref_slice %arg26[%dma_start3A_1452, %dma_start3A_1453] : memref<10240x128xf32, #tpu.memory_space<vmem_shared>> -> memref<10240x128xf32, #tpu.memory_space<vmem_shared>>
      tpu.enqueue_indirect_dma source(%arg14 : memref<64x128xf32, #tpu.memory_space<vmem>>) target(%dma_start3A_1454 : memref<10240x128xf32, #tpu.memory_space<vmem_shared>>) offsets(%dma_start3A_1451 : memref<64xi32, #tpu.memory_space<vmem>>) semaphore(%arg22 : memref<!tpu.dma_semaphore, #tpu.memory_space<semaphore_mem>>) {add = true}
      %mul3A_1455 = arith.constant 16 : i32
      %mul3A_1456 = arith.muli %while3A_1143, %mul3A_1455 : i32
      %add3A_1457 = arith.addi %select_n3A, %mul3A_1456 : i32
      %dma_wait3A_1458 = arith.constant 1 : i32
      %dma_wait3A_1459 = arith.constant 0 : i32
      %dma_wait3A_1460 = tpu.memref_slice %arg7[%dma_wait3A_1458, %dma_wait3A_1459] : memref<8x64xi32, #tpu.memory_space<vmem>> -> memref<1x64xi32, #tpu.memory_space<vmem>>
      %dma_wait3A_1461 = tpu.memref_squeeze %dma_wait3A_1460 : memref<1x64xi32, #tpu.memory_space<vmem>> -> memref<64xi32, #tpu.memory_space<vmem>>
      %dma_wait3A_1462 = arith.constant 0 : i32
      %dma_wait3A_1463 = arith.constant 0 : i32
      %dma_wait3A_1464 = tpu.memref_slice %arg2[%dma_wait3A_1462, %dma_wait3A_1463] : memref<10240x128xf32, #tpu.memory_space<hbm>> -> memref<10240x128xf32, #tpu.memory_space<hbm>>
      tpu.wait_indirect_dma semaphore(%arg19 : memref<!tpu.dma_semaphore, #tpu.memory_space<semaphore_mem>>) src(%dma_wait3A_1464 : memref<10240x128xf32, #tpu.memory_space<hbm>>) dst(%arg15 : memref<64x128xf32, #tpu.memory_space<vmem>>)
      %dma_wait3A_1465 = arith.constant 1 : i32
      %dma_wait3A_1466 = arith.constant 0 : i32
      %dma_wait3A_1467 = tpu.memref_slice %arg9[%dma_wait3A_1465, %dma_wait3A_1466] : memref<8x64xi32, #tpu.memory_space<vmem>> -> memref<1x64xi32, #tpu.memory_space<vmem>>
      %dma_wait3A_1468 = tpu.memref_squeeze %dma_wait3A_1467 : memref<1x64xi32, #tpu.memory_space<vmem>> -> memref<64xi32, #tpu.memory_space<vmem>>
      %dma_wait3A_1469 = arith.constant 0 : i32
      %dma_wait3A_1470 = arith.constant 0 : i32
      %dma_wait3A_1471 = tpu.memref_slice %arg26[%dma_wait3A_1469, %dma_wait3A_1470] : memref<10240x128xf32, #tpu.memory_space<vmem_shared>> -> memref<10240x128xf32, #tpu.memory_space<vmem_shared>>
      tpu.wait_indirect_dma semaphore(%arg22 : memref<!tpu.dma_semaphore, #tpu.memory_space<semaphore_mem>>) src(%arg14 : memref<64x128xf32, #tpu.memory_space<vmem>>) dst(%dma_wait3A_1471 : memref<10240x128xf32, #tpu.memory_space<vmem_shared>>)
      %dma_start3A_1472 = arith.constant 4 : i32
      %dma_start3A_1473 = arith.constant 0 : i32
      %dma_start3A_1474 = tpu.memref_slice %arg7[%dma_start3A_1472, %dma_start3A_1473] : memref<8x64xi32, #tpu.memory_space<vmem>> -> memref<1x64xi32, #tpu.memory_space<vmem>>
      %dma_start3A_1475 = tpu.memref_squeeze %dma_start3A_1474 : memref<1x64xi32, #tpu.memory_space<vmem>> -> memref<64xi32, #tpu.memory_space<vmem>>
      %dma_start3A_1476 = arith.constant 0 : i32
      %dma_start3A_1477 = arith.constant 0 : i32
      %dma_start3A_1478 = tpu.memref_slice %arg2[%dma_start3A_1476, %dma_start3A_1477] : memref<10240x128xf32, #tpu.memory_space<hbm>> -> memref<10240x128xf32, #tpu.memory_space<hbm>>
      tpu.enqueue_indirect_dma source(%dma_start3A_1478 : memref<10240x128xf32, #tpu.memory_space<hbm>>) target(%arg14 : memref<64x128xf32, #tpu.memory_space<vmem>>) offsets(%dma_start3A_1475 : memref<64xi32, #tpu.memory_space<vmem>>) semaphore(%arg18 : memref<!tpu.dma_semaphore, #tpu.memory_space<semaphore_mem>>)
      %dma_start3A_1479 = arith.constant 1 : i32
      %dma_start3A_1480 = arith.constant 0 : i32
      %dma_start3A_1481 = tpu.memref_slice %arg9[%dma_start3A_1479, %dma_start3A_1480] : memref<8x64xi32, #tpu.memory_space<vmem>> -> memref<1x64xi32, #tpu.memory_space<vmem>>
      %dma_start3A_1482 = tpu.memref_squeeze %dma_start3A_1481 : memref<1x64xi32, #tpu.memory_space<vmem>> -> memref<64xi32, #tpu.memory_space<vmem>>
      %dma_start3A_1483 = arith.constant 0 : i32
      %dma_start3A_1484 = arith.constant 0 : i32
      %dma_start3A_1485 = tpu.memref_slice %arg26[%dma_start3A_1483, %dma_start3A_1484] : memref<10240x128xf32, #tpu.memory_space<vmem_shared>> -> memref<10240x128xf32, #tpu.memory_space<vmem_shared>>
      tpu.enqueue_indirect_dma source(%arg15 : memref<64x128xf32, #tpu.memory_space<vmem>>) target(%dma_start3A_1485 : memref<10240x128xf32, #tpu.memory_space<vmem_shared>>) offsets(%dma_start3A_1482 : memref<64xi32, #tpu.memory_space<vmem>>) semaphore(%arg23 : memref<!tpu.dma_semaphore, #tpu.memory_space<semaphore_mem>>) {add = true}
      %mul3A_1486 = arith.constant 16 : i32
      %mul3A_1487 = arith.muli %while3A_1143, %mul3A_1486 : i32
      %add3A_1488 = arith.addi %select_n3A, %mul3A_1487 : i32
      %dma_wait3A_1489 = arith.constant 2 : i32
      %dma_wait3A_1490 = arith.constant 0 : i32
      %dma_wait3A_1491 = tpu.memref_slice %arg7[%dma_wait3A_1489, %dma_wait3A_1490] : memref<8x64xi32, #tpu.memory_space<vmem>> -> memref<1x64xi32, #tpu.memory_space<vmem>>
      %dma_wait3A_1492 = tpu.memref_squeeze %dma_wait3A_1491 : memref<1x64xi32, #tpu.memory_space<vmem>> -> memref<64xi32, #tpu.memory_space<vmem>>
      %dma_wait3A_1493 = arith.constant 0 : i32
      %dma_wait3A_1494 = arith.constant 0 : i32
      %dma_wait3A_1495 = tpu.memref_slice %arg2[%dma_wait3A_1493, %dma_wait3A_1494] : memref<10240x128xf32, #tpu.memory_space<hbm>> -> memref<10240x128xf32, #tpu.memory_space<hbm>>
      tpu.wait_indirect_dma semaphore(%arg20 : memref<!tpu.dma_semaphore, #tpu.memory_space<semaphore_mem>>) src(%dma_wait3A_1495 : memref<10240x128xf32, #tpu.memory_space<hbm>>) dst(%arg16 : memref<64x128xf32, #tpu.memory_space<vmem>>)
      %dma_wait3A_1496 = arith.constant 2 : i32
      %dma_wait3A_1497 = arith.constant 0 : i32
      %dma_wait3A_1498 = tpu.memref_slice %arg9[%dma_wait3A_1496, %dma_wait3A_1497] : memref<8x64xi32, #tpu.memory_space<vmem>> -> memref<1x64xi32, #tpu.memory_space<vmem>>
      %dma_wait3A_1499 = tpu.memref_squeeze %dma_wait3A_1498 : memref<1x64xi32, #tpu.memory_space<vmem>> -> memref<64xi32, #tpu.memory_space<vmem>>
      %dma_wait3A_1500 = arith.constant 0 : i32
      %dma_wait3A_1501 = arith.constant 0 : i32
      %dma_wait3A_1502 = tpu.memref_slice %arg26[%dma_wait3A_1500, %dma_wait3A_1501] : memref<10240x128xf32, #tpu.memory_space<vmem_shared>> -> memref<10240x128xf32, #tpu.memory_space<vmem_shared>>
      tpu.wait_indirect_dma semaphore(%arg23 : memref<!tpu.dma_semaphore, #tpu.memory_space<semaphore_mem>>) src(%arg15 : memref<64x128xf32, #tpu.memory_space<vmem>>) dst(%dma_wait3A_1502 : memref<10240x128xf32, #tpu.memory_space<vmem_shared>>)
      %dma_start3A_1503 = arith.constant 5 : i32
      %dma_start3A_1504 = arith.constant 0 : i32
      %dma_start3A_1505 = tpu.memref_slice %arg7[%dma_start3A_1503, %dma_start3A_1504] : memref<8x64xi32, #tpu.memory_space<vmem>> -> memref<1x64xi32, #tpu.memory_space<vmem>>
      %dma_start3A_1506 = tpu.memref_squeeze %dma_start3A_1505 : memref<1x64xi32, #tpu.memory_space<vmem>> -> memref<64xi32, #tpu.memory_space<vmem>>
      %dma_start3A_1507 = arith.constant 0 : i32
      %dma_start3A_1508 = arith.constant 0 : i32
      %dma_start3A_1509 = tpu.memref_slice %arg2[%dma_start3A_1507, %dma_start3A_1508] : memref<10240x128xf32, #tpu.memory_space<hbm>> -> memref<10240x128xf32, #tpu.memory_space<hbm>>
      tpu.enqueue_indirect_dma source(%dma_start3A_1509 : memref<10240x128xf32, #tpu.memory_space<hbm>>) target(%arg15 : memref<64x128xf32, #tpu.memory_space<vmem>>) offsets(%dma_start3A_1506 : memref<64xi32, #tpu.memory_space<vmem>>) semaphore(%arg19 : memref<!tpu.dma_semaphore, #tpu.memory_space<semaphore_mem>>)
      %dma_start3A_1510 = arith.constant 2 : i32
      %dma_start3A_1511 = arith.constant 0 : i32
      %dma_start3A_1512 = tpu.memref_slice %arg9[%dma_start3A_1510, %dma_start3A_1511] : memref<8x64xi32, #tpu.memory_space<vmem>> -> memref<1x64xi32, #tpu.memory_space<vmem>>
      %dma_start3A_1513 = tpu.memref_squeeze %dma_start3A_1512 : memref<1x64xi32, #tpu.memory_space<vmem>> -> memref<64xi32, #tpu.memory_space<vmem>>
      %dma_start3A_1514 = arith.constant 0 : i32
      %dma_start3A_1515 = arith.constant 0 : i32
      %dma_start3A_1516 = tpu.memref_slice %arg26[%dma_start3A_1514, %dma_start3A_1515] : memref<10240x128xf32, #tpu.memory_space<vmem_shared>> -> memref<10240x128xf32, #tpu.memory_space<vmem_shared>>
      tpu.enqueue_indirect_dma source(%arg16 : memref<64x128xf32, #tpu.memory_space<vmem>>) target(%dma_start3A_1516 : memref<10240x128xf32, #tpu.memory_space<vmem_shared>>) offsets(%dma_start3A_1513 : memref<64xi32, #tpu.memory_space<vmem>>) semaphore(%arg24 : memref<!tpu.dma_semaphore, #tpu.memory_space<semaphore_mem>>) {add = true}
      %mul3A_1517 = arith.constant 16 : i32
      %mul3A_1518 = arith.muli %while3A_1143, %mul3A_1517 : i32
      %add3A_1519 = arith.addi %select_n3A, %mul3A_1518 : i32
      %dma_wait3A_1520 = arith.constant 3 : i32
      %dma_wait3A_1521 = arith.constant 0 : i32
      %dma_wait3A_1522 = tpu.memref_slice %arg7[%dma_wait3A_1520, %dma_wait3A_1521] : memref<8x64xi32, #tpu.memory_space<vmem>> -> memref<1x64xi32, #tpu.memory_space<vmem>>
      %dma_wait3A_1523 = tpu.memref_squeeze %dma_wait3A_1522 : memref<1x64xi32, #tpu.memory_space<vmem>> -> memref<64xi32, #tpu.memory_space<vmem>>
      %dma_wait3A_1524 = arith.constant 0 : i32
      %dma_wait3A_1525 = arith.constant 0 : i32
      %dma_wait3A_1526 = tpu.memref_slice %arg2[%dma_wait3A_1524, %dma_wait3A_1525] : memref<10240x128xf32, #tpu.memory_space<hbm>> -> memref<10240x128xf32, #tpu.memory_space<hbm>>
      tpu.wait_indirect_dma semaphore(%arg21 : memref<!tpu.dma_semaphore, #tpu.memory_space<semaphore_mem>>) src(%dma_wait3A_1526 : memref<10240x128xf32, #tpu.memory_space<hbm>>) dst(%arg17 : memref<64x128xf32, #tpu.memory_space<vmem>>)
      %dma_wait3A_1527 = arith.constant 3 : i32
      %dma_wait3A_1528 = arith.constant 0 : i32
      %dma_wait3A_1529 = tpu.memref_slice %arg9[%dma_wait3A_1527, %dma_wait3A_1528] : memref<8x64xi32, #tpu.memory_space<vmem>> -> memref<1x64xi32, #tpu.memory_space<vmem>>
      %dma_wait3A_1530 = tpu.memref_squeeze %dma_wait3A_1529 : memref<1x64xi32, #tpu.memory_space<vmem>> -> memref<64xi32, #tpu.memory_space<vmem>>
      %dma_wait3A_1531 = arith.constant 0 : i32
      %dma_wait3A_1532 = arith.constant 0 : i32
      %dma_wait3A_1533 = tpu.memref_slice %arg26[%dma_wait3A_1531, %dma_wait3A_1532] : memref<10240x128xf32, #tpu.memory_space<vmem_shared>> -> memref<10240x128xf32, #tpu.memory_space<vmem_shared>>
      tpu.wait_indirect_dma semaphore(%arg24 : memref<!tpu.dma_semaphore, #tpu.memory_space<semaphore_mem>>) src(%arg16 : memref<64x128xf32, #tpu.memory_space<vmem>>) dst(%dma_wait3A_1533 : memref<10240x128xf32, #tpu.memory_space<vmem_shared>>)
      %dma_start3A_1534 = arith.constant 6 : i32
      %dma_start3A_1535 = arith.constant 0 : i32
      %dma_start3A_1536 = tpu.memref_slice %arg7[%dma_start3A_1534, %dma_start3A_1535] : memref<8x64xi32, #tpu.memory_space<vmem>> -> memref<1x64xi32, #tpu.memory_space<vmem>>
      %dma_start3A_1537 = tpu.memref_squeeze %dma_start3A_1536 : memref<1x64xi32, #tpu.memory_space<vmem>> -> memref<64xi32, #tpu.memory_space<vmem>>
      %dma_start3A_1538 = arith.constant 0 : i32
      %dma_start3A_1539 = arith.constant 0 : i32
      %dma_start3A_1540 = tpu.memref_slice %arg2[%dma_start3A_1538, %dma_start3A_1539] : memref<10240x128xf32, #tpu.memory_space<hbm>> -> memref<10240x128xf32, #tpu.memory_space<hbm>>
      tpu.enqueue_indirect_dma source(%dma_start3A_1540 : memref<10240x128xf32, #tpu.memory_space<hbm>>) target(%arg16 : memref<64x128xf32, #tpu.memory_space<vmem>>) offsets(%dma_start3A_1537 : memref<64xi32, #tpu.memory_space<vmem>>) semaphore(%arg20 : memref<!tpu.dma_semaphore, #tpu.memory_space<semaphore_mem>>)
      %dma_start3A_1541 = arith.constant 3 : i32
      %dma_start3A_1542 = arith.constant 0 : i32
      %dma_start3A_1543 = tpu.memref_slice %arg9[%dma_start3A_1541, %dma_start3A_1542] : memref<8x64xi32, #tpu.memory_space<vmem>> -> memref<1x64xi32, #tpu.memory_space<vmem>>
      %dma_start3A_1544 = tpu.memref_squeeze %dma_start3A_1543 : memref<1x64xi32, #tpu.memory_space<vmem>> -> memref<64xi32, #tpu.memory_space<vmem>>
      %dma_start3A_1545 = arith.constant 0 : i32
      %dma_start3A_1546 = arith.constant 0 : i32
      %dma_start3A_1547 = tpu.memref_slice %arg26[%dma_start3A_1545, %dma_start3A_1546] : memref<10240x128xf32, #tpu.memory_space<vmem_shared>> -> memref<10240x128xf32, #tpu.memory_space<vmem_shared>>
      tpu.enqueue_indirect_dma source(%arg17 : memref<64x128xf32, #tpu.memory_space<vmem>>) target(%dma_start3A_1547 : memref<10240x128xf32, #tpu.memory_space<vmem_shared>>) offsets(%dma_start3A_1544 : memref<64xi32, #tpu.memory_space<vmem>>) semaphore(%arg25 : memref<!tpu.dma_semaphore, #tpu.memory_space<semaphore_mem>>) {add = true}
      %mul3A_1548 = arith.constant 16 : i32
      %mul3A_1549 = arith.muli %while3A_1143, %mul3A_1548 : i32
      %add3A_1550 = arith.addi %select_n3A, %mul3A_1549 : i32
      %dma_wait3A_1551 = arith.constant 4 : i32
      %dma_wait3A_1552 = arith.constant 0 : i32
      %dma_wait3A_1553 = tpu.memref_slice %arg7[%dma_wait3A_1551, %dma_wait3A_1552] : memref<8x64xi32, #tpu.memory_space<vmem>> -> memref<1x64xi32, #tpu.memory_space<vmem>>
      %dma_wait3A_1554 = tpu.memref_squeeze %dma_wait3A_1553 : memref<1x64xi32, #tpu.memory_space<vmem>> -> memref<64xi32, #tpu.memory_space<vmem>>
      %dma_wait3A_1555 = arith.constant 0 : i32
      %dma_wait3A_1556 = arith.constant 0 : i32
      %dma_wait3A_1557 = tpu.memref_slice %arg2[%dma_wait3A_1555, %dma_wait3A_1556] : memref<10240x128xf32, #tpu.memory_space<hbm>> -> memref<10240x128xf32, #tpu.memory_space<hbm>>
      tpu.wait_indirect_dma semaphore(%arg18 : memref<!tpu.dma_semaphore, #tpu.memory_space<semaphore_mem>>) src(%dma_wait3A_1557 : memref<10240x128xf32, #tpu.memory_space<hbm>>) dst(%arg14 : memref<64x128xf32, #tpu.memory_space<vmem>>)
      %dma_wait3A_1558 = arith.constant 4 : i32
      %dma_wait3A_1559 = arith.constant 0 : i32
      %dma_wait3A_1560 = tpu.memref_slice %arg9[%dma_wait3A_1558, %dma_wait3A_1559] : memref<8x64xi32, #tpu.memory_space<vmem>> -> memref<1x64xi32, #tpu.memory_space<vmem>>
      %dma_wait3A_1561 = tpu.memref_squeeze %dma_wait3A_1560 : memref<1x64xi32, #tpu.memory_space<vmem>> -> memref<64xi32, #tpu.memory_space<vmem>>
      %dma_wait3A_1562 = arith.constant 0 : i32
      %dma_wait3A_1563 = arith.constant 0 : i32
      %dma_wait3A_1564 = tpu.memref_slice %arg26[%dma_wait3A_1562, %dma_wait3A_1563] : memref<10240x128xf32, #tpu.memory_space<vmem_shared>> -> memref<10240x128xf32, #tpu.memory_space<vmem_shared>>
      tpu.wait_indirect_dma semaphore(%arg25 : memref<!tpu.dma_semaphore, #tpu.memory_space<semaphore_mem>>) src(%arg17 : memref<64x128xf32, #tpu.memory_space<vmem>>) dst(%dma_wait3A_1564 : memref<10240x128xf32, #tpu.memory_space<vmem_shared>>)
      %dma_start3A_1565 = arith.constant 7 : i32
      %dma_start3A_1566 = arith.constant 0 : i32
      %dma_start3A_1567 = tpu.memref_slice %arg7[%dma_start3A_1565, %dma_start3A_1566] : memref<8x64xi32, #tpu.memory_space<vmem>> -> memref<1x64xi32, #tpu.memory_space<vmem>>
      %dma_start3A_1568 = tpu.memref_squeeze %dma_start3A_1567 : memref<1x64xi32, #tpu.memory_space<vmem>> -> memref<64xi32, #tpu.memory_space<vmem>>
      %dma_start3A_1569 = arith.constant 0 : i32
      %dma_start3A_1570 = arith.constant 0 : i32
      %dma_start3A_1571 = tpu.memref_slice %arg2[%dma_start3A_1569, %dma_start3A_1570] : memref<10240x128xf32, #tpu.memory_space<hbm>> -> memref<10240x128xf32, #tpu.memory_space<hbm>>
      tpu.enqueue_indirect_dma source(%dma_start3A_1571 : memref<10240x128xf32, #tpu.memory_space<hbm>>) target(%arg17 : memref<64x128xf32, #tpu.memory_space<vmem>>) offsets(%dma_start3A_1568 : memref<64xi32, #tpu.memory_space<vmem>>) semaphore(%arg21 : memref<!tpu.dma_semaphore, #tpu.memory_space<semaphore_mem>>)
      %dma_start3A_1572 = arith.constant 4 : i32
      %dma_start3A_1573 = arith.constant 0 : i32
      %dma_start3A_1574 = tpu.memref_slice %arg9[%dma_start3A_1572, %dma_start3A_1573] : memref<8x64xi32, #tpu.memory_space<vmem>> -> memref<1x64xi32, #tpu.memory_space<vmem>>
      %dma_start3A_1575 = tpu.memref_squeeze %dma_start3A_1574 : memref<1x64xi32, #tpu.memory_space<vmem>> -> memref<64xi32, #tpu.memory_space<vmem>>
      %dma_start3A_1576 = arith.constant 0 : i32
      %dma_start3A_1577 = arith.constant 0 : i32
      %dma_start3A_1578 = tpu.memref_slice %arg26[%dma_start3A_1576, %dma_start3A_1577] : memref<10240x128xf32, #tpu.memory_space<vmem_shared>> -> memref<10240x128xf32, #tpu.memory_space<vmem_shared>>
      tpu.enqueue_indirect_dma source(%arg14 : memref<64x128xf32, #tpu.memory_space<vmem>>) target(%dma_start3A_1578 : memref<10240x128xf32, #tpu.memory_space<vmem_shared>>) offsets(%dma_start3A_1575 : memref<64xi32, #tpu.memory_space<vmem>>) semaphore(%arg22 : memref<!tpu.dma_semaphore, #tpu.memory_space<semaphore_mem>>) {add = true}
      %mul3A_1579 = arith.constant 16 : i32
      %mul3A_1580 = arith.muli %while3A_1143, %mul3A_1579 : i32
      %add3A_1581 = arith.addi %select_n3A, %mul3A_1580 : i32
      %dma_wait3A_1582 = arith.constant 5 : i32
      %dma_wait3A_1583 = arith.constant 0 : i32
      %dma_wait3A_1584 = tpu.memref_slice %arg7[%dma_wait3A_1582, %dma_wait3A_1583] : memref<8x64xi32, #tpu.memory_space<vmem>> -> memref<1x64xi32, #tpu.memory_space<vmem>>
      %dma_wait3A_1585 = tpu.memref_squeeze %dma_wait3A_1584 : memref<1x64xi32, #tpu.memory_space<vmem>> -> memref<64xi32, #tpu.memory_space<vmem>>
      %dma_wait3A_1586 = arith.constant 0 : i32
      %dma_wait3A_1587 = arith.constant 0 : i32
      %dma_wait3A_1588 = tpu.memref_slice %arg2[%dma_wait3A_1586, %dma_wait3A_1587] : memref<10240x128xf32, #tpu.memory_space<hbm>> -> memref<10240x128xf32, #tpu.memory_space<hbm>>
      tpu.wait_indirect_dma semaphore(%arg19 : memref<!tpu.dma_semaphore, #tpu.memory_space<semaphore_mem>>) src(%dma_wait3A_1588 : memref<10240x128xf32, #tpu.memory_space<hbm>>) dst(%arg15 : memref<64x128xf32, #tpu.memory_space<vmem>>)
      %dma_wait3A_1589 = arith.constant 5 : i32
      %dma_wait3A_1590 = arith.constant 0 : i32
      %dma_wait3A_1591 = tpu.memref_slice %arg9[%dma_wait3A_1589, %dma_wait3A_1590] : memref<8x64xi32, #tpu.memory_space<vmem>> -> memref<1x64xi32, #tpu.memory_space<vmem>>
      %dma_wait3A_1592 = tpu.memref_squeeze %dma_wait3A_1591 : memref<1x64xi32, #tpu.memory_space<vmem>> -> memref<64xi32, #tpu.memory_space<vmem>>
      %dma_wait3A_1593 = arith.constant 0 : i32
      %dma_wait3A_1594 = arith.constant 0 : i32
      %dma_wait3A_1595 = tpu.memref_slice %arg26[%dma_wait3A_1593, %dma_wait3A_1594] : memref<10240x128xf32, #tpu.memory_space<vmem_shared>> -> memref<10240x128xf32, #tpu.memory_space<vmem_shared>>
      tpu.wait_indirect_dma semaphore(%arg22 : memref<!tpu.dma_semaphore, #tpu.memory_space<semaphore_mem>>) src(%arg14 : memref<64x128xf32, #tpu.memory_space<vmem>>) dst(%dma_wait3A_1595 : memref<10240x128xf32, #tpu.memory_space<vmem_shared>>)
      %dma_wait3A_1596 = arith.constant 0 : i32
      %dma_wait3A_1597 = arith.constant 0 : i32
      %dma_wait3A_1598 = tpu.memref_slice %arg3[%dma_wait3A_1596, %dma_wait3A_1597] : memref<5120x64xi32, #tpu.memory_space<hbm>> -> memref<8x64xi32, #tpu.memory_space<hbm>>
      %dma_wait3A_1599 = arith.constant 0 : i32
      %dma_wait3A_1600 = arith.constant 0 : i32
      %dma_wait3A_1601 = tpu.memref_slice %arg3[%dma_wait3A_1599, %dma_wait3A_1600] : memref<5120x64xi32, #tpu.memory_space<hbm>> -> memref<8x64xi32, #tpu.memory_space<hbm>>
      tpu.wait_dma2 semaphore(%arg10 : memref<!tpu.dma_semaphore, #tpu.memory_space<semaphore_mem>>) src(%dma_wait3A_1601 : memref<8x64xi32, #tpu.memory_space<hbm>>) dst(%arg6 : memref<8x64xi32, #tpu.memory_space<vmem>>)
      %dma_wait3A_1602 = arith.constant 0 : i32
      %dma_wait3A_1603 = arith.constant 0 : i32
      %dma_wait3A_1604 = tpu.memref_slice %arg4[%dma_wait3A_1602, %dma_wait3A_1603] : memref<5120x64xi32, #tpu.memory_space<hbm>> -> memref<8x64xi32, #tpu.memory_space<hbm>>
      %dma_wait3A_1605 = arith.constant 0 : i32
      %dma_wait3A_1606 = arith.constant 0 : i32
      %dma_wait3A_1607 = tpu.memref_slice %arg4[%dma_wait3A_1605, %dma_wait3A_1606] : memref<5120x64xi32, #tpu.memory_space<hbm>> -> memref<8x64xi32, #tpu.memory_space<hbm>>
      tpu.wait_dma2 semaphore(%arg11 : memref<!tpu.dma_semaphore, #tpu.memory_space<semaphore_mem>>) src(%dma_wait3A_1607 : memref<8x64xi32, #tpu.memory_space<hbm>>) dst(%arg8 : memref<8x64xi32, #tpu.memory_space<vmem>>)
      %dma_start3A_1608 = arith.constant 0 : i32
      %dma_start3A_1609 = arith.constant 0 : i32
      %dma_start3A_1610 = tpu.memref_slice %arg6[%dma_start3A_1608, %dma_start3A_1609] : memref<8x64xi32, #tpu.memory_space<vmem>> -> memref<1x64xi32, #tpu.memory_space<vmem>>
      %dma_start3A_1611 = tpu.memref_squeeze %dma_start3A_1610 : memref<1x64xi32, #tpu.memory_space<vmem>> -> memref<64xi32, #tpu.memory_space<vmem>>
      %dma_start3A_1612 = arith.constant 0 : i32
      %dma_start3A_1613 = arith.constant 0 : i32
      %dma_start3A_1614 = tpu.memref_slice %arg2[%dma_start3A_1612, %dma_start3A_1613] : memref<10240x128xf32, #tpu.memory_space<hbm>> -> memref<10240x128xf32, #tpu.memory_space<hbm>>
      tpu.enqueue_indirect_dma source(%dma_start3A_1614 : memref<10240x128xf32, #tpu.memory_space<hbm>>) target(%arg14 : memref<64x128xf32, #tpu.memory_space<vmem>>) offsets(%dma_start3A_1611 : memref<64xi32, #tpu.memory_space<vmem>>) semaphore(%arg18 : memref<!tpu.dma_semaphore, #tpu.memory_space<semaphore_mem>>)
      %dma_start3A_1615 = arith.constant 5 : i32
      %dma_start3A_1616 = arith.constant 0 : i32
      %dma_start3A_1617 = tpu.memref_slice %arg9[%dma_start3A_1615, %dma_start3A_1616] : memref<8x64xi32, #tpu.memory_space<vmem>> -> memref<1x64xi32, #tpu.memory_space<vmem>>
      %dma_start3A_1618 = tpu.memref_squeeze %dma_start3A_1617 : memref<1x64xi32, #tpu.memory_space<vmem>> -> memref<64xi32, #tpu.memory_space<vmem>>
      %dma_start3A_1619 = arith.constant 0 : i32
      %dma_start3A_1620 = arith.constant 0 : i32
      %dma_start3A_1621 = tpu.memref_slice %arg26[%dma_start3A_1619, %dma_start3A_1620] : memref<10240x128xf32, #tpu.memory_space<vmem_shared>> -> memref<10240x128xf32, #tpu.memory_space<vmem_shared>>
      tpu.enqueue_indirect_dma source(%arg15 : memref<64x128xf32, #tpu.memory_space<vmem>>) target(%dma_start3A_1621 : memref<10240x128xf32, #tpu.memory_space<vmem_shared>>) offsets(%dma_start3A_1618 : memref<64xi32, #tpu.memory_space<vmem>>) semaphore(%arg23 : memref<!tpu.dma_semaphore, #tpu.memory_space<semaphore_mem>>) {add = true}
      %mul3A_1622 = arith.constant 16 : i32
      %mul3A_1623 = arith.muli %while3A_1143, %mul3A_1622 : i32
      %add3A_1624 = arith.addi %select_n3A, %mul3A_1623 : i32
      %dma_wait3A_1625 = arith.constant 6 : i32
      %dma_wait3A_1626 = arith.constant 0 : i32
      %dma_wait3A_1627 = tpu.memref_slice %arg7[%dma_wait3A_1625, %dma_wait3A_1626] : memref<8x64xi32, #tpu.memory_space<vmem>> -> memref<1x64xi32, #tpu.memory_space<vmem>>
      %dma_wait3A_1628 = tpu.memref_squeeze %dma_wait3A_1627 : memref<1x64xi32, #tpu.memory_space<vmem>> -> memref<64xi32, #tpu.memory_space<vmem>>
      %dma_wait3A_1629 = arith.constant 0 : i32
      %dma_wait3A_1630 = arith.constant 0 : i32
      %dma_wait3A_1631 = tpu.memref_slice %arg2[%dma_wait3A_1629, %dma_wait3A_1630] : memref<10240x128xf32, #tpu.memory_space<hbm>> -> memref<10240x128xf32, #tpu.memory_space<hbm>>
      tpu.wait_indirect_dma semaphore(%arg20 : memref<!tpu.dma_semaphore, #tpu.memory_space<semaphore_mem>>) src(%dma_wait3A_1631 : memref<10240x128xf32, #tpu.memory_space<hbm>>) dst(%arg16 : memref<64x128xf32, #tpu.memory_space<vmem>>)
      %dma_wait3A_1632 = arith.constant 6 : i32
      %dma_wait3A_1633 = arith.constant 0 : i32
      %dma_wait3A_1634 = tpu.memref_slice %arg9[%dma_wait3A_1632, %dma_wait3A_1633] : memref<8x64xi32, #tpu.memory_space<vmem>> -> memref<1x64xi32, #tpu.memory_space<vmem>>
      %dma_wait3A_1635 = tpu.memref_squeeze %dma_wait3A_1634 : memref<1x64xi32, #tpu.memory_space<vmem>> -> memref<64xi32, #tpu.memory_space<vmem>>
      %dma_wait3A_1636 = arith.constant 0 : i32
      %dma_wait3A_1637 = arith.constant 0 : i32
      %dma_wait3A_1638 = tpu.memref_slice %arg26[%dma_wait3A_1636, %dma_wait3A_1637] : memref<10240x128xf32, #tpu.memory_space<vmem_shared>> -> memref<10240x128xf32, #tpu.memory_space<vmem_shared>>
      tpu.wait_indirect_dma semaphore(%arg23 : memref<!tpu.dma_semaphore, #tpu.memory_space<semaphore_mem>>) src(%arg15 : memref<64x128xf32, #tpu.memory_space<vmem>>) dst(%dma_wait3A_1638 : memref<10240x128xf32, #tpu.memory_space<vmem_shared>>)
      %dma_start3A_1639 = arith.constant 1 : i32
      %dma_start3A_1640 = arith.constant 0 : i32
      %dma_start3A_1641 = tpu.memref_slice %arg6[%dma_start3A_1639, %dma_start3A_1640] : memref<8x64xi32, #tpu.memory_space<vmem>> -> memref<1x64xi32, #tpu.memory_space<vmem>>
      %dma_start3A_1642 = tpu.memref_squeeze %dma_start3A_1641 : memref<1x64xi32, #tpu.memory_space<vmem>> -> memref<64xi32, #tpu.memory_space<vmem>>
      %dma_start3A_1643 = arith.constant 0 : i32
      %dma_start3A_1644 = arith.constant 0 : i32
      %dma_start3A_1645 = tpu.memref_slice %arg2[%dma_start3A_1643, %dma_start3A_1644] : memref<10240x128xf32, #tpu.memory_space<hbm>> -> memref<10240x128xf32, #tpu.memory_space<hbm>>
      tpu.enqueue_indirect_dma source(%dma_start3A_1645 : memref<10240x128xf32, #tpu.memory_space<hbm>>) target(%arg15 : memref<64x128xf32, #tpu.memory_space<vmem>>) offsets(%dma_start3A_1642 : memref<64xi32, #tpu.memory_space<vmem>>) semaphore(%arg19 : memref<!tpu.dma_semaphore, #tpu.memory_space<semaphore_mem>>)
      %dma_start3A_1646 = arith.constant 6 : i32
      %dma_start3A_1647 = arith.constant 0 : i32
      %dma_start3A_1648 = tpu.memref_slice %arg9[%dma_start3A_1646, %dma_start3A_1647] : memref<8x64xi32, #tpu.memory_space<vmem>> -> memref<1x64xi32, #tpu.memory_space<vmem>>
      %dma_start3A_1649 = tpu.memref_squeeze %dma_start3A_1648 : memref<1x64xi32, #tpu.memory_space<vmem>> -> memref<64xi32, #tpu.memory_space<vmem>>
      %dma_start3A_1650 = arith.constant 0 : i32
      %dma_start3A_1651 = arith.constant 0 : i32
      %dma_start3A_1652 = tpu.memref_slice %arg26[%dma_start3A_1650, %dma_start3A_1651] : memref<10240x128xf32, #tpu.memory_space<vmem_shared>> -> memref<10240x128xf32, #tpu.memory_space<vmem_shared>>
      tpu.enqueue_indirect_dma source(%arg16 : memref<64x128xf32, #tpu.memory_space<vmem>>) target(%dma_start3A_1652 : memref<10240x128xf32, #tpu.memory_space<vmem_shared>>) offsets(%dma_start3A_1649 : memref<64xi32, #tpu.memory_space<vmem>>) semaphore(%arg24 : memref<!tpu.dma_semaphore, #tpu.memory_space<semaphore_mem>>) {add = true}
      %mul3A_1653 = arith.constant 16 : i32
      %mul3A_1654 = arith.muli %while3A_1143, %mul3A_1653 : i32
      %add3A_1655 = arith.addi %select_n3A, %mul3A_1654 : i32
      %dma_wait3A_1656 = arith.constant 7 : i32
      %dma_wait3A_1657 = arith.constant 0 : i32
      %dma_wait3A_1658 = tpu.memref_slice %arg7[%dma_wait3A_1656, %dma_wait3A_1657] : memref<8x64xi32, #tpu.memory_space<vmem>> -> memref<1x64xi32, #tpu.memory_space<vmem>>
      %dma_wait3A_1659 = tpu.memref_squeeze %dma_wait3A_1658 : memref<1x64xi32, #tpu.memory_space<vmem>> -> memref<64xi32, #tpu.memory_space<vmem>>
      %dma_wait3A_1660 = arith.constant 0 : i32
      %dma_wait3A_1661 = arith.constant 0 : i32
      %dma_wait3A_1662 = tpu.memref_slice %arg2[%dma_wait3A_1660, %dma_wait3A_1661] : memref<10240x128xf32, #tpu.memory_space<hbm>> -> memref<10240x128xf32, #tpu.memory_space<hbm>>
      tpu.wait_indirect_dma semaphore(%arg21 : memref<!tpu.dma_semaphore, #tpu.memory_space<semaphore_mem>>) src(%dma_wait3A_1662 : memref<10240x128xf32, #tpu.memory_space<hbm>>) dst(%arg17 : memref<64x128xf32, #tpu.memory_space<vmem>>)
      %dma_wait3A_1663 = arith.constant 7 : i32
      %dma_wait3A_1664 = arith.constant 0 : i32
      %dma_wait3A_1665 = tpu.memref_slice %arg9[%dma_wait3A_1663, %dma_wait3A_1664] : memref<8x64xi32, #tpu.memory_space<vmem>> -> memref<1x64xi32, #tpu.memory_space<vmem>>
      %dma_wait3A_1666 = tpu.memref_squeeze %dma_wait3A_1665 : memref<1x64xi32, #tpu.memory_space<vmem>> -> memref<64xi32, #tpu.memory_space<vmem>>
      %dma_wait3A_1667 = arith.constant 0 : i32
      %dma_wait3A_1668 = arith.constant 0 : i32
      %dma_wait3A_1669 = tpu.memref_slice %arg26[%dma_wait3A_1667, %dma_wait3A_1668] : memref<10240x128xf32, #tpu.memory_space<vmem_shared>> -> memref<10240x128xf32, #tpu.memory_space<vmem_shared>>
      tpu.wait_indirect_dma semaphore(%arg24 : memref<!tpu.dma_semaphore, #tpu.memory_space<semaphore_mem>>) src(%arg16 : memref<64x128xf32, #tpu.memory_space<vmem>>) dst(%dma_wait3A_1669 : memref<10240x128xf32, #tpu.memory_space<vmem_shared>>)
      %dma_start3A_1670 = arith.constant 2 : i32
      %dma_start3A_1671 = arith.constant 0 : i32
      %dma_start3A_1672 = tpu.memref_slice %arg6[%dma_start3A_1670, %dma_start3A_1671] : memref<8x64xi32, #tpu.memory_space<vmem>> -> memref<1x64xi32, #tpu.memory_space<vmem>>
      %dma_start3A_1673 = tpu.memref_squeeze %dma_start3A_1672 : memref<1x64xi32, #tpu.memory_space<vmem>> -> memref<64xi32, #tpu.memory_space<vmem>>
      %dma_start3A_1674 = arith.constant 0 : i32
      %dma_start3A_1675 = arith.constant 0 : i32
      %dma_start3A_1676 = tpu.memref_slice %arg2[%dma_start3A_1674, %dma_start3A_1675] : memref<10240x128xf32, #tpu.memory_space<hbm>> -> memref<10240x128xf32, #tpu.memory_space<hbm>>
      tpu.enqueue_indirect_dma source(%dma_start3A_1676 : memref<10240x128xf32, #tpu.memory_space<hbm>>) target(%arg16 : memref<64x128xf32, #tpu.memory_space<vmem>>) offsets(%dma_start3A_1673 : memref<64xi32, #tpu.memory_space<vmem>>) semaphore(%arg20 : memref<!tpu.dma_semaphore, #tpu.memory_space<semaphore_mem>>)
      %dma_start3A_1677 = arith.constant 7 : i32
      %dma_start3A_1678 = arith.constant 0 : i32
      %dma_start3A_1679 = tpu.memref_slice %arg9[%dma_start3A_1677, %dma_start3A_1678] : memref<8x64xi32, #tpu.memory_space<vmem>> -> memref<1x64xi32, #tpu.memory_space<vmem>>
      %dma_start3A_1680 = tpu.memref_squeeze %dma_start3A_1679 : memref<1x64xi32, #tpu.memory_space<vmem>> -> memref<64xi32, #tpu.memory_space<vmem>>
      %dma_start3A_1681 = arith.constant 0 : i32
      %dma_start3A_1682 = arith.constant 0 : i32
      %dma_start3A_1683 = tpu.memref_slice %arg26[%dma_start3A_1681, %dma_start3A_1682] : memref<10240x128xf32, #tpu.memory_space<vmem_shared>> -> memref<10240x128xf32, #tpu.memory_space<vmem_shared>>
      tpu.enqueue_indirect_dma source(%arg17 : memref<64x128xf32, #tpu.memory_space<vmem>>) target(%dma_start3A_1683 : memref<10240x128xf32, #tpu.memory_space<vmem_shared>>) offsets(%dma_start3A_1680 : memref<64xi32, #tpu.memory_space<vmem>>) semaphore(%arg25 : memref<!tpu.dma_semaphore, #tpu.memory_space<semaphore_mem>>) {add = true}
    }
    %while3A_565 = arith.constant 1 : i32
    scf.for %while3A_1143 = %while3A_563 to %while3A_559 step %while3A_565  : i32 {
      %mul3A_1144 = arith.constant 16 : i32
      %mul3A_1145 = arith.muli %while3A_1143, %mul3A_1144 : i32
      %add3A_1146 = arith.addi %select_n3A, %mul3A_1145 : i32
      %dma_wait3A_1147 = arith.constant 0 : i32
      %dma_wait3A_1148 = arith.constant 0 : i32
      %dma_wait3A_1149 = tpu.memref_slice %arg6[%dma_wait3A_1147, %dma_wait3A_1148] : memref<8x64xi32, #tpu.memory_space<vmem>> -> memref<1x64xi32, #tpu.memory_space<vmem>>
      %dma_wait3A_1150 = tpu.memref_squeeze %dma_wait3A_1149 : memref<1x64xi32, #tpu.memory_space<vmem>> -> memref<64xi32, #tpu.memory_space<vmem>>
      %dma_wait3A_1151 = arith.constant 0 : i32
      %dma_wait3A_1152 = arith.constant 0 : i32
      %dma_wait3A_1153 = tpu.memref_slice %arg2[%dma_wait3A_1151, %dma_wait3A_1152] : memref<10240x128xf32, #tpu.memory_space<hbm>> -> memref<10240x128xf32, #tpu.memory_space<hbm>>
      tpu.wait_indirect_dma semaphore(%arg18 : memref<!tpu.dma_semaphore, #tpu.memory_space<semaphore_mem>>) src(%dma_wait3A_1153 : memref<10240x128xf32, #tpu.memory_space<hbm>>) dst(%arg14 : memref<64x128xf32, #tpu.memory_space<vmem>>)
      %dma_wait3A_1154 = arith.constant 0 : i32
      %dma_wait3A_1155 = arith.constant 0 : i32
      %dma_wait3A_1156 = tpu.memref_slice %arg8[%dma_wait3A_1154, %dma_wait3A_1155] : memref<8x64xi32, #tpu.memory_space<vmem>> -> memref<1x64xi32, #tpu.memory_space<vmem>>
      %dma_wait3A_1157 = tpu.memref_squeeze %dma_wait3A_1156 : memref<1x64xi32, #tpu.memory_space<vmem>> -> memref<64xi32, #tpu.memory_space<vmem>>
      %dma_wait3A_1158 = arith.constant 0 : i32
      %dma_wait3A_1159 = arith.constant 0 : i32
      %dma_wait3A_1160 = tpu.memref_slice %arg26[%dma_wait3A_1158, %dma_wait3A_1159] : memref<10240x128xf32, #tpu.memory_space<vmem_shared>> -> memref<10240x128xf32, #tpu.memory_space<vmem_shared>>
      tpu.wait_indirect_dma semaphore(%arg25 : memref<!tpu.dma_semaphore, #tpu.memory_space<semaphore_mem>>) src(%arg17 : memref<64x128xf32, #tpu.memory_space<vmem>>) dst(%dma_wait3A_1160 : memref<10240x128xf32, #tpu.memory_space<vmem_shared>>)
      %dma_start3A_1161 = arith.constant 3 : i32
      %dma_start3A_1162 = arith.constant 0 : i32
      %dma_start3A_1163 = tpu.memref_slice %arg6[%dma_start3A_1161, %dma_start3A_1162] : memref<8x64xi32, #tpu.memory_space<vmem>> -> memref<1x64xi32, #tpu.memory_space<vmem>>
      %dma_start3A_1164 = tpu.memref_squeeze %dma_start3A_1163 : memref<1x64xi32, #tpu.memory_space<vmem>> -> memref<64xi32, #tpu.memory_space<vmem>>
      %dma_start3A_1165 = arith.constant 0 : i32
      %dma_start3A_1166 = arith.constant 0 : i32
      %dma_start3A_1167 = tpu.memref_slice %arg2[%dma_start3A_1165, %dma_start3A_1166] : memref<10240x128xf32, #tpu.memory_space<hbm>> -> memref<10240x128xf32, #tpu.memory_space<hbm>>
      tpu.enqueue_indirect_dma source(%dma_start3A_1167 : memref<10240x128xf32, #tpu.memory_space<hbm>>) target(%arg17 : memref<64x128xf32, #tpu.memory_space<vmem>>) offsets(%dma_start3A_1164 : memref<64xi32, #tpu.memory_space<vmem>>) semaphore(%arg21 : memref<!tpu.dma_semaphore, #tpu.memory_space<semaphore_mem>>)
      %dma_start3A_1168 = arith.constant 0 : i32
      %dma_start3A_1169 = arith.constant 0 : i32
      %dma_start3A_1170 = tpu.memref_slice %arg8[%dma_start3A_1168, %dma_start3A_1169] : memref<8x64xi32, #tpu.memory_space<vmem>> -> memref<1x64xi32, #tpu.memory_space<vmem>>
      %dma_start3A_1171 = tpu.memref_squeeze %dma_start3A_1170 : memref<1x64xi32, #tpu.memory_space<vmem>> -> memref<64xi32, #tpu.memory_space<vmem>>
      %dma_start3A_1172 = arith.constant 0 : i32
      %dma_start3A_1173 = arith.constant 0 : i32
      %dma_start3A_1174 = tpu.memref_slice %arg26[%dma_start3A_1172, %dma_start3A_1173] : memref<10240x128xf32, #tpu.memory_space<vmem_shared>> -> memref<10240x128xf32, #tpu.memory_space<vmem_shared>>
      tpu.enqueue_indirect_dma source(%arg14 : memref<64x128xf32, #tpu.memory_space<vmem>>) target(%dma_start3A_1174 : memref<10240x128xf32, #tpu.memory_space<vmem_shared>>) offsets(%dma_start3A_1171 : memref<64xi32, #tpu.memory_space<vmem>>) semaphore(%arg22 : memref<!tpu.dma_semaphore, #tpu.memory_space<semaphore_mem>>) {add = true}
      %mul3A_1175 = arith.constant 16 : i32
      %mul3A_1176 = arith.muli %while3A_1143, %mul3A_1175 : i32
      %add3A_1177 = arith.addi %select_n3A, %mul3A_1176 : i32
      %dma_wait3A_1178 = arith.constant 1 : i32
      %dma_wait3A_1179 = arith.constant 0 : i32
      %dma_wait3A_1180 = tpu.memref_slice %arg6[%dma_wait3A_1178, %dma_wait3A_1179] : memref<8x64xi32, #tpu.memory_space<vmem>> -> memref<1x64xi32, #tpu.memory_space<vmem>>
      %dma_wait3A_1181 = tpu.memref_squeeze %dma_wait3A_1180 : memref<1x64xi32, #tpu.memory_space<vmem>> -> memref<64xi32, #tpu.memory_space<vmem>>
      %dma_wait3A_1182 = arith.constant 0 : i32
      %dma_wait3A_1183 = arith.constant 0 : i32
      %dma_wait3A_1184 = tpu.memref_slice %arg2[%dma_wait3A_1182, %dma_wait3A_1183] : memref<10240x128xf32, #tpu.memory_space<hbm>> -> memref<10240x128xf32, #tpu.memory_space<hbm>>
      tpu.wait_indirect_dma semaphore(%arg19 : memref<!tpu.dma_semaphore, #tpu.memory_space<semaphore_mem>>) src(%dma_wait3A_1184 : memref<10240x128xf32, #tpu.memory_space<hbm>>) dst(%arg15 : memref<64x128xf32, #tpu.memory_space<vmem>>)
      %dma_wait3A_1185 = arith.constant 1 : i32
      %dma_wait3A_1186 = arith.constant 0 : i32
      %dma_wait3A_1187 = tpu.memref_slice %arg8[%dma_wait3A_1185, %dma_wait3A_1186] : memref<8x64xi32, #tpu.memory_space<vmem>> -> memref<1x64xi32, #tpu.memory_space<vmem>>
      %dma_wait3A_1188 = tpu.memref_squeeze %dma_wait3A_1187 : memref<1x64xi32, #tpu.memory_space<vmem>> -> memref<64xi32, #tpu.memory_space<vmem>>
      %dma_wait3A_1189 = arith.constant 0 : i32
      %dma_wait3A_1190 = arith.constant 0 : i32
      %dma_wait3A_1191 = tpu.memref_slice %arg26[%dma_wait3A_1189, %dma_wait3A_1190] : memref<10240x128xf32, #tpu.memory_space<vmem_shared>> -> memref<10240x128xf32, #tpu.memory_space<vmem_shared>>
      tpu.wait_indirect_dma semaphore(%arg22 : memref<!tpu.dma_semaphore, #tpu.memory_space<semaphore_mem>>) src(%arg14 : memref<64x128xf32, #tpu.memory_space<vmem>>) dst(%dma_wait3A_1191 : memref<10240x128xf32, #tpu.memory_space<vmem_shared>>)
      %add3A_1192 = arith.constant 8 : i32
      %add3A_1193 = arith.addi %add3A_1177, %add3A_1192 : i32
      %dma_start3A_1194 = arith.constant 0 : i32
      %dma_start3A_1195 = tpu.memref_slice %arg3[%add3A_1193, %dma_start3A_1194] : memref<5120x64xi32, #tpu.memory_space<hbm>> -> memref<8x64xi32, #tpu.memory_space<hbm>>
      %dma_start3A_1196 = arith.constant 0 : i32
      %dma_start3A_1197 = tpu.memref_slice %arg3[%add3A_1193, %dma_start3A_1196] : memref<5120x64xi32, #tpu.memory_space<hbm>> -> memref<8x64xi32, #tpu.memory_space<hbm>>
      tpu.enqueue_dma source(%dma_start3A_1197 : memref<8x64xi32, #tpu.memory_space<hbm>>) target(%arg7 : memref<8x64xi32, #tpu.memory_space<vmem>>) target_semaphore(%arg12 : memref<!tpu.dma_semaphore, #tpu.memory_space<semaphore_mem>>)
      %dma_start3A_1198 = arith.constant 0 : i32
      %dma_start3A_1199 = tpu.memref_slice %arg4[%add3A_1193, %dma_start3A_1198] : memref<5120x64xi32, #tpu.memory_space<hbm>> -> memref<8x64xi32, #tpu.memory_space<hbm>>
      %dma_start3A_1200 = arith.constant 0 : i32
      %dma_start3A_1201 = tpu.memref_slice %arg4[%add3A_1193, %dma_start3A_1200] : memref<5120x64xi32, #tpu.memory_space<hbm>> -> memref<8x64xi32, #tpu.memory_space<hbm>>
      tpu.enqueue_dma source(%dma_start3A_1201 : memref<8x64xi32, #tpu.memory_space<hbm>>) target(%arg9 : memref<8x64xi32, #tpu.memory_space<vmem>>) target_semaphore(%arg13 : memref<!tpu.dma_semaphore, #tpu.memory_space<semaphore_mem>>)
      %dma_start3A_1202 = arith.constant 4 : i32
      %dma_start3A_1203 = arith.constant 0 : i32
      %dma_start3A_1204 = tpu.memref_slice %arg6[%dma_start3A_1202, %dma_start3A_1203] : memref<8x64xi32, #tpu.memory_space<vmem>> -> memref<1x64xi32, #tpu.memory_space<vmem>>
      %dma_start3A_1205 = tpu.memref_squeeze %dma_start3A_1204 : memref<1x64xi32, #tpu.memory_space<vmem>> -> memref<64xi32, #tpu.memory_space<vmem>>
      %dma_start3A_1206 = arith.constant 0 : i32
      %dma_start3A_1207 = arith.constant 0 : i32
      %dma_start3A_1208 = tpu.memref_slice %arg2[%dma_start3A_1206, %dma_start3A_1207] : memref<10240x128xf32, #tpu.memory_space<hbm>> -> memref<10240x128xf32, #tpu.memory_space<hbm>>
      tpu.enqueue_indirect_dma source(%dma_start3A_1208 : memref<10240x128xf32, #tpu.memory_space<hbm>>) target(%arg14 : memref<64x128xf32, #tpu.memory_space<vmem>>) offsets(%dma_start3A_1205 : memref<64xi32, #tpu.memory_space<vmem>>) semaphore(%arg18 : memref<!tpu.dma_semaphore, #tpu.memory_space<semaphore_mem>>)
      %dma_start3A_1209 = arith.constant 1 : i32
      %dma_start3A_1210 = arith.constant 0 : i32
      %dma_start3A_1211 = tpu.memref_slice %arg8[%dma_start3A_1209, %dma_start3A_1210] : memref<8x64xi32, #tpu.memory_space<vmem>> -> memref<1x64xi32, #tpu.memory_space<vmem>>
      %dma_start3A_1212 = tpu.memref_squeeze %dma_start3A_1211 : memref<1x64xi32, #tpu.memory_space<vmem>> -> memref<64xi32, #tpu.memory_space<vmem>>
      %dma_start3A_1213 = arith.constant 0 : i32
      %dma_start3A_1214 = arith.constant 0 : i32
      %dma_start3A_1215 = tpu.memref_slice %arg26[%dma_start3A_1213, %dma_start3A_1214] : memref<10240x128xf32, #tpu.memory_space<vmem_shared>> -> memref<10240x128xf32, #tpu.memory_space<vmem_shared>>
      tpu.enqueue_indirect_dma source(%arg15 : memref<64x128xf32, #tpu.memory_space<vmem>>) target(%dma_start3A_1215 : memref<10240x128xf32, #tpu.memory_space<vmem_shared>>) offsets(%dma_start3A_1212 : memref<64xi32, #tpu.memory_space<vmem>>) semaphore(%arg23 : memref<!tpu.dma_semaphore, #tpu.memory_space<semaphore_mem>>) {add = true}
      %mul3A_1216 = arith.constant 16 : i32
      %mul3A_1217 = arith.muli %while3A_1143, %mul3A_1216 : i32
      %add3A_1218 = arith.addi %select_n3A, %mul3A_1217 : i32
      %dma_wait3A_1219 = arith.constant 2 : i32
      %dma_wait3A_1220 = arith.constant 0 : i32
      %dma_wait3A_1221 = tpu.memref_slice %arg6[%dma_wait3A_1219, %dma_wait3A_1220] : memref<8x64xi32, #tpu.memory_space<vmem>> -> memref<1x64xi32, #tpu.memory_space<vmem>>
      %dma_wait3A_1222 = tpu.memref_squeeze %dma_wait3A_1221 : memref<1x64xi32, #tpu.memory_space<vmem>> -> memref<64xi32, #tpu.memory_space<vmem>>
      %dma_wait3A_1223 = arith.constant 0 : i32
      %dma_wait3A_1224 = arith.constant 0 : i32
      %dma_wait3A_1225 = tpu.memref_slice %arg2[%dma_wait3A_1223, %dma_wait3A_1224] : memref<10240x128xf32, #tpu.memory_space<hbm>> -> memref<10240x128xf32, #tpu.memory_space<hbm>>
      tpu.wait_indirect_dma semaphore(%arg20 : memref<!tpu.dma_semaphore, #tpu.memory_space<semaphore_mem>>) src(%dma_wait3A_1225 : memref<10240x128xf32, #tpu.memory_space<hbm>>) dst(%arg16 : memref<64x128xf32, #tpu.memory_space<vmem>>)
      %dma_wait3A_1226 = arith.constant 2 : i32
      %dma_wait3A_1227 = arith.constant 0 : i32
      %dma_wait3A_1228 = tpu.memref_slice %arg8[%dma_wait3A_1226, %dma_wait3A_1227] : memref<8x64xi32, #tpu.memory_space<vmem>> -> memref<1x64xi32, #tpu.memory_space<vmem>>
      %dma_wait3A_1229 = tpu.memref_squeeze %dma_wait3A_1228 : memref<1x64xi32, #tpu.memory_space<vmem>> -> memref<64xi32, #tpu.memory_space<vmem>>
      %dma_wait3A_1230 = arith.constant 0 : i32
      %dma_wait3A_1231 = arith.constant 0 : i32
      %dma_wait3A_1232 = tpu.memref_slice %arg26[%dma_wait3A_1230, %dma_wait3A_1231] : memref<10240x128xf32, #tpu.memory_space<vmem_shared>> -> memref<10240x128xf32, #tpu.memory_space<vmem_shared>>
      tpu.wait_indirect_dma semaphore(%arg23 : memref<!tpu.dma_semaphore, #tpu.memory_space<semaphore_mem>>) src(%arg15 : memref<64x128xf32, #tpu.memory_space<vmem>>) dst(%dma_wait3A_1232 : memref<10240x128xf32, #tpu.memory_space<vmem_shared>>)
      %dma_start3A_1233 = arith.constant 5 : i32
      %dma_start3A_1234 = arith.constant 0 : i32
      %dma_start3A_1235 = tpu.memref_slice %arg6[%dma_start3A_1233, %dma_start3A_1234] : memref<8x64xi32, #tpu.memory_space<vmem>> -> memref<1x64xi32, #tpu.memory_space<vmem>>
      %dma_start3A_1236 = tpu.memref_squeeze %dma_start3A_1235 : memref<1x64xi32, #tpu.memory_space<vmem>> -> memref<64xi32, #tpu.memory_space<vmem>>
      %dma_start3A_1237 = arith.constant 0 : i32
      %dma_start3A_1238 = arith.constant 0 : i32
      %dma_start3A_1239 = tpu.memref_slice %arg2[%dma_start3A_1237, %dma_start3A_1238] : memref<10240x128xf32, #tpu.memory_space<hbm>> -> memref<10240x128xf32, #tpu.memory_space<hbm>>
      tpu.enqueue_indirect_dma source(%dma_start3A_1239 : memref<10240x128xf32, #tpu.memory_space<hbm>>) target(%arg15 : memref<64x128xf32, #tpu.memory_space<vmem>>) offsets(%dma_start3A_1236 : memref<64xi32, #tpu.memory_space<vmem>>) semaphore(%arg19 : memref<!tpu.dma_semaphore, #tpu.memory_space<semaphore_mem>>)
      %dma_start3A_1240 = arith.constant 2 : i32
      %dma_start3A_1241 = arith.constant 0 : i32
      %dma_start3A_1242 = tpu.memref_slice %arg8[%dma_start3A_1240, %dma_start3A_1241] : memref<8x64xi32, #tpu.memory_space<vmem>> -> memref<1x64xi32, #tpu.memory_space<vmem>>
      %dma_start3A_1243 = tpu.memref_squeeze %dma_start3A_1242 : memref<1x64xi32, #tpu.memory_space<vmem>> -> memref<64xi32, #tpu.memory_space<vmem>>
      %dma_start3A_1244 = arith.constant 0 : i32
      %dma_start3A_1245 = arith.constant 0 : i32
      %dma_start3A_1246 = tpu.memref_slice %arg26[%dma_start3A_1244, %dma_start3A_1245] : memref<10240x128xf32, #tpu.memory_space<vmem_shared>> -> memref<10240x128xf32, #tpu.memory_space<vmem_shared>>
      tpu.enqueue_indirect_dma source(%arg16 : memref<64x128xf32, #tpu.memory_space<vmem>>) target(%dma_start3A_1246 : memref<10240x128xf32, #tpu.memory_space<vmem_shared>>) offsets(%dma_start3A_1243 : memref<64xi32, #tpu.memory_space<vmem>>) semaphore(%arg24 : memref<!tpu.dma_semaphore, #tpu.memory_space<semaphore_mem>>) {add = true}
      %mul3A_1247 = arith.constant 16 : i32
      %mul3A_1248 = arith.muli %while3A_1143, %mul3A_1247 : i32
      %add3A_1249 = arith.addi %select_n3A, %mul3A_1248 : i32
      %dma_wait3A_1250 = arith.constant 3 : i32
      %dma_wait3A_1251 = arith.constant 0 : i32
      %dma_wait3A_1252 = tpu.memref_slice %arg6[%dma_wait3A_1250, %dma_wait3A_1251] : memref<8x64xi32, #tpu.memory_space<vmem>> -> memref<1x64xi32, #tpu.memory_space<vmem>>
      %dma_wait3A_1253 = tpu.memref_squeeze %dma_wait3A_1252 : memref<1x64xi32, #tpu.memory_space<vmem>> -> memref<64xi32, #tpu.memory_space<vmem>>
      %dma_wait3A_1254 = arith.constant 0 : i32
      %dma_wait3A_1255 = arith.constant 0 : i32
      %dma_wait3A_1256 = tpu.memref_slice %arg2[%dma_wait3A_1254, %dma_wait3A_1255] : memref<10240x128xf32, #tpu.memory_space<hbm>> -> memref<10240x128xf32, #tpu.memory_space<hbm>>
      tpu.wait_indirect_dma semaphore(%arg21 : memref<!tpu.dma_semaphore, #tpu.memory_space<semaphore_mem>>) src(%dma_wait3A_1256 : memref<10240x128xf32, #tpu.memory_space<hbm>>) dst(%arg17 : memref<64x128xf32, #tpu.memory_space<vmem>>)
      %dma_wait3A_1257 = arith.constant 3 : i32
      %dma_wait3A_1258 = arith.constant 0 : i32
      %dma_wait3A_1259 = tpu.memref_slice %arg8[%dma_wait3A_1257, %dma_wait3A_1258] : memref<8x64xi32, #tpu.memory_space<vmem>> -> memref<1x64xi32, #tpu.memory_space<vmem>>
      %dma_wait3A_1260 = tpu.memref_squeeze %dma_wait3A_1259 : memref<1x64xi32, #tpu.memory_space<vmem>> -> memref<64xi32, #tpu.memory_space<vmem>>
      %dma_wait3A_1261 = arith.constant 0 : i32
      %dma_wait3A_1262 = arith.constant 0 : i32
      %dma_wait3A_1263 = tpu.memref_slice %arg26[%dma_wait3A_1261, %dma_wait3A_1262] : memref<10240x128xf32, #tpu.memory_space<vmem_shared>> -> memref<10240x128xf32, #tpu.memory_space<vmem_shared>>
      tpu.wait_indirect_dma semaphore(%arg24 : memref<!tpu.dma_semaphore, #tpu.memory_space<semaphore_mem>>) src(%arg16 : memref<64x128xf32, #tpu.memory_space<vmem>>) dst(%dma_wait3A_1263 : memref<10240x128xf32, #tpu.memory_space<vmem_shared>>)
      %dma_start3A_1264 = arith.constant 6 : i32
      %dma_start3A_1265 = arith.constant 0 : i32
      %dma_start3A_1266 = tpu.memref_slice %arg6[%dma_start3A_1264, %dma_start3A_1265] : memref<8x64xi32, #tpu.memory_space<vmem>> -> memref<1x64xi32, #tpu.memory_space<vmem>>
      %dma_start3A_1267 = tpu.memref_squeeze %dma_start3A_1266 : memref<1x64xi32, #tpu.memory_space<vmem>> -> memref<64xi32, #tpu.memory_space<vmem>>
      %dma_start3A_1268 = arith.constant 0 : i32
      %dma_start3A_1269 = arith.constant 0 : i32
      %dma_start3A_1270 = tpu.memref_slice %arg2[%dma_start3A_1268, %dma_start3A_1269] : memref<10240x128xf32, #tpu.memory_space<hbm>> -> memref<10240x128xf32, #tpu.memory_space<hbm>>
      tpu.enqueue_indirect_dma source(%dma_start3A_1270 : memref<10240x128xf32, #tpu.memory_space<hbm>>) target(%arg16 : memref<64x128xf32, #tpu.memory_space<vmem>>) offsets(%dma_start3A_1267 : memref<64xi32, #tpu.memory_space<vmem>>) semaphore(%arg20 : memref<!tpu.dma_semaphore, #tpu.memory_space<semaphore_mem>>)
      %dma_start3A_1271 = arith.constant 3 : i32
      %dma_start3A_1272 = arith.constant 0 : i32
      %dma_start3A_1273 = tpu.memref_slice %arg8[%dma_start3A_1271, %dma_start3A_1272] : memref<8x64xi32, #tpu.memory_space<vmem>> -> memref<1x64xi32, #tpu.memory_space<vmem>>
      %dma_start3A_1274 = tpu.memref_squeeze %dma_start3A_1273 : memref<1x64xi32, #tpu.memory_space<vmem>> -> memref<64xi32, #tpu.memory_space<vmem>>
      %dma_start3A_1275 = arith.constant 0 : i32
      %dma_start3A_1276 = arith.constant 0 : i32
      %dma_start3A_1277 = tpu.memref_slice %arg26[%dma_start3A_1275, %dma_start3A_1276] : memref<10240x128xf32, #tpu.memory_space<vmem_shared>> -> memref<10240x128xf32, #tpu.memory_space<vmem_shared>>
      tpu.enqueue_indirect_dma source(%arg17 : memref<64x128xf32, #tpu.memory_space<vmem>>) target(%dma_start3A_1277 : memref<10240x128xf32, #tpu.memory_space<vmem_shared>>) offsets(%dma_start3A_1274 : memref<64xi32, #tpu.memory_space<vmem>>) semaphore(%arg25 : memref<!tpu.dma_semaphore, #tpu.memory_space<semaphore_mem>>) {add = true}
      %mul3A_1278 = arith.constant 16 : i32
      %mul3A_1279 = arith.muli %while3A_1143, %mul3A_1278 : i32
      %add3A_1280 = arith.addi %select_n3A, %mul3A_1279 : i32
      %dma_wait3A_1281 = arith.constant 4 : i32
      %dma_wait3A_1282 = arith.constant 0 : i32
      %dma_wait3A_1283 = tpu.memref_slice %arg6[%dma_wait3A_1281, %dma_wait3A_1282] : memref<8x64xi32, #tpu.memory_space<vmem>> -> memref<1x64xi32, #tpu.memory_space<vmem>>
      %dma_wait3A_1284 = tpu.memref_squeeze %dma_wait3A_1283 : memref<1x64xi32, #tpu.memory_space<vmem>> -> memref<64xi32, #tpu.memory_space<vmem>>
      %dma_wait3A_1285 = arith.constant 0 : i32
      %dma_wait3A_1286 = arith.constant 0 : i32
      %dma_wait3A_1287 = tpu.memref_slice %arg2[%dma_wait3A_1285, %dma_wait3A_1286] : memref<10240x128xf32, #tpu.memory_space<hbm>> -> memref<10240x128xf32, #tpu.memory_space<hbm>>
      tpu.wait_indirect_dma semaphore(%arg18 : memref<!tpu.dma_semaphore, #tpu.memory_space<semaphore_mem>>) src(%dma_wait3A_1287 : memref<10240x128xf32, #tpu.memory_space<hbm>>) dst(%arg14 : memref<64x128xf32, #tpu.memory_space<vmem>>)
      %dma_wait3A_1288 = arith.constant 4 : i32
      %dma_wait3A_1289 = arith.constant 0 : i32
      %dma_wait3A_1290 = tpu.memref_slice %arg8[%dma_wait3A_1288, %dma_wait3A_1289] : memref<8x64xi32, #tpu.memory_space<vmem>> -> memref<1x64xi32, #tpu.memory_space<vmem>>
      %dma_wait3A_1291 = tpu.memref_squeeze %dma_wait3A_1290 : memref<1x64xi32, #tpu.memory_space<vmem>> -> memref<64xi32, #tpu.memory_space<vmem>>
      %dma_wait3A_1292 = arith.constant 0 : i32
      %dma_wait3A_1293 = arith.constant 0 : i32
      %dma_wait3A_1294 = tpu.memref_slice %arg26[%dma_wait3A_1292, %dma_wait3A_1293] : memref<10240x128xf32, #tpu.memory_space<vmem_shared>> -> memref<10240x128xf32, #tpu.memory_space<vmem_shared>>
      tpu.wait_indirect_dma semaphore(%arg25 : memref<!tpu.dma_semaphore, #tpu.memory_space<semaphore_mem>>) src(%arg17 : memref<64x128xf32, #tpu.memory_space<vmem>>) dst(%dma_wait3A_1294 : memref<10240x128xf32, #tpu.memory_space<vmem_shared>>)
      %dma_start3A_1295 = arith.constant 7 : i32
      %dma_start3A_1296 = arith.constant 0 : i32
      %dma_start3A_1297 = tpu.memref_slice %arg6[%dma_start3A_1295, %dma_start3A_1296] : memref<8x64xi32, #tpu.memory_space<vmem>> -> memref<1x64xi32, #tpu.memory_space<vmem>>
      %dma_start3A_1298 = tpu.memref_squeeze %dma_start3A_1297 : memref<1x64xi32, #tpu.memory_space<vmem>> -> memref<64xi32, #tpu.memory_space<vmem>>
      %dma_start3A_1299 = arith.constant 0 : i32
      %dma_start3A_1300 = arith.constant 0 : i32
      %dma_start3A_1301 = tpu.memref_slice %arg2[%dma_start3A_1299, %dma_start3A_1300] : memref<10240x128xf32, #tpu.memory_space<hbm>> -> memref<10240x128xf32, #tpu.memory_space<hbm>>
      tpu.enqueue_indirect_dma source(%dma_start3A_1301 : memref<10240x128xf32, #tpu.memory_space<hbm>>) target(%arg17 : memref<64x128xf32, #tpu.memory_space<vmem>>) offsets(%dma_start3A_1298 : memref<64xi32, #tpu.memory_space<vmem>>) semaphore(%arg21 : memref<!tpu.dma_semaphore, #tpu.memory_space<semaphore_mem>>)
      %dma_start3A_1302 = arith.constant 4 : i32
      %dma_start3A_1303 = arith.constant 0 : i32
      %dma_start3A_1304 = tpu.memref_slice %arg8[%dma_start3A_1302, %dma_start3A_1303] : memref<8x64xi32, #tpu.memory_space<vmem>> -> memref<1x64xi32, #tpu.memory_space<vmem>>
      %dma_start3A_1305 = tpu.memref_squeeze %dma_start3A_1304 : memref<1x64xi32, #tpu.memory_space<vmem>> -> memref<64xi32, #tpu.memory_space<vmem>>
      %dma_start3A_1306 = arith.constant 0 : i32
      %dma_start3A_1307 = arith.constant 0 : i32
      %dma_start3A_1308 = tpu.memref_slice %arg26[%dma_start3A_1306, %dma_start3A_1307] : memref<10240x128xf32, #tpu.memory_space<vmem_shared>> -> memref<10240x128xf32, #tpu.memory_space<vmem_shared>>
      tpu.enqueue_indirect_dma source(%arg14 : memref<64x128xf32, #tpu.memory_space<vmem>>) target(%dma_start3A_1308 : memref<10240x128xf32, #tpu.memory_space<vmem_shared>>) offsets(%dma_start3A_1305 : memref<64xi32, #tpu.memory_space<vmem>>) semaphore(%arg22 : memref<!tpu.dma_semaphore, #tpu.memory_space<semaphore_mem>>) {add = true}
      %mul3A_1309 = arith.constant 16 : i32
      %mul3A_1310 = arith.muli %while3A_1143, %mul3A_1309 : i32
      %add3A_1311 = arith.addi %select_n3A, %mul3A_1310 : i32
      %dma_wait3A_1312 = arith.constant 5 : i32
      %dma_wait3A_1313 = arith.constant 0 : i32
      %dma_wait3A_1314 = tpu.memref_slice %arg6[%dma_wait3A_1312, %dma_wait3A_1313] : memref<8x64xi32, #tpu.memory_space<vmem>> -> memref<1x64xi32, #tpu.memory_space<vmem>>
      %dma_wait3A_1315 = tpu.memref_squeeze %dma_wait3A_1314 : memref<1x64xi32, #tpu.memory_space<vmem>> -> memref<64xi32, #tpu.memory_space<vmem>>
      %dma_wait3A_1316 = arith.constant 0 : i32
      %dma_wait3A_1317 = arith.constant 0 : i32
      %dma_wait3A_1318 = tpu.memref_slice %arg2[%dma_wait3A_1316, %dma_wait3A_1317] : memref<10240x128xf32, #tpu.memory_space<hbm>> -> memref<10240x128xf32, #tpu.memory_space<hbm>>
      tpu.wait_indirect_dma semaphore(%arg19 : memref<!tpu.dma_semaphore, #tpu.memory_space<semaphore_mem>>) src(%dma_wait3A_1318 : memref<10240x128xf32, #tpu.memory_space<hbm>>) dst(%arg15 : memref<64x128xf32, #tpu.memory_space<vmem>>)
      %dma_wait3A_1319 = arith.constant 5 : i32
      %dma_wait3A_1320 = arith.constant 0 : i32
      %dma_wait3A_1321 = tpu.memref_slice %arg8[%dma_wait3A_1319, %dma_wait3A_1320] : memref<8x64xi32, #tpu.memory_space<vmem>> -> memref<1x64xi32, #tpu.memory_space<vmem>>
      %dma_wait3A_1322 = tpu.memref_squeeze %dma_wait3A_1321 : memref<1x64xi32, #tpu.memory_space<vmem>> -> memref<64xi32, #tpu.memory_space<vmem>>
      %dma_wait3A_1323 = arith.constant 0 : i32
      %dma_wait3A_1324 = arith.constant 0 : i32
      %dma_wait3A_1325 = tpu.memref_slice %arg26[%dma_wait3A_1323, %dma_wait3A_1324] : memref<10240x128xf32, #tpu.memory_space<vmem_shared>> -> memref<10240x128xf32, #tpu.memory_space<vmem_shared>>
      tpu.wait_indirect_dma semaphore(%arg22 : memref<!tpu.dma_semaphore, #tpu.memory_space<semaphore_mem>>) src(%arg14 : memref<64x128xf32, #tpu.memory_space<vmem>>) dst(%dma_wait3A_1325 : memref<10240x128xf32, #tpu.memory_space<vmem_shared>>)
      %dma_wait3A_1326 = arith.constant 0 : i32
      %dma_wait3A_1327 = arith.constant 0 : i32
      %dma_wait3A_1328 = tpu.memref_slice %arg3[%dma_wait3A_1326, %dma_wait3A_1327] : memref<5120x64xi32, #tpu.memory_space<hbm>> -> memref<8x64xi32, #tpu.memory_space<hbm>>
      %dma_wait3A_1329 = arith.constant 0 : i32
      %dma_wait3A_1330 = arith.constant 0 : i32
      %dma_wait3A_1331 = tpu.memref_slice %arg3[%dma_wait3A_1329, %dma_wait3A_1330] : memref<5120x64xi32, #tpu.memory_space<hbm>> -> memref<8x64xi32, #tpu.memory_space<hbm>>
      tpu.wait_dma2 semaphore(%arg12 : memref<!tpu.dma_semaphore, #tpu.memory_space<semaphore_mem>>) src(%dma_wait3A_1331 : memref<8x64xi32, #tpu.memory_space<hbm>>) dst(%arg7 : memref<8x64xi32, #tpu.memory_space<vmem>>)
      %dma_wait3A_1332 = arith.constant 0 : i32
      %dma_wait3A_1333 = arith.constant 0 : i32
      %dma_wait3A_1334 = tpu.memref_slice %arg4[%dma_wait3A_1332, %dma_wait3A_1333] : memref<5120x64xi32, #tpu.memory_space<hbm>> -> memref<8x64xi32, #tpu.memory_space<hbm>>
      %dma_wait3A_1335 = arith.constant 0 : i32
      %dma_wait3A_1336 = arith.constant 0 : i32
      %dma_wait3A_1337 = tpu.memref_slice %arg4[%dma_wait3A_1335, %dma_wait3A_1336] : memref<5120x64xi32, #tpu.memory_space<hbm>> -> memref<8x64xi32, #tpu.memory_space<hbm>>
      tpu.wait_dma2 semaphore(%arg13 : memref<!tpu.dma_semaphore, #tpu.memory_space<semaphore_mem>>) src(%dma_wait3A_1337 : memref<8x64xi32, #tpu.memory_space<hbm>>) dst(%arg9 : memref<8x64xi32, #tpu.memory_space<vmem>>)
      %dma_start3A_1338 = arith.constant 0 : i32
      %dma_start3A_1339 = arith.constant 0 : i32
      %dma_start3A_1340 = tpu.memref_slice %arg7[%dma_start3A_1338, %dma_start3A_1339] : memref<8x64xi32, #tpu.memory_space<vmem>> -> memref<1x64xi32, #tpu.memory_space<vmem>>
      %dma_start3A_1341 = tpu.memref_squeeze %dma_start3A_1340 : memref<1x64xi32, #tpu.memory_space<vmem>> -> memref<64xi32, #tpu.memory_space<vmem>>
      %dma_start3A_1342 = arith.constant 0 : i32
      %dma_start3A_1343 = arith.constant 0 : i32
      %dma_start3A_1344 = tpu.memref_slice %arg2[%dma_start3A_1342, %dma_start3A_1343] : memref<10240x128xf32, #tpu.memory_space<hbm>> -> memref<10240x128xf32, #tpu.memory_space<hbm>>
      tpu.enqueue_indirect_dma source(%dma_start3A_1344 : memref<10240x128xf32, #tpu.memory_space<hbm>>) target(%arg14 : memref<64x128xf32, #tpu.memory_space<vmem>>) offsets(%dma_start3A_1341 : memref<64xi32, #tpu.memory_space<vmem>>) semaphore(%arg18 : memref<!tpu.dma_semaphore, #tpu.memory_space<semaphore_mem>>)
      %dma_start3A_1345 = arith.constant 5 : i32
      %dma_start3A_1346 = arith.constant 0 : i32
      %dma_start3A_1347 = tpu.memref_slice %arg8[%dma_start3A_1345, %dma_start3A_1346] : memref<8x64xi32, #tpu.memory_space<vmem>> -> memref<1x64xi32, #tpu.memory_space<vmem>>
      %dma_start3A_1348 = tpu.memref_squeeze %dma_start3A_1347 : memref<1x64xi32, #tpu.memory_space<vmem>> -> memref<64xi32, #tpu.memory_space<vmem>>
      %dma_start3A_1349 = arith.constant 0 : i32
      %dma_start3A_1350 = arith.constant 0 : i32
      %dma_start3A_1351 = tpu.memref_slice %arg26[%dma_start3A_1349, %dma_start3A_1350] : memref<10240x128xf32, #tpu.memory_space<vmem_shared>> -> memref<10240x128xf32, #tpu.memory_space<vmem_shared>>
      tpu.enqueue_indirect_dma source(%arg15 : memref<64x128xf32, #tpu.memory_space<vmem>>) target(%dma_start3A_1351 : memref<10240x128xf32, #tpu.memory_space<vmem_shared>>) offsets(%dma_start3A_1348 : memref<64xi32, #tpu.memory_space<vmem>>) semaphore(%arg23 : memref<!tpu.dma_semaphore, #tpu.memory_space<semaphore_mem>>) {add = true}
      %mul3A_1352 = arith.constant 16 : i32
      %mul3A_1353 = arith.muli %while3A_1143, %mul3A_1352 : i32
      %add3A_1354 = arith.addi %select_n3A, %mul3A_1353 : i32
      %dma_wait3A_1355 = arith.constant 6 : i32
      %dma_wait3A_1356 = arith.constant 0 : i32
      %dma_wait3A_1357 = tpu.memref_slice %arg6[%dma_wait3A_1355, %dma_wait3A_1356] : memref<8x64xi32, #tpu.memory_space<vmem>> -> memref<1x64xi32, #tpu.memory_space<vmem>>
      %dma_wait3A_1358 = tpu.memref_squeeze %dma_wait3A_1357 : memref<1x64xi32, #tpu.memory_space<vmem>> -> memref<64xi32, #tpu.memory_space<vmem>>
      %dma_wait3A_1359 = arith.constant 0 : i32
      %dma_wait3A_1360 = arith.constant 0 : i32
      %dma_wait3A_1361 = tpu.memref_slice %arg2[%dma_wait3A_1359, %dma_wait3A_1360] : memref<10240x128xf32, #tpu.memory_space<hbm>> -> memref<10240x128xf32, #tpu.memory_space<hbm>>
      tpu.wait_indirect_dma semaphore(%arg20 : memref<!tpu.dma_semaphore, #tpu.memory_space<semaphore_mem>>) src(%dma_wait3A_1361 : memref<10240x128xf32, #tpu.memory_space<hbm>>) dst(%arg16 : memref<64x128xf32, #tpu.memory_space<vmem>>)
      %dma_wait3A_1362 = arith.constant 6 : i32
      %dma_wait3A_1363 = arith.constant 0 : i32
      %dma_wait3A_1364 = tpu.memref_slice %arg8[%dma_wait3A_1362, %dma_wait3A_1363] : memref<8x64xi32, #tpu.memory_space<vmem>> -> memref<1x64xi32, #tpu.memory_space<vmem>>
      %dma_wait3A_1365 = tpu.memref_squeeze %dma_wait3A_1364 : memref<1x64xi32, #tpu.memory_space<vmem>> -> memref<64xi32, #tpu.memory_space<vmem>>
      %dma_wait3A_1366 = arith.constant 0 : i32
      %dma_wait3A_1367 = arith.constant 0 : i32
      %dma_wait3A_1368 = tpu.memref_slice %arg26[%dma_wait3A_1366, %dma_wait3A_1367] : memref<10240x128xf32, #tpu.memory_space<vmem_shared>> -> memref<10240x128xf32, #tpu.memory_space<vmem_shared>>
      tpu.wait_indirect_dma semaphore(%arg23 : memref<!tpu.dma_semaphore, #tpu.memory_space<semaphore_mem>>) src(%arg15 : memref<64x128xf32, #tpu.memory_space<vmem>>) dst(%dma_wait3A_1368 : memref<10240x128xf32, #tpu.memory_space<vmem_shared>>)
      %dma_start3A_1369 = arith.constant 1 : i32
      %dma_start3A_1370 = arith.constant 0 : i32
      %dma_start3A_1371 = tpu.memref_slice %arg7[%dma_start3A_1369, %dma_start3A_1370] : memref<8x64xi32, #tpu.memory_space<vmem>> -> memref<1x64xi32, #tpu.memory_space<vmem>>
      %dma_start3A_1372 = tpu.memref_squeeze %dma_start3A_1371 : memref<1x64xi32, #tpu.memory_space<vmem>> -> memref<64xi32, #tpu.memory_space<vmem>>
      %dma_start3A_1373 = arith.constant 0 : i32
      %dma_start3A_1374 = arith.constant 0 : i32
      %dma_start3A_1375 = tpu.memref_slice %arg2[%dma_start3A_1373, %dma_start3A_1374] : memref<10240x128xf32, #tpu.memory_space<hbm>> -> memref<10240x128xf32, #tpu.memory_space<hbm>>
      tpu.enqueue_indirect_dma source(%dma_start3A_1375 : memref<10240x128xf32, #tpu.memory_space<hbm>>) target(%arg15 : memref<64x128xf32, #tpu.memory_space<vmem>>) offsets(%dma_start3A_1372 : memref<64xi32, #tpu.memory_space<vmem>>) semaphore(%arg19 : memref<!tpu.dma_semaphore, #tpu.memory_space<semaphore_mem>>)
      %dma_start3A_1376 = arith.constant 6 : i32
      %dma_start3A_1377 = arith.constant 0 : i32
      %dma_start3A_1378 = tpu.memref_slice %arg8[%dma_start3A_1376, %dma_start3A_1377] : memref<8x64xi32, #tpu.memory_space<vmem>> -> memref<1x64xi32, #tpu.memory_space<vmem>>
      %dma_start3A_1379 = tpu.memref_squeeze %dma_start3A_1378 : memref<1x64xi32, #tpu.memory_space<vmem>> -> memref<64xi32, #tpu.memory_space<vmem>>
      %dma_start3A_1380 = arith.constant 0 : i32
      %dma_start3A_1381 = arith.constant 0 : i32
      %dma_start3A_1382 = tpu.memref_slice %arg26[%dma_start3A_1380, %dma_start3A_1381] : memref<10240x128xf32, #tpu.memory_space<vmem_shared>> -> memref<10240x128xf32, #tpu.memory_space<vmem_shared>>
      tpu.enqueue_indirect_dma source(%arg16 : memref<64x128xf32, #tpu.memory_space<vmem>>) target(%dma_start3A_1382 : memref<10240x128xf32, #tpu.memory_space<vmem_shared>>) offsets(%dma_start3A_1379 : memref<64xi32, #tpu.memory_space<vmem>>) semaphore(%arg24 : memref<!tpu.dma_semaphore, #tpu.memory_space<semaphore_mem>>) {add = true}
      %mul3A_1383 = arith.constant 16 : i32
      %mul3A_1384 = arith.muli %while3A_1143, %mul3A_1383 : i32
      %add3A_1385 = arith.addi %select_n3A, %mul3A_1384 : i32
      %dma_wait3A_1386 = arith.constant 7 : i32
      %dma_wait3A_1387 = arith.constant 0 : i32
      %dma_wait3A_1388 = tpu.memref_slice %arg6[%dma_wait3A_1386, %dma_wait3A_1387] : memref<8x64xi32, #tpu.memory_space<vmem>> -> memref<1x64xi32, #tpu.memory_space<vmem>>
      %dma_wait3A_1389 = tpu.memref_squeeze %dma_wait3A_1388 : memref<1x64xi32, #tpu.memory_space<vmem>> -> memref<64xi32, #tpu.memory_space<vmem>>
      %dma_wait3A_1390 = arith.constant 0 : i32
      %dma_wait3A_1391 = arith.constant 0 : i32
      %dma_wait3A_1392 = tpu.memref_slice %arg2[%dma_wait3A_1390, %dma_wait3A_1391] : memref<10240x128xf32, #tpu.memory_space<hbm>> -> memref<10240x128xf32, #tpu.memory_space<hbm>>
      tpu.wait_indirect_dma semaphore(%arg21 : memref<!tpu.dma_semaphore, #tpu.memory_space<semaphore_mem>>) src(%dma_wait3A_1392 : memref<10240x128xf32, #tpu.memory_space<hbm>>) dst(%arg17 : memref<64x128xf32, #tpu.memory_space<vmem>>)
      %dma_wait3A_1393 = arith.constant 7 : i32
      %dma_wait3A_1394 = arith.constant 0 : i32
      %dma_wait3A_1395 = tpu.memref_slice %arg8[%dma_wait3A_1393, %dma_wait3A_1394] : memref<8x64xi32, #tpu.memory_space<vmem>> -> memref<1x64xi32, #tpu.memory_space<vmem>>
      %dma_wait3A_1396 = tpu.memref_squeeze %dma_wait3A_1395 : memref<1x64xi32, #tpu.memory_space<vmem>> -> memref<64xi32, #tpu.memory_space<vmem>>
      %dma_wait3A_1397 = arith.constant 0 : i32
      %dma_wait3A_1398 = arith.constant 0 : i32
      %dma_wait3A_1399 = tpu.memref_slice %arg26[%dma_wait3A_1397, %dma_wait3A_1398] : memref<10240x128xf32, #tpu.memory_space<vmem_shared>> -> memref<10240x128xf32, #tpu.memory_space<vmem_shared>>
      tpu.wait_indirect_dma semaphore(%arg24 : memref<!tpu.dma_semaphore, #tpu.memory_space<semaphore_mem>>) src(%arg16 : memref<64x128xf32, #tpu.memory_space<vmem>>) dst(%dma_wait3A_1399 : memref<10240x128xf32, #tpu.memory_space<vmem_shared>>)
      %dma_start3A_1400 = arith.constant 2 : i32
      %dma_start3A_1401 = arith.constant 0 : i32
      %dma_start3A_1402 = tpu.memref_slice %arg7[%dma_start3A_1400, %dma_start3A_1401] : memref<8x64xi32, #tpu.memory_space<vmem>> -> memref<1x64xi32, #tpu.memory_space<vmem>>
      %dma_start3A_1403 = tpu.memref_squeeze %dma_start3A_1402 : memref<1x64xi32, #tpu.memory_space<vmem>> -> memref<64xi32, #tpu.memory_space<vmem>>
      %dma_start3A_1404 = arith.constant 0 : i32
      %dma_start3A_1405 = arith.constant 0 : i32
      %dma_start3A_1406 = tpu.memref_slice %arg2[%dma_start3A_1404, %dma_start3A_1405] : memref<10240x128xf32, #tpu.memory_space<hbm>> -> memref<10240x128xf32, #tpu.memory_space<hbm>>
      tpu.enqueue_indirect_dma source(%dma_start3A_1406 : memref<10240x128xf32, #tpu.memory_space<hbm>>) target(%arg16 : memref<64x128xf32, #tpu.memory_space<vmem>>) offsets(%dma_start3A_1403 : memref<64xi32, #tpu.memory_space<vmem>>) semaphore(%arg20 : memref<!tpu.dma_semaphore, #tpu.memory_space<semaphore_mem>>)
      %dma_start3A_1407 = arith.constant 7 : i32
      %dma_start3A_1408 = arith.constant 0 : i32
      %dma_start3A_1409 = tpu.memref_slice %arg8[%dma_start3A_1407, %dma_start3A_1408] : memref<8x64xi32, #tpu.memory_space<vmem>> -> memref<1x64xi32, #tpu.memory_space<vmem>>
      %dma_start3A_1410 = tpu.memref_squeeze %dma_start3A_1409 : memref<1x64xi32, #tpu.memory_space<vmem>> -> memref<64xi32, #tpu.memory_space<vmem>>
      %dma_start3A_1411 = arith.constant 0 : i32
      %dma_start3A_1412 = arith.constant 0 : i32
      %dma_start3A_1413 = tpu.memref_slice %arg26[%dma_start3A_1411, %dma_start3A_1412] : memref<10240x128xf32, #tpu.memory_space<vmem_shared>> -> memref<10240x128xf32, #tpu.memory_space<vmem_shared>>
      tpu.enqueue_indirect_dma source(%arg17 : memref<64x128xf32, #tpu.memory_space<vmem>>) target(%dma_start3A_1413 : memref<10240x128xf32, #tpu.memory_space<vmem_shared>>) offsets(%dma_start3A_1410 : memref<64xi32, #tpu.memory_space<vmem>>) semaphore(%arg25 : memref<!tpu.dma_semaphore, #tpu.memory_space<semaphore_mem>>) {add = true}
      %mul3A_1414 = arith.constant 16 : i32
      %mul3A_1415 = arith.muli %while3A_1143, %mul3A_1414 : i32
      %add3A_1416 = arith.addi %select_n3A, %mul3A_1415 : i32
      %dma_wait3A_1417 = arith.constant 0 : i32
      %dma_wait3A_1418 = arith.constant 0 : i32
      %dma_wait3A_1419 = tpu.memref_slice %arg7[%dma_wait3A_1417, %dma_wait3A_1418] : memref<8x64xi32, #tpu.memory_space<vmem>> -> memref<1x64xi32, #tpu.memory_space<vmem>>
      %dma_wait3A_1420 = tpu.memref_squeeze %dma_wait3A_1419 : memref<1x64xi32, #tpu.memory_space<vmem>> -> memref<64xi32, #tpu.memory_space<vmem>>
      %dma_wait3A_1421 = arith.constant 0 : i32
      %dma_wait3A_1422 = arith.constant 0 : i32
      %dma_wait3A_1423 = tpu.memref_slice %arg2[%dma_wait3A_1421, %dma_wait3A_1422] : memref<10240x128xf32, #tpu.memory_space<hbm>> -> memref<10240x128xf32, #tpu.memory_space<hbm>>
      tpu.wait_indirect_dma semaphore(%arg18 : memref<!tpu.dma_semaphore, #tpu.memory_space<semaphore_mem>>) src(%dma_wait3A_1423 : memref<10240x128xf32, #tpu.memory_space<hbm>>) dst(%arg14 : memref<64x128xf32, #tpu.memory_space<vmem>>)
      %dma_wait3A_1424 = arith.constant 0 : i32
      %dma_wait3A_1425 = arith.constant 0 : i32
      %dma_wait3A_1426 = tpu.memref_slice %arg9[%dma_wait3A_1424, %dma_wait3A_1425] : memref<8x64xi32, #tpu.memory_space<vmem>> -> memref<1x64xi32, #tpu.memory_space<vmem>>
      %dma_wait3A_1427 = tpu.memref_squeeze %dma_wait3A_1426 : memref<1x64xi32, #tpu.memory_space<vmem>> -> memref<64xi32, #tpu.memory_space<vmem>>
      %dma_wait3A_1428 = arith.constant 0 : i32
      %dma_wait3A_1429 = arith.constant 0 : i32
      %dma_wait3A_1430 = tpu.memref_slice %arg26[%dma_wait3A_1428, %dma_wait3A_1429] : memref<10240x128xf32, #tpu.memory_space<vmem_shared>> -> memref<10240x128xf32, #tpu.memory_space<vmem_shared>>
      tpu.wait_indirect_dma semaphore(%arg25 : memref<!tpu.dma_semaphore, #tpu.memory_space<semaphore_mem>>) src(%arg17 : memref<64x128xf32, #tpu.memory_space<vmem>>) dst(%dma_wait3A_1430 : memref<10240x128xf32, #tpu.memory_space<vmem_shared>>)
      %add3A_1431 = arith.constant 16 : i32
      %add3A_1432 = arith.addi %add3A_1416, %add3A_1431 : i32
      %dma_start3A_1433 = arith.constant 0 : i32
      %dma_start3A_1434 = tpu.memref_slice %arg3[%add3A_1432, %dma_start3A_1433] : memref<5120x64xi32, #tpu.memory_space<hbm>> -> memref<8x64xi32, #tpu.memory_space<hbm>>
      %dma_start3A_1435 = arith.constant 0 : i32
      %dma_start3A_1436 = tpu.memref_slice %arg3[%add3A_1432, %dma_start3A_1435] : memref<5120x64xi32, #tpu.memory_space<hbm>> -> memref<8x64xi32, #tpu.memory_space<hbm>>
      tpu.enqueue_dma source(%dma_start3A_1436 : memref<8x64xi32, #tpu.memory_space<hbm>>) target(%arg6 : memref<8x64xi32, #tpu.memory_space<vmem>>) target_semaphore(%arg10 : memref<!tpu.dma_semaphore, #tpu.memory_space<semaphore_mem>>)
      %dma_start3A_1437 = arith.constant 0 : i32
      %dma_start3A_1438 = tpu.memref_slice %arg4[%add3A_1432, %dma_start3A_1437] : memref<5120x64xi32, #tpu.memory_space<hbm>> -> memref<8x64xi32, #tpu.memory_space<hbm>>
      %dma_start3A_1439 = arith.constant 0 : i32
      %dma_start3A_1440 = tpu.memref_slice %arg4[%add3A_1432, %dma_start3A_1439] : memref<5120x64xi32, #tpu.memory_space<hbm>> -> memref<8x64xi32, #tpu.memory_space<hbm>>
      tpu.enqueue_dma source(%dma_start3A_1440 : memref<8x64xi32, #tpu.memory_space<hbm>>) target(%arg8 : memref<8x64xi32, #tpu.memory_space<vmem>>) target_semaphore(%arg11 : memref<!tpu.dma_semaphore, #tpu.memory_space<semaphore_mem>>)
      %dma_start3A_1441 = arith.constant 3 : i32
      %dma_start3A_1442 = arith.constant 0 : i32
      %dma_start3A_1443 = tpu.memref_slice %arg7[%dma_start3A_1441, %dma_start3A_1442] : memref<8x64xi32, #tpu.memory_space<vmem>> -> memref<1x64xi32, #tpu.memory_space<vmem>>
      %dma_start3A_1444 = tpu.memref_squeeze %dma_start3A_1443 : memref<1x64xi32, #tpu.memory_space<vmem>> -> memref<64xi32, #tpu.memory_space<vmem>>
      %dma_start3A_1445 = arith.constant 0 : i32
      %dma_start3A_1446 = arith.constant 0 : i32
      %dma_start3A_1447 = tpu.memref_slice %arg2[%dma_start3A_1445, %dma_start3A_1446] : memref<10240x128xf32, #tpu.memory_space<hbm>> -> memref<10240x128xf32, #tpu.memory_space<hbm>>
      tpu.enqueue_indirect_dma source(%dma_start3A_1447 : memref<10240x128xf32, #tpu.memory_space<hbm>>) target(%arg17 : memref<64x128xf32, #tpu.memory_space<vmem>>) offsets(%dma_start3A_1444 : memref<64xi32, #tpu.memory_space<vmem>>) semaphore(%arg21 : memref<!tpu.dma_semaphore, #tpu.memory_space<semaphore_mem>>)
      %dma_start3A_1448 = arith.constant 0 : i32
      %dma_start3A_1449 = arith.constant 0 : i32
      %dma_start3A_1450 = tpu.memref_slice %arg9[%dma_start3A_1448, %dma_start3A_1449] : memref<8x64xi32, #tpu.memory_space<vmem>> -> memref<1x64xi32, #tpu.memory_space<vmem>>
      %dma_start3A_1451 = tpu.memref_squeeze %dma_start3A_1450 : memref<1x64xi32, #tpu.memory_space<vmem>> -> memref<64xi32, #tpu.memory_space<vmem>>
      %dma_start3A_1452 = arith.constant 0 : i32
      %dma_start3A_1453 = arith.constant 0 : i32
      %dma_start3A_1454 = tpu.memref_slice %arg26[%dma_start3A_1452, %dma_start3A_1453] : memref<10240x128xf32, #tpu.memory_space<vmem_shared>> -> memref<10240x128xf32, #tpu.memory_space<vmem_shared>>
      tpu.enqueue_indirect_dma source(%arg14 : memref<64x128xf32, #tpu.memory_space<vmem>>) target(%dma_start3A_1454 : memref<10240x128xf32, #tpu.memory_space<vmem_shared>>) offsets(%dma_start3A_1451 : memref<64xi32, #tpu.memory_space<vmem>>) semaphore(%arg22 : memref<!tpu.dma_semaphore, #tpu.memory_space<semaphore_mem>>) {add = true}
      %mul3A_1455 = arith.constant 16 : i32
      %mul3A_1456 = arith.muli %while3A_1143, %mul3A_1455 : i32
      %add3A_1457 = arith.addi %select_n3A, %mul3A_1456 : i32
      %dma_wait3A_1458 = arith.constant 1 : i32
      %dma_wait3A_1459 = arith.constant 0 : i32
      %dma_wait3A_1460 = tpu.memref_slice %arg7[%dma_wait3A_1458, %dma_wait3A_1459] : memref<8x64xi32, #tpu.memory_space<vmem>> -> memref<1x64xi32, #tpu.memory_space<vmem>>
      %dma_wait3A_1461 = tpu.memref_squeeze %dma_wait3A_1460 : memref<1x64xi32, #tpu.memory_space<vmem>> -> memref<64xi32, #tpu.memory_space<vmem>>
      %dma_wait3A_1462 = arith.constant 0 : i32
      %dma_wait3A_1463 = arith.constant 0 : i32
      %dma_wait3A_1464 = tpu.memref_slice %arg2[%dma_wait3A_1462, %dma_wait3A_1463] : memref<10240x128xf32, #tpu.memory_space<hbm>> -> memref<10240x128xf32, #tpu.memory_space<hbm>>
      tpu.wait_indirect_dma semaphore(%arg19 : memref<!tpu.dma_semaphore, #tpu.memory_space<semaphore_mem>>) src(%dma_wait3A_1464 : memref<10240x128xf32, #tpu.memory_space<hbm>>) dst(%arg15 : memref<64x128xf32, #tpu.memory_space<vmem>>)
      %dma_wait3A_1465 = arith.constant 1 : i32
      %dma_wait3A_1466 = arith.constant 0 : i32
      %dma_wait3A_1467 = tpu.memref_slice %arg9[%dma_wait3A_1465, %dma_wait3A_1466] : memref<8x64xi32, #tpu.memory_space<vmem>> -> memref<1x64xi32, #tpu.memory_space<vmem>>
      %dma_wait3A_1468 = tpu.memref_squeeze %dma_wait3A_1467 : memref<1x64xi32, #tpu.memory_space<vmem>> -> memref<64xi32, #tpu.memory_space<vmem>>
      %dma_wait3A_1469 = arith.constant 0 : i32
      %dma_wait3A_1470 = arith.constant 0 : i32
      %dma_wait3A_1471 = tpu.memref_slice %arg26[%dma_wait3A_1469, %dma_wait3A_1470] : memref<10240x128xf32, #tpu.memory_space<vmem_shared>> -> memref<10240x128xf32, #tpu.memory_space<vmem_shared>>
      tpu.wait_indirect_dma semaphore(%arg22 : memref<!tpu.dma_semaphore, #tpu.memory_space<semaphore_mem>>) src(%arg14 : memref<64x128xf32, #tpu.memory_space<vmem>>) dst(%dma_wait3A_1471 : memref<10240x128xf32, #tpu.memory_space<vmem_shared>>)
      %dma_start3A_1472 = arith.constant 4 : i32
      %dma_start3A_1473 = arith.constant 0 : i32
      %dma_start3A_1474 = tpu.memref_slice %arg7[%dma_start3A_1472, %dma_start3A_1473] : memref<8x64xi32, #tpu.memory_space<vmem>> -> memref<1x64xi32, #tpu.memory_space<vmem>>
      %dma_start3A_1475 = tpu.memref_squeeze %dma_start3A_1474 : memref<1x64xi32, #tpu.memory_space<vmem>> -> memref<64xi32, #tpu.memory_space<vmem>>
      %dma_start3A_1476 = arith.constant 0 : i32
      %dma_start3A_1477 = arith.constant 0 : i32
      %dma_start3A_1478 = tpu.memref_slice %arg2[%dma_start3A_1476, %dma_start3A_1477] : memref<10240x128xf32, #tpu.memory_space<hbm>> -> memref<10240x128xf32, #tpu.memory_space<hbm>>
      tpu.enqueue_indirect_dma source(%dma_start3A_1478 : memref<10240x128xf32, #tpu.memory_space<hbm>>) target(%arg14 : memref<64x128xf32, #tpu.memory_space<vmem>>) offsets(%dma_start3A_1475 : memref<64xi32, #tpu.memory_space<vmem>>) semaphore(%arg18 : memref<!tpu.dma_semaphore, #tpu.memory_space<semaphore_mem>>)
      %dma_start3A_1479 = arith.constant 1 : i32
      %dma_start3A_1480 = arith.constant 0 : i32
      %dma_start3A_1481 = tpu.memref_slice %arg9[%dma_start3A_1479, %dma_start3A_1480] : memref<8x64xi32, #tpu.memory_space<vmem>> -> memref<1x64xi32, #tpu.memory_space<vmem>>
      %dma_start3A_1482 = tpu.memref_squeeze %dma_start3A_1481 : memref<1x64xi32, #tpu.memory_space<vmem>> -> memref<64xi32, #tpu.memory_space<vmem>>
      %dma_start3A_1483 = arith.constant 0 : i32
      %dma_start3A_1484 = arith.constant 0 : i32
      %dma_start3A_1485 = tpu.memref_slice %arg26[%dma_start3A_1483, %dma_start3A_1484] : memref<10240x128xf32, #tpu.memory_space<vmem_shared>> -> memref<10240x128xf32, #tpu.memory_space<vmem_shared>>
      tpu.enqueue_indirect_dma source(%arg15 : memref<64x128xf32, #tpu.memory_space<vmem>>) target(%dma_start3A_1485 : memref<10240x128xf32, #tpu.memory_space<vmem_shared>>) offsets(%dma_start3A_1482 : memref<64xi32, #tpu.memory_space<vmem>>) semaphore(%arg23 : memref<!tpu.dma_semaphore, #tpu.memory_space<semaphore_mem>>) {add = true}
      %mul3A_1486 = arith.constant 16 : i32
      %mul3A_1487 = arith.muli %while3A_1143, %mul3A_1486 : i32
      %add3A_1488 = arith.addi %select_n3A, %mul3A_1487 : i32
      %dma_wait3A_1489 = arith.constant 2 : i32
      %dma_wait3A_1490 = arith.constant 0 : i32
      %dma_wait3A_1491 = tpu.memref_slice %arg7[%dma_wait3A_1489, %dma_wait3A_1490] : memref<8x64xi32, #tpu.memory_space<vmem>> -> memref<1x64xi32, #tpu.memory_space<vmem>>
      %dma_wait3A_1492 = tpu.memref_squeeze %dma_wait3A_1491 : memref<1x64xi32, #tpu.memory_space<vmem>> -> memref<64xi32, #tpu.memory_space<vmem>>
      %dma_wait3A_1493 = arith.constant 0 : i32
      %dma_wait3A_1494 = arith.constant 0 : i32
      %dma_wait3A_1495 = tpu.memref_slice %arg2[%dma_wait3A_1493, %dma_wait3A_1494] : memref<10240x128xf32, #tpu.memory_space<hbm>> -> memref<10240x128xf32, #tpu.memory_space<hbm>>
      tpu.wait_indirect_dma semaphore(%arg20 : memref<!tpu.dma_semaphore, #tpu.memory_space<semaphore_mem>>) src(%dma_wait3A_1495 : memref<10240x128xf32, #tpu.memory_space<hbm>>) dst(%arg16 : memref<64x128xf32, #tpu.memory_space<vmem>>)
      %dma_wait3A_1496 = arith.constant 2 : i32
      %dma_wait3A_1497 = arith.constant 0 : i32
      %dma_wait3A_1498 = tpu.memref_slice %arg9[%dma_wait3A_1496, %dma_wait3A_1497] : memref<8x64xi32, #tpu.memory_space<vmem>> -> memref<1x64xi32, #tpu.memory_space<vmem>>
      %dma_wait3A_1499 = tpu.memref_squeeze %dma_wait3A_1498 : memref<1x64xi32, #tpu.memory_space<vmem>> -> memref<64xi32, #tpu.memory_space<vmem>>
      %dma_wait3A_1500 = arith.constant 0 : i32
      %dma_wait3A_1501 = arith.constant 0 : i32
      %dma_wait3A_1502 = tpu.memref_slice %arg26[%dma_wait3A_1500, %dma_wait3A_1501] : memref<10240x128xf32, #tpu.memory_space<vmem_shared>> -> memref<10240x128xf32, #tpu.memory_space<vmem_shared>>
      tpu.wait_indirect_dma semaphore(%arg23 : memref<!tpu.dma_semaphore, #tpu.memory_space<semaphore_mem>>) src(%arg15 : memref<64x128xf32, #tpu.memory_space<vmem>>) dst(%dma_wait3A_1502 : memref<10240x128xf32, #tpu.memory_space<vmem_shared>>)
      %dma_start3A_1503 = arith.constant 5 : i32
      %dma_start3A_1504 = arith.constant 0 : i32
      %dma_start3A_1505 = tpu.memref_slice %arg7[%dma_start3A_1503, %dma_start3A_1504] : memref<8x64xi32, #tpu.memory_space<vmem>> -> memref<1x64xi32, #tpu.memory_space<vmem>>
      %dma_start3A_1506 = tpu.memref_squeeze %dma_start3A_1505 : memref<1x64xi32, #tpu.memory_space<vmem>> -> memref<64xi32, #tpu.memory_space<vmem>>
      %dma_start3A_1507 = arith.constant 0 : i32
      %dma_start3A_1508 = arith.constant 0 : i32
      %dma_start3A_1509 = tpu.memref_slice %arg2[%dma_start3A_1507, %dma_start3A_1508] : memref<10240x128xf32, #tpu.memory_space<hbm>> -> memref<10240x128xf32, #tpu.memory_space<hbm>>
      tpu.enqueue_indirect_dma source(%dma_start3A_1509 : memref<10240x128xf32, #tpu.memory_space<hbm>>) target(%arg15 : memref<64x128xf32, #tpu.memory_space<vmem>>) offsets(%dma_start3A_1506 : memref<64xi32, #tpu.memory_space<vmem>>) semaphore(%arg19 : memref<!tpu.dma_semaphore, #tpu.memory_space<semaphore_mem>>)
      %dma_start3A_1510 = arith.constant 2 : i32
      %dma_start3A_1511 = arith.constant 0 : i32
      %dma_start3A_1512 = tpu.memref_slice %arg9[%dma_start3A_1510, %dma_start3A_1511] : memref<8x64xi32, #tpu.memory_space<vmem>> -> memref<1x64xi32, #tpu.memory_space<vmem>>
      %dma_start3A_1513 = tpu.memref_squeeze %dma_start3A_1512 : memref<1x64xi32, #tpu.memory_space<vmem>> -> memref<64xi32, #tpu.memory_space<vmem>>
      %dma_start3A_1514 = arith.constant 0 : i32
      %dma_start3A_1515 = arith.constant 0 : i32
      %dma_start3A_1516 = tpu.memref_slice %arg26[%dma_start3A_1514, %dma_start3A_1515] : memref<10240x128xf32, #tpu.memory_space<vmem_shared>> -> memref<10240x128xf32, #tpu.memory_space<vmem_shared>>
      tpu.enqueue_indirect_dma source(%arg16 : memref<64x128xf32, #tpu.memory_space<vmem>>) target(%dma_start3A_1516 : memref<10240x128xf32, #tpu.memory_space<vmem_shared>>) offsets(%dma_start3A_1513 : memref<64xi32, #tpu.memory_space<vmem>>) semaphore(%arg24 : memref<!tpu.dma_semaphore, #tpu.memory_space<semaphore_mem>>) {add = true}
      %mul3A_1517 = arith.constant 16 : i32
      %mul3A_1518 = arith.muli %while3A_1143, %mul3A_1517 : i32
      %add3A_1519 = arith.addi %select_n3A, %mul3A_1518 : i32
      %dma_wait3A_1520 = arith.constant 3 : i32
      %dma_wait3A_1521 = arith.constant 0 : i32
      %dma_wait3A_1522 = tpu.memref_slice %arg7[%dma_wait3A_1520, %dma_wait3A_1521] : memref<8x64xi32, #tpu.memory_space<vmem>> -> memref<1x64xi32, #tpu.memory_space<vmem>>
      %dma_wait3A_1523 = tpu.memref_squeeze %dma_wait3A_1522 : memref<1x64xi32, #tpu.memory_space<vmem>> -> memref<64xi32, #tpu.memory_space<vmem>>
      %dma_wait3A_1524 = arith.constant 0 : i32
      %dma_wait3A_1525 = arith.constant 0 : i32
      %dma_wait3A_1526 = tpu.memref_slice %arg2[%dma_wait3A_1524, %dma_wait3A_1525] : memref<10240x128xf32, #tpu.memory_space<hbm>> -> memref<10240x128xf32, #tpu.memory_space<hbm>>
      tpu.wait_indirect_dma semaphore(%arg21 : memref<!tpu.dma_semaphore, #tpu.memory_space<semaphore_mem>>) src(%dma_wait3A_1526 : memref<10240x128xf32, #tpu.memory_space<hbm>>) dst(%arg17 : memref<64x128xf32, #tpu.memory_space<vmem>>)
      %dma_wait3A_1527 = arith.constant 3 : i32
      %dma_wait3A_1528 = arith.constant 0 : i32
      %dma_wait3A_1529 = tpu.memref_slice %arg9[%dma_wait3A_1527, %dma_wait3A_1528] : memref<8x64xi32, #tpu.memory_space<vmem>> -> memref<1x64xi32, #tpu.memory_space<vmem>>
      %dma_wait3A_1530 = tpu.memref_squeeze %dma_wait3A_1529 : memref<1x64xi32, #tpu.memory_space<vmem>> -> memref<64xi32, #tpu.memory_space<vmem>>
      %dma_wait3A_1531 = arith.constant 0 : i32
      %dma_wait3A_1532 = arith.constant 0 : i32
      %dma_wait3A_1533 = tpu.memref_slice %arg26[%dma_wait3A_1531, %dma_wait3A_1532] : memref<10240x128xf32, #tpu.memory_space<vmem_shared>> -> memref<10240x128xf32, #tpu.memory_space<vmem_shared>>
      tpu.wait_indirect_dma semaphore(%arg24 : memref<!tpu.dma_semaphore, #tpu.memory_space<semaphore_mem>>) src(%arg16 : memref<64x128xf32, #tpu.memory_space<vmem>>) dst(%dma_wait3A_1533 : memref<10240x128xf32, #tpu.memory_space<vmem_shared>>)
      %dma_start3A_1534 = arith.constant 6 : i32
      %dma_start3A_1535 = arith.constant 0 : i32
      %dma_start3A_1536 = tpu.memref_slice %arg7[%dma_start3A_1534, %dma_start3A_1535] : memref<8x64xi32, #tpu.memory_space<vmem>> -> memref<1x64xi32, #tpu.memory_space<vmem>>
      %dma_start3A_1537 = tpu.memref_squeeze %dma_start3A_1536 : memref<1x64xi32, #tpu.memory_space<vmem>> -> memref<64xi32, #tpu.memory_space<vmem>>
      %dma_start3A_1538 = arith.constant 0 : i32
      %dma_start3A_1539 = arith.constant 0 : i32
      %dma_start3A_1540 = tpu.memref_slice %arg2[%dma_start3A_1538, %dma_start3A_1539] : memref<10240x128xf32, #tpu.memory_space<hbm>> -> memref<10240x128xf32, #tpu.memory_space<hbm>>
      tpu.enqueue_indirect_dma source(%dma_start3A_1540 : memref<10240x128xf32, #tpu.memory_space<hbm>>) target(%arg16 : memref<64x128xf32, #tpu.memory_space<vmem>>) offsets(%dma_start3A_1537 : memref<64xi32, #tpu.memory_space<vmem>>) semaphore(%arg20 : memref<!tpu.dma_semaphore, #tpu.memory_space<semaphore_mem>>)
      %dma_start3A_1541 = arith.constant 3 : i32
      %dma_start3A_1542 = arith.constant 0 : i32
      %dma_start3A_1543 = tpu.memref_slice %arg9[%dma_start3A_1541, %dma_start3A_1542] : memref<8x64xi32, #tpu.memory_space<vmem>> -> memref<1x64xi32, #tpu.memory_space<vmem>>
      %dma_start3A_1544 = tpu.memref_squeeze %dma_start3A_1543 : memref<1x64xi32, #tpu.memory_space<vmem>> -> memref<64xi32, #tpu.memory_space<vmem>>
      %dma_start3A_1545 = arith.constant 0 : i32
      %dma_start3A_1546 = arith.constant 0 : i32
      %dma_start3A_1547 = tpu.memref_slice %arg26[%dma_start3A_1545, %dma_start3A_1546] : memref<10240x128xf32, #tpu.memory_space<vmem_shared>> -> memref<10240x128xf32, #tpu.memory_space<vmem_shared>>
      tpu.enqueue_indirect_dma source(%arg17 : memref<64x128xf32, #tpu.memory_space<vmem>>) target(%dma_start3A_1547 : memref<10240x128xf32, #tpu.memory_space<vmem_shared>>) offsets(%dma_start3A_1544 : memref<64xi32, #tpu.memory_space<vmem>>) semaphore(%arg25 : memref<!tpu.dma_semaphore, #tpu.memory_space<semaphore_mem>>) {add = true}
      %mul3A_1548 = arith.constant 16 : i32
      %mul3A_1549 = arith.muli %while3A_1143, %mul3A_1548 : i32
      %add3A_1550 = arith.addi %select_n3A, %mul3A_1549 : i32
      %dma_wait3A_1551 = arith.constant 4 : i32
      %dma_wait3A_1552 = arith.constant 0 : i32
      %dma_wait3A_1553 = tpu.memref_slice %arg7[%dma_wait3A_1551, %dma_wait3A_1552] : memref<8x64xi32, #tpu.memory_space<vmem>> -> memref<1x64xi32, #tpu.memory_space<vmem>>
      %dma_wait3A_1554 = tpu.memref_squeeze %dma_wait3A_1553 : memref<1x64xi32, #tpu.memory_space<vmem>> -> memref<64xi32, #tpu.memory_space<vmem>>
      %dma_wait3A_1555 = arith.constant 0 : i32
      %dma_wait3A_1556 = arith.constant 0 : i32
      %dma_wait3A_1557 = tpu.memref_slice %arg2[%dma_wait3A_1555, %dma_wait3A_1556] : memref<10240x128xf32, #tpu.memory_space<hbm>> -> memref<10240x128xf32, #tpu.memory_space<hbm>>
      tpu.wait_indirect_dma semaphore(%arg18 : memref<!tpu.dma_semaphore, #tpu.memory_space<semaphore_mem>>) src(%dma_wait3A_1557 : memref<10240x128xf32, #tpu.memory_space<hbm>>) dst(%arg14 : memref<64x128xf32, #tpu.memory_space<vmem>>)
      %dma_wait3A_1558 = arith.constant 4 : i32
      %dma_wait3A_1559 = arith.constant 0 : i32
      %dma_wait3A_1560 = tpu.memref_slice %arg9[%dma_wait3A_1558, %dma_wait3A_1559] : memref<8x64xi32, #tpu.memory_space<vmem>> -> memref<1x64xi32, #tpu.memory_space<vmem>>
      %dma_wait3A_1561 = tpu.memref_squeeze %dma_wait3A_1560 : memref<1x64xi32, #tpu.memory_space<vmem>> -> memref<64xi32, #tpu.memory_space<vmem>>
      %dma_wait3A_1562 = arith.constant 0 : i32
      %dma_wait3A_1563 = arith.constant 0 : i32
      %dma_wait3A_1564 = tpu.memref_slice %arg26[%dma_wait3A_1562, %dma_wait3A_1563] : memref<10240x128xf32, #tpu.memory_space<vmem_shared>> -> memref<10240x128xf32, #tpu.memory_space<vmem_shared>>
      tpu.wait_indirect_dma semaphore(%arg25 : memref<!tpu.dma_semaphore, #tpu.memory_space<semaphore_mem>>) src(%arg17 : memref<64x128xf32, #tpu.memory_space<vmem>>) dst(%dma_wait3A_1564 : memref<10240x128xf32, #tpu.memory_space<vmem_shared>>)
      %dma_start3A_1565 = arith.constant 7 : i32
      %dma_start3A_1566 = arith.constant 0 : i32
      %dma_start3A_1567 = tpu.memref_slice %arg7[%dma_start3A_1565, %dma_start3A_1566] : memref<8x64xi32, #tpu.memory_space<vmem>> -> memref<1x64xi32, #tpu.memory_space<vmem>>
      %dma_start3A_1568 = tpu.memref_squeeze %dma_start3A_1567 : memref<1x64xi32, #tpu.memory_space<vmem>> -> memref<64xi32, #tpu.memory_space<vmem>>
      %dma_start3A_1569 = arith.constant 0 : i32
      %dma_start3A_1570 = arith.constant 0 : i32
      %dma_start3A_1571 = tpu.memref_slice %arg2[%dma_start3A_1569, %dma_start3A_1570] : memref<10240x128xf32, #tpu.memory_space<hbm>> -> memref<10240x128xf32, #tpu.memory_space<hbm>>
      tpu.enqueue_indirect_dma source(%dma_start3A_1571 : memref<10240x128xf32, #tpu.memory_space<hbm>>) target(%arg17 : memref<64x128xf32, #tpu.memory_space<vmem>>) offsets(%dma_start3A_1568 : memref<64xi32, #tpu.memory_space<vmem>>) semaphore(%arg21 : memref<!tpu.dma_semaphore, #tpu.memory_space<semaphore_mem>>)
      %dma_start3A_1572 = arith.constant 4 : i32
      %dma_start3A_1573 = arith.constant 0 : i32
      %dma_start3A_1574 = tpu.memref_slice %arg9[%dma_start3A_1572, %dma_start3A_1573] : memref<8x64xi32, #tpu.memory_space<vmem>> -> memref<1x64xi32, #tpu.memory_space<vmem>>
      %dma_start3A_1575 = tpu.memref_squeeze %dma_start3A_1574 : memref<1x64xi32, #tpu.memory_space<vmem>> -> memref<64xi32, #tpu.memory_space<vmem>>
      %dma_start3A_1576 = arith.constant 0 : i32
      %dma_start3A_1577 = arith.constant 0 : i32
      %dma_start3A_1578 = tpu.memref_slice %arg26[%dma_start3A_1576, %dma_start3A_1577] : memref<10240x128xf32, #tpu.memory_space<vmem_shared>> -> memref<10240x128xf32, #tpu.memory_space<vmem_shared>>
      tpu.enqueue_indirect_dma source(%arg14 : memref<64x128xf32, #tpu.memory_space<vmem>>) target(%dma_start3A_1578 : memref<10240x128xf32, #tpu.memory_space<vmem_shared>>) offsets(%dma_start3A_1575 : memref<64xi32, #tpu.memory_space<vmem>>) semaphore(%arg22 : memref<!tpu.dma_semaphore, #tpu.memory_space<semaphore_mem>>) {add = true}
      %mul3A_1579 = arith.constant 16 : i32
      %mul3A_1580 = arith.muli %while3A_1143, %mul3A_1579 : i32
      %add3A_1581 = arith.addi %select_n3A, %mul3A_1580 : i32
      %dma_wait3A_1582 = arith.constant 5 : i32
      %dma_wait3A_1583 = arith.constant 0 : i32
      %dma_wait3A_1584 = tpu.memref_slice %arg7[%dma_wait3A_1582, %dma_wait3A_1583] : memref<8x64xi32, #tpu.memory_space<vmem>> -> memref<1x64xi32, #tpu.memory_space<vmem>>
      %dma_wait3A_1585 = tpu.memref_squeeze %dma_wait3A_1584 : memref<1x64xi32, #tpu.memory_space<vmem>> -> memref<64xi32, #tpu.memory_space<vmem>>
      %dma_wait3A_1586 = arith.constant 0 : i32
      %dma_wait3A_1587 = arith.constant 0 : i32
      %dma_wait3A_1588 = tpu.memref_slice %arg2[%dma_wait3A_1586, %dma_wait3A_1587] : memref<10240x128xf32, #tpu.memory_space<hbm>> -> memref<10240x128xf32, #tpu.memory_space<hbm>>
      tpu.wait_indirect_dma semaphore(%arg19 : memref<!tpu.dma_semaphore, #tpu.memory_space<semaphore_mem>>) src(%dma_wait3A_1588 : memref<10240x128xf32, #tpu.memory_space<hbm>>) dst(%arg15 : memref<64x128xf32, #tpu.memory_space<vmem>>)
      %dma_wait3A_1589 = arith.constant 5 : i32
      %dma_wait3A_1590 = arith.constant 0 : i32
      %dma_wait3A_1591 = tpu.memref_slice %arg9[%dma_wait3A_1589, %dma_wait3A_1590] : memref<8x64xi32, #tpu.memory_space<vmem>> -> memref<1x64xi32, #tpu.memory_space<vmem>>
      %dma_wait3A_1592 = tpu.memref_squeeze %dma_wait3A_1591 : memref<1x64xi32, #tpu.memory_space<vmem>> -> memref<64xi32, #tpu.memory_space<vmem>>
      %dma_wait3A_1593 = arith.constant 0 : i32
      %dma_wait3A_1594 = arith.constant 0 : i32
      %dma_wait3A_1595 = tpu.memref_slice %arg26[%dma_wait3A_1593, %dma_wait3A_1594] : memref<10240x128xf32, #tpu.memory_space<vmem_shared>> -> memref<10240x128xf32, #tpu.memory_space<vmem_shared>>
      tpu.wait_indirect_dma semaphore(%arg22 : memref<!tpu.dma_semaphore, #tpu.memory_space<semaphore_mem>>) src(%arg14 : memref<64x128xf32, #tpu.memory_space<vmem>>) dst(%dma_wait3A_1595 : memref<10240x128xf32, #tpu.memory_space<vmem_shared>>)
      %dma_wait3A_1596 = arith.constant 0 : i32
      %dma_wait3A_1597 = arith.constant 0 : i32
      %dma_wait3A_1598 = tpu.memref_slice %arg3[%dma_wait3A_1596, %dma_wait3A_1597] : memref<5120x64xi32, #tpu.memory_space<hbm>> -> memref<8x64xi32, #tpu.memory_space<hbm>>
      %dma_wait3A_1599 = arith.constant 0 : i32
      %dma_wait3A_1600 = arith.constant 0 : i32
      %dma_wait3A_1601 = tpu.memref_slice %arg3[%dma_wait3A_1599, %dma_wait3A_1600] : memref<5120x64xi32, #tpu.memory_space<hbm>> -> memref<8x64xi32, #tpu.memory_space<hbm>>
      tpu.wait_dma2 semaphore(%arg10 : memref<!tpu.dma_semaphore, #tpu.memory_space<semaphore_mem>>) src(%dma_wait3A_1601 : memref<8x64xi32, #tpu.memory_space<hbm>>) dst(%arg6 : memref<8x64xi32, #tpu.memory_space<vmem>>)
      %dma_wait3A_1602 = arith.constant 0 : i32
      %dma_wait3A_1603 = arith.constant 0 : i32
      %dma_wait3A_1604 = tpu.memref_slice %arg4[%dma_wait3A_1602, %dma_wait3A_1603] : memref<5120x64xi32, #tpu.memory_space<hbm>> -> memref<8x64xi32, #tpu.memory_space<hbm>>
      %dma_wait3A_1605 = arith.constant 0 : i32
      %dma_wait3A_1606 = arith.constant 0 : i32
      %dma_wait3A_1607 = tpu.memref_slice %arg4[%dma_wait3A_1605, %dma_wait3A_1606] : memref<5120x64xi32, #tpu.memory_space<hbm>> -> memref<8x64xi32, #tpu.memory_space<hbm>>
      tpu.wait_dma2 semaphore(%arg11 : memref<!tpu.dma_semaphore, #tpu.memory_space<semaphore_mem>>) src(%dma_wait3A_1607 : memref<8x64xi32, #tpu.memory_space<hbm>>) dst(%arg8 : memref<8x64xi32, #tpu.memory_space<vmem>>)
      %dma_start3A_1608 = arith.constant 0 : i32
      %dma_start3A_1609 = arith.constant 0 : i32
      %dma_start3A_1610 = tpu.memref_slice %arg6[%dma_start3A_1608, %dma_start3A_1609] : memref<8x64xi32, #tpu.memory_space<vmem>> -> memref<1x64xi32, #tpu.memory_space<vmem>>
      %dma_start3A_1611 = tpu.memref_squeeze %dma_start3A_1610 : memref<1x64xi32, #tpu.memory_space<vmem>> -> memref<64xi32, #tpu.memory_space<vmem>>
      %dma_start3A_1612 = arith.constant 0 : i32
      %dma_start3A_1613 = arith.constant 0 : i32
      %dma_start3A_1614 = tpu.memref_slice %arg2[%dma_start3A_1612, %dma_start3A_1613] : memref<10240x128xf32, #tpu.memory_space<hbm>> -> memref<10240x128xf32, #tpu.memory_space<hbm>>
      tpu.enqueue_indirect_dma source(%dma_start3A_1614 : memref<10240x128xf32, #tpu.memory_space<hbm>>) target(%arg14 : memref<64x128xf32, #tpu.memory_space<vmem>>) offsets(%dma_start3A_1611 : memref<64xi32, #tpu.memory_space<vmem>>) semaphore(%arg18 : memref<!tpu.dma_semaphore, #tpu.memory_space<semaphore_mem>>)
      %dma_start3A_1615 = arith.constant 5 : i32
      %dma_start3A_1616 = arith.constant 0 : i32
      %dma_start3A_1617 = tpu.memref_slice %arg9[%dma_start3A_1615, %dma_start3A_1616] : memref<8x64xi32, #tpu.memory_space<vmem>> -> memref<1x64xi32, #tpu.memory_space<vmem>>
      %dma_start3A_1618 = tpu.memref_squeeze %dma_start3A_1617 : memref<1x64xi32, #tpu.memory_space<vmem>> -> memref<64xi32, #tpu.memory_space<vmem>>
      %dma_start3A_1619 = arith.constant 0 : i32
      %dma_start3A_1620 = arith.constant 0 : i32
      %dma_start3A_1621 = tpu.memref_slice %arg26[%dma_start3A_1619, %dma_start3A_1620] : memref<10240x128xf32, #tpu.memory_space<vmem_shared>> -> memref<10240x128xf32, #tpu.memory_space<vmem_shared>>
      tpu.enqueue_indirect_dma source(%arg15 : memref<64x128xf32, #tpu.memory_space<vmem>>) target(%dma_start3A_1621 : memref<10240x128xf32, #tpu.memory_space<vmem_shared>>) offsets(%dma_start3A_1618 : memref<64xi32, #tpu.memory_space<vmem>>) semaphore(%arg23 : memref<!tpu.dma_semaphore, #tpu.memory_space<semaphore_mem>>) {add = true}
      %mul3A_1622 = arith.constant 16 : i32
      %mul3A_1623 = arith.muli %while3A_1143, %mul3A_1622 : i32
      %add3A_1624 = arith.addi %select_n3A, %mul3A_1623 : i32
      %dma_wait3A_1625 = arith.constant 6 : i32
      %dma_wait3A_1626 = arith.constant 0 : i32
      %dma_wait3A_1627 = tpu.memref_slice %arg7[%dma_wait3A_1625, %dma_wait3A_1626] : memref<8x64xi32, #tpu.memory_space<vmem>> -> memref<1x64xi32, #tpu.memory_space<vmem>>
      %dma_wait3A_1628 = tpu.memref_squeeze %dma_wait3A_1627 : memref<1x64xi32, #tpu.memory_space<vmem>> -> memref<64xi32, #tpu.memory_space<vmem>>
      %dma_wait3A_1629 = arith.constant 0 : i32
      %dma_wait3A_1630 = arith.constant 0 : i32
      %dma_wait3A_1631 = tpu.memref_slice %arg2[%dma_wait3A_1629, %dma_wait3A_1630] : memref<10240x128xf32, #tpu.memory_space<hbm>> -> memref<10240x128xf32, #tpu.memory_space<hbm>>
      tpu.wait_indirect_dma semaphore(%arg20 : memref<!tpu.dma_semaphore, #tpu.memory_space<semaphore_mem>>) src(%dma_wait3A_1631 : memref<10240x128xf32, #tpu.memory_space<hbm>>) dst(%arg16 : memref<64x128xf32, #tpu.memory_space<vmem>>)
      %dma_wait3A_1632 = arith.constant 6 : i32
      %dma_wait3A_1633 = arith.constant 0 : i32
      %dma_wait3A_1634 = tpu.memref_slice %arg9[%dma_wait3A_1632, %dma_wait3A_1633] : memref<8x64xi32, #tpu.memory_space<vmem>> -> memref<1x64xi32, #tpu.memory_space<vmem>>
      %dma_wait3A_1635 = tpu.memref_squeeze %dma_wait3A_1634 : memref<1x64xi32, #tpu.memory_space<vmem>> -> memref<64xi32, #tpu.memory_space<vmem>>
      %dma_wait3A_1636 = arith.constant 0 : i32
      %dma_wait3A_1637 = arith.constant 0 : i32
      %dma_wait3A_1638 = tpu.memref_slice %arg26[%dma_wait3A_1636, %dma_wait3A_1637] : memref<10240x128xf32, #tpu.memory_space<vmem_shared>> -> memref<10240x128xf32, #tpu.memory_space<vmem_shared>>
      tpu.wait_indirect_dma semaphore(%arg23 : memref<!tpu.dma_semaphore, #tpu.memory_space<semaphore_mem>>) src(%arg15 : memref<64x128xf32, #tpu.memory_space<vmem>>) dst(%dma_wait3A_1638 : memref<10240x128xf32, #tpu.memory_space<vmem_shared>>)
      %dma_start3A_1639 = arith.constant 1 : i32
      %dma_start3A_1640 = arith.constant 0 : i32
      %dma_start3A_1641 = tpu.memref_slice %arg6[%dma_start3A_1639, %dma_start3A_1640] : memref<8x64xi32, #tpu.memory_space<vmem>> -> memref<1x64xi32, #tpu.memory_space<vmem>>
      %dma_start3A_1642 = tpu.memref_squeeze %dma_start3A_1641 : memref<1x64xi32, #tpu.memory_space<vmem>> -> memref<64xi32, #tpu.memory_space<vmem>>
      %dma_start3A_1643 = arith.constant 0 : i32
      %dma_start3A_1644 = arith.constant 0 : i32
      %dma_start3A_1645 = tpu.memref_slice %arg2[%dma_start3A_1643, %dma_start3A_1644] : memref<10240x128xf32, #tpu.memory_space<hbm>> -> memref<10240x128xf32, #tpu.memory_space<hbm>>
      tpu.enqueue_indirect_dma source(%dma_start3A_1645 : memref<10240x128xf32, #tpu.memory_space<hbm>>) target(%arg15 : memref<64x128xf32, #tpu.memory_space<vmem>>) offsets(%dma_start3A_1642 : memref<64xi32, #tpu.memory_space<vmem>>) semaphore(%arg19 : memref<!tpu.dma_semaphore, #tpu.memory_space<semaphore_mem>>)
      %dma_start3A_1646 = arith.constant 6 : i32
      %dma_start3A_1647 = arith.constant 0 : i32
      %dma_start3A_1648 = tpu.memref_slice %arg9[%dma_start3A_1646, %dma_start3A_1647] : memref<8x64xi32, #tpu.memory_space<vmem>> -> memref<1x64xi32, #tpu.memory_space<vmem>>
      %dma_start3A_1649 = tpu.memref_squeeze %dma_start3A_1648 : memref<1x64xi32, #tpu.memory_space<vmem>> -> memref<64xi32, #tpu.memory_space<vmem>>
      %dma_start3A_1650 = arith.constant 0 : i32
      %dma_start3A_1651 = arith.constant 0 : i32
      %dma_start3A_1652 = tpu.memref_slice %arg26[%dma_start3A_1650, %dma_start3A_1651] : memref<10240x128xf32, #tpu.memory_space<vmem_shared>> -> memref<10240x128xf32, #tpu.memory_space<vmem_shared>>
      tpu.enqueue_indirect_dma source(%arg16 : memref<64x128xf32, #tpu.memory_space<vmem>>) target(%dma_start3A_1652 : memref<10240x128xf32, #tpu.memory_space<vmem_shared>>) offsets(%dma_start3A_1649 : memref<64xi32, #tpu.memory_space<vmem>>) semaphore(%arg24 : memref<!tpu.dma_semaphore, #tpu.memory_space<semaphore_mem>>) {add = true}
      %mul3A_1653 = arith.constant 16 : i32
      %mul3A_1654 = arith.muli %while3A_1143, %mul3A_1653 : i32
      %add3A_1655 = arith.addi %select_n3A, %mul3A_1654 : i32
      %dma_wait3A_1656 = arith.constant 7 : i32
      %dma_wait3A_1657 = arith.constant 0 : i32
      %dma_wait3A_1658 = tpu.memref_slice %arg7[%dma_wait3A_1656, %dma_wait3A_1657] : memref<8x64xi32, #tpu.memory_space<vmem>> -> memref<1x64xi32, #tpu.memory_space<vmem>>
      %dma_wait3A_1659 = tpu.memref_squeeze %dma_wait3A_1658 : memref<1x64xi32, #tpu.memory_space<vmem>> -> memref<64xi32, #tpu.memory_space<vmem>>
      %dma_wait3A_1660 = arith.constant 0 : i32
      %dma_wait3A_1661 = arith.constant 0 : i32
      %dma_wait3A_1662 = tpu.memref_slice %arg2[%dma_wait3A_1660, %dma_wait3A_1661] : memref<10240x128xf32, #tpu.memory_space<hbm>> -> memref<10240x128xf32, #tpu.memory_space<hbm>>
      tpu.wait_indirect_dma semaphore(%arg21 : memref<!tpu.dma_semaphore, #tpu.memory_space<semaphore_mem>>) src(%dma_wait3A_1662 : memref<10240x128xf32, #tpu.memory_space<hbm>>) dst(%arg17 : memref<64x128xf32, #tpu.memory_space<vmem>>)
      %dma_wait3A_1663 = arith.constant 7 : i32
      %dma_wait3A_1664 = arith.constant 0 : i32
      %dma_wait3A_1665 = tpu.memref_slice %arg9[%dma_wait3A_1663, %dma_wait3A_1664] : memref<8x64xi32, #tpu.memory_space<vmem>> -> memref<1x64xi32, #tpu.memory_space<vmem>>
      %dma_wait3A_1666 = tpu.memref_squeeze %dma_wait3A_1665 : memref<1x64xi32, #tpu.memory_space<vmem>> -> memref<64xi32, #tpu.memory_space<vmem>>
      %dma_wait3A_1667 = arith.constant 0 : i32
      %dma_wait3A_1668 = arith.constant 0 : i32
      %dma_wait3A_1669 = tpu.memref_slice %arg26[%dma_wait3A_1667, %dma_wait3A_1668] : memref<10240x128xf32, #tpu.memory_space<vmem_shared>> -> memref<10240x128xf32, #tpu.memory_space<vmem_shared>>
      tpu.wait_indirect_dma semaphore(%arg24 : memref<!tpu.dma_semaphore, #tpu.memory_space<semaphore_mem>>) src(%arg16 : memref<64x128xf32, #tpu.memory_space<vmem>>) dst(%dma_wait3A_1669 : memref<10240x128xf32, #tpu.memory_space<vmem_shared>>)
      %dma_start3A_1670 = arith.constant 2 : i32
      %dma_start3A_1671 = arith.constant 0 : i32
      %dma_start3A_1672 = tpu.memref_slice %arg6[%dma_start3A_1670, %dma_start3A_1671] : memref<8x64xi32, #tpu.memory_space<vmem>> -> memref<1x64xi32, #tpu.memory_space<vmem>>
      %dma_start3A_1673 = tpu.memref_squeeze %dma_start3A_1672 : memref<1x64xi32, #tpu.memory_space<vmem>> -> memref<64xi32, #tpu.memory_space<vmem>>
      %dma_start3A_1674 = arith.constant 0 : i32
      %dma_start3A_1675 = arith.constant 0 : i32
      %dma_start3A_1676 = tpu.memref_slice %arg2[%dma_start3A_1674, %dma_start3A_1675] : memref<10240x128xf32, #tpu.memory_space<hbm>> -> memref<10240x128xf32, #tpu.memory_space<hbm>>
      tpu.enqueue_indirect_dma source(%dma_start3A_1676 : memref<10240x128xf32, #tpu.memory_space<hbm>>) target(%arg16 : memref<64x128xf32, #tpu.memory_space<vmem>>) offsets(%dma_start3A_1673 : memref<64xi32, #tpu.memory_space<vmem>>) semaphore(%arg20 : memref<!tpu.dma_semaphore, #tpu.memory_space<semaphore_mem>>)
      %dma_start3A_1677 = arith.constant 7 : i32
      %dma_start3A_1678 = arith.constant 0 : i32
      %dma_start3A_1679 = tpu.memref_slice %arg9[%dma_start3A_1677, %dma_start3A_1678] : memref<8x64xi32, #tpu.memory_space<vmem>> -> memref<1x64xi32, #tpu.memory_space<vmem>>
      %dma_start3A_1680 = tpu.memref_squeeze %dma_start3A_1679 : memref<1x64xi32, #tpu.memory_space<vmem>> -> memref<64xi32, #tpu.memory_space<vmem>>
      %dma_start3A_1681 = arith.constant 0 : i32
      %dma_start3A_1682 = arith.constant 0 : i32
      %dma_start3A_1683 = tpu.memref_slice %arg26[%dma_start3A_1681, %dma_start3A_1682] : memref<10240x128xf32, #tpu.memory_space<vmem_shared>> -> memref<10240x128xf32, #tpu.memory_space<vmem_shared>>
      tpu.enqueue_indirect_dma source(%arg17 : memref<64x128xf32, #tpu.memory_space<vmem>>) target(%dma_start3A_1683 : memref<10240x128xf32, #tpu.memory_space<vmem_shared>>) offsets(%dma_start3A_1680 : memref<64xi32, #tpu.memory_space<vmem>>) semaphore(%arg25 : memref<!tpu.dma_semaphore, #tpu.memory_space<semaphore_mem>>) {add = true}
    }
    %sub3A_566 = arith.constant 1 : i32
    %sub3A_567 = arith.subi %select_n3A_51, %sub3A_566 : i32
    %mul3A_568 = arith.constant 16 : i32
    %mul3A_569 = arith.muli %sub3A_567, %mul3A_568 : i32
    %add3A_570 = arith.addi %select_n3A, %mul3A_569 : i32
    %dma_wait3A_571 = arith.constant 0 : i32
    %dma_wait3A_572 = arith.constant 0 : i32
    %dma_wait3A_573 = tpu.memref_slice %arg6[%dma_wait3A_571, %dma_wait3A_572] : memref<8x64xi32, #tpu.memory_space<vmem>> -> memref<1x64xi32, #tpu.memory_space<vmem>>
    %dma_wait3A_574 = tpu.memref_squeeze %dma_wait3A_573 : memref<1x64xi32, #tpu.memory_space<vmem>> -> memref<64xi32, #tpu.memory_space<vmem>>
    %dma_wait3A_575 = arith.constant 0 : i32
    %dma_wait3A_576 = arith.constant 0 : i32
    %dma_wait3A_577 = tpu.memref_slice %arg2[%dma_wait3A_575, %dma_wait3A_576] : memref<10240x128xf32, #tpu.memory_space<hbm>> -> memref<10240x128xf32, #tpu.memory_space<hbm>>
    tpu.wait_indirect_dma semaphore(%arg18 : memref<!tpu.dma_semaphore, #tpu.memory_space<semaphore_mem>>) src(%dma_wait3A_577 : memref<10240x128xf32, #tpu.memory_space<hbm>>) dst(%arg14 : memref<64x128xf32, #tpu.memory_space<vmem>>)
    %dma_wait3A_578 = arith.constant 0 : i32
    %dma_wait3A_579 = arith.constant 0 : i32
    %dma_wait3A_580 = tpu.memref_slice %arg8[%dma_wait3A_578, %dma_wait3A_579] : memref<8x64xi32, #tpu.memory_space<vmem>> -> memref<1x64xi32, #tpu.memory_space<vmem>>
    %dma_wait3A_581 = tpu.memref_squeeze %dma_wait3A_580 : memref<1x64xi32, #tpu.memory_space<vmem>> -> memref<64xi32, #tpu.memory_space<vmem>>
    %dma_wait3A_582 = arith.constant 0 : i32
    %dma_wait3A_583 = arith.constant 0 : i32
    %dma_wait3A_584 = tpu.memref_slice %arg26[%dma_wait3A_582, %dma_wait3A_583] : memref<10240x128xf32, #tpu.memory_space<vmem_shared>> -> memref<10240x128xf32, #tpu.memory_space<vmem_shared>>
    tpu.wait_indirect_dma semaphore(%arg25 : memref<!tpu.dma_semaphore, #tpu.memory_space<semaphore_mem>>) src(%arg17 : memref<64x128xf32, #tpu.memory_space<vmem>>) dst(%dma_wait3A_584 : memref<10240x128xf32, #tpu.memory_space<vmem_shared>>)
    %dma_start3A_585 = arith.constant 3 : i32
    %dma_start3A_586 = arith.constant 0 : i32
    %dma_start3A_587 = tpu.memref_slice %arg6[%dma_start3A_585, %dma_start3A_586] : memref<8x64xi32, #tpu.memory_space<vmem>> -> memref<1x64xi32, #tpu.memory_space<vmem>>
    %dma_start3A_588 = tpu.memref_squeeze %dma_start3A_587 : memref<1x64xi32, #tpu.memory_space<vmem>> -> memref<64xi32, #tpu.memory_space<vmem>>
    %dma_start3A_589 = arith.constant 0 : i32
    %dma_start3A_590 = arith.constant 0 : i32
    %dma_start3A_591 = tpu.memref_slice %arg2[%dma_start3A_589, %dma_start3A_590] : memref<10240x128xf32, #tpu.memory_space<hbm>> -> memref<10240x128xf32, #tpu.memory_space<hbm>>
    tpu.enqueue_indirect_dma source(%dma_start3A_591 : memref<10240x128xf32, #tpu.memory_space<hbm>>) target(%arg17 : memref<64x128xf32, #tpu.memory_space<vmem>>) offsets(%dma_start3A_588 : memref<64xi32, #tpu.memory_space<vmem>>) semaphore(%arg21 : memref<!tpu.dma_semaphore, #tpu.memory_space<semaphore_mem>>)
    %dma_start3A_592 = arith.constant 0 : i32
    %dma_start3A_593 = arith.constant 0 : i32
    %dma_start3A_594 = tpu.memref_slice %arg8[%dma_start3A_592, %dma_start3A_593] : memref<8x64xi32, #tpu.memory_space<vmem>> -> memref<1x64xi32, #tpu.memory_space<vmem>>
    %dma_start3A_595 = tpu.memref_squeeze %dma_start3A_594 : memref<1x64xi32, #tpu.memory_space<vmem>> -> memref<64xi32, #tpu.memory_space<vmem>>
    %dma_start3A_596 = arith.constant 0 : i32
    %dma_start3A_597 = arith.constant 0 : i32
    %dma_start3A_598 = tpu.memref_slice %arg26[%dma_start3A_596, %dma_start3A_597] : memref<10240x128xf32, #tpu.memory_space<vmem_shared>> -> memref<10240x128xf32, #tpu.memory_space<vmem_shared>>
    tpu.enqueue_indirect_dma source(%arg14 : memref<64x128xf32, #tpu.memory_space<vmem>>) target(%dma_start3A_598 : memref<10240x128xf32, #tpu.memory_space<vmem_shared>>) offsets(%dma_start3A_595 : memref<64xi32, #tpu.memory_space<vmem>>) semaphore(%arg22 : memref<!tpu.dma_semaphore, #tpu.memory_space<semaphore_mem>>) {add = true}
    %sub3A_599 = arith.constant 1 : i32
    %sub3A_600 = arith.subi %select_n3A_51, %sub3A_599 : i32
    %mul3A_601 = arith.constant 16 : i32
    %mul3A_602 = arith.muli %sub3A_600, %mul3A_601 : i32
    %add3A_603 = arith.addi %select_n3A, %mul3A_602 : i32
    %dma_wait3A_604 = arith.constant 1 : i32
    %dma_wait3A_605 = arith.constant 0 : i32
    %dma_wait3A_606 = tpu.memref_slice %arg6[%dma_wait3A_604, %dma_wait3A_605] : memref<8x64xi32, #tpu.memory_space<vmem>> -> memref<1x64xi32, #tpu.memory_space<vmem>>
    %dma_wait3A_607 = tpu.memref_squeeze %dma_wait3A_606 : memref<1x64xi32, #tpu.memory_space<vmem>> -> memref<64xi32, #tpu.memory_space<vmem>>
    %dma_wait3A_608 = arith.constant 0 : i32
    %dma_wait3A_609 = arith.constant 0 : i32
    %dma_wait3A_610 = tpu.memref_slice %arg2[%dma_wait3A_608, %dma_wait3A_609] : memref<10240x128xf32, #tpu.memory_space<hbm>> -> memref<10240x128xf32, #tpu.memory_space<hbm>>
    tpu.wait_indirect_dma semaphore(%arg19 : memref<!tpu.dma_semaphore, #tpu.memory_space<semaphore_mem>>) src(%dma_wait3A_610 : memref<10240x128xf32, #tpu.memory_space<hbm>>) dst(%arg15 : memref<64x128xf32, #tpu.memory_space<vmem>>)
    %dma_wait3A_611 = arith.constant 1 : i32
    %dma_wait3A_612 = arith.constant 0 : i32
    %dma_wait3A_613 = tpu.memref_slice %arg8[%dma_wait3A_611, %dma_wait3A_612] : memref<8x64xi32, #tpu.memory_space<vmem>> -> memref<1x64xi32, #tpu.memory_space<vmem>>
    %dma_wait3A_614 = tpu.memref_squeeze %dma_wait3A_613 : memref<1x64xi32, #tpu.memory_space<vmem>> -> memref<64xi32, #tpu.memory_space<vmem>>
    %dma_wait3A_615 = arith.constant 0 : i32
    %dma_wait3A_616 = arith.constant 0 : i32
    %dma_wait3A_617 = tpu.memref_slice %arg26[%dma_wait3A_615, %dma_wait3A_616] : memref<10240x128xf32, #tpu.memory_space<vmem_shared>> -> memref<10240x128xf32, #tpu.memory_space<vmem_shared>>
    tpu.wait_indirect_dma semaphore(%arg22 : memref<!tpu.dma_semaphore, #tpu.memory_space<semaphore_mem>>) src(%arg14 : memref<64x128xf32, #tpu.memory_space<vmem>>) dst(%dma_wait3A_617 : memref<10240x128xf32, #tpu.memory_space<vmem_shared>>)
    %add3A_618 = arith.constant 8 : i32
    %add3A_619 = arith.addi %add3A_603, %add3A_618 : i32
    %dma_start3A_620 = arith.constant 0 : i32
    %dma_start3A_621 = tpu.memref_slice %arg3[%add3A_619, %dma_start3A_620] : memref<5120x64xi32, #tpu.memory_space<hbm>> -> memref<8x64xi32, #tpu.memory_space<hbm>>
    %dma_start3A_622 = arith.constant 0 : i32
    %dma_start3A_623 = tpu.memref_slice %arg3[%add3A_619, %dma_start3A_622] : memref<5120x64xi32, #tpu.memory_space<hbm>> -> memref<8x64xi32, #tpu.memory_space<hbm>>
    tpu.enqueue_dma source(%dma_start3A_623 : memref<8x64xi32, #tpu.memory_space<hbm>>) target(%arg7 : memref<8x64xi32, #tpu.memory_space<vmem>>) target_semaphore(%arg12 : memref<!tpu.dma_semaphore, #tpu.memory_space<semaphore_mem>>)
    %dma_start3A_624 = arith.constant 0 : i32
    %dma_start3A_625 = tpu.memref_slice %arg4[%add3A_619, %dma_start3A_624] : memref<5120x64xi32, #tpu.memory_space<hbm>> -> memref<8x64xi32, #tpu.memory_space<hbm>>
    %dma_start3A_626 = arith.constant 0 : i32
    %dma_start3A_627 = tpu.memref_slice %arg4[%add3A_619, %dma_start3A_626] : memref<5120x64xi32, #tpu.memory_space<hbm>> -> memref<8x64xi32, #tpu.memory_space<hbm>>
    tpu.enqueue_dma source(%dma_start3A_627 : memref<8x64xi32, #tpu.memory_space<hbm>>) target(%arg9 : memref<8x64xi32, #tpu.memory_space<vmem>>) target_semaphore(%arg13 : memref<!tpu.dma_semaphore, #tpu.memory_space<semaphore_mem>>)
    %dma_start3A_628 = arith.constant 4 : i32
    %dma_start3A_629 = arith.constant 0 : i32
    %dma_start3A_630 = tpu.memref_slice %arg6[%dma_start3A_628, %dma_start3A_629] : memref<8x64xi32, #tpu.memory_space<vmem>> -> memref<1x64xi32, #tpu.memory_space<vmem>>
    %dma_start3A_631 = tpu.memref_squeeze %dma_start3A_630 : memref<1x64xi32, #tpu.memory_space<vmem>> -> memref<64xi32, #tpu.memory_space<vmem>>
    %dma_start3A_632 = arith.constant 0 : i32
    %dma_start3A_633 = arith.constant 0 : i32
    %dma_start3A_634 = tpu.memref_slice %arg2[%dma_start3A_632, %dma_start3A_633] : memref<10240x128xf32, #tpu.memory_space<hbm>> -> memref<10240x128xf32, #tpu.memory_space<hbm>>
    tpu.enqueue_indirect_dma source(%dma_start3A_634 : memref<10240x128xf32, #tpu.memory_space<hbm>>) target(%arg14 : memref<64x128xf32, #tpu.memory_space<vmem>>) offsets(%dma_start3A_631 : memref<64xi32, #tpu.memory_space<vmem>>) semaphore(%arg18 : memref<!tpu.dma_semaphore, #tpu.memory_space<semaphore_mem>>)
    %dma_start3A_635 = arith.constant 1 : i32
    %dma_start3A_636 = arith.constant 0 : i32
    %dma_start3A_637 = tpu.memref_slice %arg8[%dma_start3A_635, %dma_start3A_636] : memref<8x64xi32, #tpu.memory_space<vmem>> -> memref<1x64xi32, #tpu.memory_space<vmem>>
    %dma_start3A_638 = tpu.memref_squeeze %dma_start3A_637 : memref<1x64xi32, #tpu.memory_space<vmem>> -> memref<64xi32, #tpu.memory_space<vmem>>
    %dma_start3A_639 = arith.constant 0 : i32
    %dma_start3A_640 = arith.constant 0 : i32
    %dma_start3A_641 = tpu.memref_slice %arg26[%dma_start3A_639, %dma_start3A_640] : memref<10240x128xf32, #tpu.memory_space<vmem_shared>> -> memref<10240x128xf32, #tpu.memory_space<vmem_shared>>
    tpu.enqueue_indirect_dma source(%arg15 : memref<64x128xf32, #tpu.memory_space<vmem>>) target(%dma_start3A_641 : memref<10240x128xf32, #tpu.memory_space<vmem_shared>>) offsets(%dma_start3A_638 : memref<64xi32, #tpu.memory_space<vmem>>) semaphore(%arg23 : memref<!tpu.dma_semaphore, #tpu.memory_space<semaphore_mem>>) {add = true}
    %sub3A_642 = arith.constant 1 : i32
    %sub3A_643 = arith.subi %select_n3A_51, %sub3A_642 : i32
    %mul3A_644 = arith.constant 16 : i32
    %mul3A_645 = arith.muli %sub3A_643, %mul3A_644 : i32
    %add3A_646 = arith.addi %select_n3A, %mul3A_645 : i32
    %dma_wait3A_647 = arith.constant 2 : i32
    %dma_wait3A_648 = arith.constant 0 : i32
    %dma_wait3A_649 = tpu.memref_slice %arg6[%dma_wait3A_647, %dma_wait3A_648] : memref<8x64xi32, #tpu.memory_space<vmem>> -> memref<1x64xi32, #tpu.memory_space<vmem>>
    %dma_wait3A_650 = tpu.memref_squeeze %dma_wait3A_649 : memref<1x64xi32, #tpu.memory_space<vmem>> -> memref<64xi32, #tpu.memory_space<vmem>>
    %dma_wait3A_651 = arith.constant 0 : i32
    %dma_wait3A_652 = arith.constant 0 : i32
    %dma_wait3A_653 = tpu.memref_slice %arg2[%dma_wait3A_651, %dma_wait3A_652] : memref<10240x128xf32, #tpu.memory_space<hbm>> -> memref<10240x128xf32, #tpu.memory_space<hbm>>
    tpu.wait_indirect_dma semaphore(%arg20 : memref<!tpu.dma_semaphore, #tpu.memory_space<semaphore_mem>>) src(%dma_wait3A_653 : memref<10240x128xf32, #tpu.memory_space<hbm>>) dst(%arg16 : memref<64x128xf32, #tpu.memory_space<vmem>>)
    %dma_wait3A_654 = arith.constant 2 : i32
    %dma_wait3A_655 = arith.constant 0 : i32
    %dma_wait3A_656 = tpu.memref_slice %arg8[%dma_wait3A_654, %dma_wait3A_655] : memref<8x64xi32, #tpu.memory_space<vmem>> -> memref<1x64xi32, #tpu.memory_space<vmem>>
    %dma_wait3A_657 = tpu.memref_squeeze %dma_wait3A_656 : memref<1x64xi32, #tpu.memory_space<vmem>> -> memref<64xi32, #tpu.memory_space<vmem>>
    %dma_wait3A_658 = arith.constant 0 : i32
    %dma_wait3A_659 = arith.constant 0 : i32
    %dma_wait3A_660 = tpu.memref_slice %arg26[%dma_wait3A_658, %dma_wait3A_659] : memref<10240x128xf32, #tpu.memory_space<vmem_shared>> -> memref<10240x128xf32, #tpu.memory_space<vmem_shared>>
    tpu.wait_indirect_dma semaphore(%arg23 : memref<!tpu.dma_semaphore, #tpu.memory_space<semaphore_mem>>) src(%arg15 : memref<64x128xf32, #tpu.memory_space<vmem>>) dst(%dma_wait3A_660 : memref<10240x128xf32, #tpu.memory_space<vmem_shared>>)
    %dma_start3A_661 = arith.constant 5 : i32
    %dma_start3A_662 = arith.constant 0 : i32
    %dma_start3A_663 = tpu.memref_slice %arg6[%dma_start3A_661, %dma_start3A_662] : memref<8x64xi32, #tpu.memory_space<vmem>> -> memref<1x64xi32, #tpu.memory_space<vmem>>
    %dma_start3A_664 = tpu.memref_squeeze %dma_start3A_663 : memref<1x64xi32, #tpu.memory_space<vmem>> -> memref<64xi32, #tpu.memory_space<vmem>>
    %dma_start3A_665 = arith.constant 0 : i32
    %dma_start3A_666 = arith.constant 0 : i32
    %dma_start3A_667 = tpu.memref_slice %arg2[%dma_start3A_665, %dma_start3A_666] : memref<10240x128xf32, #tpu.memory_space<hbm>> -> memref<10240x128xf32, #tpu.memory_space<hbm>>
    tpu.enqueue_indirect_dma source(%dma_start3A_667 : memref<10240x128xf32, #tpu.memory_space<hbm>>) target(%arg15 : memref<64x128xf32, #tpu.memory_space<vmem>>) offsets(%dma_start3A_664 : memref<64xi32, #tpu.memory_space<vmem>>) semaphore(%arg19 : memref<!tpu.dma_semaphore, #tpu.memory_space<semaphore_mem>>)
    %dma_start3A_668 = arith.constant 2 : i32
    %dma_start3A_669 = arith.constant 0 : i32
    %dma_start3A_670 = tpu.memref_slice %arg8[%dma_start3A_668, %dma_start3A_669] : memref<8x64xi32, #tpu.memory_space<vmem>> -> memref<1x64xi32, #tpu.memory_space<vmem>>
    %dma_start3A_671 = tpu.memref_squeeze %dma_start3A_670 : memref<1x64xi32, #tpu.memory_space<vmem>> -> memref<64xi32, #tpu.memory_space<vmem>>
    %dma_start3A_672 = arith.constant 0 : i32
    %dma_start3A_673 = arith.constant 0 : i32
    %dma_start3A_674 = tpu.memref_slice %arg26[%dma_start3A_672, %dma_start3A_673] : memref<10240x128xf32, #tpu.memory_space<vmem_shared>> -> memref<10240x128xf32, #tpu.memory_space<vmem_shared>>
    tpu.enqueue_indirect_dma source(%arg16 : memref<64x128xf32, #tpu.memory_space<vmem>>) target(%dma_start3A_674 : memref<10240x128xf32, #tpu.memory_space<vmem_shared>>) offsets(%dma_start3A_671 : memref<64xi32, #tpu.memory_space<vmem>>) semaphore(%arg24 : memref<!tpu.dma_semaphore, #tpu.memory_space<semaphore_mem>>) {add = true}
    %sub3A_675 = arith.constant 1 : i32
    %sub3A_676 = arith.subi %select_n3A_51, %sub3A_675 : i32
    %mul3A_677 = arith.constant 16 : i32
    %mul3A_678 = arith.muli %sub3A_676, %mul3A_677 : i32
    %add3A_679 = arith.addi %select_n3A, %mul3A_678 : i32
    %dma_wait3A_680 = arith.constant 3 : i32
    %dma_wait3A_681 = arith.constant 0 : i32
    %dma_wait3A_682 = tpu.memref_slice %arg6[%dma_wait3A_680, %dma_wait3A_681] : memref<8x64xi32, #tpu.memory_space<vmem>> -> memref<1x64xi32, #tpu.memory_space<vmem>>
    %dma_wait3A_683 = tpu.memref_squeeze %dma_wait3A_682 : memref<1x64xi32, #tpu.memory_space<vmem>> -> memref<64xi32, #tpu.memory_space<vmem>>
    %dma_wait3A_684 = arith.constant 0 : i32
    %dma_wait3A_685 = arith.constant 0 : i32
    %dma_wait3A_686 = tpu.memref_slice %arg2[%dma_wait3A_684, %dma_wait3A_685] : memref<10240x128xf32, #tpu.memory_space<hbm>> -> memref<10240x128xf32, #tpu.memory_space<hbm>>
    tpu.wait_indirect_dma semaphore(%arg21 : memref<!tpu.dma_semaphore, #tpu.memory_space<semaphore_mem>>) src(%dma_wait3A_686 : memref<10240x128xf32, #tpu.memory_space<hbm>>) dst(%arg17 : memref<64x128xf32, #tpu.memory_space<vmem>>)
    %dma_wait3A_687 = arith.constant 3 : i32
    %dma_wait3A_688 = arith.constant 0 : i32
    %dma_wait3A_689 = tpu.memref_slice %arg8[%dma_wait3A_687, %dma_wait3A_688] : memref<8x64xi32, #tpu.memory_space<vmem>> -> memref<1x64xi32, #tpu.memory_space<vmem>>
    %dma_wait3A_690 = tpu.memref_squeeze %dma_wait3A_689 : memref<1x64xi32, #tpu.memory_space<vmem>> -> memref<64xi32, #tpu.memory_space<vmem>>
    %dma_wait3A_691 = arith.constant 0 : i32
    %dma_wait3A_692 = arith.constant 0 : i32
    %dma_wait3A_693 = tpu.memref_slice %arg26[%dma_wait3A_691, %dma_wait3A_692] : memref<10240x128xf32, #tpu.memory_space<vmem_shared>> -> memref<10240x128xf32, #tpu.memory_space<vmem_shared>>
    tpu.wait_indirect_dma semaphore(%arg24 : memref<!tpu.dma_semaphore, #tpu.memory_space<semaphore_mem>>) src(%arg16 : memref<64x128xf32, #tpu.memory_space<vmem>>) dst(%dma_wait3A_693 : memref<10240x128xf32, #tpu.memory_space<vmem_shared>>)
    %dma_start3A_694 = arith.constant 6 : i32
    %dma_start3A_695 = arith.constant 0 : i32
    %dma_start3A_696 = tpu.memref_slice %arg6[%dma_start3A_694, %dma_start3A_695] : memref<8x64xi32, #tpu.memory_space<vmem>> -> memref<1x64xi32, #tpu.memory_space<vmem>>
    %dma_start3A_697 = tpu.memref_squeeze %dma_start3A_696 : memref<1x64xi32, #tpu.memory_space<vmem>> -> memref<64xi32, #tpu.memory_space<vmem>>
    %dma_start3A_698 = arith.constant 0 : i32
    %dma_start3A_699 = arith.constant 0 : i32
    %dma_start3A_700 = tpu.memref_slice %arg2[%dma_start3A_698, %dma_start3A_699] : memref<10240x128xf32, #tpu.memory_space<hbm>> -> memref<10240x128xf32, #tpu.memory_space<hbm>>
    tpu.enqueue_indirect_dma source(%dma_start3A_700 : memref<10240x128xf32, #tpu.memory_space<hbm>>) target(%arg16 : memref<64x128xf32, #tpu.memory_space<vmem>>) offsets(%dma_start3A_697 : memref<64xi32, #tpu.memory_space<vmem>>) semaphore(%arg20 : memref<!tpu.dma_semaphore, #tpu.memory_space<semaphore_mem>>)
    %dma_start3A_701 = arith.constant 3 : i32
    %dma_start3A_702 = arith.constant 0 : i32
    %dma_start3A_703 = tpu.memref_slice %arg8[%dma_start3A_701, %dma_start3A_702] : memref<8x64xi32, #tpu.memory_space<vmem>> -> memref<1x64xi32, #tpu.memory_space<vmem>>
    %dma_start3A_704 = tpu.memref_squeeze %dma_start3A_703 : memref<1x64xi32, #tpu.memory_space<vmem>> -> memref<64xi32, #tpu.memory_space<vmem>>
    %dma_start3A_705 = arith.constant 0 : i32
    %dma_start3A_706 = arith.constant 0 : i32
    %dma_start3A_707 = tpu.memref_slice %arg26[%dma_start3A_705, %dma_start3A_706] : memref<10240x128xf32, #tpu.memory_space<vmem_shared>> -> memref<10240x128xf32, #tpu.memory_space<vmem_shared>>
    tpu.enqueue_indirect_dma source(%arg17 : memref<64x128xf32, #tpu.memory_space<vmem>>) target(%dma_start3A_707 : memref<10240x128xf32, #tpu.memory_space<vmem_shared>>) offsets(%dma_start3A_704 : memref<64xi32, #tpu.memory_space<vmem>>) semaphore(%arg25 : memref<!tpu.dma_semaphore, #tpu.memory_space<semaphore_mem>>) {add = true}
    %sub3A_708 = arith.constant 1 : i32
    %sub3A_709 = arith.subi %select_n3A_51, %sub3A_708 : i32
    %mul3A_710 = arith.constant 16 : i32
    %mul3A_711 = arith.muli %sub3A_709, %mul3A_710 : i32
    %add3A_712 = arith.addi %select_n3A, %mul3A_711 : i32
    %dma_wait3A_713 = arith.constant 4 : i32
    %dma_wait3A_714 = arith.constant 0 : i32
    %dma_wait3A_715 = tpu.memref_slice %arg6[%dma_wait3A_713, %dma_wait3A_714] : memref<8x64xi32, #tpu.memory_space<vmem>> -> memref<1x64xi32, #tpu.memory_space<vmem>>
    %dma_wait3A_716 = tpu.memref_squeeze %dma_wait3A_715 : memref<1x64xi32, #tpu.memory_space<vmem>> -> memref<64xi32, #tpu.memory_space<vmem>>
    %dma_wait3A_717 = arith.constant 0 : i32
    %dma_wait3A_718 = arith.constant 0 : i32
    %dma_wait3A_719 = tpu.memref_slice %arg2[%dma_wait3A_717, %dma_wait3A_718] : memref<10240x128xf32, #tpu.memory_space<hbm>> -> memref<10240x128xf32, #tpu.memory_space<hbm>>
    tpu.wait_indirect_dma semaphore(%arg18 : memref<!tpu.dma_semaphore, #tpu.memory_space<semaphore_mem>>) src(%dma_wait3A_719 : memref<10240x128xf32, #tpu.memory_space<hbm>>) dst(%arg14 : memref<64x128xf32, #tpu.memory_space<vmem>>)
    %dma_wait3A_720 = arith.constant 4 : i32
    %dma_wait3A_721 = arith.constant 0 : i32
    %dma_wait3A_722 = tpu.memref_slice %arg8[%dma_wait3A_720, %dma_wait3A_721] : memref<8x64xi32, #tpu.memory_space<vmem>> -> memref<1x64xi32, #tpu.memory_space<vmem>>
    %dma_wait3A_723 = tpu.memref_squeeze %dma_wait3A_722 : memref<1x64xi32, #tpu.memory_space<vmem>> -> memref<64xi32, #tpu.memory_space<vmem>>
    %dma_wait3A_724 = arith.constant 0 : i32
    %dma_wait3A_725 = arith.constant 0 : i32
    %dma_wait3A_726 = tpu.memref_slice %arg26[%dma_wait3A_724, %dma_wait3A_725] : memref<10240x128xf32, #tpu.memory_space<vmem_shared>> -> memref<10240x128xf32, #tpu.memory_space<vmem_shared>>
    tpu.wait_indirect_dma semaphore(%arg25 : memref<!tpu.dma_semaphore, #tpu.memory_space<semaphore_mem>>) src(%arg17 : memref<64x128xf32, #tpu.memory_space<vmem>>) dst(%dma_wait3A_726 : memref<10240x128xf32, #tpu.memory_space<vmem_shared>>)
    %dma_start3A_727 = arith.constant 7 : i32
    %dma_start3A_728 = arith.constant 0 : i32
    %dma_start3A_729 = tpu.memref_slice %arg6[%dma_start3A_727, %dma_start3A_728] : memref<8x64xi32, #tpu.memory_space<vmem>> -> memref<1x64xi32, #tpu.memory_space<vmem>>
    %dma_start3A_730 = tpu.memref_squeeze %dma_start3A_729 : memref<1x64xi32, #tpu.memory_space<vmem>> -> memref<64xi32, #tpu.memory_space<vmem>>
    %dma_start3A_731 = arith.constant 0 : i32
    %dma_start3A_732 = arith.constant 0 : i32
    %dma_start3A_733 = tpu.memref_slice %arg2[%dma_start3A_731, %dma_start3A_732] : memref<10240x128xf32, #tpu.memory_space<hbm>> -> memref<10240x128xf32, #tpu.memory_space<hbm>>
    tpu.enqueue_indirect_dma source(%dma_start3A_733 : memref<10240x128xf32, #tpu.memory_space<hbm>>) target(%arg17 : memref<64x128xf32, #tpu.memory_space<vmem>>) offsets(%dma_start3A_730 : memref<64xi32, #tpu.memory_space<vmem>>) semaphore(%arg21 : memref<!tpu.dma_semaphore, #tpu.memory_space<semaphore_mem>>)
    %dma_start3A_734 = arith.constant 4 : i32
    %dma_start3A_735 = arith.constant 0 : i32
    %dma_start3A_736 = tpu.memref_slice %arg8[%dma_start3A_734, %dma_start3A_735] : memref<8x64xi32, #tpu.memory_space<vmem>> -> memref<1x64xi32, #tpu.memory_space<vmem>>
    %dma_start3A_737 = tpu.memref_squeeze %dma_start3A_736 : memref<1x64xi32, #tpu.memory_space<vmem>> -> memref<64xi32, #tpu.memory_space<vmem>>
    %dma_start3A_738 = arith.constant 0 : i32
    %dma_start3A_739 = arith.constant 0 : i32
    %dma_start3A_740 = tpu.memref_slice %arg26[%dma_start3A_738, %dma_start3A_739] : memref<10240x128xf32, #tpu.memory_space<vmem_shared>> -> memref<10240x128xf32, #tpu.memory_space<vmem_shared>>
    tpu.enqueue_indirect_dma source(%arg14 : memref<64x128xf32, #tpu.memory_space<vmem>>) target(%dma_start3A_740 : memref<10240x128xf32, #tpu.memory_space<vmem_shared>>) offsets(%dma_start3A_737 : memref<64xi32, #tpu.memory_space<vmem>>) semaphore(%arg22 : memref<!tpu.dma_semaphore, #tpu.memory_space<semaphore_mem>>) {add = true}
    %sub3A_741 = arith.constant 1 : i32
    %sub3A_742 = arith.subi %select_n3A_51, %sub3A_741 : i32
    %mul3A_743 = arith.constant 16 : i32
    %mul3A_744 = arith.muli %sub3A_742, %mul3A_743 : i32
    %add3A_745 = arith.addi %select_n3A, %mul3A_744 : i32
    %dma_wait3A_746 = arith.constant 5 : i32
    %dma_wait3A_747 = arith.constant 0 : i32
    %dma_wait3A_748 = tpu.memref_slice %arg6[%dma_wait3A_746, %dma_wait3A_747] : memref<8x64xi32, #tpu.memory_space<vmem>> -> memref<1x64xi32, #tpu.memory_space<vmem>>
    %dma_wait3A_749 = tpu.memref_squeeze %dma_wait3A_748 : memref<1x64xi32, #tpu.memory_space<vmem>> -> memref<64xi32, #tpu.memory_space<vmem>>
    %dma_wait3A_750 = arith.constant 0 : i32
    %dma_wait3A_751 = arith.constant 0 : i32
    %dma_wait3A_752 = tpu.memref_slice %arg2[%dma_wait3A_750, %dma_wait3A_751] : memref<10240x128xf32, #tpu.memory_space<hbm>> -> memref<10240x128xf32, #tpu.memory_space<hbm>>
    tpu.wait_indirect_dma semaphore(%arg19 : memref<!tpu.dma_semaphore, #tpu.memory_space<semaphore_mem>>) src(%dma_wait3A_752 : memref<10240x128xf32, #tpu.memory_space<hbm>>) dst(%arg15 : memref<64x128xf32, #tpu.memory_space<vmem>>)
    %dma_wait3A_753 = arith.constant 5 : i32
    %dma_wait3A_754 = arith.constant 0 : i32
    %dma_wait3A_755 = tpu.memref_slice %arg8[%dma_wait3A_753, %dma_wait3A_754] : memref<8x64xi32, #tpu.memory_space<vmem>> -> memref<1x64xi32, #tpu.memory_space<vmem>>
    %dma_wait3A_756 = tpu.memref_squeeze %dma_wait3A_755 : memref<1x64xi32, #tpu.memory_space<vmem>> -> memref<64xi32, #tpu.memory_space<vmem>>
    %dma_wait3A_757 = arith.constant 0 : i32
    %dma_wait3A_758 = arith.constant 0 : i32
    %dma_wait3A_759 = tpu.memref_slice %arg26[%dma_wait3A_757, %dma_wait3A_758] : memref<10240x128xf32, #tpu.memory_space<vmem_shared>> -> memref<10240x128xf32, #tpu.memory_space<vmem_shared>>
    tpu.wait_indirect_dma semaphore(%arg22 : memref<!tpu.dma_semaphore, #tpu.memory_space<semaphore_mem>>) src(%arg14 : memref<64x128xf32, #tpu.memory_space<vmem>>) dst(%dma_wait3A_759 : memref<10240x128xf32, #tpu.memory_space<vmem_shared>>)
    %dma_wait3A_760 = arith.constant 0 : i32
    %dma_wait3A_761 = arith.constant 0 : i32
    %dma_wait3A_762 = tpu.memref_slice %arg3[%dma_wait3A_760, %dma_wait3A_761] : memref<5120x64xi32, #tpu.memory_space<hbm>> -> memref<8x64xi32, #tpu.memory_space<hbm>>
    %dma_wait3A_763 = arith.constant 0 : i32
    %dma_wait3A_764 = arith.constant 0 : i32
    %dma_wait3A_765 = tpu.memref_slice %arg3[%dma_wait3A_763, %dma_wait3A_764] : memref<5120x64xi32, #tpu.memory_space<hbm>> -> memref<8x64xi32, #tpu.memory_space<hbm>>
    tpu.wait_dma2 semaphore(%arg12 : memref<!tpu.dma_semaphore, #tpu.memory_space<semaphore_mem>>) src(%dma_wait3A_765 : memref<8x64xi32, #tpu.memory_space<hbm>>) dst(%arg7 : memref<8x64xi32, #tpu.memory_space<vmem>>)
    %dma_wait3A_766 = arith.constant 0 : i32
    %dma_wait3A_767 = arith.constant 0 : i32
    %dma_wait3A_768 = tpu.memref_slice %arg4[%dma_wait3A_766, %dma_wait3A_767] : memref<5120x64xi32, #tpu.memory_space<hbm>> -> memref<8x64xi32, #tpu.memory_space<hbm>>
    %dma_wait3A_769 = arith.constant 0 : i32
    %dma_wait3A_770 = arith.constant 0 : i32
    %dma_wait3A_771 = tpu.memref_slice %arg4[%dma_wait3A_769, %dma_wait3A_770] : memref<5120x64xi32, #tpu.memory_space<hbm>> -> memref<8x64xi32, #tpu.memory_space<hbm>>
    tpu.wait_dma2 semaphore(%arg13 : memref<!tpu.dma_semaphore, #tpu.memory_space<semaphore_mem>>) src(%dma_wait3A_771 : memref<8x64xi32, #tpu.memory_space<hbm>>) dst(%arg9 : memref<8x64xi32, #tpu.memory_space<vmem>>)
    %dma_start3A_772 = arith.constant 0 : i32
    %dma_start3A_773 = arith.constant 0 : i32
    %dma_start3A_774 = tpu.memref_slice %arg7[%dma_start3A_772, %dma_start3A_773] : memref<8x64xi32, #tpu.memory_space<vmem>> -> memref<1x64xi32, #tpu.memory_space<vmem>>
    %dma_start3A_775 = tpu.memref_squeeze %dma_start3A_774 : memref<1x64xi32, #tpu.memory_space<vmem>> -> memref<64xi32, #tpu.memory_space<vmem>>
    %dma_start3A_776 = arith.constant 0 : i32
    %dma_start3A_777 = arith.constant 0 : i32
    %dma_start3A_778 = tpu.memref_slice %arg2[%dma_start3A_776, %dma_start3A_777] : memref<10240x128xf32, #tpu.memory_space<hbm>> -> memref<10240x128xf32, #tpu.memory_space<hbm>>
    tpu.enqueue_indirect_dma source(%dma_start3A_778 : memref<10240x128xf32, #tpu.memory_space<hbm>>) target(%arg14 : memref<64x128xf32, #tpu.memory_space<vmem>>) offsets(%dma_start3A_775 : memref<64xi32, #tpu.memory_space<vmem>>) semaphore(%arg18 : memref<!tpu.dma_semaphore, #tpu.memory_space<semaphore_mem>>)
    %dma_start3A_779 = arith.constant 5 : i32
    %dma_start3A_780 = arith.constant 0 : i32
    %dma_start3A_781 = tpu.memref_slice %arg8[%dma_start3A_779, %dma_start3A_780] : memref<8x64xi32, #tpu.memory_space<vmem>> -> memref<1x64xi32, #tpu.memory_space<vmem>>
    %dma_start3A_782 = tpu.memref_squeeze %dma_start3A_781 : memref<1x64xi32, #tpu.memory_space<vmem>> -> memref<64xi32, #tpu.memory_space<vmem>>
    %dma_start3A_783 = arith.constant 0 : i32
    %dma_start3A_784 = arith.constant 0 : i32
    %dma_start3A_785 = tpu.memref_slice %arg26[%dma_start3A_783, %dma_start3A_784] : memref<10240x128xf32, #tpu.memory_space<vmem_shared>> -> memref<10240x128xf32, #tpu.memory_space<vmem_shared>>
    tpu.enqueue_indirect_dma source(%arg15 : memref<64x128xf32, #tpu.memory_space<vmem>>) target(%dma_start3A_785 : memref<10240x128xf32, #tpu.memory_space<vmem_shared>>) offsets(%dma_start3A_782 : memref<64xi32, #tpu.memory_space<vmem>>) semaphore(%arg23 : memref<!tpu.dma_semaphore, #tpu.memory_space<semaphore_mem>>) {add = true}
    %sub3A_786 = arith.constant 1 : i32
    %sub3A_787 = arith.subi %select_n3A_51, %sub3A_786 : i32
    %mul3A_788 = arith.constant 16 : i32
    %mul3A_789 = arith.muli %sub3A_787, %mul3A_788 : i32
    %add3A_790 = arith.addi %select_n3A, %mul3A_789 : i32
    %dma_wait3A_791 = arith.constant 6 : i32
    %dma_wait3A_792 = arith.constant 0 : i32
    %dma_wait3A_793 = tpu.memref_slice %arg6[%dma_wait3A_791, %dma_wait3A_792] : memref<8x64xi32, #tpu.memory_space<vmem>> -> memref<1x64xi32, #tpu.memory_space<vmem>>
    %dma_wait3A_794 = tpu.memref_squeeze %dma_wait3A_793 : memref<1x64xi32, #tpu.memory_space<vmem>> -> memref<64xi32, #tpu.memory_space<vmem>>
    %dma_wait3A_795 = arith.constant 0 : i32
    %dma_wait3A_796 = arith.constant 0 : i32
    %dma_wait3A_797 = tpu.memref_slice %arg2[%dma_wait3A_795, %dma_wait3A_796] : memref<10240x128xf32, #tpu.memory_space<hbm>> -> memref<10240x128xf32, #tpu.memory_space<hbm>>
    tpu.wait_indirect_dma semaphore(%arg20 : memref<!tpu.dma_semaphore, #tpu.memory_space<semaphore_mem>>) src(%dma_wait3A_797 : memref<10240x128xf32, #tpu.memory_space<hbm>>) dst(%arg16 : memref<64x128xf32, #tpu.memory_space<vmem>>)
    %dma_wait3A_798 = arith.constant 6 : i32
    %dma_wait3A_799 = arith.constant 0 : i32
    %dma_wait3A_800 = tpu.memref_slice %arg8[%dma_wait3A_798, %dma_wait3A_799] : memref<8x64xi32, #tpu.memory_space<vmem>> -> memref<1x64xi32, #tpu.memory_space<vmem>>
    %dma_wait3A_801 = tpu.memref_squeeze %dma_wait3A_800 : memref<1x64xi32, #tpu.memory_space<vmem>> -> memref<64xi32, #tpu.memory_space<vmem>>
    %dma_wait3A_802 = arith.constant 0 : i32
    %dma_wait3A_803 = arith.constant 0 : i32
    %dma_wait3A_804 = tpu.memref_slice %arg26[%dma_wait3A_802, %dma_wait3A_803] : memref<10240x128xf32, #tpu.memory_space<vmem_shared>> -> memref<10240x128xf32, #tpu.memory_space<vmem_shared>>
    tpu.wait_indirect_dma semaphore(%arg23 : memref<!tpu.dma_semaphore, #tpu.memory_space<semaphore_mem>>) src(%arg15 : memref<64x128xf32, #tpu.memory_space<vmem>>) dst(%dma_wait3A_804 : memref<10240x128xf32, #tpu.memory_space<vmem_shared>>)
    %dma_start3A_805 = arith.constant 1 : i32
    %dma_start3A_806 = arith.constant 0 : i32
    %dma_start3A_807 = tpu.memref_slice %arg7[%dma_start3A_805, %dma_start3A_806] : memref<8x64xi32, #tpu.memory_space<vmem>> -> memref<1x64xi32, #tpu.memory_space<vmem>>
    %dma_start3A_808 = tpu.memref_squeeze %dma_start3A_807 : memref<1x64xi32, #tpu.memory_space<vmem>> -> memref<64xi32, #tpu.memory_space<vmem>>
    %dma_start3A_809 = arith.constant 0 : i32
    %dma_start3A_810 = arith.constant 0 : i32
    %dma_start3A_811 = tpu.memref_slice %arg2[%dma_start3A_809, %dma_start3A_810] : memref<10240x128xf32, #tpu.memory_space<hbm>> -> memref<10240x128xf32, #tpu.memory_space<hbm>>
    tpu.enqueue_indirect_dma source(%dma_start3A_811 : memref<10240x128xf32, #tpu.memory_space<hbm>>) target(%arg15 : memref<64x128xf32, #tpu.memory_space<vmem>>) offsets(%dma_start3A_808 : memref<64xi32, #tpu.memory_space<vmem>>) semaphore(%arg19 : memref<!tpu.dma_semaphore, #tpu.memory_space<semaphore_mem>>)
    %dma_start3A_812 = arith.constant 6 : i32
    %dma_start3A_813 = arith.constant 0 : i32
    %dma_start3A_814 = tpu.memref_slice %arg8[%dma_start3A_812, %dma_start3A_813] : memref<8x64xi32, #tpu.memory_space<vmem>> -> memref<1x64xi32, #tpu.memory_space<vmem>>
    %dma_start3A_815 = tpu.memref_squeeze %dma_start3A_814 : memref<1x64xi32, #tpu.memory_space<vmem>> -> memref<64xi32, #tpu.memory_space<vmem>>
    %dma_start3A_816 = arith.constant 0 : i32
    %dma_start3A_817 = arith.constant 0 : i32
    %dma_start3A_818 = tpu.memref_slice %arg26[%dma_start3A_816, %dma_start3A_817] : memref<10240x128xf32, #tpu.memory_space<vmem_shared>> -> memref<10240x128xf32, #tpu.memory_space<vmem_shared>>
    tpu.enqueue_indirect_dma source(%arg16 : memref<64x128xf32, #tpu.memory_space<vmem>>) target(%dma_start3A_818 : memref<10240x128xf32, #tpu.memory_space<vmem_shared>>) offsets(%dma_start3A_815 : memref<64xi32, #tpu.memory_space<vmem>>) semaphore(%arg24 : memref<!tpu.dma_semaphore, #tpu.memory_space<semaphore_mem>>) {add = true}
    %sub3A_819 = arith.constant 1 : i32
    %sub3A_820 = arith.subi %select_n3A_51, %sub3A_819 : i32
    %mul3A_821 = arith.constant 16 : i32
    %mul3A_822 = arith.muli %sub3A_820, %mul3A_821 : i32
    %add3A_823 = arith.addi %select_n3A, %mul3A_822 : i32
    %dma_wait3A_824 = arith.constant 7 : i32
    %dma_wait3A_825 = arith.constant 0 : i32
    %dma_wait3A_826 = tpu.memref_slice %arg6[%dma_wait3A_824, %dma_wait3A_825] : memref<8x64xi32, #tpu.memory_space<vmem>> -> memref<1x64xi32, #tpu.memory_space<vmem>>
    %dma_wait3A_827 = tpu.memref_squeeze %dma_wait3A_826 : memref<1x64xi32, #tpu.memory_space<vmem>> -> memref<64xi32, #tpu.memory_space<vmem>>
    %dma_wait3A_828 = arith.constant 0 : i32
    %dma_wait3A_829 = arith.constant 0 : i32
    %dma_wait3A_830 = tpu.memref_slice %arg2[%dma_wait3A_828, %dma_wait3A_829] : memref<10240x128xf32, #tpu.memory_space<hbm>> -> memref<10240x128xf32, #tpu.memory_space<hbm>>
    tpu.wait_indirect_dma semaphore(%arg21 : memref<!tpu.dma_semaphore, #tpu.memory_space<semaphore_mem>>) src(%dma_wait3A_830 : memref<10240x128xf32, #tpu.memory_space<hbm>>) dst(%arg17 : memref<64x128xf32, #tpu.memory_space<vmem>>)
    %dma_wait3A_831 = arith.constant 7 : i32
    %dma_wait3A_832 = arith.constant 0 : i32
    %dma_wait3A_833 = tpu.memref_slice %arg8[%dma_wait3A_831, %dma_wait3A_832] : memref<8x64xi32, #tpu.memory_space<vmem>> -> memref<1x64xi32, #tpu.memory_space<vmem>>
    %dma_wait3A_834 = tpu.memref_squeeze %dma_wait3A_833 : memref<1x64xi32, #tpu.memory_space<vmem>> -> memref<64xi32, #tpu.memory_space<vmem>>
    %dma_wait3A_835 = arith.constant 0 : i32
    %dma_wait3A_836 = arith.constant 0 : i32
    %dma_wait3A_837 = tpu.memref_slice %arg26[%dma_wait3A_835, %dma_wait3A_836] : memref<10240x128xf32, #tpu.memory_space<vmem_shared>> -> memref<10240x128xf32, #tpu.memory_space<vmem_shared>>
    tpu.wait_indirect_dma semaphore(%arg24 : memref<!tpu.dma_semaphore, #tpu.memory_space<semaphore_mem>>) src(%arg16 : memref<64x128xf32, #tpu.memory_space<vmem>>) dst(%dma_wait3A_837 : memref<10240x128xf32, #tpu.memory_space<vmem_shared>>)
    %dma_start3A_838 = arith.constant 2 : i32
    %dma_start3A_839 = arith.constant 0 : i32
    %dma_start3A_840 = tpu.memref_slice %arg7[%dma_start3A_838, %dma_start3A_839] : memref<8x64xi32, #tpu.memory_space<vmem>> -> memref<1x64xi32, #tpu.memory_space<vmem>>
    %dma_start3A_841 = tpu.memref_squeeze %dma_start3A_840 : memref<1x64xi32, #tpu.memory_space<vmem>> -> memref<64xi32, #tpu.memory_space<vmem>>
    %dma_start3A_842 = arith.constant 0 : i32
    %dma_start3A_843 = arith.constant 0 : i32
    %dma_start3A_844 = tpu.memref_slice %arg2[%dma_start3A_842, %dma_start3A_843] : memref<10240x128xf32, #tpu.memory_space<hbm>> -> memref<10240x128xf32, #tpu.memory_space<hbm>>
    tpu.enqueue_indirect_dma source(%dma_start3A_844 : memref<10240x128xf32, #tpu.memory_space<hbm>>) target(%arg16 : memref<64x128xf32, #tpu.memory_space<vmem>>) offsets(%dma_start3A_841 : memref<64xi32, #tpu.memory_space<vmem>>) semaphore(%arg20 : memref<!tpu.dma_semaphore, #tpu.memory_space<semaphore_mem>>)
    %dma_start3A_845 = arith.constant 7 : i32
    %dma_start3A_846 = arith.constant 0 : i32
    %dma_start3A_847 = tpu.memref_slice %arg8[%dma_start3A_845, %dma_start3A_846] : memref<8x64xi32, #tpu.memory_space<vmem>> -> memref<1x64xi32, #tpu.memory_space<vmem>>
    %dma_start3A_848 = tpu.memref_squeeze %dma_start3A_847 : memref<1x64xi32, #tpu.memory_space<vmem>> -> memref<64xi32, #tpu.memory_space<vmem>>
    %dma_start3A_849 = arith.constant 0 : i32
    %dma_start3A_850 = arith.constant 0 : i32
    %dma_start3A_851 = tpu.memref_slice %arg26[%dma_start3A_849, %dma_start3A_850] : memref<10240x128xf32, #tpu.memory_space<vmem_shared>> -> memref<10240x128xf32, #tpu.memory_space<vmem_shared>>
    tpu.enqueue_indirect_dma source(%arg17 : memref<64x128xf32, #tpu.memory_space<vmem>>) target(%dma_start3A_851 : memref<10240x128xf32, #tpu.memory_space<vmem_shared>>) offsets(%dma_start3A_848 : memref<64xi32, #tpu.memory_space<vmem>>) semaphore(%arg25 : memref<!tpu.dma_semaphore, #tpu.memory_space<semaphore_mem>>) {add = true}
    %sub3A_852 = arith.constant 1 : i32
    %sub3A_853 = arith.subi %select_n3A_51, %sub3A_852 : i32
    %mul3A_854 = arith.constant 16 : i32
    %mul3A_855 = arith.muli %sub3A_853, %mul3A_854 : i32
    %add3A_856 = arith.addi %select_n3A, %mul3A_855 : i32
    %dma_wait3A_857 = arith.constant 0 : i32
    %dma_wait3A_858 = arith.constant 0 : i32
    %dma_wait3A_859 = tpu.memref_slice %arg7[%dma_wait3A_857, %dma_wait3A_858] : memref<8x64xi32, #tpu.memory_space<vmem>> -> memref<1x64xi32, #tpu.memory_space<vmem>>
    %dma_wait3A_860 = tpu.memref_squeeze %dma_wait3A_859 : memref<1x64xi32, #tpu.memory_space<vmem>> -> memref<64xi32, #tpu.memory_space<vmem>>
    %dma_wait3A_861 = arith.constant 0 : i32
    %dma_wait3A_862 = arith.constant 0 : i32
    %dma_wait3A_863 = tpu.memref_slice %arg2[%dma_wait3A_861, %dma_wait3A_862] : memref<10240x128xf32, #tpu.memory_space<hbm>> -> memref<10240x128xf32, #tpu.memory_space<hbm>>
    tpu.wait_indirect_dma semaphore(%arg18 : memref<!tpu.dma_semaphore, #tpu.memory_space<semaphore_mem>>) src(%dma_wait3A_863 : memref<10240x128xf32, #tpu.memory_space<hbm>>) dst(%arg14 : memref<64x128xf32, #tpu.memory_space<vmem>>)
    %dma_wait3A_864 = arith.constant 0 : i32
    %dma_wait3A_865 = arith.constant 0 : i32
    %dma_wait3A_866 = tpu.memref_slice %arg9[%dma_wait3A_864, %dma_wait3A_865] : memref<8x64xi32, #tpu.memory_space<vmem>> -> memref<1x64xi32, #tpu.memory_space<vmem>>
    %dma_wait3A_867 = tpu.memref_squeeze %dma_wait3A_866 : memref<1x64xi32, #tpu.memory_space<vmem>> -> memref<64xi32, #tpu.memory_space<vmem>>
    %dma_wait3A_868 = arith.constant 0 : i32
    %dma_wait3A_869 = arith.constant 0 : i32
    %dma_wait3A_870 = tpu.memref_slice %arg26[%dma_wait3A_868, %dma_wait3A_869] : memref<10240x128xf32, #tpu.memory_space<vmem_shared>> -> memref<10240x128xf32, #tpu.memory_space<vmem_shared>>
    tpu.wait_indirect_dma semaphore(%arg25 : memref<!tpu.dma_semaphore, #tpu.memory_space<semaphore_mem>>) src(%arg17 : memref<64x128xf32, #tpu.memory_space<vmem>>) dst(%dma_wait3A_870 : memref<10240x128xf32, #tpu.memory_space<vmem_shared>>)
    %dma_start3A_871 = arith.constant 3 : i32
    %dma_start3A_872 = arith.constant 0 : i32
    %dma_start3A_873 = tpu.memref_slice %arg7[%dma_start3A_871, %dma_start3A_872] : memref<8x64xi32, #tpu.memory_space<vmem>> -> memref<1x64xi32, #tpu.memory_space<vmem>>
    %dma_start3A_874 = tpu.memref_squeeze %dma_start3A_873 : memref<1x64xi32, #tpu.memory_space<vmem>> -> memref<64xi32, #tpu.memory_space<vmem>>
    %dma_start3A_875 = arith.constant 0 : i32
    %dma_start3A_876 = arith.constant 0 : i32
    %dma_start3A_877 = tpu.memref_slice %arg2[%dma_start3A_875, %dma_start3A_876] : memref<10240x128xf32, #tpu.memory_space<hbm>> -> memref<10240x128xf32, #tpu.memory_space<hbm>>
    tpu.enqueue_indirect_dma source(%dma_start3A_877 : memref<10240x128xf32, #tpu.memory_space<hbm>>) target(%arg17 : memref<64x128xf32, #tpu.memory_space<vmem>>) offsets(%dma_start3A_874 : memref<64xi32, #tpu.memory_space<vmem>>) semaphore(%arg21 : memref<!tpu.dma_semaphore, #tpu.memory_space<semaphore_mem>>)
    %dma_start3A_878 = arith.constant 0 : i32
    %dma_start3A_879 = arith.constant 0 : i32
    %dma_start3A_880 = tpu.memref_slice %arg9[%dma_start3A_878, %dma_start3A_879] : memref<8x64xi32, #tpu.memory_space<vmem>> -> memref<1x64xi32, #tpu.memory_space<vmem>>
    %dma_start3A_881 = tpu.memref_squeeze %dma_start3A_880 : memref<1x64xi32, #tpu.memory_space<vmem>> -> memref<64xi32, #tpu.memory_space<vmem>>
    %dma_start3A_882 = arith.constant 0 : i32
    %dma_start3A_883 = arith.constant 0 : i32
    %dma_start3A_884 = tpu.memref_slice %arg26[%dma_start3A_882, %dma_start3A_883] : memref<10240x128xf32, #tpu.memory_space<vmem_shared>> -> memref<10240x128xf32, #tpu.memory_space<vmem_shared>>
    tpu.enqueue_indirect_dma source(%arg14 : memref<64x128xf32, #tpu.memory_space<vmem>>) target(%dma_start3A_884 : memref<10240x128xf32, #tpu.memory_space<vmem_shared>>) offsets(%dma_start3A_881 : memref<64xi32, #tpu.memory_space<vmem>>) semaphore(%arg22 : memref<!tpu.dma_semaphore, #tpu.memory_space<semaphore_mem>>) {add = true}
    %sub3A_885 = arith.constant 1 : i32
    %sub3A_886 = arith.subi %select_n3A_51, %sub3A_885 : i32
    %mul3A_887 = arith.constant 16 : i32
    %mul3A_888 = arith.muli %sub3A_886, %mul3A_887 : i32
    %add3A_889 = arith.addi %select_n3A, %mul3A_888 : i32
    %dma_wait3A_890 = arith.constant 1 : i32
    %dma_wait3A_891 = arith.constant 0 : i32
    %dma_wait3A_892 = tpu.memref_slice %arg7[%dma_wait3A_890, %dma_wait3A_891] : memref<8x64xi32, #tpu.memory_space<vmem>> -> memref<1x64xi32, #tpu.memory_space<vmem>>
    %dma_wait3A_893 = tpu.memref_squeeze %dma_wait3A_892 : memref<1x64xi32, #tpu.memory_space<vmem>> -> memref<64xi32, #tpu.memory_space<vmem>>
    %dma_wait3A_894 = arith.constant 0 : i32
    %dma_wait3A_895 = arith.constant 0 : i32
    %dma_wait3A_896 = tpu.memref_slice %arg2[%dma_wait3A_894, %dma_wait3A_895] : memref<10240x128xf32, #tpu.memory_space<hbm>> -> memref<10240x128xf32, #tpu.memory_space<hbm>>
    tpu.wait_indirect_dma semaphore(%arg19 : memref<!tpu.dma_semaphore, #tpu.memory_space<semaphore_mem>>) src(%dma_wait3A_896 : memref<10240x128xf32, #tpu.memory_space<hbm>>) dst(%arg15 : memref<64x128xf32, #tpu.memory_space<vmem>>)
    %dma_wait3A_897 = arith.constant 1 : i32
    %dma_wait3A_898 = arith.constant 0 : i32
    %dma_wait3A_899 = tpu.memref_slice %arg9[%dma_wait3A_897, %dma_wait3A_898] : memref<8x64xi32, #tpu.memory_space<vmem>> -> memref<1x64xi32, #tpu.memory_space<vmem>>
    %dma_wait3A_900 = tpu.memref_squeeze %dma_wait3A_899 : memref<1x64xi32, #tpu.memory_space<vmem>> -> memref<64xi32, #tpu.memory_space<vmem>>
    %dma_wait3A_901 = arith.constant 0 : i32
    %dma_wait3A_902 = arith.constant 0 : i32
    %dma_wait3A_903 = tpu.memref_slice %arg26[%dma_wait3A_901, %dma_wait3A_902] : memref<10240x128xf32, #tpu.memory_space<vmem_shared>> -> memref<10240x128xf32, #tpu.memory_space<vmem_shared>>
    tpu.wait_indirect_dma semaphore(%arg22 : memref<!tpu.dma_semaphore, #tpu.memory_space<semaphore_mem>>) src(%arg14 : memref<64x128xf32, #tpu.memory_space<vmem>>) dst(%dma_wait3A_903 : memref<10240x128xf32, #tpu.memory_space<vmem_shared>>)
    %dma_start3A_904 = arith.constant 4 : i32
    %dma_start3A_905 = arith.constant 0 : i32
    %dma_start3A_906 = tpu.memref_slice %arg7[%dma_start3A_904, %dma_start3A_905] : memref<8x64xi32, #tpu.memory_space<vmem>> -> memref<1x64xi32, #tpu.memory_space<vmem>>
    %dma_start3A_907 = tpu.memref_squeeze %dma_start3A_906 : memref<1x64xi32, #tpu.memory_space<vmem>> -> memref<64xi32, #tpu.memory_space<vmem>>
    %dma_start3A_908 = arith.constant 0 : i32
    %dma_start3A_909 = arith.constant 0 : i32
    %dma_start3A_910 = tpu.memref_slice %arg2[%dma_start3A_908, %dma_start3A_909] : memref<10240x128xf32, #tpu.memory_space<hbm>> -> memref<10240x128xf32, #tpu.memory_space<hbm>>
    tpu.enqueue_indirect_dma source(%dma_start3A_910 : memref<10240x128xf32, #tpu.memory_space<hbm>>) target(%arg14 : memref<64x128xf32, #tpu.memory_space<vmem>>) offsets(%dma_start3A_907 : memref<64xi32, #tpu.memory_space<vmem>>) semaphore(%arg18 : memref<!tpu.dma_semaphore, #tpu.memory_space<semaphore_mem>>)
    %dma_start3A_911 = arith.constant 1 : i32
    %dma_start3A_912 = arith.constant 0 : i32
    %dma_start3A_913 = tpu.memref_slice %arg9[%dma_start3A_911, %dma_start3A_912] : memref<8x64xi32, #tpu.memory_space<vmem>> -> memref<1x64xi32, #tpu.memory_space<vmem>>
    %dma_start3A_914 = tpu.memref_squeeze %dma_start3A_913 : memref<1x64xi32, #tpu.memory_space<vmem>> -> memref<64xi32, #tpu.memory_space<vmem>>
    %dma_start3A_915 = arith.constant 0 : i32
    %dma_start3A_916 = arith.constant 0 : i32
    %dma_start3A_917 = tpu.memref_slice %arg26[%dma_start3A_915, %dma_start3A_916] : memref<10240x128xf32, #tpu.memory_space<vmem_shared>> -> memref<10240x128xf32, #tpu.memory_space<vmem_shared>>
    tpu.enqueue_indirect_dma source(%arg15 : memref<64x128xf32, #tpu.memory_space<vmem>>) target(%dma_start3A_917 : memref<10240x128xf32, #tpu.memory_space<vmem_shared>>) offsets(%dma_start3A_914 : memref<64xi32, #tpu.memory_space<vmem>>) semaphore(%arg23 : memref<!tpu.dma_semaphore, #tpu.memory_space<semaphore_mem>>) {add = true}
    %sub3A_918 = arith.constant 1 : i32
    %sub3A_919 = arith.subi %select_n3A_51, %sub3A_918 : i32
    %mul3A_920 = arith.constant 16 : i32
    %mul3A_921 = arith.muli %sub3A_919, %mul3A_920 : i32
    %add3A_922 = arith.addi %select_n3A, %mul3A_921 : i32
    %dma_wait3A_923 = arith.constant 2 : i32
    %dma_wait3A_924 = arith.constant 0 : i32
    %dma_wait3A_925 = tpu.memref_slice %arg7[%dma_wait3A_923, %dma_wait3A_924] : memref<8x64xi32, #tpu.memory_space<vmem>> -> memref<1x64xi32, #tpu.memory_space<vmem>>
    %dma_wait3A_926 = tpu.memref_squeeze %dma_wait3A_925 : memref<1x64xi32, #tpu.memory_space<vmem>> -> memref<64xi32, #tpu.memory_space<vmem>>
    %dma_wait3A_927 = arith.constant 0 : i32
    %dma_wait3A_928 = arith.constant 0 : i32
    %dma_wait3A_929 = tpu.memref_slice %arg2[%dma_wait3A_927, %dma_wait3A_928] : memref<10240x128xf32, #tpu.memory_space<hbm>> -> memref<10240x128xf32, #tpu.memory_space<hbm>>
    tpu.wait_indirect_dma semaphore(%arg20 : memref<!tpu.dma_semaphore, #tpu.memory_space<semaphore_mem>>) src(%dma_wait3A_929 : memref<10240x128xf32, #tpu.memory_space<hbm>>) dst(%arg16 : memref<64x128xf32, #tpu.memory_space<vmem>>)
    %dma_wait3A_930 = arith.constant 2 : i32
    %dma_wait3A_931 = arith.constant 0 : i32
    %dma_wait3A_932 = tpu.memref_slice %arg9[%dma_wait3A_930, %dma_wait3A_931] : memref<8x64xi32, #tpu.memory_space<vmem>> -> memref<1x64xi32, #tpu.memory_space<vmem>>
    %dma_wait3A_933 = tpu.memref_squeeze %dma_wait3A_932 : memref<1x64xi32, #tpu.memory_space<vmem>> -> memref<64xi32, #tpu.memory_space<vmem>>
    %dma_wait3A_934 = arith.constant 0 : i32
    %dma_wait3A_935 = arith.constant 0 : i32
    %dma_wait3A_936 = tpu.memref_slice %arg26[%dma_wait3A_934, %dma_wait3A_935] : memref<10240x128xf32, #tpu.memory_space<vmem_shared>> -> memref<10240x128xf32, #tpu.memory_space<vmem_shared>>
    tpu.wait_indirect_dma semaphore(%arg23 : memref<!tpu.dma_semaphore, #tpu.memory_space<semaphore_mem>>) src(%arg15 : memref<64x128xf32, #tpu.memory_space<vmem>>) dst(%dma_wait3A_936 : memref<10240x128xf32, #tpu.memory_space<vmem_shared>>)
    %dma_start3A_937 = arith.constant 5 : i32
    %dma_start3A_938 = arith.constant 0 : i32
    %dma_start3A_939 = tpu.memref_slice %arg7[%dma_start3A_937, %dma_start3A_938] : memref<8x64xi32, #tpu.memory_space<vmem>> -> memref<1x64xi32, #tpu.memory_space<vmem>>
    %dma_start3A_940 = tpu.memref_squeeze %dma_start3A_939 : memref<1x64xi32, #tpu.memory_space<vmem>> -> memref<64xi32, #tpu.memory_space<vmem>>
    %dma_start3A_941 = arith.constant 0 : i32
    %dma_start3A_942 = arith.constant 0 : i32
    %dma_start3A_943 = tpu.memref_slice %arg2[%dma_start3A_941, %dma_start3A_942] : memref<10240x128xf32, #tpu.memory_space<hbm>> -> memref<10240x128xf32, #tpu.memory_space<hbm>>
    tpu.enqueue_indirect_dma source(%dma_start3A_943 : memref<10240x128xf32, #tpu.memory_space<hbm>>) target(%arg15 : memref<64x128xf32, #tpu.memory_space<vmem>>) offsets(%dma_start3A_940 : memref<64xi32, #tpu.memory_space<vmem>>) semaphore(%arg19 : memref<!tpu.dma_semaphore, #tpu.memory_space<semaphore_mem>>)
    %dma_start3A_944 = arith.constant 2 : i32
    %dma_start3A_945 = arith.constant 0 : i32
    %dma_start3A_946 = tpu.memref_slice %arg9[%dma_start3A_944, %dma_start3A_945] : memref<8x64xi32, #tpu.memory_space<vmem>> -> memref<1x64xi32, #tpu.memory_space<vmem>>
    %dma_start3A_947 = tpu.memref_squeeze %dma_start3A_946 : memref<1x64xi32, #tpu.memory_space<vmem>> -> memref<64xi32, #tpu.memory_space<vmem>>
    %dma_start3A_948 = arith.constant 0 : i32
    %dma_start3A_949 = arith.constant 0 : i32
    %dma_start3A_950 = tpu.memref_slice %arg26[%dma_start3A_948, %dma_start3A_949] : memref<10240x128xf32, #tpu.memory_space<vmem_shared>> -> memref<10240x128xf32, #tpu.memory_space<vmem_shared>>
    tpu.enqueue_indirect_dma source(%arg16 : memref<64x128xf32, #tpu.memory_space<vmem>>) target(%dma_start3A_950 : memref<10240x128xf32, #tpu.memory_space<vmem_shared>>) offsets(%dma_start3A_947 : memref<64xi32, #tpu.memory_space<vmem>>) semaphore(%arg24 : memref<!tpu.dma_semaphore, #tpu.memory_space<semaphore_mem>>) {add = true}
    %sub3A_951 = arith.constant 1 : i32
    %sub3A_952 = arith.subi %select_n3A_51, %sub3A_951 : i32
    %mul3A_953 = arith.constant 16 : i32
    %mul3A_954 = arith.muli %sub3A_952, %mul3A_953 : i32
    %add3A_955 = arith.addi %select_n3A, %mul3A_954 : i32
    %dma_wait3A_956 = arith.constant 3 : i32
    %dma_wait3A_957 = arith.constant 0 : i32
    %dma_wait3A_958 = tpu.memref_slice %arg7[%dma_wait3A_956, %dma_wait3A_957] : memref<8x64xi32, #tpu.memory_space<vmem>> -> memref<1x64xi32, #tpu.memory_space<vmem>>
    %dma_wait3A_959 = tpu.memref_squeeze %dma_wait3A_958 : memref<1x64xi32, #tpu.memory_space<vmem>> -> memref<64xi32, #tpu.memory_space<vmem>>
    %dma_wait3A_960 = arith.constant 0 : i32
    %dma_wait3A_961 = arith.constant 0 : i32
    %dma_wait3A_962 = tpu.memref_slice %arg2[%dma_wait3A_960, %dma_wait3A_961] : memref<10240x128xf32, #tpu.memory_space<hbm>> -> memref<10240x128xf32, #tpu.memory_space<hbm>>
    tpu.wait_indirect_dma semaphore(%arg21 : memref<!tpu.dma_semaphore, #tpu.memory_space<semaphore_mem>>) src(%dma_wait3A_962 : memref<10240x128xf32, #tpu.memory_space<hbm>>) dst(%arg17 : memref<64x128xf32, #tpu.memory_space<vmem>>)
    %dma_wait3A_963 = arith.constant 3 : i32
    %dma_wait3A_964 = arith.constant 0 : i32
    %dma_wait3A_965 = tpu.memref_slice %arg9[%dma_wait3A_963, %dma_wait3A_964] : memref<8x64xi32, #tpu.memory_space<vmem>> -> memref<1x64xi32, #tpu.memory_space<vmem>>
    %dma_wait3A_966 = tpu.memref_squeeze %dma_wait3A_965 : memref<1x64xi32, #tpu.memory_space<vmem>> -> memref<64xi32, #tpu.memory_space<vmem>>
    %dma_wait3A_967 = arith.constant 0 : i32
    %dma_wait3A_968 = arith.constant 0 : i32
    %dma_wait3A_969 = tpu.memref_slice %arg26[%dma_wait3A_967, %dma_wait3A_968] : memref<10240x128xf32, #tpu.memory_space<vmem_shared>> -> memref<10240x128xf32, #tpu.memory_space<vmem_shared>>
    tpu.wait_indirect_dma semaphore(%arg24 : memref<!tpu.dma_semaphore, #tpu.memory_space<semaphore_mem>>) src(%arg16 : memref<64x128xf32, #tpu.memory_space<vmem>>) dst(%dma_wait3A_969 : memref<10240x128xf32, #tpu.memory_space<vmem_shared>>)
    %dma_start3A_970 = arith.constant 6 : i32
    %dma_start3A_971 = arith.constant 0 : i32
    %dma_start3A_972 = tpu.memref_slice %arg7[%dma_start3A_970, %dma_start3A_971] : memref<8x64xi32, #tpu.memory_space<vmem>> -> memref<1x64xi32, #tpu.memory_space<vmem>>
    %dma_start3A_973 = tpu.memref_squeeze %dma_start3A_972 : memref<1x64xi32, #tpu.memory_space<vmem>> -> memref<64xi32, #tpu.memory_space<vmem>>
    %dma_start3A_974 = arith.constant 0 : i32
    %dma_start3A_975 = arith.constant 0 : i32
    %dma_start3A_976 = tpu.memref_slice %arg2[%dma_start3A_974, %dma_start3A_975] : memref<10240x128xf32, #tpu.memory_space<hbm>> -> memref<10240x128xf32, #tpu.memory_space<hbm>>
    tpu.enqueue_indirect_dma source(%dma_start3A_976 : memref<10240x128xf32, #tpu.memory_space<hbm>>) target(%arg16 : memref<64x128xf32, #tpu.memory_space<vmem>>) offsets(%dma_start3A_973 : memref<64xi32, #tpu.memory_space<vmem>>) semaphore(%arg20 : memref<!tpu.dma_semaphore, #tpu.memory_space<semaphore_mem>>)
    %dma_start3A_977 = arith.constant 3 : i32
    %dma_start3A_978 = arith.constant 0 : i32
    %dma_start3A_979 = tpu.memref_slice %arg9[%dma_start3A_977, %dma_start3A_978] : memref<8x64xi32, #tpu.memory_space<vmem>> -> memref<1x64xi32, #tpu.memory_space<vmem>>
    %dma_start3A_980 = tpu.memref_squeeze %dma_start3A_979 : memref<1x64xi32, #tpu.memory_space<vmem>> -> memref<64xi32, #tpu.memory_space<vmem>>
    %dma_start3A_981 = arith.constant 0 : i32
    %dma_start3A_982 = arith.constant 0 : i32
    %dma_start3A_983 = tpu.memref_slice %arg26[%dma_start3A_981, %dma_start3A_982] : memref<10240x128xf32, #tpu.memory_space<vmem_shared>> -> memref<10240x128xf32, #tpu.memory_space<vmem_shared>>
    tpu.enqueue_indirect_dma source(%arg17 : memref<64x128xf32, #tpu.memory_space<vmem>>) target(%dma_start3A_983 : memref<10240x128xf32, #tpu.memory_space<vmem_shared>>) offsets(%dma_start3A_980 : memref<64xi32, #tpu.memory_space<vmem>>) semaphore(%arg25 : memref<!tpu.dma_semaphore, #tpu.memory_space<semaphore_mem>>) {add = true}
    %sub3A_984 = arith.constant 1 : i32
    %sub3A_985 = arith.subi %select_n3A_51, %sub3A_984 : i32
    %mul3A_986 = arith.constant 16 : i32
    %mul3A_987 = arith.muli %sub3A_985, %mul3A_986 : i32
    %add3A_988 = arith.addi %select_n3A, %mul3A_987 : i32
    %dma_wait3A_989 = arith.constant 4 : i32
    %dma_wait3A_990 = arith.constant 0 : i32
    %dma_wait3A_991 = tpu.memref_slice %arg7[%dma_wait3A_989, %dma_wait3A_990] : memref<8x64xi32, #tpu.memory_space<vmem>> -> memref<1x64xi32, #tpu.memory_space<vmem>>
    %dma_wait3A_992 = tpu.memref_squeeze %dma_wait3A_991 : memref<1x64xi32, #tpu.memory_space<vmem>> -> memref<64xi32, #tpu.memory_space<vmem>>
    %dma_wait3A_993 = arith.constant 0 : i32
    %dma_wait3A_994 = arith.constant 0 : i32
    %dma_wait3A_995 = tpu.memref_slice %arg2[%dma_wait3A_993, %dma_wait3A_994] : memref<10240x128xf32, #tpu.memory_space<hbm>> -> memref<10240x128xf32, #tpu.memory_space<hbm>>
    tpu.wait_indirect_dma semaphore(%arg18 : memref<!tpu.dma_semaphore, #tpu.memory_space<semaphore_mem>>) src(%dma_wait3A_995 : memref<10240x128xf32, #tpu.memory_space<hbm>>) dst(%arg14 : memref<64x128xf32, #tpu.memory_space<vmem>>)
    %dma_wait3A_996 = arith.constant 4 : i32
    %dma_wait3A_997 = arith.constant 0 : i32
    %dma_wait3A_998 = tpu.memref_slice %arg9[%dma_wait3A_996, %dma_wait3A_997] : memref<8x64xi32, #tpu.memory_space<vmem>> -> memref<1x64xi32, #tpu.memory_space<vmem>>
    %dma_wait3A_999 = tpu.memref_squeeze %dma_wait3A_998 : memref<1x64xi32, #tpu.memory_space<vmem>> -> memref<64xi32, #tpu.memory_space<vmem>>
    %dma_wait3A_1000 = arith.constant 0 : i32
    %dma_wait3A_1001 = arith.constant 0 : i32
    %dma_wait3A_1002 = tpu.memref_slice %arg26[%dma_wait3A_1000, %dma_wait3A_1001] : memref<10240x128xf32, #tpu.memory_space<vmem_shared>> -> memref<10240x128xf32, #tpu.memory_space<vmem_shared>>
    tpu.wait_indirect_dma semaphore(%arg25 : memref<!tpu.dma_semaphore, #tpu.memory_space<semaphore_mem>>) src(%arg17 : memref<64x128xf32, #tpu.memory_space<vmem>>) dst(%dma_wait3A_1002 : memref<10240x128xf32, #tpu.memory_space<vmem_shared>>)
    %dma_start3A_1003 = arith.constant 7 : i32
    %dma_start3A_1004 = arith.constant 0 : i32
    %dma_start3A_1005 = tpu.memref_slice %arg7[%dma_start3A_1003, %dma_start3A_1004] : memref<8x64xi32, #tpu.memory_space<vmem>> -> memref<1x64xi32, #tpu.memory_space<vmem>>
    %dma_start3A_1006 = tpu.memref_squeeze %dma_start3A_1005 : memref<1x64xi32, #tpu.memory_space<vmem>> -> memref<64xi32, #tpu.memory_space<vmem>>
    %dma_start3A_1007 = arith.constant 0 : i32
    %dma_start3A_1008 = arith.constant 0 : i32
    %dma_start3A_1009 = tpu.memref_slice %arg2[%dma_start3A_1007, %dma_start3A_1008] : memref<10240x128xf32, #tpu.memory_space<hbm>> -> memref<10240x128xf32, #tpu.memory_space<hbm>>
    tpu.enqueue_indirect_dma source(%dma_start3A_1009 : memref<10240x128xf32, #tpu.memory_space<hbm>>) target(%arg17 : memref<64x128xf32, #tpu.memory_space<vmem>>) offsets(%dma_start3A_1006 : memref<64xi32, #tpu.memory_space<vmem>>) semaphore(%arg21 : memref<!tpu.dma_semaphore, #tpu.memory_space<semaphore_mem>>)
    %dma_start3A_1010 = arith.constant 4 : i32
    %dma_start3A_1011 = arith.constant 0 : i32
    %dma_start3A_1012 = tpu.memref_slice %arg9[%dma_start3A_1010, %dma_start3A_1011] : memref<8x64xi32, #tpu.memory_space<vmem>> -> memref<1x64xi32, #tpu.memory_space<vmem>>
    %dma_start3A_1013 = tpu.memref_squeeze %dma_start3A_1012 : memref<1x64xi32, #tpu.memory_space<vmem>> -> memref<64xi32, #tpu.memory_space<vmem>>
    %dma_start3A_1014 = arith.constant 0 : i32
    %dma_start3A_1015 = arith.constant 0 : i32
    %dma_start3A_1016 = tpu.memref_slice %arg26[%dma_start3A_1014, %dma_start3A_1015] : memref<10240x128xf32, #tpu.memory_space<vmem_shared>> -> memref<10240x128xf32, #tpu.memory_space<vmem_shared>>
    tpu.enqueue_indirect_dma source(%arg14 : memref<64x128xf32, #tpu.memory_space<vmem>>) target(%dma_start3A_1016 : memref<10240x128xf32, #tpu.memory_space<vmem_shared>>) offsets(%dma_start3A_1013 : memref<64xi32, #tpu.memory_space<vmem>>) semaphore(%arg22 : memref<!tpu.dma_semaphore, #tpu.memory_space<semaphore_mem>>) {add = true}
    %sub3A_1017 = arith.constant 1 : i32
    %sub3A_1018 = arith.subi %select_n3A_51, %sub3A_1017 : i32
    %mul3A_1019 = arith.constant 16 : i32
    %mul3A_1020 = arith.muli %sub3A_1018, %mul3A_1019 : i32
    %add3A_1021 = arith.addi %select_n3A, %mul3A_1020 : i32
    %dma_wait3A_1022 = arith.constant 5 : i32
    %dma_wait3A_1023 = arith.constant 0 : i32
    %dma_wait3A_1024 = tpu.memref_slice %arg7[%dma_wait3A_1022, %dma_wait3A_1023] : memref<8x64xi32, #tpu.memory_space<vmem>> -> memref<1x64xi32, #tpu.memory_space<vmem>>
    %dma_wait3A_1025 = tpu.memref_squeeze %dma_wait3A_1024 : memref<1x64xi32, #tpu.memory_space<vmem>> -> memref<64xi32, #tpu.memory_space<vmem>>
    %dma_wait3A_1026 = arith.constant 0 : i32
    %dma_wait3A_1027 = arith.constant 0 : i32
    %dma_wait3A_1028 = tpu.memref_slice %arg2[%dma_wait3A_1026, %dma_wait3A_1027] : memref<10240x128xf32, #tpu.memory_space<hbm>> -> memref<10240x128xf32, #tpu.memory_space<hbm>>
    tpu.wait_indirect_dma semaphore(%arg19 : memref<!tpu.dma_semaphore, #tpu.memory_space<semaphore_mem>>) src(%dma_wait3A_1028 : memref<10240x128xf32, #tpu.memory_space<hbm>>) dst(%arg15 : memref<64x128xf32, #tpu.memory_space<vmem>>)
    %dma_wait3A_1029 = arith.constant 5 : i32
    %dma_wait3A_1030 = arith.constant 0 : i32
    %dma_wait3A_1031 = tpu.memref_slice %arg9[%dma_wait3A_1029, %dma_wait3A_1030] : memref<8x64xi32, #tpu.memory_space<vmem>> -> memref<1x64xi32, #tpu.memory_space<vmem>>
    %dma_wait3A_1032 = tpu.memref_squeeze %dma_wait3A_1031 : memref<1x64xi32, #tpu.memory_space<vmem>> -> memref<64xi32, #tpu.memory_space<vmem>>
    %dma_wait3A_1033 = arith.constant 0 : i32
    %dma_wait3A_1034 = arith.constant 0 : i32
    %dma_wait3A_1035 = tpu.memref_slice %arg26[%dma_wait3A_1033, %dma_wait3A_1034] : memref<10240x128xf32, #tpu.memory_space<vmem_shared>> -> memref<10240x128xf32, #tpu.memory_space<vmem_shared>>
    tpu.wait_indirect_dma semaphore(%arg22 : memref<!tpu.dma_semaphore, #tpu.memory_space<semaphore_mem>>) src(%arg14 : memref<64x128xf32, #tpu.memory_space<vmem>>) dst(%dma_wait3A_1035 : memref<10240x128xf32, #tpu.memory_space<vmem_shared>>)
    %dma_start3A_1036 = arith.constant 5 : i32
    %dma_start3A_1037 = arith.constant 0 : i32
    %dma_start3A_1038 = tpu.memref_slice %arg9[%dma_start3A_1036, %dma_start3A_1037] : memref<8x64xi32, #tpu.memory_space<vmem>> -> memref<1x64xi32, #tpu.memory_space<vmem>>
    %dma_start3A_1039 = tpu.memref_squeeze %dma_start3A_1038 : memref<1x64xi32, #tpu.memory_space<vmem>> -> memref<64xi32, #tpu.memory_space<vmem>>
    %dma_start3A_1040 = arith.constant 0 : i32
    %dma_start3A_1041 = arith.constant 0 : i32
    %dma_start3A_1042 = tpu.memref_slice %arg26[%dma_start3A_1040, %dma_start3A_1041] : memref<10240x128xf32, #tpu.memory_space<vmem_shared>> -> memref<10240x128xf32, #tpu.memory_space<vmem_shared>>
    tpu.enqueue_indirect_dma source(%arg15 : memref<64x128xf32, #tpu.memory_space<vmem>>) target(%dma_start3A_1042 : memref<10240x128xf32, #tpu.memory_space<vmem_shared>>) offsets(%dma_start3A_1039 : memref<64xi32, #tpu.memory_space<vmem>>) semaphore(%arg23 : memref<!tpu.dma_semaphore, #tpu.memory_space<semaphore_mem>>) {add = true}
    %sub3A_1043 = arith.constant 1 : i32
    %sub3A_1044 = arith.subi %select_n3A_51, %sub3A_1043 : i32
    %mul3A_1045 = arith.constant 16 : i32
    %mul3A_1046 = arith.muli %sub3A_1044, %mul3A_1045 : i32
    %add3A_1047 = arith.addi %select_n3A, %mul3A_1046 : i32
    %dma_wait3A_1048 = arith.constant 6 : i32
    %dma_wait3A_1049 = arith.constant 0 : i32
    %dma_wait3A_1050 = tpu.memref_slice %arg7[%dma_wait3A_1048, %dma_wait3A_1049] : memref<8x64xi32, #tpu.memory_space<vmem>> -> memref<1x64xi32, #tpu.memory_space<vmem>>
    %dma_wait3A_1051 = tpu.memref_squeeze %dma_wait3A_1050 : memref<1x64xi32, #tpu.memory_space<vmem>> -> memref<64xi32, #tpu.memory_space<vmem>>
    %dma_wait3A_1052 = arith.constant 0 : i32
    %dma_wait3A_1053 = arith.constant 0 : i32
    %dma_wait3A_1054 = tpu.memref_slice %arg2[%dma_wait3A_1052, %dma_wait3A_1053] : memref<10240x128xf32, #tpu.memory_space<hbm>> -> memref<10240x128xf32, #tpu.memory_space<hbm>>
    tpu.wait_indirect_dma semaphore(%arg20 : memref<!tpu.dma_semaphore, #tpu.memory_space<semaphore_mem>>) src(%dma_wait3A_1054 : memref<10240x128xf32, #tpu.memory_space<hbm>>) dst(%arg16 : memref<64x128xf32, #tpu.memory_space<vmem>>)
    %dma_wait3A_1055 = arith.constant 6 : i32
    %dma_wait3A_1056 = arith.constant 0 : i32
    %dma_wait3A_1057 = tpu.memref_slice %arg9[%dma_wait3A_1055, %dma_wait3A_1056] : memref<8x64xi32, #tpu.memory_space<vmem>> -> memref<1x64xi32, #tpu.memory_space<vmem>>
    %dma_wait3A_1058 = tpu.memref_squeeze %dma_wait3A_1057 : memref<1x64xi32, #tpu.memory_space<vmem>> -> memref<64xi32, #tpu.memory_space<vmem>>
    %dma_wait3A_1059 = arith.constant 0 : i32
    %dma_wait3A_1060 = arith.constant 0 : i32
    %dma_wait3A_1061 = tpu.memref_slice %arg26[%dma_wait3A_1059, %dma_wait3A_1060] : memref<10240x128xf32, #tpu.memory_space<vmem_shared>> -> memref<10240x128xf32, #tpu.memory_space<vmem_shared>>
    tpu.wait_indirect_dma semaphore(%arg23 : memref<!tpu.dma_semaphore, #tpu.memory_space<semaphore_mem>>) src(%arg15 : memref<64x128xf32, #tpu.memory_space<vmem>>) dst(%dma_wait3A_1061 : memref<10240x128xf32, #tpu.memory_space<vmem_shared>>)
    %dma_start3A_1062 = arith.constant 6 : i32
    %dma_start3A_1063 = arith.constant 0 : i32
    %dma_start3A_1064 = tpu.memref_slice %arg9[%dma_start3A_1062, %dma_start3A_1063] : memref<8x64xi32, #tpu.memory_space<vmem>> -> memref<1x64xi32, #tpu.memory_space<vmem>>
    %dma_start3A_1065 = tpu.memref_squeeze %dma_start3A_1064 : memref<1x64xi32, #tpu.memory_space<vmem>> -> memref<64xi32, #tpu.memory_space<vmem>>
    %dma_start3A_1066 = arith.constant 0 : i32
    %dma_start3A_1067 = arith.constant 0 : i32
    %dma_start3A_1068 = tpu.memref_slice %arg26[%dma_start3A_1066, %dma_start3A_1067] : memref<10240x128xf32, #tpu.memory_space<vmem_shared>> -> memref<10240x128xf32, #tpu.memory_space<vmem_shared>>
    tpu.enqueue_indirect_dma source(%arg16 : memref<64x128xf32, #tpu.memory_space<vmem>>) target(%dma_start3A_1068 : memref<10240x128xf32, #tpu.memory_space<vmem_shared>>) offsets(%dma_start3A_1065 : memref<64xi32, #tpu.memory_space<vmem>>) semaphore(%arg24 : memref<!tpu.dma_semaphore, #tpu.memory_space<semaphore_mem>>) {add = true}
    %sub3A_1069 = arith.constant 1 : i32
    %sub3A_1070 = arith.subi %select_n3A_51, %sub3A_1069 : i32
    %mul3A_1071 = arith.constant 16 : i32
    %mul3A_1072 = arith.muli %sub3A_1070, %mul3A_1071 : i32
    %add3A_1073 = arith.addi %select_n3A, %mul3A_1072 : i32
    %dma_wait3A_1074 = arith.constant 7 : i32
    %dma_wait3A_1075 = arith.constant 0 : i32
    %dma_wait3A_1076 = tpu.memref_slice %arg7[%dma_wait3A_1074, %dma_wait3A_1075] : memref<8x64xi32, #tpu.memory_space<vmem>> -> memref<1x64xi32, #tpu.memory_space<vmem>>
    %dma_wait3A_1077 = tpu.memref_squeeze %dma_wait3A_1076 : memref<1x64xi32, #tpu.memory_space<vmem>> -> memref<64xi32, #tpu.memory_space<vmem>>
    %dma_wait3A_1078 = arith.constant 0 : i32
    %dma_wait3A_1079 = arith.constant 0 : i32
    %dma_wait3A_1080 = tpu.memref_slice %arg2[%dma_wait3A_1078, %dma_wait3A_1079] : memref<10240x128xf32, #tpu.memory_space<hbm>> -> memref<10240x128xf32, #tpu.memory_space<hbm>>
    tpu.wait_indirect_dma semaphore(%arg21 : memref<!tpu.dma_semaphore, #tpu.memory_space<semaphore_mem>>) src(%dma_wait3A_1080 : memref<10240x128xf32, #tpu.memory_space<hbm>>) dst(%arg17 : memref<64x128xf32, #tpu.memory_space<vmem>>)
    %dma_wait3A_1081 = arith.constant 7 : i32
    %dma_wait3A_1082 = arith.constant 0 : i32
    %dma_wait3A_1083 = tpu.memref_slice %arg9[%dma_wait3A_1081, %dma_wait3A_1082] : memref<8x64xi32, #tpu.memory_space<vmem>> -> memref<1x64xi32, #tpu.memory_space<vmem>>
    %dma_wait3A_1084 = tpu.memref_squeeze %dma_wait3A_1083 : memref<1x64xi32, #tpu.memory_space<vmem>> -> memref<64xi32, #tpu.memory_space<vmem>>
    %dma_wait3A_1085 = arith.constant 0 : i32
    %dma_wait3A_1086 = arith.constant 0 : i32
    %dma_wait3A_1087 = tpu.memref_slice %arg26[%dma_wait3A_1085, %dma_wait3A_1086] : memref<10240x128xf32, #tpu.memory_space<vmem_shared>> -> memref<10240x128xf32, #tpu.memory_space<vmem_shared>>
    tpu.wait_indirect_dma semaphore(%arg24 : memref<!tpu.dma_semaphore, #tpu.memory_space<semaphore_mem>>) src(%arg16 : memref<64x128xf32, #tpu.memory_space<vmem>>) dst(%dma_wait3A_1087 : memref<10240x128xf32, #tpu.memory_space<vmem_shared>>)
    %dma_start3A_1088 = arith.constant 7 : i32
    %dma_start3A_1089 = arith.constant 0 : i32
    %dma_start3A_1090 = tpu.memref_slice %arg9[%dma_start3A_1088, %dma_start3A_1089] : memref<8x64xi32, #tpu.memory_space<vmem>> -> memref<1x64xi32, #tpu.memory_space<vmem>>
    %dma_start3A_1091 = tpu.memref_squeeze %dma_start3A_1090 : memref<1x64xi32, #tpu.memory_space<vmem>> -> memref<64xi32, #tpu.memory_space<vmem>>
    %dma_start3A_1092 = arith.constant 0 : i32
    %dma_start3A_1093 = arith.constant 0 : i32
    %dma_start3A_1094 = tpu.memref_slice %arg26[%dma_start3A_1092, %dma_start3A_1093] : memref<10240x128xf32, #tpu.memory_space<vmem_shared>> -> memref<10240x128xf32, #tpu.memory_space<vmem_shared>>
    tpu.enqueue_indirect_dma source(%arg17 : memref<64x128xf32, #tpu.memory_space<vmem>>) target(%dma_start3A_1094 : memref<10240x128xf32, #tpu.memory_space<vmem_shared>>) offsets(%dma_start3A_1091 : memref<64xi32, #tpu.memory_space<vmem>>) semaphore(%arg25 : memref<!tpu.dma_semaphore, #tpu.memory_space<semaphore_mem>>) {add = true}
    %dma_wait3A_1095 = arith.constant 7 : i32
    %dma_wait3A_1096 = arith.constant 0 : i32
    %dma_wait3A_1097 = tpu.memref_slice %arg9[%dma_wait3A_1095, %dma_wait3A_1096] : memref<8x64xi32, #tpu.memory_space<vmem>> -> memref<1x64xi32, #tpu.memory_space<vmem>>
    %dma_wait3A_1098 = tpu.memref_squeeze %dma_wait3A_1097 : memref<1x64xi32, #tpu.memory_space<vmem>> -> memref<64xi32, #tpu.memory_space<vmem>>
    %dma_wait3A_1099 = arith.constant 0 : i32
    %dma_wait3A_1100 = arith.constant 0 : i32
    %dma_wait3A_1101 = tpu.memref_slice %arg26[%dma_wait3A_1099, %dma_wait3A_1100] : memref<10240x128xf32, #tpu.memory_space<vmem_shared>> -> memref<10240x128xf32, #tpu.memory_space<vmem_shared>>
    tpu.wait_indirect_dma semaphore(%arg25 : memref<!tpu.dma_semaphore, #tpu.memory_space<semaphore_mem>>) src(%arg17 : memref<64x128xf32, #tpu.memory_space<vmem>>) dst(%dma_wait3A_1101 : memref<10240x128xf32, #tpu.memory_space<vmem_shared>>)
    %barrier3A_1102 = arith.constant 0 : index
    tpu.barrier barrier_id(%barrier3A_1102)
    %mul3A_1103 = arith.constant 640 : i32
    %mul3A_1104 = arith.muli %arg1, %mul3A_1103 : i32
    %add3A_1105 = arith.constant 0 : i32
    %add3A_1106 = arith.addi %mul3A_1104, %add3A_1105 : i32
    "tpu.region"() ({
      %run_scoped3A = tpu.sem_alloc : memref<!tpu.dma_semaphore, #tpu.memory_space<semaphore_mem>>
      %dma_start3A_1143 = arith.constant 0 : i32
      %dma_start3A_1144 = tpu.memref_slice %arg26[%add3A_1106, %dma_start3A_1143] : memref<10240x128xf32, #tpu.memory_space<vmem_shared>> -> memref<64x128xf32, #tpu.memory_space<vmem_shared>>
      %dma_start3A_1145 = arith.constant 0 : i32
      %dma_start3A_1146 = tpu.memref_slice %arg26[%add3A_1106, %dma_start3A_1145] : memref<10240x128xf32, #tpu.memory_space<vmem_shared>> -> memref<64x128xf32, #tpu.memory_space<vmem_shared>>
      tpu.enqueue_dma source(%dma_start3A_1146 : memref<64x128xf32, #tpu.memory_space<vmem_shared>>) target(%arg14 : memref<64x128xf32, #tpu.memory_space<vmem>>) target_semaphore(%run_scoped3A : memref<!tpu.dma_semaphore, #tpu.memory_space<semaphore_mem>>)
      %dma_wait3A_1147 = arith.constant 0 : i32
      %dma_wait3A_1148 = tpu.memref_slice %arg26[%add3A_1106, %dma_wait3A_1147] : memref<10240x128xf32, #tpu.memory_space<vmem_shared>> -> memref<64x128xf32, #tpu.memory_space<vmem_shared>>
      %dma_wait3A_1149 = arith.constant 0 : i32
      %dma_wait3A_1150 = tpu.memref_slice %arg26[%add3A_1106, %dma_wait3A_1149] : memref<10240x128xf32, #tpu.memory_space<vmem_shared>> -> memref<64x128xf32, #tpu.memory_space<vmem_shared>>
      tpu.wait_dma2 semaphore(%run_scoped3A : memref<!tpu.dma_semaphore, #tpu.memory_space<semaphore_mem>>) src(%dma_wait3A_1150 : memref<64x128xf32, #tpu.memory_space<vmem_shared>>) dst(%arg14 : memref<64x128xf32, #tpu.memory_space<vmem>>)
      tpu.yield
    }) : () -> ()
    "tpu.region"() ({
      %run_scoped3A = tpu.sem_alloc : memref<!tpu.dma_semaphore, #tpu.memory_space<semaphore_mem>>
      %dma_start3A_1143 = arith.constant 0 : i32
      %dma_start3A_1144 = arith.constant 0 : i32
      %dma_start3A_1145 = tpu.memref_slice %arg5[%arg0, %dma_start3A_1143, %dma_start3A_1144] : memref<2x10240x128xf32, #tpu.memory_space<hbm>> -> memref<1x10240x128xf32, #tpu.memory_space<hbm>>
      %dma_start3A_1146 = tpu.memref_squeeze %dma_start3A_1145 : memref<1x10240x128xf32, #tpu.memory_space<hbm>> -> memref<10240x128xf32, #tpu.memory_space<hbm>>
      %dma_start3A_1147 = arith.constant 0 : i32
      %dma_start3A_1148 = tpu.memref_slice %dma_start3A_1146[%add3A_1106, %dma_start3A_1147] : memref<10240x128xf32, #tpu.memory_space<hbm>> -> memref<64x128xf32, #tpu.memory_space<hbm>>
      %dma_start3A_1149 = arith.constant 0 : i32
      %dma_start3A_1150 = arith.constant 0 : i32
      %dma_start3A_1151 = tpu.memref_slice %arg5[%arg0, %dma_start3A_1149, %dma_start3A_1150] : memref<2x10240x128xf32, #tpu.memory_space<hbm>> -> memref<1x10240x128xf32, #tpu.memory_space<hbm>>
      %dma_start3A_1152 = tpu.memref_squeeze %dma_start3A_1151 : memref<1x10240x128xf32, #tpu.memory_space<hbm>> -> memref<10240x128xf32, #tpu.memory_space<hbm>>
      %dma_start3A_1153 = arith.constant 0 : i32
      %dma_start3A_1154 = tpu.memref_slice %dma_start3A_1152[%add3A_1106, %dma_start3A_1153] : memref<10240x128xf32, #tpu.memory_space<hbm>> -> memref<64x128xf32, #tpu.memory_space<hbm>>
      tpu.enqueue_dma source(%arg14 : memref<64x128xf32, #tpu.memory_space<vmem>>) target(%dma_start3A_1154 : memref<64x128xf32, #tpu.memory_space<hbm>>) target_semaphore(%run_scoped3A : memref<!tpu.dma_semaphore, #tpu.memory_space<semaphore_mem>>)
      %dma_wait3A_1155 = arith.constant 0 : i32
      %dma_wait3A_1156 = arith.constant 0 : i32
      %dma_wait3A_1157 = tpu.memref_slice %arg5[%arg0, %dma_wait3A_1155, %dma_wait3A_1156] : memref<2x10240x128xf32, #tpu.memory_space<hbm>> -> memref<1x10240x128xf32, #tpu.memory_space<hbm>>
      %dma_wait3A_1158 = tpu.memref_squeeze %dma_wait3A_1157 : memref<1x10240x128xf32, #tpu.memory_space<hbm>> -> memref<10240x128xf32, #tpu.memory_space<hbm>>
      %dma_wait3A_1159 = arith.constant 0 : i32
      %dma_wait3A_1160 = tpu.memref_slice %dma_wait3A_1158[%add3A_1106, %dma_wait3A_1159] : memref<10240x128xf32, #tpu.memory_space<hbm>> -> memref<64x128xf32, #tpu.memory_space<hbm>>
      %dma_wait3A_1161 = arith.constant 0 : i32
      %dma_wait3A_1162 = arith.constant 0 : i32
      %dma_wait3A_1163 = tpu.memref_slice %arg5[%arg0, %dma_wait3A_1161, %dma_wait3A_1162] : memref<2x10240x128xf32, #tpu.memory_space<hbm>> -> memref<1x10240x128xf32, #tpu.memory_space<hbm>>
      %dma_wait3A_1164 = tpu.memref_squeeze %dma_wait3A_1163 : memref<1x10240x128xf32, #tpu.memory_space<hbm>> -> memref<10240x128xf32, #tpu.memory_space<hbm>>
      %dma_wait3A_1165 = arith.constant 0 : i32
      %dma_wait3A_1166 = tpu.memref_slice %dma_wait3A_1164[%add3A_1106, %dma_wait3A_1165] : memref<10240x128xf32, #tpu.memory_space<hbm>> -> memref<64x128xf32, #tpu.memory_space<hbm>>
      tpu.wait_dma2 semaphore(%run_scoped3A : memref<!tpu.dma_semaphore, #tpu.memory_space<semaphore_mem>>) src(%arg14 : memref<64x128xf32, #tpu.memory_space<vmem>>) dst(%dma_wait3A_1166 : memref<64x128xf32, #tpu.memory_space<hbm>>)
      tpu.yield
    }) : () -> ()
    %mul3A_1107 = arith.constant 640 : i32
    %mul3A_1108 = arith.muli %arg1, %mul3A_1107 : i32
    %add3A_1109 = arith.constant 64 : i32
    %add3A_1110 = arith.addi %mul3A_1108, %add3A_1109 : i32
    "tpu.region"() ({
      %run_scoped3A = tpu.sem_alloc : memref<!tpu.dma_semaphore, #tpu.memory_space<semaphore_mem>>
      %dma_start3A_1143 = arith.constant 0 : i32
      %dma_start3A_1144 = tpu.memref_slice %arg26[%add3A_1110, %dma_start3A_1143] : memref<10240x128xf32, #tpu.memory_space<vmem_shared>> -> memref<64x128xf32, #tpu.memory_space<vmem_shared>>
      %dma_start3A_1145 = arith.constant 0 : i32
      %dma_start3A_1146 = tpu.memref_slice %arg26[%add3A_1110, %dma_start3A_1145] : memref<10240x128xf32, #tpu.memory_space<vmem_shared>> -> memref<64x128xf32, #tpu.memory_space<vmem_shared>>
      tpu.enqueue_dma source(%dma_start3A_1146 : memref<64x128xf32, #tpu.memory_space<vmem_shared>>) target(%arg15 : memref<64x128xf32, #tpu.memory_space<vmem>>) target_semaphore(%run_scoped3A : memref<!tpu.dma_semaphore, #tpu.memory_space<semaphore_mem>>)
      %dma_wait3A_1147 = arith.constant 0 : i32
      %dma_wait3A_1148 = tpu.memref_slice %arg26[%add3A_1110, %dma_wait3A_1147] : memref<10240x128xf32, #tpu.memory_space<vmem_shared>> -> memref<64x128xf32, #tpu.memory_space<vmem_shared>>
      %dma_wait3A_1149 = arith.constant 0 : i32
      %dma_wait3A_1150 = tpu.memref_slice %arg26[%add3A_1110, %dma_wait3A_1149] : memref<10240x128xf32, #tpu.memory_space<vmem_shared>> -> memref<64x128xf32, #tpu.memory_space<vmem_shared>>
      tpu.wait_dma2 semaphore(%run_scoped3A : memref<!tpu.dma_semaphore, #tpu.memory_space<semaphore_mem>>) src(%dma_wait3A_1150 : memref<64x128xf32, #tpu.memory_space<vmem_shared>>) dst(%arg15 : memref<64x128xf32, #tpu.memory_space<vmem>>)
      tpu.yield
    }) : () -> ()
    "tpu.region"() ({
      %run_scoped3A = tpu.sem_alloc : memref<!tpu.dma_semaphore, #tpu.memory_space<semaphore_mem>>
      %dma_start3A_1143 = arith.constant 0 : i32
      %dma_start3A_1144 = arith.constant 0 : i32
      %dma_start3A_1145 = tpu.memref_slice %arg5[%arg0, %dma_start3A_1143, %dma_start3A_1144] : memref<2x10240x128xf32, #tpu.memory_space<hbm>> -> memref<1x10240x128xf32, #tpu.memory_space<hbm>>
      %dma_start3A_1146 = tpu.memref_squeeze %dma_start3A_1145 : memref<1x10240x128xf32, #tpu.memory_space<hbm>> -> memref<10240x128xf32, #tpu.memory_space<hbm>>
      %dma_start3A_1147 = arith.constant 0 : i32
      %dma_start3A_1148 = tpu.memref_slice %dma_start3A_1146[%add3A_1110, %dma_start3A_1147] : memref<10240x128xf32, #tpu.memory_space<hbm>> -> memref<64x128xf32, #tpu.memory_space<hbm>>
      %dma_start3A_1149 = arith.constant 0 : i32
      %dma_start3A_1150 = arith.constant 0 : i32
      %dma_start3A_1151 = tpu.memref_slice %arg5[%arg0, %dma_start3A_1149, %dma_start3A_1150] : memref<2x10240x128xf32, #tpu.memory_space<hbm>> -> memref<1x10240x128xf32, #tpu.memory_space<hbm>>
      %dma_start3A_1152 = tpu.memref_squeeze %dma_start3A_1151 : memref<1x10240x128xf32, #tpu.memory_space<hbm>> -> memref<10240x128xf32, #tpu.memory_space<hbm>>
      %dma_start3A_1153 = arith.constant 0 : i32
      %dma_start3A_1154 = tpu.memref_slice %dma_start3A_1152[%add3A_1110, %dma_start3A_1153] : memref<10240x128xf32, #tpu.memory_space<hbm>> -> memref<64x128xf32, #tpu.memory_space<hbm>>
      tpu.enqueue_dma source(%arg15 : memref<64x128xf32, #tpu.memory_space<vmem>>) target(%dma_start3A_1154 : memref<64x128xf32, #tpu.memory_space<hbm>>) target_semaphore(%run_scoped3A : memref<!tpu.dma_semaphore, #tpu.memory_space<semaphore_mem>>)
      %dma_wait3A_1155 = arith.constant 0 : i32
      %dma_wait3A_1156 = arith.constant 0 : i32
      %dma_wait3A_1157 = tpu.memref_slice %arg5[%arg0, %dma_wait3A_1155, %dma_wait3A_1156] : memref<2x10240x128xf32, #tpu.memory_space<hbm>> -> memref<1x10240x128xf32, #tpu.memory_space<hbm>>
      %dma_wait3A_1158 = tpu.memref_squeeze %dma_wait3A_1157 : memref<1x10240x128xf32, #tpu.memory_space<hbm>> -> memref<10240x128xf32, #tpu.memory_space<hbm>>
      %dma_wait3A_1159 = arith.constant 0 : i32
      %dma_wait3A_1160 = tpu.memref_slice %dma_wait3A_1158[%add3A_1110, %dma_wait3A_1159] : memref<10240x128xf32, #tpu.memory_space<hbm>> -> memref<64x128xf32, #tpu.memory_space<hbm>>
      %dma_wait3A_1161 = arith.constant 0 : i32
      %dma_wait3A_1162 = arith.constant 0 : i32
      %dma_wait3A_1163 = tpu.memref_slice %arg5[%arg0, %dma_wait3A_1161, %dma_wait3A_1162] : memref<2x10240x128xf32, #tpu.memory_space<hbm>> -> memref<1x10240x128xf32, #tpu.memory_space<hbm>>
      %dma_wait3A_1164 = tpu.memref_squeeze %dma_wait3A_1163 : memref<1x10240x128xf32, #tpu.memory_space<hbm>> -> memref<10240x128xf32, #tpu.memory_space<hbm>>
      %dma_wait3A_1165 = arith.constant 0 : i32
      %dma_wait3A_1166 = tpu.memref_slice %dma_wait3A_1164[%add3A_1110, %dma_wait3A_1165] : memref<10240x128xf32, #tpu.memory_space<hbm>> -> memref<64x128xf32, #tpu.memory_space<hbm>>
      tpu.wait_dma2 semaphore(%run_scoped3A : memref<!tpu.dma_semaphore, #tpu.memory_space<semaphore_mem>>) src(%arg15 : memref<64x128xf32, #tpu.memory_space<vmem>>) dst(%dma_wait3A_1166 : memref<64x128xf32, #tpu.memory_space<hbm>>)
      tpu.yield
    }) : () -> ()
    %mul3A_1111 = arith.constant 640 : i32
    %mul3A_1112 = arith.muli %arg1, %mul3A_1111 : i32
    %add3A_1113 = arith.constant 128 : i32
    %add3A_1114 = arith.addi %mul3A_1112, %add3A_1113 : i32
    "tpu.region"() ({
      %run_scoped3A = tpu.sem_alloc : memref<!tpu.dma_semaphore, #tpu.memory_space<semaphore_mem>>
      %dma_start3A_1143 = arith.constant 0 : i32
      %dma_start3A_1144 = tpu.memref_slice %arg26[%add3A_1114, %dma_start3A_1143] : memref<10240x128xf32, #tpu.memory_space<vmem_shared>> -> memref<64x128xf32, #tpu.memory_space<vmem_shared>>
      %dma_start3A_1145 = arith.constant 0 : i32
      %dma_start3A_1146 = tpu.memref_slice %arg26[%add3A_1114, %dma_start3A_1145] : memref<10240x128xf32, #tpu.memory_space<vmem_shared>> -> memref<64x128xf32, #tpu.memory_space<vmem_shared>>
      tpu.enqueue_dma source(%dma_start3A_1146 : memref<64x128xf32, #tpu.memory_space<vmem_shared>>) target(%arg16 : memref<64x128xf32, #tpu.memory_space<vmem>>) target_semaphore(%run_scoped3A : memref<!tpu.dma_semaphore, #tpu.memory_space<semaphore_mem>>)
      %dma_wait3A_1147 = arith.constant 0 : i32
      %dma_wait3A_1148 = tpu.memref_slice %arg26[%add3A_1114, %dma_wait3A_1147] : memref<10240x128xf32, #tpu.memory_space<vmem_shared>> -> memref<64x128xf32, #tpu.memory_space<vmem_shared>>
      %dma_wait3A_1149 = arith.constant 0 : i32
      %dma_wait3A_1150 = tpu.memref_slice %arg26[%add3A_1114, %dma_wait3A_1149] : memref<10240x128xf32, #tpu.memory_space<vmem_shared>> -> memref<64x128xf32, #tpu.memory_space<vmem_shared>>
      tpu.wait_dma2 semaphore(%run_scoped3A : memref<!tpu.dma_semaphore, #tpu.memory_space<semaphore_mem>>) src(%dma_wait3A_1150 : memref<64x128xf32, #tpu.memory_space<vmem_shared>>) dst(%arg16 : memref<64x128xf32, #tpu.memory_space<vmem>>)
      tpu.yield
    }) : () -> ()
    "tpu.region"() ({
      %run_scoped3A = tpu.sem_alloc : memref<!tpu.dma_semaphore, #tpu.memory_space<semaphore_mem>>
      %dma_start3A_1143 = arith.constant 0 : i32
      %dma_start3A_1144 = arith.constant 0 : i32
      %dma_start3A_1145 = tpu.memref_slice %arg5[%arg0, %dma_start3A_1143, %dma_start3A_1144] : memref<2x10240x128xf32, #tpu.memory_space<hbm>> -> memref<1x10240x128xf32, #tpu.memory_space<hbm>>
      %dma_start3A_1146 = tpu.memref_squeeze %dma_start3A_1145 : memref<1x10240x128xf32, #tpu.memory_space<hbm>> -> memref<10240x128xf32, #tpu.memory_space<hbm>>
      %dma_start3A_1147 = arith.constant 0 : i32
      %dma_start3A_1148 = tpu.memref_slice %dma_start3A_1146[%add3A_1114, %dma_start3A_1147] : memref<10240x128xf32, #tpu.memory_space<hbm>> -> memref<64x128xf32, #tpu.memory_space<hbm>>
      %dma_start3A_1149 = arith.constant 0 : i32
      %dma_start3A_1150 = arith.constant 0 : i32
      %dma_start3A_1151 = tpu.memref_slice %arg5[%arg0, %dma_start3A_1149, %dma_start3A_1150] : memref<2x10240x128xf32, #tpu.memory_space<hbm>> -> memref<1x10240x128xf32, #tpu.memory_space<hbm>>
      %dma_start3A_1152 = tpu.memref_squeeze %dma_start3A_1151 : memref<1x10240x128xf32, #tpu.memory_space<hbm>> -> memref<10240x128xf32, #tpu.memory_space<hbm>>
      %dma_start3A_1153 = arith.constant 0 : i32
      %dma_start3A_1154 = tpu.memref_slice %dma_start3A_1152[%add3A_1114, %dma_start3A_1153] : memref<10240x128xf32, #tpu.memory_space<hbm>> -> memref<64x128xf32, #tpu.memory_space<hbm>>
      tpu.enqueue_dma source(%arg16 : memref<64x128xf32, #tpu.memory_space<vmem>>) target(%dma_start3A_1154 : memref<64x128xf32, #tpu.memory_space<hbm>>) target_semaphore(%run_scoped3A : memref<!tpu.dma_semaphore, #tpu.memory_space<semaphore_mem>>)
      %dma_wait3A_1155 = arith.constant 0 : i32
      %dma_wait3A_1156 = arith.constant 0 : i32
      %dma_wait3A_1157 = tpu.memref_slice %arg5[%arg0, %dma_wait3A_1155, %dma_wait3A_1156] : memref<2x10240x128xf32, #tpu.memory_space<hbm>> -> memref<1x10240x128xf32, #tpu.memory_space<hbm>>
      %dma_wait3A_1158 = tpu.memref_squeeze %dma_wait3A_1157 : memref<1x10240x128xf32, #tpu.memory_space<hbm>> -> memref<10240x128xf32, #tpu.memory_space<hbm>>
      %dma_wait3A_1159 = arith.constant 0 : i32
      %dma_wait3A_1160 = tpu.memref_slice %dma_wait3A_1158[%add3A_1114, %dma_wait3A_1159] : memref<10240x128xf32, #tpu.memory_space<hbm>> -> memref<64x128xf32, #tpu.memory_space<hbm>>
      %dma_wait3A_1161 = arith.constant 0 : i32
      %dma_wait3A_1162 = arith.constant 0 : i32
      %dma_wait3A_1163 = tpu.memref_slice %arg5[%arg0, %dma_wait3A_1161, %dma_wait3A_1162] : memref<2x10240x128xf32, #tpu.memory_space<hbm>> -> memref<1x10240x128xf32, #tpu.memory_space<hbm>>
      %dma_wait3A_1164 = tpu.memref_squeeze %dma_wait3A_1163 : memref<1x10240x128xf32, #tpu.memory_space<hbm>> -> memref<10240x128xf32, #tpu.memory_space<hbm>>
      %dma_wait3A_1165 = arith.constant 0 : i32
      %dma_wait3A_1166 = tpu.memref_slice %dma_wait3A_1164[%add3A_1114, %dma_wait3A_1165] : memref<10240x128xf32, #tpu.memory_space<hbm>> -> memref<64x128xf32, #tpu.memory_space<hbm>>
      tpu.wait_dma2 semaphore(%run_scoped3A : memref<!tpu.dma_semaphore, #tpu.memory_space<semaphore_mem>>) src(%arg16 : memref<64x128xf32, #tpu.memory_space<vmem>>) dst(%dma_wait3A_1166 : memref<64x128xf32, #tpu.memory_space<hbm>>)
      tpu.yield
    }) : () -> ()
    %mul3A_1115 = arith.constant 640 : i32
    %mul3A_1116 = arith.muli %arg1, %mul3A_1115 : i32
    %add3A_1117 = arith.constant 192 : i32
    %add3A_1118 = arith.addi %mul3A_1116, %add3A_1117 : i32
    "tpu.region"() ({
      %run_scoped3A = tpu.sem_alloc : memref<!tpu.dma_semaphore, #tpu.memory_space<semaphore_mem>>
      %dma_start3A_1143 = arith.constant 0 : i32
      %dma_start3A_1144 = tpu.memref_slice %arg26[%add3A_1118, %dma_start3A_1143] : memref<10240x128xf32, #tpu.memory_space<vmem_shared>> -> memref<64x128xf32, #tpu.memory_space<vmem_shared>>
      %dma_start3A_1145 = arith.constant 0 : i32
      %dma_start3A_1146 = tpu.memref_slice %arg26[%add3A_1118, %dma_start3A_1145] : memref<10240x128xf32, #tpu.memory_space<vmem_shared>> -> memref<64x128xf32, #tpu.memory_space<vmem_shared>>
      tpu.enqueue_dma source(%dma_start3A_1146 : memref<64x128xf32, #tpu.memory_space<vmem_shared>>) target(%arg17 : memref<64x128xf32, #tpu.memory_space<vmem>>) target_semaphore(%run_scoped3A : memref<!tpu.dma_semaphore, #tpu.memory_space<semaphore_mem>>)
      %dma_wait3A_1147 = arith.constant 0 : i32
      %dma_wait3A_1148 = tpu.memref_slice %arg26[%add3A_1118, %dma_wait3A_1147] : memref<10240x128xf32, #tpu.memory_space<vmem_shared>> -> memref<64x128xf32, #tpu.memory_space<vmem_shared>>
      %dma_wait3A_1149 = arith.constant 0 : i32
      %dma_wait3A_1150 = tpu.memref_slice %arg26[%add3A_1118, %dma_wait3A_1149] : memref<10240x128xf32, #tpu.memory_space<vmem_shared>> -> memref<64x128xf32, #tpu.memory_space<vmem_shared>>
      tpu.wait_dma2 semaphore(%run_scoped3A : memref<!tpu.dma_semaphore, #tpu.memory_space<semaphore_mem>>) src(%dma_wait3A_1150 : memref<64x128xf32, #tpu.memory_space<vmem_shared>>) dst(%arg17 : memref<64x128xf32, #tpu.memory_space<vmem>>)
      tpu.yield
    }) : () -> ()
    "tpu.region"() ({
      %run_scoped3A = tpu.sem_alloc : memref<!tpu.dma_semaphore, #tpu.memory_space<semaphore_mem>>
      %dma_start3A_1143 = arith.constant 0 : i32
      %dma_start3A_1144 = arith.constant 0 : i32
      %dma_start3A_1145 = tpu.memref_slice %arg5[%arg0, %dma_start3A_1143, %dma_start3A_1144] : memref<2x10240x128xf32, #tpu.memory_space<hbm>> -> memref<1x10240x128xf32, #tpu.memory_space<hbm>>
      %dma_start3A_1146 = tpu.memref_squeeze %dma_start3A_1145 : memref<1x10240x128xf32, #tpu.memory_space<hbm>> -> memref<10240x128xf32, #tpu.memory_space<hbm>>
      %dma_start3A_1147 = arith.constant 0 : i32
      %dma_start3A_1148 = tpu.memref_slice %dma_start3A_1146[%add3A_1118, %dma_start3A_1147] : memref<10240x128xf32, #tpu.memory_space<hbm>> -> memref<64x128xf32, #tpu.memory_space<hbm>>
      %dma_start3A_1149 = arith.constant 0 : i32
      %dma_start3A_1150 = arith.constant 0 : i32
      %dma_start3A_1151 = tpu.memref_slice %arg5[%arg0, %dma_start3A_1149, %dma_start3A_1150] : memref<2x10240x128xf32, #tpu.memory_space<hbm>> -> memref<1x10240x128xf32, #tpu.memory_space<hbm>>
      %dma_start3A_1152 = tpu.memref_squeeze %dma_start3A_1151 : memref<1x10240x128xf32, #tpu.memory_space<hbm>> -> memref<10240x128xf32, #tpu.memory_space<hbm>>
      %dma_start3A_1153 = arith.constant 0 : i32
      %dma_start3A_1154 = tpu.memref_slice %dma_start3A_1152[%add3A_1118, %dma_start3A_1153] : memref<10240x128xf32, #tpu.memory_space<hbm>> -> memref<64x128xf32, #tpu.memory_space<hbm>>
      tpu.enqueue_dma source(%arg17 : memref<64x128xf32, #tpu.memory_space<vmem>>) target(%dma_start3A_1154 : memref<64x128xf32, #tpu.memory_space<hbm>>) target_semaphore(%run_scoped3A : memref<!tpu.dma_semaphore, #tpu.memory_space<semaphore_mem>>)
      %dma_wait3A_1155 = arith.constant 0 : i32
      %dma_wait3A_1156 = arith.constant 0 : i32
      %dma_wait3A_1157 = tpu.memref_slice %arg5[%arg0, %dma_wait3A_1155, %dma_wait3A_1156] : memref<2x10240x128xf32, #tpu.memory_space<hbm>> -> memref<1x10240x128xf32, #tpu.memory_space<hbm>>
      %dma_wait3A_1158 = tpu.memref_squeeze %dma_wait3A_1157 : memref<1x10240x128xf32, #tpu.memory_space<hbm>> -> memref<10240x128xf32, #tpu.memory_space<hbm>>
      %dma_wait3A_1159 = arith.constant 0 : i32
      %dma_wait3A_1160 = tpu.memref_slice %dma_wait3A_1158[%add3A_1118, %dma_wait3A_1159] : memref<10240x128xf32, #tpu.memory_space<hbm>> -> memref<64x128xf32, #tpu.memory_space<hbm>>
      %dma_wait3A_1161 = arith.constant 0 : i32
      %dma_wait3A_1162 = arith.constant 0 : i32
      %dma_wait3A_1163 = tpu.memref_slice %arg5[%arg0, %dma_wait3A_1161, %dma_wait3A_1162] : memref<2x10240x128xf32, #tpu.memory_space<hbm>> -> memref<1x10240x128xf32, #tpu.memory_space<hbm>>
      %dma_wait3A_1164 = tpu.memref_squeeze %dma_wait3A_1163 : memref<1x10240x128xf32, #tpu.memory_space<hbm>> -> memref<10240x128xf32, #tpu.memory_space<hbm>>
      %dma_wait3A_1165 = arith.constant 0 : i32
      %dma_wait3A_1166 = tpu.memref_slice %dma_wait3A_1164[%add3A_1118, %dma_wait3A_1165] : memref<10240x128xf32, #tpu.memory_space<hbm>> -> memref<64x128xf32, #tpu.memory_space<hbm>>
      tpu.wait_dma2 semaphore(%run_scoped3A : memref<!tpu.dma_semaphore, #tpu.memory_space<semaphore_mem>>) src(%arg17 : memref<64x128xf32, #tpu.memory_space<vmem>>) dst(%dma_wait3A_1166 : memref<64x128xf32, #tpu.memory_space<hbm>>)
      tpu.yield
    }) : () -> ()
    %mul3A_1119 = arith.constant 640 : i32
    %mul3A_1120 = arith.muli %arg1, %mul3A_1119 : i32
    %add3A_1121 = arith.constant 256 : i32
    %add3A_1122 = arith.addi %mul3A_1120, %add3A_1121 : i32
    "tpu.region"() ({
      %run_scoped3A = tpu.sem_alloc : memref<!tpu.dma_semaphore, #tpu.memory_space<semaphore_mem>>
      %dma_start3A_1143 = arith.constant 0 : i32
      %dma_start3A_1144 = tpu.memref_slice %arg26[%add3A_1122, %dma_start3A_1143] : memref<10240x128xf32, #tpu.memory_space<vmem_shared>> -> memref<64x128xf32, #tpu.memory_space<vmem_shared>>
      %dma_start3A_1145 = arith.constant 0 : i32
      %dma_start3A_1146 = tpu.memref_slice %arg26[%add3A_1122, %dma_start3A_1145] : memref<10240x128xf32, #tpu.memory_space<vmem_shared>> -> memref<64x128xf32, #tpu.memory_space<vmem_shared>>
      tpu.enqueue_dma source(%dma_start3A_1146 : memref<64x128xf32, #tpu.memory_space<vmem_shared>>) target(%arg14 : memref<64x128xf32, #tpu.memory_space<vmem>>) target_semaphore(%run_scoped3A : memref<!tpu.dma_semaphore, #tpu.memory_space<semaphore_mem>>)
      %dma_wait3A_1147 = arith.constant 0 : i32
      %dma_wait3A_1148 = tpu.memref_slice %arg26[%add3A_1122, %dma_wait3A_1147] : memref<10240x128xf32, #tpu.memory_space<vmem_shared>> -> memref<64x128xf32, #tpu.memory_space<vmem_shared>>
      %dma_wait3A_1149 = arith.constant 0 : i32
      %dma_wait3A_1150 = tpu.memref_slice %arg26[%add3A_1122, %dma_wait3A_1149] : memref<10240x128xf32, #tpu.memory_space<vmem_shared>> -> memref<64x128xf32, #tpu.memory_space<vmem_shared>>
      tpu.wait_dma2 semaphore(%run_scoped3A : memref<!tpu.dma_semaphore, #tpu.memory_space<semaphore_mem>>) src(%dma_wait3A_1150 : memref<64x128xf32, #tpu.memory_space<vmem_shared>>) dst(%arg14 : memref<64x128xf32, #tpu.memory_space<vmem>>)
      tpu.yield
    }) : () -> ()
    "tpu.region"() ({
      %run_scoped3A = tpu.sem_alloc : memref<!tpu.dma_semaphore, #tpu.memory_space<semaphore_mem>>
      %dma_start3A_1143 = arith.constant 0 : i32
      %dma_start3A_1144 = arith.constant 0 : i32
      %dma_start3A_1145 = tpu.memref_slice %arg5[%arg0, %dma_start3A_1143, %dma_start3A_1144] : memref<2x10240x128xf32, #tpu.memory_space<hbm>> -> memref<1x10240x128xf32, #tpu.memory_space<hbm>>
      %dma_start3A_1146 = tpu.memref_squeeze %dma_start3A_1145 : memref<1x10240x128xf32, #tpu.memory_space<hbm>> -> memref<10240x128xf32, #tpu.memory_space<hbm>>
      %dma_start3A_1147 = arith.constant 0 : i32
      %dma_start3A_1148 = tpu.memref_slice %dma_start3A_1146[%add3A_1122, %dma_start3A_1147] : memref<10240x128xf32, #tpu.memory_space<hbm>> -> memref<64x128xf32, #tpu.memory_space<hbm>>
      %dma_start3A_1149 = arith.constant 0 : i32
      %dma_start3A_1150 = arith.constant 0 : i32
      %dma_start3A_1151 = tpu.memref_slice %arg5[%arg0, %dma_start3A_1149, %dma_start3A_1150] : memref<2x10240x128xf32, #tpu.memory_space<hbm>> -> memref<1x10240x128xf32, #tpu.memory_space<hbm>>
      %dma_start3A_1152 = tpu.memref_squeeze %dma_start3A_1151 : memref<1x10240x128xf32, #tpu.memory_space<hbm>> -> memref<10240x128xf32, #tpu.memory_space<hbm>>
      %dma_start3A_1153 = arith.constant 0 : i32
      %dma_start3A_1154 = tpu.memref_slice %dma_start3A_1152[%add3A_1122, %dma_start3A_1153] : memref<10240x128xf32, #tpu.memory_space<hbm>> -> memref<64x128xf32, #tpu.memory_space<hbm>>
      tpu.enqueue_dma source(%arg14 : memref<64x128xf32, #tpu.memory_space<vmem>>) target(%dma_start3A_1154 : memref<64x128xf32, #tpu.memory_space<hbm>>) target_semaphore(%run_scoped3A : memref<!tpu.dma_semaphore, #tpu.memory_space<semaphore_mem>>)
      %dma_wait3A_1155 = arith.constant 0 : i32
      %dma_wait3A_1156 = arith.constant 0 : i32
      %dma_wait3A_1157 = tpu.memref_slice %arg5[%arg0, %dma_wait3A_1155, %dma_wait3A_1156] : memref<2x10240x128xf32, #tpu.memory_space<hbm>> -> memref<1x10240x128xf32, #tpu.memory_space<hbm>>
      %dma_wait3A_1158 = tpu.memref_squeeze %dma_wait3A_1157 : memref<1x10240x128xf32, #tpu.memory_space<hbm>> -> memref<10240x128xf32, #tpu.memory_space<hbm>>
      %dma_wait3A_1159 = arith.constant 0 : i32
      %dma_wait3A_1160 = tpu.memref_slice %dma_wait3A_1158[%add3A_1122, %dma_wait3A_1159] : memref<10240x128xf32, #tpu.memory_space<hbm>> -> memref<64x128xf32, #tpu.memory_space<hbm>>
      %dma_wait3A_1161 = arith.constant 0 : i32
      %dma_wait3A_1162 = arith.constant 0 : i32
      %dma_wait3A_1163 = tpu.memref_slice %arg5[%arg0, %dma_wait3A_1161, %dma_wait3A_1162] : memref<2x10240x128xf32, #tpu.memory_space<hbm>> -> memref<1x10240x128xf32, #tpu.memory_space<hbm>>
      %dma_wait3A_1164 = tpu.memref_squeeze %dma_wait3A_1163 : memref<1x10240x128xf32, #tpu.memory_space<hbm>> -> memref<10240x128xf32, #tpu.memory_space<hbm>>
      %dma_wait3A_1165 = arith.constant 0 : i32
      %dma_wait3A_1166 = tpu.memref_slice %dma_wait3A_1164[%add3A_1122, %dma_wait3A_1165] : memref<10240x128xf32, #tpu.memory_space<hbm>> -> memref<64x128xf32, #tpu.memory_space<hbm>>
      tpu.wait_dma2 semaphore(%run_scoped3A : memref<!tpu.dma_semaphore, #tpu.memory_space<semaphore_mem>>) src(%arg14 : memref<64x128xf32, #tpu.memory_space<vmem>>) dst(%dma_wait3A_1166 : memref<64x128xf32, #tpu.memory_space<hbm>>)
      tpu.yield
    }) : () -> ()
    %mul3A_1123 = arith.constant 640 : i32
    %mul3A_1124 = arith.muli %arg1, %mul3A_1123 : i32
    %add3A_1125 = arith.constant 320 : i32
    %add3A_1126 = arith.addi %mul3A_1124, %add3A_1125 : i32
    "tpu.region"() ({
      %run_scoped3A = tpu.sem_alloc : memref<!tpu.dma_semaphore, #tpu.memory_space<semaphore_mem>>
      %dma_start3A_1143 = arith.constant 0 : i32
      %dma_start3A_1144 = tpu.memref_slice %arg26[%add3A_1126, %dma_start3A_1143] : memref<10240x128xf32, #tpu.memory_space<vmem_shared>> -> memref<64x128xf32, #tpu.memory_space<vmem_shared>>
      %dma_start3A_1145 = arith.constant 0 : i32
      %dma_start3A_1146 = tpu.memref_slice %arg26[%add3A_1126, %dma_start3A_1145] : memref<10240x128xf32, #tpu.memory_space<vmem_shared>> -> memref<64x128xf32, #tpu.memory_space<vmem_shared>>
      tpu.enqueue_dma source(%dma_start3A_1146 : memref<64x128xf32, #tpu.memory_space<vmem_shared>>) target(%arg15 : memref<64x128xf32, #tpu.memory_space<vmem>>) target_semaphore(%run_scoped3A : memref<!tpu.dma_semaphore, #tpu.memory_space<semaphore_mem>>)
      %dma_wait3A_1147 = arith.constant 0 : i32
      %dma_wait3A_1148 = tpu.memref_slice %arg26[%add3A_1126, %dma_wait3A_1147] : memref<10240x128xf32, #tpu.memory_space<vmem_shared>> -> memref<64x128xf32, #tpu.memory_space<vmem_shared>>
      %dma_wait3A_1149 = arith.constant 0 : i32
      %dma_wait3A_1150 = tpu.memref_slice %arg26[%add3A_1126, %dma_wait3A_1149] : memref<10240x128xf32, #tpu.memory_space<vmem_shared>> -> memref<64x128xf32, #tpu.memory_space<vmem_shared>>
      tpu.wait_dma2 semaphore(%run_scoped3A : memref<!tpu.dma_semaphore, #tpu.memory_space<semaphore_mem>>) src(%dma_wait3A_1150 : memref<64x128xf32, #tpu.memory_space<vmem_shared>>) dst(%arg15 : memref<64x128xf32, #tpu.memory_space<vmem>>)
      tpu.yield
    }) : () -> ()
    "tpu.region"() ({
      %run_scoped3A = tpu.sem_alloc : memref<!tpu.dma_semaphore, #tpu.memory_space<semaphore_mem>>
      %dma_start3A_1143 = arith.constant 0 : i32
      %dma_start3A_1144 = arith.constant 0 : i32
      %dma_start3A_1145 = tpu.memref_slice %arg5[%arg0, %dma_start3A_1143, %dma_start3A_1144] : memref<2x10240x128xf32, #tpu.memory_space<hbm>> -> memref<1x10240x128xf32, #tpu.memory_space<hbm>>
      %dma_start3A_1146 = tpu.memref_squeeze %dma_start3A_1145 : memref<1x10240x128xf32, #tpu.memory_space<hbm>> -> memref<10240x128xf32, #tpu.memory_space<hbm>>
      %dma_start3A_1147 = arith.constant 0 : i32
      %dma_start3A_1148 = tpu.memref_slice %dma_start3A_1146[%add3A_1126, %dma_start3A_1147] : memref<10240x128xf32, #tpu.memory_space<hbm>> -> memref<64x128xf32, #tpu.memory_space<hbm>>
      %dma_start3A_1149 = arith.constant 0 : i32
      %dma_start3A_1150 = arith.constant 0 : i32
      %dma_start3A_1151 = tpu.memref_slice %arg5[%arg0, %dma_start3A_1149, %dma_start3A_1150] : memref<2x10240x128xf32, #tpu.memory_space<hbm>> -> memref<1x10240x128xf32, #tpu.memory_space<hbm>>
      %dma_start3A_1152 = tpu.memref_squeeze %dma_start3A_1151 : memref<1x10240x128xf32, #tpu.memory_space<hbm>> -> memref<10240x128xf32, #tpu.memory_space<hbm>>
      %dma_start3A_1153 = arith.constant 0 : i32
      %dma_start3A_1154 = tpu.memref_slice %dma_start3A_1152[%add3A_1126, %dma_start3A_1153] : memref<10240x128xf32, #tpu.memory_space<hbm>> -> memref<64x128xf32, #tpu.memory_space<hbm>>
      tpu.enqueue_dma source(%arg15 : memref<64x128xf32, #tpu.memory_space<vmem>>) target(%dma_start3A_1154 : memref<64x128xf32, #tpu.memory_space<hbm>>) target_semaphore(%run_scoped3A : memref<!tpu.dma_semaphore, #tpu.memory_space<semaphore_mem>>)
      %dma_wait3A_1155 = arith.constant 0 : i32
      %dma_wait3A_1156 = arith.constant 0 : i32
      %dma_wait3A_1157 = tpu.memref_slice %arg5[%arg0, %dma_wait3A_1155, %dma_wait3A_1156] : memref<2x10240x128xf32, #tpu.memory_space<hbm>> -> memref<1x10240x128xf32, #tpu.memory_space<hbm>>
      %dma_wait3A_1158 = tpu.memref_squeeze %dma_wait3A_1157 : memref<1x10240x128xf32, #tpu.memory_space<hbm>> -> memref<10240x128xf32, #tpu.memory_space<hbm>>
      %dma_wait3A_1159 = arith.constant 0 : i32
      %dma_wait3A_1160 = tpu.memref_slice %dma_wait3A_1158[%add3A_1126, %dma_wait3A_1159] : memref<10240x128xf32, #tpu.memory_space<hbm>> -> memref<64x128xf32, #tpu.memory_space<hbm>>
      %dma_wait3A_1161 = arith.constant 0 : i32
      %dma_wait3A_1162 = arith.constant 0 : i32
      %dma_wait3A_1163 = tpu.memref_slice %arg5[%arg0, %dma_wait3A_1161, %dma_wait3A_1162] : memref<2x10240x128xf32, #tpu.memory_space<hbm>> -> memref<1x10240x128xf32, #tpu.memory_space<hbm>>
      %dma_wait3A_1164 = tpu.memref_squeeze %dma_wait3A_1163 : memref<1x10240x128xf32, #tpu.memory_space<hbm>> -> memref<10240x128xf32, #tpu.memory_space<hbm>>
      %dma_wait3A_1165 = arith.constant 0 : i32
      %dma_wait3A_1166 = tpu.memref_slice %dma_wait3A_1164[%add3A_1126, %dma_wait3A_1165] : memref<10240x128xf32, #tpu.memory_space<hbm>> -> memref<64x128xf32, #tpu.memory_space<hbm>>
      tpu.wait_dma2 semaphore(%run_scoped3A : memref<!tpu.dma_semaphore, #tpu.memory_space<semaphore_mem>>) src(%arg15 : memref<64x128xf32, #tpu.memory_space<vmem>>) dst(%dma_wait3A_1166 : memref<64x128xf32, #tpu.memory_space<hbm>>)
      tpu.yield
    }) : () -> ()
    %mul3A_1127 = arith.constant 640 : i32
    %mul3A_1128 = arith.muli %arg1, %mul3A_1127 : i32
    %add3A_1129 = arith.constant 384 : i32
    %add3A_1130 = arith.addi %mul3A_1128, %add3A_1129 : i32
    "tpu.region"() ({
      %run_scoped3A = tpu.sem_alloc : memref<!tpu.dma_semaphore, #tpu.memory_space<semaphore_mem>>
      %dma_start3A_1143 = arith.constant 0 : i32
      %dma_start3A_1144 = tpu.memref_slice %arg26[%add3A_1130, %dma_start3A_1143] : memref<10240x128xf32, #tpu.memory_space<vmem_shared>> -> memref<64x128xf32, #tpu.memory_space<vmem_shared>>
      %dma_start3A_1145 = arith.constant 0 : i32
      %dma_start3A_1146 = tpu.memref_slice %arg26[%add3A_1130, %dma_start3A_1145] : memref<10240x128xf32, #tpu.memory_space<vmem_shared>> -> memref<64x128xf32, #tpu.memory_space<vmem_shared>>
      tpu.enqueue_dma source(%dma_start3A_1146 : memref<64x128xf32, #tpu.memory_space<vmem_shared>>) target(%arg16 : memref<64x128xf32, #tpu.memory_space<vmem>>) target_semaphore(%run_scoped3A : memref<!tpu.dma_semaphore, #tpu.memory_space<semaphore_mem>>)
      %dma_wait3A_1147 = arith.constant 0 : i32
      %dma_wait3A_1148 = tpu.memref_slice %arg26[%add3A_1130, %dma_wait3A_1147] : memref<10240x128xf32, #tpu.memory_space<vmem_shared>> -> memref<64x128xf32, #tpu.memory_space<vmem_shared>>
      %dma_wait3A_1149 = arith.constant 0 : i32
      %dma_wait3A_1150 = tpu.memref_slice %arg26[%add3A_1130, %dma_wait3A_1149] : memref<10240x128xf32, #tpu.memory_space<vmem_shared>> -> memref<64x128xf32, #tpu.memory_space<vmem_shared>>
      tpu.wait_dma2 semaphore(%run_scoped3A : memref<!tpu.dma_semaphore, #tpu.memory_space<semaphore_mem>>) src(%dma_wait3A_1150 : memref<64x128xf32, #tpu.memory_space<vmem_shared>>) dst(%arg16 : memref<64x128xf32, #tpu.memory_space<vmem>>)
      tpu.yield
    }) : () -> ()
    "tpu.region"() ({
      %run_scoped3A = tpu.sem_alloc : memref<!tpu.dma_semaphore, #tpu.memory_space<semaphore_mem>>
      %dma_start3A_1143 = arith.constant 0 : i32
      %dma_start3A_1144 = arith.constant 0 : i32
      %dma_start3A_1145 = tpu.memref_slice %arg5[%arg0, %dma_start3A_1143, %dma_start3A_1144] : memref<2x10240x128xf32, #tpu.memory_space<hbm>> -> memref<1x10240x128xf32, #tpu.memory_space<hbm>>
      %dma_start3A_1146 = tpu.memref_squeeze %dma_start3A_1145 : memref<1x10240x128xf32, #tpu.memory_space<hbm>> -> memref<10240x128xf32, #tpu.memory_space<hbm>>
      %dma_start3A_1147 = arith.constant 0 : i32
      %dma_start3A_1148 = tpu.memref_slice %dma_start3A_1146[%add3A_1130, %dma_start3A_1147] : memref<10240x128xf32, #tpu.memory_space<hbm>> -> memref<64x128xf32, #tpu.memory_space<hbm>>
      %dma_start3A_1149 = arith.constant 0 : i32
      %dma_start3A_1150 = arith.constant 0 : i32
      %dma_start3A_1151 = tpu.memref_slice %arg5[%arg0, %dma_start3A_1149, %dma_start3A_1150] : memref<2x10240x128xf32, #tpu.memory_space<hbm>> -> memref<1x10240x128xf32, #tpu.memory_space<hbm>>
      %dma_start3A_1152 = tpu.memref_squeeze %dma_start3A_1151 : memref<1x10240x128xf32, #tpu.memory_space<hbm>> -> memref<10240x128xf32, #tpu.memory_space<hbm>>
      %dma_start3A_1153 = arith.constant 0 : i32
      %dma_start3A_1154 = tpu.memref_slice %dma_start3A_1152[%add3A_1130, %dma_start3A_1153] : memref<10240x128xf32, #tpu.memory_space<hbm>> -> memref<64x128xf32, #tpu.memory_space<hbm>>
      tpu.enqueue_dma source(%arg16 : memref<64x128xf32, #tpu.memory_space<vmem>>) target(%dma_start3A_1154 : memref<64x128xf32, #tpu.memory_space<hbm>>) target_semaphore(%run_scoped3A : memref<!tpu.dma_semaphore, #tpu.memory_space<semaphore_mem>>)
      %dma_wait3A_1155 = arith.constant 0 : i32
      %dma_wait3A_1156 = arith.constant 0 : i32
      %dma_wait3A_1157 = tpu.memref_slice %arg5[%arg0, %dma_wait3A_1155, %dma_wait3A_1156] : memref<2x10240x128xf32, #tpu.memory_space<hbm>> -> memref<1x10240x128xf32, #tpu.memory_space<hbm>>
      %dma_wait3A_1158 = tpu.memref_squeeze %dma_wait3A_1157 : memref<1x10240x128xf32, #tpu.memory_space<hbm>> -> memref<10240x128xf32, #tpu.memory_space<hbm>>
      %dma_wait3A_1159 = arith.constant 0 : i32
      %dma_wait3A_1160 = tpu.memref_slice %dma_wait3A_1158[%add3A_1130, %dma_wait3A_1159] : memref<10240x128xf32, #tpu.memory_space<hbm>> -> memref<64x128xf32, #tpu.memory_space<hbm>>
      %dma_wait3A_1161 = arith.constant 0 : i32
      %dma_wait3A_1162 = arith.constant 0 : i32
      %dma_wait3A_1163 = tpu.memref_slice %arg5[%arg0, %dma_wait3A_1161, %dma_wait3A_1162] : memref<2x10240x128xf32, #tpu.memory_space<hbm>> -> memref<1x10240x128xf32, #tpu.memory_space<hbm>>
      %dma_wait3A_1164 = tpu.memref_squeeze %dma_wait3A_1163 : memref<1x10240x128xf32, #tpu.memory_space<hbm>> -> memref<10240x128xf32, #tpu.memory_space<hbm>>
      %dma_wait3A_1165 = arith.constant 0 : i32
      %dma_wait3A_1166 = tpu.memref_slice %dma_wait3A_1164[%add3A_1130, %dma_wait3A_1165] : memref<10240x128xf32, #tpu.memory_space<hbm>> -> memref<64x128xf32, #tpu.memory_space<hbm>>
      tpu.wait_dma2 semaphore(%run_scoped3A : memref<!tpu.dma_semaphore, #tpu.memory_space<semaphore_mem>>) src(%arg16 : memref<64x128xf32, #tpu.memory_space<vmem>>) dst(%dma_wait3A_1166 : memref<64x128xf32, #tpu.memory_space<hbm>>)
      tpu.yield
    }) : () -> ()
    %mul3A_1131 = arith.constant 640 : i32
    %mul3A_1132 = arith.muli %arg1, %mul3A_1131 : i32
    %add3A_1133 = arith.constant 448 : i32
    %add3A_1134 = arith.addi %mul3A_1132, %add3A_1133 : i32
    "tpu.region"() ({
      %run_scoped3A = tpu.sem_alloc : memref<!tpu.dma_semaphore, #tpu.memory_space<semaphore_mem>>
      %dma_start3A_1143 = arith.constant 0 : i32
      %dma_start3A_1144 = tpu.memref_slice %arg26[%add3A_1134, %dma_start3A_1143] : memref<10240x128xf32, #tpu.memory_space<vmem_shared>> -> memref<64x128xf32, #tpu.memory_space<vmem_shared>>
      %dma_start3A_1145 = arith.constant 0 : i32
      %dma_start3A_1146 = tpu.memref_slice %arg26[%add3A_1134, %dma_start3A_1145] : memref<10240x128xf32, #tpu.memory_space<vmem_shared>> -> memref<64x128xf32, #tpu.memory_space<vmem_shared>>
      tpu.enqueue_dma source(%dma_start3A_1146 : memref<64x128xf32, #tpu.memory_space<vmem_shared>>) target(%arg17 : memref<64x128xf32, #tpu.memory_space<vmem>>) target_semaphore(%run_scoped3A : memref<!tpu.dma_semaphore, #tpu.memory_space<semaphore_mem>>)
      %dma_wait3A_1147 = arith.constant 0 : i32
      %dma_wait3A_1148 = tpu.memref_slice %arg26[%add3A_1134, %dma_wait3A_1147] : memref<10240x128xf32, #tpu.memory_space<vmem_shared>> -> memref<64x128xf32, #tpu.memory_space<vmem_shared>>
      %dma_wait3A_1149 = arith.constant 0 : i32
      %dma_wait3A_1150 = tpu.memref_slice %arg26[%add3A_1134, %dma_wait3A_1149] : memref<10240x128xf32, #tpu.memory_space<vmem_shared>> -> memref<64x128xf32, #tpu.memory_space<vmem_shared>>
      tpu.wait_dma2 semaphore(%run_scoped3A : memref<!tpu.dma_semaphore, #tpu.memory_space<semaphore_mem>>) src(%dma_wait3A_1150 : memref<64x128xf32, #tpu.memory_space<vmem_shared>>) dst(%arg17 : memref<64x128xf32, #tpu.memory_space<vmem>>)
      tpu.yield
    }) : () -> ()
    "tpu.region"() ({
      %run_scoped3A = tpu.sem_alloc : memref<!tpu.dma_semaphore, #tpu.memory_space<semaphore_mem>>
      %dma_start3A_1143 = arith.constant 0 : i32
      %dma_start3A_1144 = arith.constant 0 : i32
      %dma_start3A_1145 = tpu.memref_slice %arg5[%arg0, %dma_start3A_1143, %dma_start3A_1144] : memref<2x10240x128xf32, #tpu.memory_space<hbm>> -> memref<1x10240x128xf32, #tpu.memory_space<hbm>>
      %dma_start3A_1146 = tpu.memref_squeeze %dma_start3A_1145 : memref<1x10240x128xf32, #tpu.memory_space<hbm>> -> memref<10240x128xf32, #tpu.memory_space<hbm>>
      %dma_start3A_1147 = arith.constant 0 : i32
      %dma_start3A_1148 = tpu.memref_slice %dma_start3A_1146[%add3A_1134, %dma_start3A_1147] : memref<10240x128xf32, #tpu.memory_space<hbm>> -> memref<64x128xf32, #tpu.memory_space<hbm>>
      %dma_start3A_1149 = arith.constant 0 : i32
      %dma_start3A_1150 = arith.constant 0 : i32
      %dma_start3A_1151 = tpu.memref_slice %arg5[%arg0, %dma_start3A_1149, %dma_start3A_1150] : memref<2x10240x128xf32, #tpu.memory_space<hbm>> -> memref<1x10240x128xf32, #tpu.memory_space<hbm>>
      %dma_start3A_1152 = tpu.memref_squeeze %dma_start3A_1151 : memref<1x10240x128xf32, #tpu.memory_space<hbm>> -> memref<10240x128xf32, #tpu.memory_space<hbm>>
      %dma_start3A_1153 = arith.constant 0 : i32
      %dma_start3A_1154 = tpu.memref_slice %dma_start3A_1152[%add3A_1134, %dma_start3A_1153] : memref<10240x128xf32, #tpu.memory_space<hbm>> -> memref<64x128xf32, #tpu.memory_space<hbm>>
      tpu.enqueue_dma source(%arg17 : memref<64x128xf32, #tpu.memory_space<vmem>>) target(%dma_start3A_1154 : memref<64x128xf32, #tpu.memory_space<hbm>>) target_semaphore(%run_scoped3A : memref<!tpu.dma_semaphore, #tpu.memory_space<semaphore_mem>>)
      %dma_wait3A_1155 = arith.constant 0 : i32
      %dma_wait3A_1156 = arith.constant 0 : i32
      %dma_wait3A_1157 = tpu.memref_slice %arg5[%arg0, %dma_wait3A_1155, %dma_wait3A_1156] : memref<2x10240x128xf32, #tpu.memory_space<hbm>> -> memref<1x10240x128xf32, #tpu.memory_space<hbm>>
      %dma_wait3A_1158 = tpu.memref_squeeze %dma_wait3A_1157 : memref<1x10240x128xf32, #tpu.memory_space<hbm>> -> memref<10240x128xf32, #tpu.memory_space<hbm>>
      %dma_wait3A_1159 = arith.constant 0 : i32
      %dma_wait3A_1160 = tpu.memref_slice %dma_wait3A_1158[%add3A_1134, %dma_wait3A_1159] : memref<10240x128xf32, #tpu.memory_space<hbm>> -> memref<64x128xf32, #tpu.memory_space<hbm>>
      %dma_wait3A_1161 = arith.constant 0 : i32
      %dma_wait3A_1162 = arith.constant 0 : i32
      %dma_wait3A_1163 = tpu.memref_slice %arg5[%arg0, %dma_wait3A_1161, %dma_wait3A_1162] : memref<2x10240x128xf32, #tpu.memory_space<hbm>> -> memref<1x10240x128xf32, #tpu.memory_space<hbm>>
      %dma_wait3A_1164 = tpu.memref_squeeze %dma_wait3A_1163 : memref<1x10240x128xf32, #tpu.memory_space<hbm>> -> memref<10240x128xf32, #tpu.memory_space<hbm>>
      %dma_wait3A_1165 = arith.constant 0 : i32
      %dma_wait3A_1166 = tpu.memref_slice %dma_wait3A_1164[%add3A_1134, %dma_wait3A_1165] : memref<10240x128xf32, #tpu.memory_space<hbm>> -> memref<64x128xf32, #tpu.memory_space<hbm>>
      tpu.wait_dma2 semaphore(%run_scoped3A : memref<!tpu.dma_semaphore, #tpu.memory_space<semaphore_mem>>) src(%arg17 : memref<64x128xf32, #tpu.memory_space<vmem>>) dst(%dma_wait3A_1166 : memref<64x128xf32, #tpu.memory_space<hbm>>)
      tpu.yield
    }) : () -> ()
    %mul3A_1135 = arith.constant 640 : i32
    %mul3A_1136 = arith.muli %arg1, %mul3A_1135 : i32
    %add3A_1137 = arith.constant 512 : i32
    %add3A_1138 = arith.addi %mul3A_1136, %add3A_1137 : i32
    "tpu.region"() ({
      %run_scoped3A = tpu.sem_alloc : memref<!tpu.dma_semaphore, #tpu.memory_space<semaphore_mem>>
      %dma_start3A_1143 = arith.constant 0 : i32
      %dma_start3A_1144 = tpu.memref_slice %arg26[%add3A_1138, %dma_start3A_1143] : memref<10240x128xf32, #tpu.memory_space<vmem_shared>> -> memref<64x128xf32, #tpu.memory_space<vmem_shared>>
      %dma_start3A_1145 = arith.constant 0 : i32
      %dma_start3A_1146 = tpu.memref_slice %arg26[%add3A_1138, %dma_start3A_1145] : memref<10240x128xf32, #tpu.memory_space<vmem_shared>> -> memref<64x128xf32, #tpu.memory_space<vmem_shared>>
      tpu.enqueue_dma source(%dma_start3A_1146 : memref<64x128xf32, #tpu.memory_space<vmem_shared>>) target(%arg14 : memref<64x128xf32, #tpu.memory_space<vmem>>) target_semaphore(%run_scoped3A : memref<!tpu.dma_semaphore, #tpu.memory_space<semaphore_mem>>)
      %dma_wait3A_1147 = arith.constant 0 : i32
      %dma_wait3A_1148 = tpu.memref_slice %arg26[%add3A_1138, %dma_wait3A_1147] : memref<10240x128xf32, #tpu.memory_space<vmem_shared>> -> memref<64x128xf32, #tpu.memory_space<vmem_shared>>
      %dma_wait3A_1149 = arith.constant 0 : i32
      %dma_wait3A_1150 = tpu.memref_slice %arg26[%add3A_1138, %dma_wait3A_1149] : memref<10240x128xf32, #tpu.memory_space<vmem_shared>> -> memref<64x128xf32, #tpu.memory_space<vmem_shared>>
      tpu.wait_dma2 semaphore(%run_scoped3A : memref<!tpu.dma_semaphore, #tpu.memory_space<semaphore_mem>>) src(%dma_wait3A_1150 : memref<64x128xf32, #tpu.memory_space<vmem_shared>>) dst(%arg14 : memref<64x128xf32, #tpu.memory_space<vmem>>)
      tpu.yield
    }) : () -> ()
    "tpu.region"() ({
      %run_scoped3A = tpu.sem_alloc : memref<!tpu.dma_semaphore, #tpu.memory_space<semaphore_mem>>
      %dma_start3A_1143 = arith.constant 0 : i32
      %dma_start3A_1144 = arith.constant 0 : i32
      %dma_start3A_1145 = tpu.memref_slice %arg5[%arg0, %dma_start3A_1143, %dma_start3A_1144] : memref<2x10240x128xf32, #tpu.memory_space<hbm>> -> memref<1x10240x128xf32, #tpu.memory_space<hbm>>
      %dma_start3A_1146 = tpu.memref_squeeze %dma_start3A_1145 : memref<1x10240x128xf32, #tpu.memory_space<hbm>> -> memref<10240x128xf32, #tpu.memory_space<hbm>>
      %dma_start3A_1147 = arith.constant 0 : i32
      %dma_start3A_1148 = tpu.memref_slice %dma_start3A_1146[%add3A_1138, %dma_start3A_1147] : memref<10240x128xf32, #tpu.memory_space<hbm>> -> memref<64x128xf32, #tpu.memory_space<hbm>>
      %dma_start3A_1149 = arith.constant 0 : i32
      %dma_start3A_1150 = arith.constant 0 : i32
      %dma_start3A_1151 = tpu.memref_slice %arg5[%arg0, %dma_start3A_1149, %dma_start3A_1150] : memref<2x10240x128xf32, #tpu.memory_space<hbm>> -> memref<1x10240x128xf32, #tpu.memory_space<hbm>>
      %dma_start3A_1152 = tpu.memref_squeeze %dma_start3A_1151 : memref<1x10240x128xf32, #tpu.memory_space<hbm>> -> memref<10240x128xf32, #tpu.memory_space<hbm>>
      %dma_start3A_1153 = arith.constant 0 : i32
      %dma_start3A_1154 = tpu.memref_slice %dma_start3A_1152[%add3A_1138, %dma_start3A_1153] : memref<10240x128xf32, #tpu.memory_space<hbm>> -> memref<64x128xf32, #tpu.memory_space<hbm>>
      tpu.enqueue_dma source(%arg14 : memref<64x128xf32, #tpu.memory_space<vmem>>) target(%dma_start3A_1154 : memref<64x128xf32, #tpu.memory_space<hbm>>) target_semaphore(%run_scoped3A : memref<!tpu.dma_semaphore, #tpu.memory_space<semaphore_mem>>)
      %dma_wait3A_1155 = arith.constant 0 : i32
      %dma_wait3A_1156 = arith.constant 0 : i32
      %dma_wait3A_1157 = tpu.memref_slice %arg5[%arg0, %dma_wait3A_1155, %dma_wait3A_1156] : memref<2x10240x128xf32, #tpu.memory_space<hbm>> -> memref<1x10240x128xf32, #tpu.memory_space<hbm>>
      %dma_wait3A_1158 = tpu.memref_squeeze %dma_wait3A_1157 : memref<1x10240x128xf32, #tpu.memory_space<hbm>> -> memref<10240x128xf32, #tpu.memory_space<hbm>>
      %dma_wait3A_1159 = arith.constant 0 : i32
      %dma_wait3A_1160 = tpu.memref_slice %dma_wait3A_1158[%add3A_1138, %dma_wait3A_1159] : memref<10240x128xf32, #tpu.memory_space<hbm>> -> memref<64x128xf32, #tpu.memory_space<hbm>>
      %dma_wait3A_1161 = arith.constant 0 : i32
      %dma_wait3A_1162 = arith.constant 0 : i32
      %dma_wait3A_1163 = tpu.memref_slice %arg5[%arg0, %dma_wait3A_1161, %dma_wait3A_1162] : memref<2x10240x128xf32, #tpu.memory_space<hbm>> -> memref<1x10240x128xf32, #tpu.memory_space<hbm>>
      %dma_wait3A_1164 = tpu.memref_squeeze %dma_wait3A_1163 : memref<1x10240x128xf32, #tpu.memory_space<hbm>> -> memref<10240x128xf32, #tpu.memory_space<hbm>>
      %dma_wait3A_1165 = arith.constant 0 : i32
      %dma_wait3A_1166 = tpu.memref_slice %dma_wait3A_1164[%add3A_1138, %dma_wait3A_1165] : memref<10240x128xf32, #tpu.memory_space<hbm>> -> memref<64x128xf32, #tpu.memory_space<hbm>>
      tpu.wait_dma2 semaphore(%run_scoped3A : memref<!tpu.dma_semaphore, #tpu.memory_space<semaphore_mem>>) src(%arg14 : memref<64x128xf32, #tpu.memory_space<vmem>>) dst(%dma_wait3A_1166 : memref<64x128xf32, #tpu.memory_space<hbm>>)
      tpu.yield
    }) : () -> ()
    %mul3A_1139 = arith.constant 640 : i32
    %mul3A_1140 = arith.muli %arg1, %mul3A_1139 : i32
    %add3A_1141 = arith.constant 576 : i32
    %add3A_1142 = arith.addi %mul3A_1140, %add3A_1141 : i32
    "tpu.region"() ({
      %run_scoped3A = tpu.sem_alloc : memref<!tpu.dma_semaphore, #tpu.memory_space<semaphore_mem>>
      %dma_start3A_1143 = arith.constant 0 : i32
      %dma_start3A_1144 = tpu.memref_slice %arg26[%add3A_1142, %dma_start3A_1143] : memref<10240x128xf32, #tpu.memory_space<vmem_shared>> -> memref<64x128xf32, #tpu.memory_space<vmem_shared>>
      %dma_start3A_1145 = arith.constant 0 : i32
      %dma_start3A_1146 = tpu.memref_slice %arg26[%add3A_1142, %dma_start3A_1145] : memref<10240x128xf32, #tpu.memory_space<vmem_shared>> -> memref<64x128xf32, #tpu.memory_space<vmem_shared>>
      tpu.enqueue_dma source(%dma_start3A_1146 : memref<64x128xf32, #tpu.memory_space<vmem_shared>>) target(%arg15 : memref<64x128xf32, #tpu.memory_space<vmem>>) target_semaphore(%run_scoped3A : memref<!tpu.dma_semaphore, #tpu.memory_space<semaphore_mem>>)
      %dma_wait3A_1147 = arith.constant 0 : i32
      %dma_wait3A_1148 = tpu.memref_slice %arg26[%add3A_1142, %dma_wait3A_1147] : memref<10240x128xf32, #tpu.memory_space<vmem_shared>> -> memref<64x128xf32, #tpu.memory_space<vmem_shared>>
      %dma_wait3A_1149 = arith.constant 0 : i32
      %dma_wait3A_1150 = tpu.memref_slice %arg26[%add3A_1142, %dma_wait3A_1149] : memref<10240x128xf32, #tpu.memory_space<vmem_shared>> -> memref<64x128xf32, #tpu.memory_space<vmem_shared>>
      tpu.wait_dma2 semaphore(%run_scoped3A : memref<!tpu.dma_semaphore, #tpu.memory_space<semaphore_mem>>) src(%dma_wait3A_1150 : memref<64x128xf32, #tpu.memory_space<vmem_shared>>) dst(%arg15 : memref<64x128xf32, #tpu.memory_space<vmem>>)
      tpu.yield
    }) : () -> ()
    "tpu.region"() ({
      %run_scoped3A = tpu.sem_alloc : memref<!tpu.dma_semaphore, #tpu.memory_space<semaphore_mem>>
      %dma_start3A_1143 = arith.constant 0 : i32
      %dma_start3A_1144 = arith.constant 0 : i32
      %dma_start3A_1145 = tpu.memref_slice %arg5[%arg0, %dma_start3A_1143, %dma_start3A_1144] : memref<2x10240x128xf32, #tpu.memory_space<hbm>> -> memref<1x10240x128xf32, #tpu.memory_space<hbm>>
      %dma_start3A_1146 = tpu.memref_squeeze %dma_start3A_1145 : memref<1x10240x128xf32, #tpu.memory_space<hbm>> -> memref<10240x128xf32, #tpu.memory_space<hbm>>
      %dma_start3A_1147 = arith.constant 0 : i32
      %dma_start3A_1148 = tpu.memref_slice %dma_start3A_1146[%add3A_1142, %dma_start3A_1147] : memref<10240x128xf32, #tpu.memory_space<hbm>> -> memref<64x128xf32, #tpu.memory_space<hbm>>
      %dma_start3A_1149 = arith.constant 0 : i32
      %dma_start3A_1150 = arith.constant 0 : i32
      %dma_start3A_1151 = tpu.memref_slice %arg5[%arg0, %dma_start3A_1149, %dma_start3A_1150] : memref<2x10240x128xf32, #tpu.memory_space<hbm>> -> memref<1x10240x128xf32, #tpu.memory_space<hbm>>
      %dma_start3A_1152 = tpu.memref_squeeze %dma_start3A_1151 : memref<1x10240x128xf32, #tpu.memory_space<hbm>> -> memref<10240x128xf32, #tpu.memory_space<hbm>>
      %dma_start3A_1153 = arith.constant 0 : i32
      %dma_start3A_1154 = tpu.memref_slice %dma_start3A_1152[%add3A_1142, %dma_start3A_1153] : memref<10240x128xf32, #tpu.memory_space<hbm>> -> memref<64x128xf32, #tpu.memory_space<hbm>>
      tpu.enqueue_dma source(%arg15 : memref<64x128xf32, #tpu.memory_space<vmem>>) target(%dma_start3A_1154 : memref<64x128xf32, #tpu.memory_space<hbm>>) target_semaphore(%run_scoped3A : memref<!tpu.dma_semaphore, #tpu.memory_space<semaphore_mem>>)
      %dma_wait3A_1155 = arith.constant 0 : i32
      %dma_wait3A_1156 = arith.constant 0 : i32
      %dma_wait3A_1157 = tpu.memref_slice %arg5[%arg0, %dma_wait3A_1155, %dma_wait3A_1156] : memref<2x10240x128xf32, #tpu.memory_space<hbm>> -> memref<1x10240x128xf32, #tpu.memory_space<hbm>>
      %dma_wait3A_1158 = tpu.memref_squeeze %dma_wait3A_1157 : memref<1x10240x128xf32, #tpu.memory_space<hbm>> -> memref<10240x128xf32, #tpu.memory_space<hbm>>
      %dma_wait3A_1159 = arith.constant 0 : i32
      %dma_wait3A_1160 = tpu.memref_slice %dma_wait3A_1158[%add3A_1142, %dma_wait3A_1159] : memref<10240x128xf32, #tpu.memory_space<hbm>> -> memref<64x128xf32, #tpu.memory_space<hbm>>
      %dma_wait3A_1161 = arith.constant 0 : i32
      %dma_wait3A_1162 = arith.constant 0 : i32
      %dma_wait3A_1163 = tpu.memref_slice %arg5[%arg0, %dma_wait3A_1161, %dma_wait3A_1162] : memref<2x10240x128xf32, #tpu.memory_space<hbm>> -> memref<1x10240x128xf32, #tpu.memory_space<hbm>>
      %dma_wait3A_1164 = tpu.memref_squeeze %dma_wait3A_1163 : memref<1x10240x128xf32, #tpu.memory_space<hbm>> -> memref<10240x128xf32, #tpu.memory_space<hbm>>
      %dma_wait3A_1165 = arith.constant 0 : i32
      %dma_wait3A_1166 = tpu.memref_slice %dma_wait3A_1164[%add3A_1142, %dma_wait3A_1165] : memref<10240x128xf32, #tpu.memory_space<hbm>> -> memref<64x128xf32, #tpu.memory_space<hbm>>
      tpu.wait_dma2 semaphore(%run_scoped3A : memref<!tpu.dma_semaphore, #tpu.memory_space<semaphore_mem>>) src(%arg15 : memref<64x128xf32, #tpu.memory_space<vmem>>) dst(%dma_wait3A_1166 : memref<64x128xf32, #tpu.memory_space<hbm>>)
      tpu.yield
    }) : () -> ()
    return
  }
}

module attributes {stable_mosaic.version = 14 : i64} {
  func.func @_k1_body(%arg0: memref<10000x128xf32, #tpu.memory_space<vmem>>, %arg1: memref<128x128xf32, #tpu.memory_space<vmem>>, %arg2: memref<1x128xf32, #tpu.memory_space<vmem>>, %arg3: memref<128x1xf32, #tpu.memory_space<vmem>>, %arg4: memref<1x1xf32, #tpu.memory_space<vmem>>, %arg5: memref<10000x1xf32, #tpu.memory_space<vmem>>, %arg6: memref<10240x128xf32, #tpu.memory_space<vmem>>, %arg7: memref<10240x1xf32, #tpu.memory_space<vmem>>, %arg8: memref<10240xf32, #tpu.memory_space<vmem>>) attributes {dimension_semantics = [], scalar_prefetch = 0 : i64, scratch_operands = 0 : i64, tpu.core_type = #tpu.core_type<tc>} {
    %get3A = arith.constant 0 : index
    %get3A_0 = arith.constant 0 : index
    %get3A_1 = vector.load %arg0[%get3A, %get3A_0] : memref<10000x128xf32, #tpu.memory_space<vmem>>, vector<10000x128xf32>
    %get3A_2 = arith.constant 0 : index
    %get3A_3 = arith.constant 0 : index
    %get3A_4 = vector.load %arg1[%get3A_2, %get3A_3] : memref<128x128xf32, #tpu.memory_space<vmem>>, vector<128x128xf32>
    %dot_general3A = arith.constant dense<0.000000e+00> : vector<10000x128xf32>
    %dot_general3A_5 = tpu.matmul %get3A_1, %get3A_4, %dot_general3A {dimension_numbers = #tpu.dot_dimension_numbers<[1], [0], [0], [1], [0, 0, 1, 1], [], []>, transpose_lhs_hint = false} : vector<10000x128xf32>, vector<128x128xf32>, vector<10000x128xf32> -> vector<10000x128xf32>
    %get3A_6 = arith.constant 0 : index
    %get3A_7 = arith.constant 0 : index
    %get3A_8 = vector.load %arg2[%get3A_6, %get3A_7] : memref<1x128xf32, #tpu.memory_space<vmem>>, vector<1x128xf32>
    %add3A = vector.broadcast %get3A_8 : vector<1x128xf32> to vector<10000x128xf32>
    %add3A_9 = arith.addf %dot_general3A_5, %add3A : vector<10000x128xf32>
    %get3A_10 = arith.constant 0 : index
    %get3A_11 = arith.constant 0 : index
    %get3A_12 = vector.load %arg3[%get3A_10, %get3A_11] : memref<128x1xf32, #tpu.memory_space<vmem>>, vector<128x1xf32>
    %dot_general3A_13 = arith.constant dense<0.000000e+00> : vector<10000x1xf32>
    %dot_general3A_14 = tpu.matmul %add3A_9, %get3A_12, %dot_general3A_13 {dimension_numbers = #tpu.dot_dimension_numbers<[1], [0], [0], [1], [0, 0, 1, 1], [], []>, transpose_lhs_hint = false} : vector<10000x128xf32>, vector<128x1xf32>, vector<10000x1xf32> -> vector<10000x1xf32>
    %get3A_15 = arith.constant 0 : index
    %get3A_16 = arith.constant 0 : index
    %get3A_17 = vector.load %arg4[%get3A_15, %get3A_16] : memref<1x1xf32, #tpu.memory_space<vmem>>, vector<1x1xf32>
    %get3A_18 = vector.extract %get3A_17[0, 0] : f32 from vector<1x1xf32>
    %get3A_19 = arith.constant 0 : index
    %get3A_20 = arith.constant 0 : index
    %get3A_21 = vector.load %arg5[%get3A_19, %get3A_20] : memref<10000x1xf32, #tpu.memory_space<vmem>>, vector<10000x1xf32>
    %mul3A = vector.broadcast %get3A_18 : f32 to vector<10000x1xf32>
    %mul3A_22 = arith.mulf %mul3A, %get3A_21 : vector<10000x1xf32>
    %sub3A = arith.subf %dot_general3A_14, %mul3A_22 : vector<10000x1xf32>
    %reduce_max3A = vector.shape_cast %sub3A : vector<10000x1xf32> to vector<1x10000x1xf32>
    %reduce_max3A_23 = arith.constant dense<0xFF800000> : vector<1xf32>
    %reduce_max3A_24 = vector.multi_reduction <maximumf>, %reduce_max3A, %reduce_max3A_23 [1, 2] : vector<1x10000x1xf32> to vector<1xf32>
    %reduce_max3A_25 = vector.shape_cast %reduce_max3A_24 : vector<1xf32> to vector<1x1x1xf32>
    %reduce_max3A_26 = vector.extract %reduce_max3A_25[0, 0, 0] : f32 from vector<1x1x1xf32>
    %sub3A_27 = vector.broadcast %reduce_max3A_26 : f32 to vector<10000x1xf32>
    %sub3A_28 = arith.subf %sub3A, %sub3A_27 : vector<10000x1xf32>
    %exp3A = math.exp %sub3A_28 : vector<10000x1xf32>
    %swap3A = arith.constant 0 : index
    %swap3A_29 = arith.constant 0 : index
    %swap3A_30 = vector.load %arg6[%swap3A, %swap3A_29] : memref<10240x128xf32, #tpu.memory_space<vmem>>, vector<10000x128xf32>
    tpu.vector_store %arg6[%swap3A, %swap3A_29], %add3A_9 {strides = array<i32>} : memref<10240x128xf32, #tpu.memory_space<vmem>>, vector<10000x128xf32>,
    %broadcast_in_dim3A = arith.constant 0.000000e+00 : f32
    %broadcast_in_dim3A_31 = vector.broadcast %broadcast_in_dim3A : f32 to vector<240x128xf32>
    %swap3A_32 = arith.constant 10000 : index
    %swap3A_33 = arith.constant 0 : index
    %swap3A_34 = vector.load %arg6[%swap3A_32, %swap3A_33] : memref<10240x128xf32, #tpu.memory_space<vmem>>, vector<240x128xf32>
    tpu.vector_store %arg6[%swap3A_32, %swap3A_33], %broadcast_in_dim3A_31 {strides = array<i32>} : memref<10240x128xf32, #tpu.memory_space<vmem>>, vector<240x128xf32>,
    %swap3A_35 = arith.constant 0 : index
    %swap3A_36 = arith.constant 0 : index
    %swap3A_37 = vector.load %arg7[%swap3A_35, %swap3A_36] : memref<10240x1xf32, #tpu.memory_space<vmem>>, vector<10000x1xf32>
    tpu.vector_store %arg7[%swap3A_35, %swap3A_36], %exp3A {strides = array<i32>} : memref<10240x1xf32, #tpu.memory_space<vmem>>, vector<10000x1xf32>,
    %broadcast_in_dim3A_38 = arith.constant 0.000000e+00 : f32
    %broadcast_in_dim3A_39 = vector.broadcast %broadcast_in_dim3A_38 : f32 to vector<240x1xf32>
    %swap3A_40 = arith.constant 10000 : index
    %swap3A_41 = arith.constant 0 : index
    %swap3A_42 = vector.load %arg7[%swap3A_40, %swap3A_41] : memref<10240x1xf32, #tpu.memory_space<vmem>>, vector<240x1xf32>
    tpu.vector_store %arg7[%swap3A_40, %swap3A_41], %broadcast_in_dim3A_39 {strides = array<i32>} : memref<10240x1xf32, #tpu.memory_space<vmem>>, vector<240x1xf32>,
    %broadcast_in_dim3A_43 = arith.constant 0.000000e+00 : f32
    %broadcast_in_dim3A_44 = vector.broadcast %broadcast_in_dim3A_43 : f32 to vector<240x1xf32>
    %concatenate3A = tpu.concatenate %exp3A, %broadcast_in_dim3A_44 in 0 : vector<10000x1xf32>, vector<240x1xf32> -> vector<10240x1xf32>
    %reshape3A = vector.shape_cast %concatenate3A : vector<10240x1xf32> to vector<10240xf32>
    %swap3A_45 = arith.constant 0 : index
    %swap3A_46 = vector.load %arg8[%swap3A_45] : memref<10240xf32, #tpu.memory_space<vmem>>, vector<10240xf32>
    tpu.vector_store %arg8[%swap3A_45], %reshape3A {strides = array<i32>} : memref<10240xf32, #tpu.memory_space<vmem>>, vector<10240xf32>,
    return
  }
}

module attributes {stable_mosaic.version = 14 : i64} {
  func.func @_k3_body(%arg0: memref<10240x128xf32, #tpu.memory_space<vmem>>, %arg1: memref<10240x1xf32, #tpu.memory_space<vmem>>, %arg2: memref<32x1x10240xf32, #tpu.memory_space<vmem>>, %arg3: memref<10240x128xf32, #tpu.memory_space<vmem>>) attributes {dimension_semantics = [], scalar_prefetch = 0 : i64, scratch_operands = 0 : i64, tpu.core_type = #tpu.core_type<tc>} {
    %get3A = arith.constant 0 : index
    %get3A_0 = arith.constant 0 : index
    %get3A_1 = arith.constant 0 : index
    %get3A_2 = vector.load %arg2[%get3A, %get3A_0, %get3A_1] : memref<32x1x10240xf32, #tpu.memory_space<vmem>>, vector<32x1x10240xf32>
    %reduce_sum3A = arith.constant dense<0.000000e+00> : vector<10240xf32>
    %reduce_sum3A_3 = vector.multi_reduction <add>, %get3A_2, %reduce_sum3A [0, 1] : vector<32x1x10240xf32> to vector<10240xf32>
    %broadcast_in_dim3A = vector.shape_cast %reduce_sum3A_3 : vector<10240xf32> to vector<1x10240xf32>
    %transpose3A = tpu.transpose %broadcast_in_dim3A, [1, 0] : vector<1x10240xf32> -> vector<10240x1xf32>
    %get3A_4 = arith.constant 0 : index
    %get3A_5 = arith.constant 0 : index
    %get3A_6 = vector.load %arg1[%get3A_4, %get3A_5] : memref<10240x1xf32, #tpu.memory_space<vmem>>, vector<10240x1xf32>
    %add3A = arith.addf %transpose3A, %get3A_6 : vector<10240x1xf32>
    %add3A_7 = arith.constant 1.000000e-16 : f32
    %add3A_8 = vector.broadcast %add3A_7 : f32 to vector<10240x1xf32>
    %add3A_9 = arith.addf %add3A, %add3A_8 : vector<10240x1xf32>
    %get3A_10 = arith.constant 0 : index
    %get3A_11 = arith.constant 0 : index
    %get3A_12 = vector.load %arg0[%get3A_10, %get3A_11] : memref<10240x128xf32, #tpu.memory_space<vmem>>, vector<10240x128xf32>
    %div3A = vector.broadcast %add3A_9 : vector<10240x1xf32> to vector<10240x128xf32>
    %div3A_13 = arith.divf %get3A_12, %div3A : vector<10240x128xf32>
    %swap3A = arith.constant 0 : index
    %swap3A_14 = arith.constant 0 : index
    %swap3A_15 = vector.load %arg3[%swap3A, %swap3A_14] : memref<10240x128xf32, #tpu.memory_space<vmem>>, vector<10240x128xf32>
    tpu.vector_store %arg3[%swap3A, %swap3A_14], %div3A_13 {strides = array<i32>} : memref<10240x128xf32, #tpu.memory_space<vmem>>, vector<10240x128xf32>,
    return
  }
}

module attributes {stable_mosaic.version = 14 : i64} {
  func.func @_k5_body(%arg0: memref<10240x128xf32, #tpu.memory_space<vmem>>, %arg1: memref<10240x1xf32, #tpu.memory_space<vmem>>, %arg2: memref<2x10240x128xf32, #tpu.memory_space<vmem>>, %arg3: memref<128x2xf32, #tpu.memory_space<vmem>>, %arg4: memref<1x2xf32, #tpu.memory_space<vmem>>, %arg5: memref<10000x2xf32, #tpu.memory_space<vmem>>) attributes {dimension_semantics = [], scalar_prefetch = 0 : i64, scratch_operands = 0 : i64, tpu.core_type = #tpu.core_type<tc>} {
    %get3A = arith.constant 0 : index
    %get3A_0 = arith.constant 0 : index
    %get3A_1 = vector.load %arg0[%get3A, %get3A_0] : memref<10240x128xf32, #tpu.memory_space<vmem>>, vector<10240x128xf32>
    %get3A_2 = arith.constant 0 : index
    %get3A_3 = arith.constant 0 : index
    %get3A_4 = arith.constant 0 : index
    %get3A_5 = vector.load %arg2[%get3A_2, %get3A_3, %get3A_4] : memref<2x10240x128xf32, #tpu.memory_space<vmem>>, vector<1x10240x128xf32>
    %get3A_6 = vector.shape_cast %get3A_5 : vector<1x10240x128xf32> to vector<10240x128xf32>
    %add3A = arith.addf %get3A_1, %get3A_6 : vector<10240x128xf32>
    %get3A_7 = arith.constant 1 : index
    %get3A_8 = arith.constant 0 : index
    %get3A_9 = arith.constant 0 : index
    %get3A_10 = vector.load %arg2[%get3A_7, %get3A_8, %get3A_9] : memref<2x10240x128xf32, #tpu.memory_space<vmem>>, vector<1x10240x128xf32>
    %get3A_11 = vector.shape_cast %get3A_10 : vector<1x10240x128xf32> to vector<10240x128xf32>
    %add3A_12 = arith.addf %add3A, %get3A_11 : vector<10240x128xf32>
    %get3A_13 = arith.constant 0 : index
    %get3A_14 = arith.constant 0 : index
    %get3A_15 = vector.load %arg1[%get3A_13, %get3A_14] : memref<10240x1xf32, #tpu.memory_space<vmem>>, vector<10240x1xf32>
    %mul3A = vector.broadcast %get3A_15 : vector<10240x1xf32> to vector<10240x128xf32>
    %mul3A_16 = arith.mulf %mul3A, %add3A_12 : vector<10240x128xf32>
    %max3A = arith.constant 0.000000e+00 : f32
    %max3A_17 = vector.broadcast %max3A : f32 to vector<10240x128xf32>
    %max3A_18 = arith.maximumf %mul3A_16, %max3A_17 : vector<10240x128xf32>
    %get3A_19 = arith.constant 0 : index
    %get3A_20 = arith.constant 0 : index
    %get3A_21 = vector.load %arg3[%get3A_19, %get3A_20] : memref<128x2xf32, #tpu.memory_space<vmem>>, vector<128x2xf32>
    %dot_general3A = arith.constant dense<0.000000e+00> : vector<10240x2xf32>
    %dot_general3A_22 = tpu.matmul %max3A_18, %get3A_21, %dot_general3A {dimension_numbers = #tpu.dot_dimension_numbers<[1], [0], [0], [1], [0, 0, 1, 1], [], []>, transpose_lhs_hint = false} : vector<10240x128xf32>, vector<128x2xf32>, vector<10240x2xf32> -> vector<10240x2xf32>
    %get3A_23 = arith.constant 0 : index
    %get3A_24 = arith.constant 0 : index
    %get3A_25 = vector.load %arg4[%get3A_23, %get3A_24] : memref<1x2xf32, #tpu.memory_space<vmem>>, vector<1x2xf32>
    %add3A_26 = vector.broadcast %get3A_25 : vector<1x2xf32> to vector<10240x2xf32>
    %add3A_27 = arith.addf %dot_general3A_22, %add3A_26 : vector<10240x2xf32>
    %reduce_max3A = arith.constant dense<0xFF800000> : vector<10240xf32>
    %reduce_max3A_28 = vector.multi_reduction <maximumf>, %add3A_27, %reduce_max3A [1] : vector<10240x2xf32> to vector<10240xf32>
    %broadcast_in_dim3A = vector.shape_cast %reduce_max3A_28 : vector<10240xf32> to vector<10240x1xf32>
    %sub3A = vector.broadcast %broadcast_in_dim3A : vector<10240x1xf32> to vector<10240x2xf32>
    %sub3A_29 = arith.subf %add3A_27, %sub3A : vector<10240x2xf32>
    %exp3A = math.exp %sub3A_29 : vector<10240x2xf32>
    %reduce_sum3A = arith.constant dense<0.000000e+00> : vector<10240xf32>
    %reduce_sum3A_30 = vector.multi_reduction <add>, %exp3A, %reduce_sum3A [1] : vector<10240x2xf32> to vector<10240xf32>
    %broadcast_in_dim3A_31 = vector.shape_cast %reduce_sum3A_30 : vector<10240xf32> to vector<10240x1xf32>
    %log3A = math.log %broadcast_in_dim3A_31 : vector<10240x1xf32>
    %add3A_32 = arith.addf %broadcast_in_dim3A, %log3A : vector<10240x1xf32>
    %sub3A_33 = vector.broadcast %add3A_32 : vector<10240x1xf32> to vector<10240x2xf32>
    %sub3A_34 = arith.subf %add3A_27, %sub3A_33 : vector<10240x2xf32>
    %slice3A = vector.extract_strided_slice %sub3A_34 {offsets = [0, 0], sizes = [10000, 2], strides = [1, 1]} : vector<10240x2xf32> to vector<10000x2xf32>
    %swap3A = arith.constant 0 : index
    %swap3A_35 = arith.constant 0 : index
    %swap3A_36 = vector.load %arg5[%swap3A, %swap3A_35] : memref<10000x2xf32, #tpu.memory_space<vmem>>, vector<10000x2xf32>
    tpu.vector_store %arg5[%swap3A, %swap3A_35], %slice3A {strides = array<i32>} : memref<10000x2xf32, #tpu.memory_space<vmem>>, vector<10000x2xf32>,
    return
  }
}

</mosaic_0001>

<sc_bundles>
// kernel: kernel.10.cloned.1.call-start
scs
__scs_entry_jumppad:
0x0: {  	(pc) =	sbr.rel $0x88, $3  }
0x1: {  	(tag) =	ssettag $0x0;
	lr =	simm.s32 $0x1  }
0x2: {  	[smem:$0x3F98] =	sst lr;
	_ =	strace $0xD0000000  }
0x3: {  	_ = 	snop  }
0x4: {  	_ = 	snop  }
0x5: {  	_ = 	snop  }
0x6: {  	_ = 	snop  }
0x7: {  	_ = 	snop  }
__scs_overlays_trampoline_lowered:
0x8: {  	[smem:$0x3FA7] =	sst s0  }
0x9: {  	[smem:$0x3FA8] =	sst s1  }
0xa: {  	[smem:$0x3FA9] =	sst s2  }
0xb: {  	[smem:$0x3FAA] =	sst s3  }
0xc: {  	[smem:$0x3FAB] =	sst s4  }
0xd: {  	[smem:$0x3FAC] =	sst s5  }
0xe: {  	[smem:$0x3FAD] =	sst s6  }
0xf: {  	[smem:$0x3FAE] =	sst s7  }
0x10: {  	[smem:$0x3FAF] =	sst s8  }
0x11: {  	[smem:$0x3FB0] =	sst s9;
	s0 =	simm.s32 @!p0 $0x0  }
0x12: {  	s1 =	sld [smem:$0x3F96];
	s0 =	simm.s32 @p0 $0x1  }
0x13: {  	[smem:$0x3FB1] =	sst s0;
	s0 =	simm.s32 @!p1 $0x0  }
0x14: {  	s2 =	sld [smem:$0x3F95];
	s0 =	simm.s32 @p1 $0x1  }
0x15: {  	[smem:$0x3FB2] =	sst s0;
	s0 =	simm.s32 @!p2 $0x0  }
0x16: {  	s3 =	sld [smem:$0x3FDB];
	s0 =	simm.s32 @p2 $0x1  }
0x17: {  	s4 =	simm.s32 $0x1BF5;
	[smem:$0x3FB4] =	sst s0  }
0x18: {  	s0 =	sld [smem:$0x3F97];
	_ =	swait.ge [sflag:s4], $0x0  }
0x19: {  	s7 =	sld [smem:$0x3F98]  }
0x1a: {  	s8 =	sadd.s32 $0xFFFFE003, lr  }
0x1b: {  	s9 =	sadd.s32 $0xFFFFFEF7, lr;
	s5 =	simm.s32 $0xFFFFFFFF;
	p2 =	slt.u32 s8, $0xFFFFF086  }
0x1c: {  	p1 =	slt.u32 s9, $0xF7A;
	s5 =	simm.s32 @!p2 $0x0  }
0x1d: {  	s5 =	simm.s32 @p1 $0x1;
	p0 =	seq.s32 s7, s2  }
0x1e: {  	s7 =	smul.u32 @!p0 $0xF7A, s2;
	p2 =	seq.s32 @!p0 s5, $0x0  }
0x1f: {  	s9 =	smul.u32 $0xF7A, s1;
	s8 =	simm.s32 @!p0 $0x1BF5;
	p2 =	por !p2, p0  }
0x20: {  	[sflag:s8] =	ssyncset.s32 @!p0 $0xFFFFF086;
	s6 =	sadd.s32 @!p0 s3, s7;
	s7 =	simm.s32 @!p0 $0x108  }
0x21: {  	s3 =	sadd.s32 s3, s9;
	s6 =	sadd.s32 @!p0 $0x88, s6;
	s7 =	simm.s32 @p2 $0x1082  }
0x22: {  	[simem:s7], [sflag:s8] =	dma.local @!p0 [hbm:s6], $0xF7A  }
0x23: {  	s9 =	sor.u32 $0xD0000000, s2;
	s6 =	simm.s32 $0x108;
	_ =	swait.ge @!p0 [sflag:s8], $0x0  }
0x24: {  	s3 =	sadd.s32 $0x88, s3;
	s6 =	simm.s32 @!p1 $0x1082;
	[sflag:s4] =	ssyncset.s32 $0xFFFFF086  }
0x25: {  	[simem:s6], [sflag:s4] =	dma.local [hbm:s3], $0xF7A  }
0x26: {  	[smem:$0x3F98] =	sst s1;
	(tag) =	ssettag s2;
	_ =	strace s9  }
0x27: {  	s1 =	sld [smem:$0x3FA8]  }
0x28: {  	s2 =	sld [smem:$0x3FA9]  }
0x29: {  	s4 =	sld [smem:$0x3FAB]  }
0x2a: {  	p0 =	seq.s32 s5, $0x0;
	s5 =	sld [smem:$0x3FAC]  }
0x2b: {  	s6 =	sld [smem:$0x3FAD]  }
0x2c: {  	s7 =	sld [smem:$0x3FAE]  }
0x2d: {  	s3 =	simm.s32 $0x108;
	s8 =	sld [smem:$0x3FAF]  }
0x2e: {  	s3 =	simm.s32 @!p0 $0x1082;
	s9 =	sld [smem:$0x3FB0]  }
0x2f: {  	lr =	sadd.s32 s0, s3;
	s0 =	sld [smem:$0x3FA7]  }
0x30: {  	s3 =	sld [smem:$0x3FAA]  }
0x31: {  	[smem:$0x3FB3] =	sst s10  }
0x32: {  	s10 =	sld [smem:$0x3FB1];
	_ =	sdelay $0x3  }
0x33: {  	p0 =	seq.s32 s10, $0x1;
	s10 =	sld [smem:$0x3FB3];
	_ =	sdelay $0x3  }
0x34: {  	[smem:$0x3FB3] =	sst s10  }
0x35: {  	s10 =	sld [smem:$0x3FB2];
	_ =	sdelay $0x3  }
0x36: {  	p1 =	seq.s32 s10, $0x1;
	s10 =	sld [smem:$0x3FB3];
	_ =	sdelay $0x3  }
0x37: {  	[smem:$0x3FB3] =	sst s10  }
0x38: {  	s10 =	sld [smem:$0x3FB4]  }
0x39: {  	_ = 	snop;
	(pc) =	sbr.ind lr, $3  }
0x3a: {  	_ = 	snop  }
0x3b: {  	_ = 	snop  }
0x3c: {  	p2 =	seq.s32 s10, $0x1;
	s10 =	sld [smem:$0x3FB3]  }
0x3d: {  	_ =	shalt  }
0x3e: {  	_ =	shalt  }
0x3f: {  	_ =	shalt  }
0x40: {  	_ =	shalt  }
0x41: {  	_ =	shalt  }
0x42: {  	_ =	shalt  }
0x43: {  	_ =	shalt  }
0x44: {  	_ =	shalt  }
0x45: {  	_ =	shalt  }
0x46: {  	_ =	shalt  }
0x47: {  	_ =	shalt  }
0x48: {  	_ =	shalt  }
0x49: {  	_ =	shalt  }
0x4a: {  	_ =	shalt  }
0x4b: {  	_ =	shalt  }
0x4c: {  	_ =	shalt  }
0x4d: {  	_ =	shalt  }
0x4e: {  	_ =	shalt  }
0x4f: {  	_ =	shalt  }
0x50: {  	_ =	shalt  }
0x51: {  	_ =	shalt  }
0x52: {  	_ =	shalt  }
0x53: {  	_ =	shalt  }
0x54: {  	_ =	shalt  }
0x55: {  	_ =	shalt  }
0x56: {  	_ =	shalt  }
0x57: {  	_ =	shalt  }
0x58: {  	_ =	shalt  }
0x59: {  	_ =	shalt  }
0x5a: {  	_ =	shalt  }
0x5b: {  	_ =	shalt  }
0x5c: {  	_ =	shalt  }
0x5d: {  	_ =	shalt  }
0x5e: {  	_ =	shalt  }
0x5f: {  	_ =	shalt  }
0x60: {  	_ =	shalt  }
0x61: {  	_ =	shalt  }
0x62: {  	_ =	shalt  }
0x63: {  	_ =	shalt  }
0x64: {  	_ =	shalt  }
0x65: {  	_ =	shalt  }
0x66: {  	_ =	shalt  }
0x67: {  	_ =	shalt  }
0x68: {  	_ =	shalt  }
0x69: {  	_ =	shalt  }
0x6a: {  	_ =	shalt  }
0x6b: {  	_ =	shalt  }
0x6c: {  	_ =	shalt  }
0x6d: {  	_ =	shalt  }
0x6e: {  	_ =	shalt  }
0x6f: {  	_ =	shalt  }
0x70: {  	_ =	shalt  }
0x71: {  	_ =	shalt  }
0x72: {  	_ =	shalt  }
0x73: {  	_ =	shalt  }
0x74: {  	_ =	shalt  }
0x75: {  	_ =	shalt  }
0x76: {  	_ =	shalt  }
0x77: {  	_ =	shalt  }
0x78: {  	_ =	shalt  }
0x79: {  	_ =	shalt  }
0x7a: {  	_ =	shalt  }
0x7b: {  	_ =	shalt  }
0x7c: {  	_ =	shalt  }
0x7d: {  	_ =	shalt  }
0x7e: {  	_ =	shalt  }
0x7f: {  	_ =	shalt  }
0x80: {  	_ =	shalt  }
0x81: {  	_ =	shalt  }
0x82: {  	_ =	shalt  }
0x83: {  	_ =	shalt  }
0x84: {  	_ =	shalt  }
0x85: {  	_ =	shalt  }
0x86: {  	_ =	shalt  }
0x87: {  	_ =	shalt  }
.Lfunc_end0:
.L_simem_size_0:
called_computation.1_lowered:
.L_overlay_start_0:
0x88: {  	s2 =	sld [smem:$0x3FD9]  }
0x89: {  	s3 =	sld [smem:$0x3FFE];
	_ =	sdelay $0x1  }
0x8a: {  	s1 =	srdreg.scid  }
0x8b: {  	s0 =	sand.u32 $0x1, s1  }
0x8c: {  	s16 =	sshll.u32 s0, $0xA;
	s2 =	sadd.s32 s3, s2  }
0x8d: {  	s2 =	sadd.s32 s2, s16  }
0x8e: {  	[smem:$0x3FBF] =	sst s2  }
0x8f: {  	_ = 	snop  }
0x90: {  	(tm) =	ssettm $0x1  }
0x91: {  	s17 =	sld [smem:$0x3FFB];
	_ =	sdelay $0x3  }
0x92: {  	_ =	strace s17  }
0x93: {  	s2 =	sld [smem:$0x3FFC];
	_ =	sdelay $0x3  }
0x94: {  	_ =	strace s2  }
0x95: {  	s2 =	sld [smem:$0x3FFD];
	_ =	sdelay $0x3  }
0x96: {  	_ =	strace s2  }
0x97: {  	_ =	strace $0x8FFFFFFF  }
0x98: {  	s18 =	sld [smem:$0x3FDB];
	_ =	sdelay $0x1  }
0x99: {  	s19 =	simm.s32 $_scs_section_size  }
0x9a: {  	s4 =	simm.s32 $_size__tile_overlayer_lowered;
	s5 =	simm.s32 $_tile_overlayer_lowered  }
0x9b: {  	s22 =	simm.s32 $0x1BFF;
	s21 =	sshll.u32 s5, $0x1;
	s2 =	sadd.s32 s19, s18  }
0x9c: {  	s6 =	simm.s32 $0x0;
	s20 =	sshll.u32 s4, $0x1;
	s4 =	sadd.s32 s21, s2  }
0x9d: {  	[timem:s6], [sflag:s22] =	dma.local [hbm:s4], s20  }
0x9e: {  	_ =	swait.ge [sflag:s22], s20  }
0x9f: {  	s3 =	ssub.s32 $0x0, s20;
	[sflag:s22] =	ssyncset.done $0x0  }
0xa0: {  	[sflag:s22] =	ssyncadd.s32 s3;
	_ =	sdelay $0x1  }
0xa1: {  	s23 =	simm.s32 $0x1B8B  }
0xa2: {  	_ =	swait.ge [sflag:s23], $0x1  }
0xa3: {  	[sflag:s23] =	ssyncset.done $0x0  }
0xa4: {  	s25 =	simm.s32 $0x1B8E;
	s24 =	sld [smem:$0x3FFE];
	[sflag:s23] =	ssyncadd.s32 $0xFFFFFFFF  }
0xa5: {  	s26 =	simm.s32 $execute0_lowered;
	[smem:$0x3FD2] =	sst s25  }
0xa6: {  	s4 =	sshll.u32 s26, $0x1;
	_ =	strace $0x80000049;
	[dreg:$0x1] =	wrdreg $0xFFFFFFFF  }
0xa7: {  	s28 =	simm.s32 $_size_execute0_lowered;
	s2 =	sadd.s32 s2, s4;
	[dreg:$0x0] =	wrdreg $0x0  }
0xa8: {  	s4 =	sshll.u32 s28, $0x1;
	[dreg:$0x2] =	wrdreg s2  }
0xa9: {  	[dreg:$0x3] =	wrdreg s4  }
0xaa: {  	[dreg:$0x4] =	wrdreg $0xC0  }
0xab: {  	_ =	task [dreg:s6], $0x5FFFF  }
0xac: {  	[dreg:$0x1] =	wrdreg $0xFFFFFFFF  }
0xad: {  	[dreg:$0x0] =	wrdreg $0x60  }
0xae: {  	[dreg:$0x2] =	wrdreg s24  }
0xaf: {  	[dreg:$0x3] =	wrdreg $0x90000  }
0xb0: {  	[dreg:$0x4] =	wrdreg $0x9  }
0xb1: {  	_ =	task.clear_ibuf [dreg:s6], $0x5FFFF;
	_ =	strace $0x90000049  }
0xb2: {  	s29 =	simm.s32 $0x9;
	_ =	strace $0x8000004B  }
0xb3: {  	_ =	swait.ge [sflag:s29], $0x1  }
0xb4: {  	[sflag:s29] =	ssyncadd.s32 $0xFFFFFFFF  }
0xb5: {  	_ =	strace $0x9000004B  }
0xb6: {  	_ =	sfence  }
0xb7: {  	s30 =	sld [smem:$0x0];
	_ =	sdelay $0x2  }
0xb8: {  	s31 =	sshll.u32 s1, $0xD;
	s1 =	sshrl.u32 s1, $0x2  }
0xb9: {  	s3 =	sand.u32 $0x4000, s31;
	s1 =	sadd.s32 s1, s30  }
0xba: {  	s0 =	sor.u32 s3, s0;
	s1 =	sshll.u32 s1, $0x11  }
0xbb: {  	s0 =	sor.u32 s1, s0  }
0xbc: {  	s0 =	sadd.s32 $0x8F2B, s0  }
0xbd: {  	[sflag:s0] =	ssyncadd.remote.s32 $0x1  }
0xbe: {  	_ =	sfence.sel $0xFFFF  }
0xbf: {  	[dreg:$0x0] =	wrdreg $0xFFFFFFFF;
	(pc) =	sbr.abs _section_cstart, $3  }
0xc0: {  	[dreg:$0x1] =	wrdreg $0xFFFFFFFF  }
0xc1: {  	_ =	task.clear_ibuf [dreg:s6], $0x2FFFF;
	_ =	strace $0x9FFFFFFF  }
0xc2: {  	(tm) =	ssettm $0x7FFFFFFF  }
0xc3: {  	_ =	shalt  }
tec
execute0_lowered:
.L_overlay_start_1:
0x0: {  	(tag) =	ssettag $0x1  }
0x1: {  	s0 =	srdreg.scid  }
0x2: {  	s4 =	rddreg [dreg:$0x0];
	s1 =	simm.s32 $0x0;
	s19 =	stileid.u32  }
0x3: {  	s29 =	simm.s32 $0x8;
	s30 =	simm.s32 $0xB;
	s2 =	sand.u32 $0x1, s0  }
0x4: {  	[smem:$0x7FF] =	sst s1;
	s5 =	smul.u32 $0x280, s19;
	s6 =	sadd.s32 $0x2200, s4  }
0x5: {  	s7 =	sadd.s32 $0x16200, s4;
	s25 =	smul.u32 $0x2800, s19;
	s3 =	ssub.s32 $0x2, s2  }
0x6: {  	s0 =	smul.u32 $0x28000, s2;
	p0 =	seq.s32 s2, $0x0;
	s8 =	sshrl.u32 s3, $0x1  }
0x7: {  	s10 =	sadd.s32 $0x80, s5;
	s11 =	sadd.s32 $0xC0, s5;
	s12 =	sadd.s32 $0x100, s5  }
0x8: {  	s9 =	sadd.s32 s0, s4;
	s0 =	ssub.s32 s3, s8;
	s3 =	smul.u32 $0xA00, s19  }
0x9: {  	s13 =	sadd.s32 $0x140, s5;
	s14 =	sadd.s32 $0x180, s5;
	s15 =	sadd.s32 $0x1C0, s5  }
0xa: {  	s17 =	sadd.s32 $0x200, s5;
	s8 =	sor.u32 $0x40, s5;
	s16 =	sadd.s32 $0xA000, s3  }
0xb: {  	s5 =	sadd.s32 $0x240, s5;
	s28 =	sshll.u32 s10, $0x4;
	s16 =	smov.u32 @p0 s3  }
0xc: {  	s2 =	sshll.u32 s11, $0x4;
	s26 =	sshll.u32 s8, $0x4;
	s18 =	sor.u32 $0x80, s16  }
0xd: {  	s3 =	sadd.s32 s6, s16;
	s21 =	sadd.s32 s7, s16;
	s20 =	sadd.s32 s6, s18  }
0xe: {  	s22 =	sor.u32 $0x100, s16;
	s18 =	sadd.s32 s7, s18;
	[dreg:$0x3] =	wrdreg s20  }
0xf: {  	s16 =	sadd.s32 $0x980, s16;
	s23 =	sadd.s32 s6, s22;
	[dreg:$0x4] =	wrdreg s18  }
0x10: {  	s0 =	smax.u32 s0, $0x1;
	s6 =	sadd.s32 s6, s16;
	[dreg:$0x5] =	wrdreg s23  }
0x11: {  	s24 =	sadd.s32 s7, s16;
	s18 =	sadd.s32 s7, s22;
	[dreg:$0x7] =	wrdreg s6  }
0x12: {  	[dreg:$0x8] =	wrdreg s24;
	s7 =	sadd.s32 $0x52200, s9;
	s20 =	sshll.u32 s12, $0x4  }
0x13: {  	s22 =	sshll.u32 s13, $0x4;
	s23 =	sshll.u32 s14, $0x4;
	s12 =	sshll.u32 s12, $0x7  }
0x14: {  	[dreg:$0x6] =	wrdreg s18;
	s6 =	sadd.s32 s25, s7;
	s9 =	sadd.s32 s26, s7  }
0x15: {  	s16 =	sadd.s32 s28, s7;
	s18 =	sadd.s32 s2, s7;
	[dreg:$0x9] =	wrdreg s6  }
0x16: {  	s24 =	sadd.s32 s23, s7;
	s25 =	sshll.u32 s15, $0x4;
	[dreg:$0xa] =	wrdreg s9  }
0x17: {  	s26 =	smul.u32 $0x50000, s19;
	s28 =	sshll.u32 s17, $0x4;
	[dreg:$0xb] =	wrdreg s16  }
0x18: {  	s2 =	sshll.u32 s5, $0x4;
	s5 =	sshll.u32 s5, $0x7;
	[dreg:$0xc] =	wrdreg s18  }
0x19: {  	s6 =	sadd.s32 s20, s7;
	[dreg:$0xf] =	wrdreg s24;
	s9 =	sadd.s32 s28, s7  }
0x1a: {  	s20 =	rddreg [dreg:$0x1];
	s16 =	sshll.u32 s13, $0x7;
	s18 =	sshll.u32 s14, $0x7  }
0x1b: {  	s24 =	sshll.u32 s15, $0x7;
	s13 =	simm.s32 $0x5;
	s15 =	simm.s32 $0x7000  }
0x1c: {  	s14 =	simm.s32 $0x4;
	[dreg:$0xd] =	wrdreg s6;
	s6 =	sadd.s32 s22, s7  }
0x1d: {  	[dreg:$0x11] =	wrdreg s9;
	s22 =	sadd.s32 $0x2A200, s4;
	s9 =	sshll.u32 s11, $0x7  }
0x1e: {  	s19 =	sadd.s32 s16, s20;
	s23 =	sadd.s32 s18, s20;
	s28 =	sadd.s32 s5, s20  }
0x1f: {  	s5 =	simm.s32 $0x1000;
	[dreg:$0xe] =	wrdreg s6;
	s6 =	sadd.s32 s25, s7  }
0x20: {  	s16 =	simm.s32 $0x6;
	s7 =	sadd.s32 s2, s7;
	[dreg:$0x10] =	wrdreg s6  }
0x21: {  	s11 =	sadd.s32 s9, s20;
	s25 =	sshll.u32 s17, $0x7;
	[dreg:$0x12] =	wrdreg s7  }
0x22: {  	s17 =	simm.s32 $0x9;
	_ =	strace $0x8000004A;
	[dreg:$0x16] =	wrdreg s11  }
0x23: {  	s9 =	simm.s32 $0x2;
	s6 =	sshrl.u32 s26, $0x2;
	[dreg:$0x18] =	wrdreg s19  }
0x24: {  	s7 =	sshll.u32 s8, $0x7;
	s26 =	sadd.s32 s25, s20;
	[dreg:$0x19] =	wrdreg s23  }
0x25: {  	s8 =	sshll.u32 s10, $0x7;
	s25 =	simm.s32 $0xA;
	[dreg:$0x1b] =	wrdreg s26  }
0x26: {  	s31 =	sadd.s32 s6, s20;
	s4 =	sadd.s32 s7, s20;
	[dreg:$0x1c] =	wrdreg s28  }
0x27: {  	s10 =	sadd.s32 s8, s20;
	[dreg:$0x1d] =	wrdreg s0;
	s8 =	simm.s32 $0x40  }
0x28: {  	s0 =	simm.s32 $0xC;
	s11 =	simm.s32 $0x3;
	[dreg:$0x14] =	wrdreg s4  }
0x29: {  	s6 =	simm.s32 $0x1;
	s23 =	simm.s32 $0x0;
	[dreg:$0x15] =	wrdreg s10  }
0x2a: {  	s19 =	simm.s32 $0xC00;
	s4 =	sadd.s32 s12, s20;
	[dreg:$0x13] =	wrdreg s31  }
0x2b: {  	s10 =	simm.s32 $0x3000;
	[dreg:$0x17] =	wrdreg s4;
	s4 =	sadd.s32 s24, s20  }
0x2c: {  	v0 =	vimm.f32 $0.0e+00;
	s12 =	simm.s32 $0x5000;
	s24 =	simm.s32 $0x7;
	[dreg:$0x1a] =	wrdreg s4  }
.LBB2_1:
0x2d: {  	[dreg:$0x1e] =	wrdreg s23;
	s18 =	simm.s32 $0x0;
	s28 =	simm.s32 $0x200  }
.LBB2_2:
0x2e: {  	p0 =	sne.s32 s28, $0x7E00;
	[tilespmem:s18+$0x1070] =	vst v0  }
0x2f: {  	[tilespmem:s18+$0x1000] =	vst v0  }
0x30: {  	[tilespmem:s18+$0x1010] =	vst v0  }
.Ltmp0:
0x31: {  	[tilespmem:s18+$0x1020] =	vst v0;
	(pc) =	sbr.rel @p0 .LBB2_2-.Ltmp0, $4  }
0x32: {  	[tilespmem:s18+$0x1030] =	vst v0  }
0x33: {  	[tilespmem:s18+$0x1040] =	vst v0  }
0x34: {  	[tilespmem:s18+$0x1050] =	vst v0  }
0x35: {  	[tilespmem:s18+$0x1060] =	vst v0;
	s18 =	sshra.s32 s28, $0x2;
	s28 =	sadd.s32 $0x200, s28  }
0x36: {  	[tilespmem:s18+$0x1070] =	vst v0  }
0x37: {  	[tilespmem:s18+$0x1000] =	vst v0  }
0x38: {  	[tilespmem:s18+$0x1010] =	vst v0  }
0x39: {  	[tilespmem:s18+$0x1020] =	vst v0  }
0x3a: {  	[tilespmem:s18+$0x1030] =	vst v0  }
0x3b: {  	[tilespmem:s18+$0x1040] =	vst v0  }
0x3c: {  	[tilespmem:s18+$0x1050] =	vst v0  }
0x3d: {  	[tilespmem:s18+$0x1060] =	vst v0;
	s18 =	simm.s32 $0xD  }
0x3e: {  	[spmem:s31] =	stream.linear.scatter [tilespmem:s5], [sflag:$0xD], $0x2000, $0x38;
	[tilespmem:$0x1D000] =	vst v63  }
0x3f: {  	_ =	swait.ge [sflag:s18], $0x2000  }
0x40: {  	[sflag:s18] =	ssyncset.done $0x0  }
0x41: {  	s4 =	rddreg [dreg:$0x14];
	[sflag:s18] =	ssyncadd.s32 $0xFFFFE000  }
0x42: {  	[spmem:s4] =	stream.linear.scatter [tilespmem:s5], [sflag:$0xD], $0x2000, $0x38;
	[tilespmem:$0x1D000] =	vst v63  }
0x43: {  	_ =	swait.ge [sflag:s18], $0x2000  }
0x44: {  	[sflag:s18] =	ssyncset.done $0x0  }
0x45: {  	s31 =	rddreg [dreg:$0x15];
	[sflag:s18] =	ssyncadd.s32 $0xFFFFE000  }
0x46: {  	[spmem:s31] =	stream.linear.scatter [tilespmem:s5], [sflag:$0xD], $0x2000, $0x38;
	[tilespmem:$0x1D000] =	vst v63  }
0x47: {  	_ =	swait.ge [sflag:s18], $0x2000  }
0x48: {  	[sflag:s18] =	ssyncset.done $0x0  }
0x49: {  	s2 =	rddreg [dreg:$0x16];
	[sflag:s18] =	ssyncadd.s32 $0xFFFFE000  }
0x4a: {  	[spmem:s2] =	stream.linear.scatter [tilespmem:s5], [sflag:$0xD], $0x2000, $0x38;
	[tilespmem:$0x1D000] =	vst v63  }
0x4b: {  	_ =	swait.ge [sflag:s18], $0x2000  }
0x4c: {  	[sflag:s18] =	ssyncset.done $0x0  }
0x4d: {  	s7 =	rddreg [dreg:$0x17];
	[sflag:s18] =	ssyncadd.s32 $0xFFFFE000  }
0x4e: {  	[spmem:s7] =	stream.linear.scatter [tilespmem:s5], [sflag:$0xD], $0x2000, $0x38;
	[tilespmem:$0x1D000] =	vst v63  }
0x4f: {  	_ =	swait.ge [sflag:s18], $0x2000  }
0x50: {  	[sflag:s18] =	ssyncset.done $0x0  }
0x51: {  	s23 =	rddreg [dreg:$0x18];
	[sflag:s18] =	ssyncadd.s32 $0xFFFFE000  }
0x52: {  	[spmem:s23] =	stream.linear.scatter [tilespmem:s5], [sflag:$0xD], $0x2000, $0x38;
	[tilespmem:$0x1D000] =	vst v63  }
0x53: {  	_ =	swait.ge [sflag:s18], $0x2000  }
0x54: {  	[sflag:s18] =	ssyncset.done $0x0  }
0x55: {  	s26 =	rddreg [dreg:$0x19];
	[sflag:s18] =	ssyncadd.s32 $0xFFFFE000  }
0x56: {  	[spmem:s26] =	stream.linear.scatter [tilespmem:s5], [sflag:$0xD], $0x2000, $0x38;
	[tilespmem:$0x1D000] =	vst v63  }
0x57: {  	_ =	swait.ge [sflag:s18], $0x2000  }
0x58: {  	[sflag:s18] =	ssyncset.done $0x0  }
0x59: {  	s31 =	rddreg [dreg:$0x1a];
	[sflag:s18] =	ssyncadd.s32 $0xFFFFE000  }
0x5a: {  	[spmem:s31] =	stream.linear.scatter [tilespmem:s5], [sflag:$0xD], $0x2000, $0x38;
	[tilespmem:$0x1D000] =	vst v63  }
0x5b: {  	_ =	swait.ge [sflag:s18], $0x2000  }
0x5c: {  	[sflag:s18] =	ssyncset.done $0x0  }
0x5d: {  	s2 =	rddreg [dreg:$0x1b];
	[sflag:s18] =	ssyncadd.s32 $0xFFFFE000  }
0x5e: {  	[spmem:s2] =	stream.linear.scatter [tilespmem:s5], [sflag:$0xD], $0x2000, $0x38;
	[tilespmem:$0x1D000] =	vst v63  }
0x5f: {  	_ =	swait.ge [sflag:s18], $0x2000  }
0x60: {  	[sflag:s18] =	ssyncset.done $0x0  }
0x61: {  	s7 =	rddreg [dreg:$0x1c];
	[sflag:s18] =	ssyncadd.s32 $0xFFFFE000  }
0x62: {  	[spmem:s7] =	stream.linear.scatter [tilespmem:s5], [sflag:$0xD], $0x2000, $0x38;
	[tilespmem:$0x1D000] =	vst v63  }
0x63: {  	_ =	swait.ge [sflag:s18], $0x2000  }
0x64: {  	[sflag:s18] =	ssyncset.done $0x0  }
0x65: {  	[sflag:s18] =	ssyncadd.s32 $0xFFFFE000  }
0x66: {  	[bflag:$0x0] =	sbarrier.arrive $0xFFFF  }
0x67: {  	[tilespmem:s1], [sflag:$0xD] =	stream.linear.gather [hbm4b:s3+s1], $0x400, $0x38;
	[tilespmem:$0x1D000] =	vst v63  }
0x68: {  	_ =	swait.ge [sflag:s18], $0x400  }
0x69: {  	[sflag:s18] =	ssyncset.done $0x0  }
0x6a: {  	s2 =	simm.s32 $0x800;
	[sflag:s18] =	ssyncadd.s32 $0xFFFFFC00  }
0x6b: {  	[tilespmem:s2], [sflag:$0xD] =	stream.linear.gather [hbm4b:s21+s1], $0x400, $0x38;
	[tilespmem:$0x1D000] =	vst v63  }
0x6c: {  	_ =	swait.ge [sflag:s18], $0x400  }
0x6d: {  	[sflag:s18] =	ssyncset.done $0x0  }
0x6e: {  	[sflag:s18] =	ssyncadd.s32 $0xFFFFFC00  }
0x6f: {  	[tilespmem:s5], [sflag:$0x5] =	stream.indirect.gather [hbm4b:s22+s8], $0x80, s1, s8, $0xb8;
	[tilespmem:$0x1D000] =	vst v63  }
0x70: {  	s18 =	simm.s32 $0x80  }
0x71: {  	[tilespmem:s10], [sflag:$0x6] =	stream.indirect.gather [hbm4b:s22+s8], $0x80, s18, s8, $0xb8;
	[tilespmem:$0x1D000] =	vst v63  }
0x72: {  	s23 =	simm.s32 $0x100  }
0x73: {  	[tilespmem:s12], [sflag:$0x7] =	stream.indirect.gather [hbm4b:s22+s8], $0x80, s23, s8, $0xb8;
	[tilespmem:$0x1D000] =	vst v63  }
0x74: {  	_ =	swait.ge [sflag:s13], $0x2000  }
0x75: {  	[sflag:s13] =	ssyncset.done $0x0  }
0x76: {  	s26 =	simm.s32 $0x180;
	[sflag:s13] =	ssyncadd.s32 $0xFFFFE000  }
0x77: {  	[tilespmem:s15], [sflag:$0x8] =	stream.indirect.gather [hbm4b:s22+s8], $0x80, s26, s8, $0xb8;
	[tilespmem:$0x1D000] =	vst v63  }
0x78: {  	_ = 	snop  }
0x79: {  	[spmem:s20] =	stream.indirect.scatter.add.f32 [tilespmem:s5], [sflag:$0x9], $0x80, s2, s8, $0xb8;
	[tilespmem:$0x1D000] =	vst v63  }
0x7a: {  	_ =	swait.ge [sflag:s16], $0x2000  }
0x7b: {  	[sflag:s16] =	ssyncset.done $0x0  }
0x7c: {  	[sflag:s16] =	ssyncadd.s32 $0xFFFFE000  }
0x7d: {  	_ =	swait.ge [sflag:s17], $0x2000  }
0x7e: {  	s23 =	smov.u32 s21;
	[sflag:s17] =	ssyncset.done $0x0  }
0x7f: {  	s21 =	simm.s32 $0x400;
	s31 =	rddreg [dreg:$0x3];
	[sflag:s17] =	ssyncadd.s32 $0xFFFFE000  }
0x80: {  	[tilespmem:s21], [sflag:$0x3] =	stream.linear.gather [hbm4b:s31+s1], $0x400, $0x38;
	[tilespmem:$0x1D000] =	vst v63  }
0x81: {  	s18 =	rddreg [dreg:$0x4]  }
0x82: {  	[tilespmem:s19], [sflag:$0x4] =	stream.linear.gather [hbm4b:s18+s1], $0x400, $0x38;
	[tilespmem:$0x1D000] =	vst v63  }
0x83: {  	s26 =	simm.s32 $0x200  }
0x84: {  	[tilespmem:s5], [sflag:$0x5] =	stream.indirect.gather [hbm4b:s22+s8], $0x80, s26, s8, $0xb8;
	[tilespmem:$0x1D000] =	vst v63  }
0x85: {  	s31 =	simm.s32 $0x880  }
0x86: {  	[spmem:s20] =	stream.indirect.scatter.add.f32 [tilespmem:s10], [sflag:$0xA], $0x80, s31, s8, $0xb8;
	[tilespmem:$0x1D000] =	vst v63  }
0x87: {  	_ =	swait.ge [sflag:s24], $0x2000  }
0x88: {  	[sflag:s24] =	ssyncset.done $0x0  }
0x89: {  	[sflag:s24] =	ssyncadd.s32 $0xFFFFE000  }
0x8a: {  	_ =	swait.ge [sflag:s25], $0x2000  }
0x8b: {  	[sflag:s25] =	ssyncset.done $0x0  }
0x8c: {  	s18 =	simm.s32 $0x280;
	[sflag:s25] =	ssyncadd.s32 $0xFFFFE000  }
0x8d: {  	[tilespmem:s10], [sflag:$0x6] =	stream.indirect.gather [hbm4b:s22+s8], $0x80, s18, s8, $0xb8;
	[tilespmem:$0x1D000] =	vst v63  }
0x8e: {  	s26 =	simm.s32 $0x900  }
0x8f: {  	[spmem:s20] =	stream.indirect.scatter.add.f32 [tilespmem:s12], [sflag:$0xB], $0x80, s26, s8, $0xb8;
	[tilespmem:$0x1D000] =	vst v63  }
0x90: {  	_ =	swait.ge [sflag:s29], $0x2000  }
0x91: {  	[sflag:s29] =	ssyncset.done $0x0  }
0x92: {  	[sflag:s29] =	ssyncadd.s32 $0xFFFFE000  }
0x93: {  	_ =	swait.ge [sflag:s30], $0x2000  }
0x94: {  	[sflag:s30] =	ssyncset.done $0x0  }
0x95: {  	s31 =	simm.s32 $0x300;
	[sflag:s30] =	ssyncadd.s32 $0xFFFFE000  }
0x96: {  	[tilespmem:s12], [sflag:$0x7] =	stream.indirect.gather [hbm4b:s22+s8], $0x80, s31, s8, $0xb8;
	[tilespmem:$0x1D000] =	vst v63  }
0x97: {  	s18 =	simm.s32 $0x980  }
0x98: {  	[spmem:s20] =	stream.indirect.scatter.add.f32 [tilespmem:s15], [sflag:$0xC], $0x80, s18, s8, $0xb8;
	[tilespmem:$0x1D000] =	vst v63  }
0x99: {  	_ =	swait.ge [sflag:s13], $0x2000  }
0x9a: {  	[sflag:s13] =	ssyncset.done $0x0  }
0x9b: {  	[sflag:s13] =	ssyncadd.s32 $0xFFFFE000  }
0x9c: {  	_ =	swait.ge [sflag:s0], $0x2000  }
0x9d: {  	[sflag:s0] =	ssyncset.done $0x0  }
0x9e: {  	s26 =	simm.s32 $0x380;
	[sflag:s0] =	ssyncadd.s32 $0xFFFFE000  }
0x9f: {  	[tilespmem:s15], [sflag:$0x8] =	stream.indirect.gather [hbm4b:s22+s8], $0x80, s26, s8, $0xb8;
	[tilespmem:$0x1D000] =	vst v63  }
0xa0: {  	s31 =	simm.s32 $0xA00  }
0xa1: {  	[spmem:s20] =	stream.indirect.scatter.add.f32 [tilespmem:s5], [sflag:$0x9], $0x80, s31, s8, $0xb8;
	[tilespmem:$0x1D000] =	vst v63  }
0xa2: {  	_ =	swait.ge [sflag:s16], $0x2000  }
0xa3: {  	[sflag:s16] =	ssyncset.done $0x0  }
0xa4: {  	[sflag:s16] =	ssyncadd.s32 $0xFFFFE000  }
0xa5: {  	_ =	swait.ge [sflag:s17], $0x2000  }
0xa6: {  	[sflag:s17] =	ssyncset.done $0x0  }
0xa7: {  	[sflag:s17] =	ssyncadd.s32 $0xFFFFE000  }
0xa8: {  	_ =	swait.ge [sflag:s11], $0x400  }
0xa9: {  	[sflag:s11] =	ssyncset.done $0x0  }
0xaa: {  	[sflag:s11] =	ssyncadd.s32 $0xFFFFFC00  }
0xab: {  	_ =	swait.ge [sflag:s14], $0x400  }
0xac: {  	[sflag:s14] =	ssyncset.done $0x0  }
0xad: {  	[sflag:s14] =	ssyncadd.s32 $0xFFFFFC00  }
0xae: {  	[tilespmem:s5], [sflag:$0x5] =	stream.indirect.gather [hbm4b:s22+s8], $0x80, s21, s8, $0xb8;
	[tilespmem:$0x1D000] =	vst v63  }
0xaf: {  	s18 =	simm.s32 $0xA80  }
0xb0: {  	[spmem:s20] =	stream.indirect.scatter.add.f32 [tilespmem:s10], [sflag:$0xA], $0x80, s18, s8, $0xb8;
	[tilespmem:$0x1D000] =	vst v63  }
0xb1: {  	_ =	swait.ge [sflag:s24], $0x2000  }
0xb2: {  	[sflag:s24] =	ssyncset.done $0x0  }
0xb3: {  	[sflag:s24] =	ssyncadd.s32 $0xFFFFE000  }
0xb4: {  	_ =	swait.ge [sflag:s25], $0x2000  }
0xb5: {  	[sflag:s25] =	ssyncset.done $0x0  }
0xb6: {  	s26 =	simm.s32 $0x480;
	[sflag:s25] =	ssyncadd.s32 $0xFFFFE000  }
0xb7: {  	[tilespmem:s10], [sflag:$0x6] =	stream.indirect.gather [hbm4b:s22+s8], $0x80, s26, s8, $0xb8;
	[tilespmem:$0x1D000] =	vst v63  }
0xb8: {  	s31 =	simm.s32 $0xB00  }
0xb9: {  	[spmem:s20] =	stream.indirect.scatter.add.f32 [tilespmem:s12], [sflag:$0xB], $0x80, s31, s8, $0xb8;
	[tilespmem:$0x1D000] =	vst v63  }
0xba: {  	_ =	swait.ge [sflag:s29], $0x2000  }
0xbb: {  	[sflag:s29] =	ssyncset.done $0x0  }
0xbc: {  	[sflag:s29] =	ssyncadd.s32 $0xFFFFE000  }
0xbd: {  	_ =	swait.ge [sflag:s30], $0x2000  }
0xbe: {  	[sflag:s30] =	ssyncset.done $0x0  }
0xbf: {  	s18 =	simm.s32 $0x500;
	[sflag:s30] =	ssyncadd.s32 $0xFFFFE000  }
0xc0: {  	[tilespmem:s12], [sflag:$0x7] =	stream.indirect.gather [hbm4b:s22+s8], $0x80, s18, s8, $0xb8;
	[tilespmem:$0x1D000] =	vst v63  }
0xc1: {  	s26 =	simm.s32 $0xB80  }
0xc2: {  	[spmem:s20] =	stream.indirect.scatter.add.f32 [tilespmem:s15], [sflag:$0xC], $0x80, s26, s8, $0xb8;
	[tilespmem:$0x1D000] =	vst v63  }
0xc3: {  	_ =	swait.ge [sflag:s13], $0x2000  }
0xc4: {  	[sflag:s13] =	ssyncset.done $0x0  }
0xc5: {  	[sflag:s13] =	ssyncadd.s32 $0xFFFFE000  }
0xc6: {  	_ =	swait.ge [sflag:s0], $0x2000  }
0xc7: {  	[sflag:s0] =	ssyncset.done $0x0  }
0xc8: {  	s31 =	rddreg [dreg:$0x5];
	[sflag:s0] =	ssyncadd.s32 $0xFFFFE000  }
0xc9: {  	[tilespmem:s1], [sflag:$0x1] =	stream.linear.gather [hbm4b:s31+s1], $0x400, $0x38;
	[tilespmem:$0x1D000] =	vst v63  }
0xca: {  	s18 =	rddreg [dreg:$0x6]  }
0xcb: {  	[tilespmem:s2], [sflag:$0x2] =	stream.linear.gather [hbm4b:s18+s1], $0x400, $0x38;
	[tilespmem:$0x1D000] =	vst v63  }
0xcc: {  	s26 =	simm.s32 $0x580  }
0xcd: {  	[tilespmem:s15], [sflag:$0x8] =	stream.indirect.gather [hbm4b:s22+s8], $0x80, s26, s8, $0xb8;
	[tilespmem:$0x1D000] =	vst v63  }
0xce: {  	_ = 	snop  }
0xcf: {  	[spmem:s20] =	stream.indirect.scatter.add.f32 [tilespmem:s5], [sflag:$0x9], $0x80, s19, s8, $0xb8;
	[tilespmem:$0x1D000] =	vst v63  }
0xd0: {  	_ =	swait.ge [sflag:s16], $0x2000  }
0xd1: {  	[sflag:s16] =	ssyncset.done $0x0  }
0xd2: {  	[sflag:s16] =	ssyncadd.s32 $0xFFFFE000  }
0xd3: {  	_ =	swait.ge [sflag:s17], $0x2000  }
0xd4: {  	[sflag:s17] =	ssyncset.done $0x0  }
0xd5: {  	s31 =	simm.s32 $0x600;
	[sflag:s17] =	ssyncadd.s32 $0xFFFFE000  }
0xd6: {  	[tilespmem:s5], [sflag:$0x5] =	stream.indirect.gather [hbm4b:s22+s8], $0x80, s31, s8, $0xb8;
	[tilespmem:$0x1D000] =	vst v63  }
0xd7: {  	s26 =	simm.s32 $0xC80  }
0xd8: {  	[spmem:s20] =	stream.indirect.scatter.add.f32 [tilespmem:s10], [sflag:$0xA], $0x80, s26, s8, $0xb8;
	[tilespmem:$0x1D000] =	vst v63  }
0xd9: {  	_ =	swait.ge [sflag:s24], $0x2000  }
0xda: {  	[sflag:s24] =	ssyncset.done $0x0  }
0xdb: {  	[sflag:s24] =	ssyncadd.s32 $0xFFFFE000  }
0xdc: {  	_ =	swait.ge [sflag:s25], $0x2000  }
0xdd: {  	[sflag:s25] =	ssyncset.done $0x0  }
0xde: {  	s31 =	simm.s32 $0x680;
	[sflag:s25] =	ssyncadd.s32 $0xFFFFE000  }
0xdf: {  	[tilespmem:s10], [sflag:$0x6] =	stream.indirect.gather [hbm4b:s22+s8], $0x80, s31, s8, $0xb8;
	[tilespmem:$0x1D000] =	vst v63  }
0xe0: {  	s26 =	simm.s32 $0xD00  }
0xe1: {  	[spmem:s20] =	stream.indirect.scatter.add.f32 [tilespmem:s12], [sflag:$0xB], $0x80, s26, s8, $0xb8;
	[tilespmem:$0x1D000] =	vst v63  }
0xe2: {  	_ =	swait.ge [sflag:s29], $0x2000  }
0xe3: {  	[sflag:s29] =	ssyncset.done $0x0  }
0xe4: {  	[sflag:s29] =	ssyncadd.s32 $0xFFFFE000  }
0xe5: {  	_ =	swait.ge [sflag:s30], $0x2000  }
0xe6: {  	[sflag:s30] =	ssyncset.done $0x0  }
0xe7: {  	s31 =	simm.s32 $0x700;
	[sflag:s30] =	ssyncadd.s32 $0xFFFFE000  }
0xe8: {  	[tilespmem:s12], [sflag:$0x7] =	stream.indirect.gather [hbm4b:s22+s8], $0x80, s31, s8, $0xb8;
	[tilespmem:$0x1D000] =	vst v63  }
0xe9: {  	s26 =	simm.s32 $0xD80  }
0xea: {  	[spmem:s20] =	stream.indirect.scatter.add.f32 [tilespmem:s15], [sflag:$0xC], $0x80, s26, s8, $0xb8;
	[tilespmem:$0x1D000] =	vst v63  }
0xeb: {  	_ =	swait.ge [sflag:s13], $0x2000  }
0xec: {  	[sflag:s13] =	ssyncset.done $0x0  }
0xed: {  	[sflag:s13] =	ssyncadd.s32 $0xFFFFE000  }
0xee: {  	_ =	swait.ge [sflag:s0], $0x2000  }
0xef: {  	[sflag:s0] =	ssyncset.done $0x0  }
0xf0: {  	s31 =	simm.s32 $0x780;
	[sflag:s0] =	ssyncadd.s32 $0xFFFFE000  }
0xf1: {  	[tilespmem:s15], [sflag:$0x8] =	stream.indirect.gather [hbm4b:s22+s8], $0x80, s31, s8, $0xb8;
	[tilespmem:$0x1D000] =	vst v63  }
0xf2: {  	s26 =	simm.s32 $0xE00  }
0xf3: {  	[spmem:s20] =	stream.indirect.scatter.add.f32 [tilespmem:s5], [sflag:$0x9], $0x80, s26, s8, $0xb8;
	[tilespmem:$0x1D000] =	vst v63  }
0xf4: {  	_ =	swait.ge [sflag:s16], $0x2000  }
0xf5: {  	[sflag:s16] =	ssyncset.done $0x0  }
0xf6: {  	[sflag:s16] =	ssyncadd.s32 $0xFFFFE000  }
0xf7: {  	_ =	swait.ge [sflag:s17], $0x2000  }
0xf8: {  	[sflag:s17] =	ssyncset.done $0x0  }
0xf9: {  	[sflag:s17] =	ssyncadd.s32 $0xFFFFE000  }
0xfa: {  	_ =	swait.ge [sflag:s6], $0x400  }
0xfb: {  	[sflag:s6] =	ssyncset.done $0x0  }
0xfc: {  	[sflag:s6] =	ssyncadd.s32 $0xFFFFFC00  }
0xfd: {  	_ =	swait.ge [sflag:s9], $0x400  }
0xfe: {  	[sflag:s9] =	ssyncset.done $0x0  }
0xff: {  	[sflag:s9] =	ssyncadd.s32 $0xFFFFFC00  }
0x100: {  	[tilespmem:s5], [sflag:$0x5] =	stream.indirect.gather [hbm4b:s22+s8], $0x80, s1, s8, $0xb8;
	[tilespmem:$0x1D000] =	vst v63  }
0x101: {  	s26 =	simm.s32 $0xE80  }
0x102: {  	[spmem:s20] =	stream.indirect.scatter.add.f32 [tilespmem:s10], [sflag:$0xA], $0x80, s26, s8, $0xb8;
	[tilespmem:$0x1D000] =	vst v63  }
0x103: {  	_ =	swait.ge [sflag:s24], $0x2000  }
0x104: {  	[sflag:s24] =	ssyncset.done $0x0  }
0x105: {  	[sflag:s24] =	ssyncadd.s32 $0xFFFFE000  }
0x106: {  	_ =	swait.ge [sflag:s25], $0x2000  }
0x107: {  	[sflag:s25] =	ssyncset.done $0x0  }
0x108: {  	s28 =	simm.s32 $0x80;
	[sflag:s25] =	ssyncadd.s32 $0xFFFFE000  }
0x109: {  	[tilespmem:s10], [sflag:$0x6] =	stream.indirect.gather [hbm4b:s22+s8], $0x80, s28, s8, $0xb8;
	[tilespmem:$0x1D000] =	vst v63  }
0x10a: {  	s31 =	simm.s32 $0xF00  }
0x10b: {  	[spmem:s20] =	stream.indirect.scatter.add.f32 [tilespmem:s12], [sflag:$0xB], $0x80, s31, s8, $0xb8;
	[tilespmem:$0x1D000] =	vst v63  }
0x10c: {  	_ =	swait.ge [sflag:s29], $0x2000  }
0x10d: {  	[sflag:s29] =	ssyncset.done $0x0  }
0x10e: {  	[sflag:s29] =	ssyncadd.s32 $0xFFFFE000  }
0x10f: {  	_ =	swait.ge [sflag:s30], $0x2000  }
0x110: {  	[sflag:s30] =	ssyncset.done $0x0  }
0x111: {  	s7 =	simm.s32 $0x100;
	[sflag:s30] =	ssyncadd.s32 $0xFFFFE000  }
0x112: {  	[tilespmem:s12], [sflag:$0x7] =	stream.indirect.gather [hbm4b:s22+s8], $0x80, s7, s8, $0xb8;
	[tilespmem:$0x1D000] =	vst v63  }
0x113: {  	s31 =	simm.s32 $0xF80  }
0x114: {  	[spmem:s20] =	stream.indirect.scatter.add.f32 [tilespmem:s15], [sflag:$0xC], $0x80, s31, s8, $0xb8;
	[tilespmem:$0x1D000] =	vst v63  }
0x115: {  	_ =	swait.ge [sflag:s13], $0x2000  }
0x116: {  	[sflag:s13] =	ssyncset.done $0x0  }
0x117: {  	[sflag:s13] =	ssyncadd.s32 $0xFFFFE000  }
0x118: {  	_ =	swait.ge [sflag:s0], $0x2000  }
0x119: {  	[sflag:s0] =	ssyncset.done $0x0  }
0x11a: {  	s4 =	simm.s32 $0x180;
	[sflag:s0] =	ssyncadd.s32 $0xFFFFE000  }
0x11b: {  	[tilespmem:s15], [sflag:$0x8] =	stream.indirect.gather [hbm4b:s22+s8], $0x80, s4, s8, $0xb8;
	[tilespmem:$0x1D000] =	vst v63  }
0x11c: {  	_ = 	snop  }
0x11d: {  	[spmem:s20] =	stream.indirect.scatter.add.f32 [tilespmem:s5], [sflag:$0x9], $0x80, s2, s8, $0xb8;
	[tilespmem:$0x1D000] =	vst v63  }
0x11e: {  	_ =	swait.ge [sflag:s16], $0x2000  }
0x11f: {  	[sflag:s16] =	ssyncset.done $0x0  }
0x120: {  	[sflag:s16] =	ssyncadd.s32 $0xFFFFE000  }
0x121: {  	_ =	swait.ge [sflag:s17], $0x2000  }
0x122: {  	s18 =	sadd.s32 $0xFFFFF800, s3;
	[sflag:s17] =	ssyncset.done $0x0  }
0x123: {  	s28 =	sadd.s32 $0xFFFFF800, s23;
	s7 =	sadd.s32 $0x980, s18;
	[sflag:s17] =	ssyncadd.s32 $0xFFFFE000  }
0x124: {  	[tilespmem:s21], [sflag:$0x3] =	stream.linear.gather [hbm4b:s7+s1], $0x400, $0x38;
	[tilespmem:$0x1D000] =	vst v63  }
0x125: {  	s7 =	sadd.s32 $0x980, s28  }
0x126: {  	[tilespmem:s19], [sflag:$0x4] =	stream.linear.gather [hbm4b:s7+s1], $0x400, $0x38;
	[tilespmem:$0x1D000] =	vst v63  }
0x127: {  	s7 =	simm.s32 $0x200  }
0x128: {  	[tilespmem:s5], [sflag:$0x5] =	stream.indirect.gather [hbm4b:s22+s8], $0x80, s7, s8, $0xb8;
	[tilespmem:$0x1D000] =	vst v63  }
0x129: {  	s7 =	simm.s32 $0x880  }
0x12a: {  	[spmem:s20] =	stream.indirect.scatter.add.f32 [tilespmem:s10], [sflag:$0xA], $0x80, s7, s8, $0xb8;
	[tilespmem:$0x1D000] =	vst v63  }
0x12b: {  	_ =	swait.ge [sflag:s24], $0x2000  }
0x12c: {  	[sflag:s24] =	ssyncset.done $0x0  }
0x12d: {  	[sflag:s24] =	ssyncadd.s32 $0xFFFFE000  }
0x12e: {  	_ =	swait.ge [sflag:s25], $0x2000  }
0x12f: {  	[sflag:s25] =	ssyncset.done $0x0  }
0x130: {  	s7 =	smov.u32 s23;
	s23 =	simm.s32 $0x280;
	[sflag:s25] =	ssyncadd.s32 $0xFFFFE000  }
0x131: {  	[tilespmem:s10], [sflag:$0x6] =	stream.indirect.gather [hbm4b:s22+s8], $0x80, s23, s8, $0xb8;
	[tilespmem:$0x1D000] =	vst v63  }
0x132: {  	s23 =	simm.s32 $0x900  }
0x133: {  	[spmem:s20] =	stream.indirect.scatter.add.f32 [tilespmem:s12], [sflag:$0xB], $0x80, s23, s8, $0xb8;
	[tilespmem:$0x1D000] =	vst v63  }
0x134: {  	_ =	swait.ge [sflag:s29], $0x2000  }
0x135: {  	[sflag:s29] =	ssyncset.done $0x0  }
0x136: {  	[sflag:s29] =	ssyncadd.s32 $0xFFFFE000  }
0x137: {  	_ =	swait.ge [sflag:s30], $0x2000  }
0x138: {  	[sflag:s30] =	ssyncset.done $0x0  }
0x139: {  	s23 =	simm.s32 $0x300;
	[sflag:s30] =	ssyncadd.s32 $0xFFFFE000  }
0x13a: {  	[tilespmem:s12], [sflag:$0x7] =	stream.indirect.gather [hbm4b:s22+s8], $0x80, s23, s8, $0xb8;
	[tilespmem:$0x1D000] =	vst v63  }
0x13b: {  	s23 =	simm.s32 $0x980  }
0x13c: {  	[spmem:s20] =	stream.indirect.scatter.add.f32 [tilespmem:s15], [sflag:$0xC], $0x80, s23, s8, $0xb8;
	[tilespmem:$0x1D000] =	vst v63  }
0x13d: {  	_ =	swait.ge [sflag:s13], $0x2000  }
0x13e: {  	[sflag:s13] =	ssyncset.done $0x0  }
0x13f: {  	[sflag:s13] =	ssyncadd.s32 $0xFFFFE000  }
0x140: {  	_ =	swait.ge [sflag:s0], $0x2000  }
0x141: {  	[sflag:s0] =	ssyncset.done $0x0  }
0x142: {  	s23 =	simm.s32 $0x380;
	[sflag:s0] =	ssyncadd.s32 $0xFFFFE000  }
0x143: {  	[tilespmem:s15], [sflag:$0x8] =	stream.indirect.gather [hbm4b:s22+s8], $0x80, s23, s8, $0xb8;
	[tilespmem:$0x1D000] =	vst v63  }
0x144: {  	s23 =	simm.s32 $0xA00  }
0x145: {  	[spmem:s20] =	stream.indirect.scatter.add.f32 [tilespmem:s5], [sflag:$0x9], $0x80, s23, s8, $0xb8;
	[tilespmem:$0x1D000] =	vst v63  }
0x146: {  	_ =	swait.ge [sflag:s16], $0x2000  }
0x147: {  	[sflag:s16] =	ssyncset.done $0x0  }
0x148: {  	[sflag:s16] =	ssyncadd.s32 $0xFFFFE000  }
0x149: {  	_ =	swait.ge [sflag:s17], $0x2000  }
0x14a: {  	[sflag:s17] =	ssyncset.done $0x0  }
0x14b: {  	[sflag:s17] =	ssyncadd.s32 $0xFFFFE000  }
0x14c: {  	_ =	swait.ge [sflag:s11], $0x400  }
0x14d: {  	[sflag:s11] =	ssyncset.done $0x0  }
0x14e: {  	[sflag:s11] =	ssyncadd.s32 $0xFFFFFC00  }
0x14f: {  	_ =	swait.ge [sflag:s14], $0x400  }
0x150: {  	[sflag:s14] =	ssyncset.done $0x0  }
0x151: {  	[sflag:s14] =	ssyncadd.s32 $0xFFFFFC00  }
0x152: {  	[tilespmem:s5], [sflag:$0x5] =	stream.indirect.gather [hbm4b:s22+s8], $0x80, s21, s8, $0xb8;
	[tilespmem:$0x1D000] =	vst v63  }
0x153: {  	s23 =	simm.s32 $0xA80  }
0x154: {  	[spmem:s20] =	stream.indirect.scatter.add.f32 [tilespmem:s10], [sflag:$0xA], $0x80, s23, s8, $0xb8;
	[tilespmem:$0x1D000] =	vst v63  }
0x155: {  	_ =	swait.ge [sflag:s24], $0x2000  }
0x156: {  	[sflag:s24] =	ssyncset.done $0x0  }
0x157: {  	[sflag:s24] =	ssyncadd.s32 $0xFFFFE000  }
0x158: {  	_ =	swait.ge [sflag:s25], $0x2000  }
0x159: {  	[sflag:s25] =	ssyncset.done $0x0  }
0x15a: {  	s23 =	simm.s32 $0x480;
	[sflag:s25] =	ssyncadd.s32 $0xFFFFE000  }
0x15b: {  	[tilespmem:s10], [sflag:$0x6] =	stream.indirect.gather [hbm4b:s22+s8], $0x80, s23, s8, $0xb8;
	[tilespmem:$0x1D000] =	vst v63  }
0x15c: {  	s23 =	simm.s32 $0xB00  }
0x15d: {  	[spmem:s20] =	stream.indirect.scatter.add.f32 [tilespmem:s12], [sflag:$0xB], $0x80, s23, s8, $0xb8;
	[tilespmem:$0x1D000] =	vst v63  }
0x15e: {  	_ =	swait.ge [sflag:s29], $0x2000  }
0x15f: {  	[sflag:s29] =	ssyncset.done $0x0  }
0x160: {  	[sflag:s29] =	ssyncadd.s32 $0xFFFFE000  }
0x161: {  	_ =	swait.ge [sflag:s30], $0x2000  }
0x162: {  	[sflag:s30] =	ssyncset.done $0x0  }
0x163: {  	s23 =	simm.s32 $0x500;
	[sflag:s30] =	ssyncadd.s32 $0xFFFFE000  }
0x164: {  	[tilespmem:s12], [sflag:$0x7] =	stream.indirect.gather [hbm4b:s22+s8], $0x80, s23, s8, $0xb8;
	[tilespmem:$0x1D000] =	vst v63  }
0x165: {  	s23 =	simm.s32 $0xB80  }
0x166: {  	[spmem:s20] =	stream.indirect.scatter.add.f32 [tilespmem:s15], [sflag:$0xC], $0x80, s23, s8, $0xb8;
	[tilespmem:$0x1D000] =	vst v63  }
0x167: {  	_ =	swait.ge [sflag:s13], $0x2000  }
0x168: {  	[sflag:s13] =	ssyncset.done $0x0  }
0x169: {  	[sflag:s13] =	ssyncadd.s32 $0xFFFFE000  }
0x16a: {  	_ =	swait.ge [sflag:s0], $0x2000  }
0x16b: {  	[sflag:s0] =	ssyncset.done $0x0  }
0x16c: {  	s18 =	sadd.s32 $0xA00, s18;
	[sflag:s0] =	ssyncadd.s32 $0xFFFFE000  }
0x16d: {  	[tilespmem:s1], [sflag:$0x1] =	stream.linear.gather [hbm4b:s18+s1], $0x400, $0x38;
	[tilespmem:$0x1D000] =	vst v63  }
0x16e: {  	s23 =	sadd.s32 $0xA00, s28  }
0x16f: {  	[tilespmem:s2], [sflag:$0x2] =	stream.linear.gather [hbm4b:s23+s1], $0x400, $0x38;
	[tilespmem:$0x1D000] =	vst v63  }
0x170: {  	s23 =	simm.s32 $0x580  }
0x171: {  	[tilespmem:s15], [sflag:$0x8] =	stream.indirect.gather [hbm4b:s22+s8], $0x80, s23, s8, $0xb8;
	[tilespmem:$0x1D000] =	vst v63  }
0x172: {  	_ = 	snop  }
0x173: {  	[spmem:s20] =	stream.indirect.scatter.add.f32 [tilespmem:s5], [sflag:$0x9], $0x80, s19, s8, $0xb8;
	[tilespmem:$0x1D000] =	vst v63  }
0x174: {  	_ =	swait.ge [sflag:s16], $0x2000  }
0x175: {  	[sflag:s16] =	ssyncset.done $0x0  }
0x176: {  	[sflag:s16] =	ssyncadd.s32 $0xFFFFE000  }
0x177: {  	_ =	swait.ge [sflag:s17], $0x2000  }
0x178: {  	[sflag:s17] =	ssyncset.done $0x0  }
0x179: {  	s31 =	simm.s32 $0x600;
	[sflag:s17] =	ssyncadd.s32 $0xFFFFE000  }
0x17a: {  	[tilespmem:s5], [sflag:$0x5] =	stream.indirect.gather [hbm4b:s22+s8], $0x80, s31, s8, $0xb8;
	[tilespmem:$0x1D000] =	vst v63  }
0x17b: {  	s31 =	simm.s32 $0xC80  }
0x17c: {  	[spmem:s20] =	stream.indirect.scatter.add.f32 [tilespmem:s10], [sflag:$0xA], $0x80, s31, s8, $0xb8;
	[tilespmem:$0x1D000] =	vst v63  }
0x17d: {  	_ =	swait.ge [sflag:s24], $0x2000  }
0x17e: {  	[sflag:s24] =	ssyncset.done $0x0  }
0x17f: {  	[sflag:s24] =	ssyncadd.s32 $0xFFFFE000  }
0x180: {  	_ =	swait.ge [sflag:s25], $0x2000  }
0x181: {  	[sflag:s25] =	ssyncset.done $0x0  }
0x182: {  	s23 =	simm.s32 $0x680;
	[sflag:s25] =	ssyncadd.s32 $0xFFFFE000  }
0x183: {  	[tilespmem:s10], [sflag:$0x6] =	stream.indirect.gather [hbm4b:s22+s8], $0x80, s23, s8, $0xb8;
	[tilespmem:$0x1D000] =	vst v63  }
0x184: {  	s31 =	simm.s32 $0xD00  }
0x185: {  	[spmem:s20] =	stream.indirect.scatter.add.f32 [tilespmem:s12], [sflag:$0xB], $0x80, s31, s8, $0xb8;
	[tilespmem:$0x1D000] =	vst v63  }
0x186: {  	_ =	swait.ge [sflag:s29], $0x2000  }
0x187: {  	[sflag:s29] =	ssyncset.done $0x0  }
0x188: {  	[sflag:s29] =	ssyncadd.s32 $0xFFFFE000  }
0x189: {  	_ =	swait.ge [sflag:s30], $0x2000  }
0x18a: {  	[sflag:s30] =	ssyncset.done $0x0  }
0x18b: {  	s23 =	simm.s32 $0x700;
	[sflag:s30] =	ssyncadd.s32 $0xFFFFE000  }
0x18c: {  	[tilespmem:s12], [sflag:$0x7] =	stream.indirect.gather [hbm4b:s22+s8], $0x80, s23, s8, $0xb8;
	[tilespmem:$0x1D000] =	vst v63  }
0x18d: {  	s31 =	simm.s32 $0xD80  }
0x18e: {  	[spmem:s20] =	stream.indirect.scatter.add.f32 [tilespmem:s15], [sflag:$0xC], $0x80, s31, s8, $0xb8;
	[tilespmem:$0x1D000] =	vst v63  }
0x18f: {  	_ =	swait.ge [sflag:s13], $0x2000  }
0x190: {  	[sflag:s13] =	ssyncset.done $0x0  }
0x191: {  	[sflag:s13] =	ssyncadd.s32 $0xFFFFE000  }
0x192: {  	_ =	swait.ge [sflag:s0], $0x2000  }
0x193: {  	[sflag:s0] =	ssyncset.done $0x0  }
0x194: {  	s23 =	simm.s32 $0x780;
	[sflag:s0] =	ssyncadd.s32 $0xFFFFE000  }
0x195: {  	[tilespmem:s15], [sflag:$0x8] =	stream.indirect.gather [hbm4b:s22+s8], $0x80, s23, s8, $0xb8;
	[tilespmem:$0x1D000] =	vst v63  }
0x196: {  	s31 =	simm.s32 $0xE00  }
0x197: {  	[spmem:s20] =	stream.indirect.scatter.add.f32 [tilespmem:s5], [sflag:$0x9], $0x80, s31, s8, $0xb8;
	[tilespmem:$0x1D000] =	vst v63  }
0x198: {  	_ =	swait.ge [sflag:s16], $0x2000  }
0x199: {  	[sflag:s16] =	ssyncset.done $0x0  }
0x19a: {  	[sflag:s16] =	ssyncadd.s32 $0xFFFFE000  }
0x19b: {  	_ =	swait.ge [sflag:s17], $0x2000  }
0x19c: {  	[sflag:s17] =	ssyncset.done $0x0  }
0x19d: {  	[sflag:s17] =	ssyncadd.s32 $0xFFFFE000  }
0x19e: {  	_ =	swait.ge [sflag:s6], $0x400  }
0x19f: {  	[sflag:s6] =	ssyncset.done $0x0  }
0x1a0: {  	[sflag:s6] =	ssyncadd.s32 $0xFFFFFC00  }
0x1a1: {  	_ =	swait.ge [sflag:s9], $0x400  }
0x1a2: {  	[sflag:s9] =	ssyncset.done $0x0  }
0x1a3: {  	[sflag:s9] =	ssyncadd.s32 $0xFFFFFC00  }
0x1a4: {  	[tilespmem:s5], [sflag:$0x5] =	stream.indirect.gather [hbm4b:s22+s8], $0x80, s1, s8, $0xb8;
	[tilespmem:$0x1D000] =	vst v63  }
0x1a5: {  	_ = 	snop  }
0x1a6: {  	[spmem:s20] =	stream.indirect.scatter.add.f32 [tilespmem:s10], [sflag:$0xA], $0x80, s26, s8, $0xb8;
	[tilespmem:$0x1D000] =	vst v63  }
0x1a7: {  	_ =	swait.ge [sflag:s24], $0x2000  }
0x1a8: {  	[sflag:s24] =	ssyncset.done $0x0  }
0x1a9: {  	[sflag:s24] =	ssyncadd.s32 $0xFFFFE000  }
0x1aa: {  	_ =	swait.ge [sflag:s25], $0x2000  }
0x1ab: {  	[sflag:s25] =	ssyncset.done $0x0  }
0x1ac: {  	s23 =	simm.s32 $0x80;
	[sflag:s25] =	ssyncadd.s32 $0xFFFFE000  }
0x1ad: {  	[tilespmem:s10], [sflag:$0x6] =	stream.indirect.gather [hbm4b:s22+s8], $0x80, s23, s8, $0xb8;
	[tilespmem:$0x1D000] =	vst v63  }
0x1ae: {  	s26 =	simm.s32 $0xF00  }
0x1af: {  	[spmem:s20] =	stream.indirect.scatter.add.f32 [tilespmem:s12], [sflag:$0xB], $0x80, s26, s8, $0xb8;
	[tilespmem:$0x1D000] =	vst v63  }
0x1b0: {  	_ =	swait.ge [sflag:s29], $0x2000  }
0x1b1: {  	[sflag:s29] =	ssyncset.done $0x0  }
0x1b2: {  	[sflag:s29] =	ssyncadd.s32 $0xFFFFE000  }
0x1b3: {  	_ =	swait.ge [sflag:s30], $0x2000  }
0x1b4: {  	s28 =	simm.s32 $0xFFFFF900;
	[sflag:s30] =	ssyncset.done $0x0  }
0x1b5: {  	s31 =	simm.s32 $0x100;
	s26 =	simm.s32 $0x100;
	[sflag:s30] =	ssyncadd.s32 $0xFFFFE000  }
0x1b6: {  	[tilespmem:s12], [sflag:$0x7] =	stream.indirect.gather [hbm4b:s22+s8], $0x80, s31, s8, $0xb8;
	[tilespmem:$0x1D000] =	vst v63  }
.LBB2_4:
0x1b7: {  	s18 =	simm.s32 $0xF80  }
0x1b8: {  	[spmem:s20] =	stream.indirect.scatter.add.f32 [tilespmem:s15], [sflag:$0xC], $0x80, s18, s8, $0xb8;
	[tilespmem:$0x1D000] =	vst v63  }
0x1b9: {  	s18 =	smov.u32 s28  }
0x1ba: {  	p0 =	sne.s32 s28, $0xFFFFFF00;
	s28 =	sadd.s32 $0x100, s28;
	_ =	swait.ge [sflag:s13], $0x2000  }
0x1bb: {  	[sflag:s13] =	ssyncset.done $0x0  }
0x1bc: {  	[sflag:s13] =	ssyncadd.s32 $0xFFFFE000  }
0x1bd: {  	_ =	swait.ge [sflag:s0], $0x2000  }
0x1be: {  	[sflag:s0] =	ssyncset.done $0x0  }
0x1bf: {  	[sflag:s0] =	ssyncadd.s32 $0xFFFFE000  }
0x1c0: {  	[tilespmem:s15], [sflag:$0x8] =	stream.indirect.gather [hbm4b:s22+s8], $0x80, s4, s8, $0xb8;
	[tilespmem:$0x1D000] =	vst v63  }
0x1c1: {  	_ = 	snop  }
0x1c2: {  	[spmem:s20] =	stream.indirect.scatter.add.f32 [tilespmem:s5], [sflag:$0x9], $0x80, s2, s8, $0xb8;
	[tilespmem:$0x1D000] =	vst v63  }
0x1c3: {  	_ =	swait.ge [sflag:s16], $0x2000  }
0x1c4: {  	[sflag:s16] =	ssyncset.done $0x0  }
0x1c5: {  	[sflag:s16] =	ssyncadd.s32 $0xFFFFE000  }
0x1c6: {  	_ =	swait.ge [sflag:s17], $0x2000  }
0x1c7: {  	s31 =	sadd.s32 s18, s3;
	[sflag:s17] =	ssyncset.done $0x0  }
0x1c8: {  	s18 =	sadd.s32 s18, s7;
	s4 =	sadd.s32 $0x980, s31;
	[sflag:s17] =	ssyncadd.s32 $0xFFFFE000  }
0x1c9: {  	[tilespmem:s21], [sflag:$0x3] =	stream.linear.gather [hbm4b:s4+s1], $0x400, $0x38;
	[tilespmem:$0x1D000] =	vst v63  }
0x1ca: {  	s4 =	sadd.s32 $0x980, s18  }
0x1cb: {  	[tilespmem:s19], [sflag:$0x4] =	stream.linear.gather [hbm4b:s4+s1], $0x400, $0x38;
	[tilespmem:$0x1D000] =	vst v63  }
0x1cc: {  	s4 =	simm.s32 $0x200  }
0x1cd: {  	[tilespmem:s5], [sflag:$0x5] =	stream.indirect.gather [hbm4b:s22+s8], $0x80, s4, s8, $0xb8;
	[tilespmem:$0x1D000] =	vst v63  }
0x1ce: {  	s4 =	simm.s32 $0x880  }
0x1cf: {  	[spmem:s20] =	stream.indirect.scatter.add.f32 [tilespmem:s10], [sflag:$0xA], $0x80, s4, s8, $0xb8;
	[tilespmem:$0x1D000] =	vst v63  }
0x1d0: {  	_ =	swait.ge [sflag:s24], $0x2000  }
0x1d1: {  	[sflag:s24] =	ssyncset.done $0x0  }
0x1d2: {  	[sflag:s24] =	ssyncadd.s32 $0xFFFFE000  }
0x1d3: {  	_ =	swait.ge [sflag:s25], $0x2000  }
0x1d4: {  	[sflag:s25] =	ssyncset.done $0x0  }
0x1d5: {  	s4 =	simm.s32 $0x280;
	[sflag:s25] =	ssyncadd.s32 $0xFFFFE000  }
0x1d6: {  	[tilespmem:s10], [sflag:$0x6] =	stream.indirect.gather [hbm4b:s22+s8], $0x80, s4, s8, $0xb8;
	[tilespmem:$0x1D000] =	vst v63  }
0x1d7: {  	s4 =	simm.s32 $0x900  }
0x1d8: {  	[spmem:s20] =	stream.indirect.scatter.add.f32 [tilespmem:s12], [sflag:$0xB], $0x80, s4, s8, $0xb8;
	[tilespmem:$0x1D000] =	vst v63  }
0x1d9: {  	_ =	swait.ge [sflag:s29], $0x2000  }
0x1da: {  	[sflag:s29] =	ssyncset.done $0x0  }
0x1db: {  	[sflag:s29] =	ssyncadd.s32 $0xFFFFE000  }
0x1dc: {  	_ =	swait.ge [sflag:s30], $0x2000  }
0x1dd: {  	[sflag:s30] =	ssyncset.done $0x0  }
0x1de: {  	s4 =	simm.s32 $0x300;
	[sflag:s30] =	ssyncadd.s32 $0xFFFFE000  }
0x1df: {  	[tilespmem:s12], [sflag:$0x7] =	stream.indirect.gather [hbm4b:s22+s8], $0x80, s4, s8, $0xb8;
	[tilespmem:$0x1D000] =	vst v63  }
0x1e0: {  	s4 =	simm.s32 $0x980  }
0x1e1: {  	[spmem:s20] =	stream.indirect.scatter.add.f32 [tilespmem:s15], [sflag:$0xC], $0x80, s4, s8, $0xb8;
	[tilespmem:$0x1D000] =	vst v63  }
0x1e2: {  	_ =	swait.ge [sflag:s13], $0x2000  }
0x1e3: {  	[sflag:s13] =	ssyncset.done $0x0  }
0x1e4: {  	[sflag:s13] =	ssyncadd.s32 $0xFFFFE000  }
0x1e5: {  	_ =	swait.ge [sflag:s0], $0x2000  }
0x1e6: {  	[sflag:s0] =	ssyncset.done $0x0  }
0x1e7: {  	s4 =	simm.s32 $0x380;
	[sflag:s0] =	ssyncadd.s32 $0xFFFFE000  }
0x1e8: {  	[tilespmem:s15], [sflag:$0x8] =	stream.indirect.gather [hbm4b:s22+s8], $0x80, s4, s8, $0xb8;
	[tilespmem:$0x1D000] =	vst v63  }
0x1e9: {  	s4 =	simm.s32 $0xA00  }
0x1ea: {  	[spmem:s20] =	stream.indirect.scatter.add.f32 [tilespmem:s5], [sflag:$0x9], $0x80, s4, s8, $0xb8;
	[tilespmem:$0x1D000] =	vst v63  }
0x1eb: {  	_ =	swait.ge [sflag:s16], $0x2000  }
0x1ec: {  	[sflag:s16] =	ssyncset.done $0x0  }
0x1ed: {  	[sflag:s16] =	ssyncadd.s32 $0xFFFFE000  }
0x1ee: {  	_ =	swait.ge [sflag:s17], $0x2000  }
0x1ef: {  	[sflag:s17] =	ssyncset.done $0x0  }
0x1f0: {  	[sflag:s17] =	ssyncadd.s32 $0xFFFFE000  }
0x1f1: {  	_ =	swait.ge [sflag:s11], $0x400  }
0x1f2: {  	[sflag:s11] =	ssyncset.done $0x0  }
0x1f3: {  	[sflag:s11] =	ssyncadd.s32 $0xFFFFFC00  }
0x1f4: {  	_ =	swait.ge [sflag:s14], $0x400  }
0x1f5: {  	[sflag:s14] =	ssyncset.done $0x0  }
0x1f6: {  	[sflag:s14] =	ssyncadd.s32 $0xFFFFFC00  }
0x1f7: {  	[tilespmem:s5], [sflag:$0x5] =	stream.indirect.gather [hbm4b:s22+s8], $0x80, s21, s8, $0xb8;
	[tilespmem:$0x1D000] =	vst v63  }
0x1f8: {  	s4 =	simm.s32 $0xA80  }
0x1f9: {  	[spmem:s20] =	stream.indirect.scatter.add.f32 [tilespmem:s10], [sflag:$0xA], $0x80, s4, s8, $0xb8;
	[tilespmem:$0x1D000] =	vst v63  }
0x1fa: {  	_ =	swait.ge [sflag:s24], $0x2000  }
0x1fb: {  	[sflag:s24] =	ssyncset.done $0x0  }
0x1fc: {  	[sflag:s24] =	ssyncadd.s32 $0xFFFFE000  }
0x1fd: {  	_ =	swait.ge [sflag:s25], $0x2000  }
0x1fe: {  	[sflag:s25] =	ssyncset.done $0x0  }
0x1ff: {  	s4 =	simm.s32 $0x480;
	[sflag:s25] =	ssyncadd.s32 $0xFFFFE000  }
0x200: {  	[tilespmem:s10], [sflag:$0x6] =	stream.indirect.gather [hbm4b:s22+s8], $0x80, s4, s8, $0xb8;
	[tilespmem:$0x1D000] =	vst v63  }
0x201: {  	s4 =	simm.s32 $0xB00  }
0x202: {  	[spmem:s20] =	stream.indirect.scatter.add.f32 [tilespmem:s12], [sflag:$0xB], $0x80, s4, s8, $0xb8;
	[tilespmem:$0x1D000] =	vst v63  }
0x203: {  	_ =	swait.ge [sflag:s29], $0x2000  }
0x204: {  	[sflag:s29] =	ssyncset.done $0x0  }
0x205: {  	[sflag:s29] =	ssyncadd.s32 $0xFFFFE000  }
0x206: {  	_ =	swait.ge [sflag:s30], $0x2000  }
0x207: {  	[sflag:s30] =	ssyncset.done $0x0  }
0x208: {  	s4 =	simm.s32 $0x500;
	[sflag:s30] =	ssyncadd.s32 $0xFFFFE000  }
0x209: {  	[tilespmem:s12], [sflag:$0x7] =	stream.indirect.gather [hbm4b:s22+s8], $0x80, s4, s8, $0xb8;
	[tilespmem:$0x1D000] =	vst v63  }
0x20a: {  	s4 =	simm.s32 $0xB80  }
0x20b: {  	[spmem:s20] =	stream.indirect.scatter.add.f32 [tilespmem:s15], [sflag:$0xC], $0x80, s4, s8, $0xb8;
	[tilespmem:$0x1D000] =	vst v63  }
0x20c: {  	_ =	swait.ge [sflag:s13], $0x2000  }
0x20d: {  	[sflag:s13] =	ssyncset.done $0x0  }
0x20e: {  	[sflag:s13] =	ssyncadd.s32 $0xFFFFE000  }
0x20f: {  	_ =	swait.ge [sflag:s0], $0x2000  }
0x210: {  	[sflag:s0] =	ssyncset.done $0x0  }
0x211: {  	s4 =	sadd.s32 $0xA00, s31;
	s31 =	simm.s32 $0x600;
	[sflag:s0] =	ssyncadd.s32 $0xFFFFE000  }
0x212: {  	[tilespmem:s1], [sflag:$0x1] =	stream.linear.gather [hbm4b:s4+s1], $0x400, $0x38;
	[tilespmem:$0x1D000] =	vst v63  }
0x213: {  	s4 =	sadd.s32 $0xA00, s18;
	s18 =	simm.s32 $0x580  }
0x214: {  	[tilespmem:s2], [sflag:$0x2] =	stream.linear.gather [hbm4b:s4+s1], $0x400, $0x38;
	[tilespmem:$0x1D000] =	vst v63  }
0x215: {  	s4 =	simm.s32 $0x180;
	_ =	sdelay $0x1  }
0x216: {  	[tilespmem:s15], [sflag:$0x8] =	stream.indirect.gather [hbm4b:s22+s8], $0x80, s18, s8, $0xb8;
	[tilespmem:$0x1D000] =	vst v63  }
0x217: {  	_ = 	snop  }
0x218: {  	[spmem:s20] =	stream.indirect.scatter.add.f32 [tilespmem:s5], [sflag:$0x9], $0x80, s19, s8, $0xb8;
	[tilespmem:$0x1D000] =	vst v63  }
0x219: {  	_ =	swait.ge [sflag:s16], $0x2000  }
0x21a: {  	[sflag:s16] =	ssyncset.done $0x0  }
0x21b: {  	[sflag:s16] =	ssyncadd.s32 $0xFFFFE000  }
0x21c: {  	_ =	swait.ge [sflag:s17], $0x2000  }
0x21d: {  	[sflag:s17] =	ssyncset.done $0x0  }
0x21e: {  	[sflag:s17] =	ssyncadd.s32 $0xFFFFE000  }
0x21f: {  	[tilespmem:s5], [sflag:$0x5] =	stream.indirect.gather [hbm4b:s22+s8], $0x80, s31, s8, $0xb8;
	[tilespmem:$0x1D000] =	vst v63  }
0x220: {  	s23 =	simm.s32 $0xC80  }
0x221: {  	[spmem:s20] =	stream.indirect.scatter.add.f32 [tilespmem:s10], [sflag:$0xA], $0x80, s23, s8, $0xb8;
	[tilespmem:$0x1D000] =	vst v63  }
0x222: {  	_ =	swait.ge [sflag:s24], $0x2000  }
0x223: {  	[sflag:s24] =	ssyncset.done $0x0  }
0x224: {  	[sflag:s24] =	ssyncadd.s32 $0xFFFFE000  }
0x225: {  	_ =	swait.ge [sflag:s25], $0x2000  }
0x226: {  	[sflag:s25] =	ssyncset.done $0x0  }
0x227: {  	s23 =	simm.s32 $0x680;
	[sflag:s25] =	ssyncadd.s32 $0xFFFFE000  }
0x228: {  	[tilespmem:s10], [sflag:$0x6] =	stream.indirect.gather [hbm4b:s22+s8], $0x80, s23, s8, $0xb8;
	[tilespmem:$0x1D000] =	vst v63  }
0x229: {  	s23 =	simm.s32 $0xD00  }
0x22a: {  	[spmem:s20] =	stream.indirect.scatter.add.f32 [tilespmem:s12], [sflag:$0xB], $0x80, s23, s8, $0xb8;
	[tilespmem:$0x1D000] =	vst v63  }
0x22b: {  	_ =	swait.ge [sflag:s29], $0x2000  }
0x22c: {  	[sflag:s29] =	ssyncset.done $0x0  }
0x22d: {  	[sflag:s29] =	ssyncadd.s32 $0xFFFFE000  }
0x22e: {  	_ =	swait.ge [sflag:s30], $0x2000  }
0x22f: {  	[sflag:s30] =	ssyncset.done $0x0  }
0x230: {  	s23 =	simm.s32 $0x700;
	[sflag:s30] =	ssyncadd.s32 $0xFFFFE000  }
0x231: {  	[tilespmem:s12], [sflag:$0x7] =	stream.indirect.gather [hbm4b:s22+s8], $0x80, s23, s8, $0xb8;
	[tilespmem:$0x1D000] =	vst v63  }
0x232: {  	s23 =	simm.s32 $0xD80  }
0x233: {  	[spmem:s20] =	stream.indirect.scatter.add.f32 [tilespmem:s15], [sflag:$0xC], $0x80, s23, s8, $0xb8;
	[tilespmem:$0x1D000] =	vst v63  }
0x234: {  	_ =	swait.ge [sflag:s13], $0x2000  }
0x235: {  	[sflag:s13] =	ssyncset.done $0x0  }
0x236: {  	[sflag:s13] =	ssyncadd.s32 $0xFFFFE000  }
0x237: {  	_ =	swait.ge [sflag:s0], $0x2000  }
0x238: {  	[sflag:s0] =	ssyncset.done $0x0  }
0x239: {  	s23 =	simm.s32 $0x780;
	[sflag:s0] =	ssyncadd.s32 $0xFFFFE000  }
0x23a: {  	[tilespmem:s15], [sflag:$0x8] =	stream.indirect.gather [hbm4b:s22+s8], $0x80, s23, s8, $0xb8;
	[tilespmem:$0x1D000] =	vst v63  }
0x23b: {  	s23 =	simm.s32 $0xE00  }
0x23c: {  	[spmem:s20] =	stream.indirect.scatter.add.f32 [tilespmem:s5], [sflag:$0x9], $0x80, s23, s8, $0xb8;
	[tilespmem:$0x1D000] =	vst v63  }
0x23d: {  	_ =	swait.ge [sflag:s16], $0x2000  }
0x23e: {  	[sflag:s16] =	ssyncset.done $0x0  }
0x23f: {  	[sflag:s16] =	ssyncadd.s32 $0xFFFFE000  }
0x240: {  	_ =	swait.ge [sflag:s17], $0x2000  }
0x241: {  	[sflag:s17] =	ssyncset.done $0x0  }
0x242: {  	[sflag:s17] =	ssyncadd.s32 $0xFFFFE000  }
0x243: {  	_ =	swait.ge [sflag:s6], $0x400  }
0x244: {  	[sflag:s6] =	ssyncset.done $0x0  }
0x245: {  	[sflag:s6] =	ssyncadd.s32 $0xFFFFFC00  }
0x246: {  	_ =	swait.ge [sflag:s9], $0x400  }
0x247: {  	[sflag:s9] =	ssyncset.done $0x0  }
0x248: {  	[sflag:s9] =	ssyncadd.s32 $0xFFFFFC00  }
0x249: {  	[tilespmem:s5], [sflag:$0x5] =	stream.indirect.gather [hbm4b:s22+s8], $0x80, s1, s8, $0xb8;
	[tilespmem:$0x1D000] =	vst v63  }
0x24a: {  	s23 =	simm.s32 $0xE80  }
0x24b: {  	[spmem:s20] =	stream.indirect.scatter.add.f32 [tilespmem:s10], [sflag:$0xA], $0x80, s23, s8, $0xb8;
	[tilespmem:$0x1D000] =	vst v63  }
0x24c: {  	_ =	swait.ge [sflag:s24], $0x2000  }
0x24d: {  	[sflag:s24] =	ssyncset.done $0x0  }
0x24e: {  	[sflag:s24] =	ssyncadd.s32 $0xFFFFE000  }
0x24f: {  	_ =	swait.ge [sflag:s25], $0x2000  }
0x250: {  	[sflag:s25] =	ssyncset.done $0x0  }
0x251: {  	s23 =	simm.s32 $0x80;
	[sflag:s25] =	ssyncadd.s32 $0xFFFFE000  }
0x252: {  	[tilespmem:s10], [sflag:$0x6] =	stream.indirect.gather [hbm4b:s22+s8], $0x80, s23, s8, $0xb8;
	[tilespmem:$0x1D000] =	vst v63  }
0x253: {  	s23 =	simm.s32 $0xF00  }
0x254: {  	[spmem:s20] =	stream.indirect.scatter.add.f32 [tilespmem:s12], [sflag:$0xB], $0x80, s23, s8, $0xb8;
	[tilespmem:$0x1D000] =	vst v63  }
0x255: {  	_ =	swait.ge [sflag:s29], $0x2000  }
0x256: {  	[sflag:s29] =	ssyncset.done $0x0  }
.Ltmp1:
0x257: {  	[sflag:s29] =	ssyncadd.s32 $0xFFFFE000;
	(pc) =	sbr.rel @p0 .LBB2_4-.Ltmp1, $4  }
0x258: {  	_ =	swait.ge [sflag:s30], $0x2000  }
0x259: {  	[sflag:s30] =	ssyncset.done $0x0  }
0x25a: {  	[sflag:s30] =	ssyncadd.s32 $0xFFFFE000  }
0x25b: {  	[tilespmem:s12], [sflag:$0x7] =	stream.indirect.gather [hbm4b:s22+s8], $0x80, s26, s8, $0xb8;
	[tilespmem:$0x1D000] =	vst v63  }
0x25c: {  	s23 =	simm.s32 $0xF80  }
0x25d: {  	[spmem:s20] =	stream.indirect.scatter.add.f32 [tilespmem:s15], [sflag:$0xC], $0x80, s23, s8, $0xb8;
	[tilespmem:$0x1D000] =	vst v63  }
0x25e: {  	_ =	swait.ge [sflag:s13], $0x2000  }
0x25f: {  	[sflag:s13] =	ssyncset.done $0x0  }
0x260: {  	[sflag:s13] =	ssyncadd.s32 $0xFFFFE000  }
0x261: {  	_ =	swait.ge [sflag:s0], $0x2000  }
0x262: {  	[sflag:s0] =	ssyncset.done $0x0  }
0x263: {  	[sflag:s0] =	ssyncadd.s32 $0xFFFFE000  }
0x264: {  	[tilespmem:s15], [sflag:$0x8] =	stream.indirect.gather [hbm4b:s22+s8], $0x80, s4, s8, $0xb8;
	[tilespmem:$0x1D000] =	vst v63  }
0x265: {  	_ = 	snop  }
0x266: {  	[spmem:s20] =	stream.indirect.scatter.add.f32 [tilespmem:s5], [sflag:$0x9], $0x80, s2, s8, $0xb8;
	[tilespmem:$0x1D000] =	vst v63  }
0x267: {  	_ =	swait.ge [sflag:s16], $0x2000  }
0x268: {  	[sflag:s16] =	ssyncset.done $0x0  }
0x269: {  	[sflag:s16] =	ssyncadd.s32 $0xFFFFE000  }
0x26a: {  	_ =	swait.ge [sflag:s17], $0x2000  }
0x26b: {  	[sflag:s17] =	ssyncset.done $0x0  }
0x26c: {  	s28 =	rddreg [dreg:$0x7];
	[sflag:s17] =	ssyncadd.s32 $0xFFFFE000  }
0x26d: {  	[tilespmem:s21], [sflag:$0x3] =	stream.linear.gather [hbm4b:s28+s1], $0x400, $0x38;
	[tilespmem:$0x1D000] =	vst v63  }
0x26e: {  	s2 =	rddreg [dreg:$0x8]  }
0x26f: {  	[tilespmem:s19], [sflag:$0x4] =	stream.linear.gather [hbm4b:s2+s1], $0x400, $0x38;
	[tilespmem:$0x1D000] =	vst v63  }
0x270: {  	s4 =	simm.s32 $0x200  }
0x271: {  	[tilespmem:s5], [sflag:$0x5] =	stream.indirect.gather [hbm4b:s22+s8], $0x80, s4, s8, $0xb8;
	[tilespmem:$0x1D000] =	vst v63  }
0x272: {  	s26 =	simm.s32 $0x880  }
0x273: {  	[spmem:s20] =	stream.indirect.scatter.add.f32 [tilespmem:s10], [sflag:$0xA], $0x80, s26, s8, $0xb8;
	[tilespmem:$0x1D000] =	vst v63  }
0x274: {  	_ =	swait.ge [sflag:s24], $0x2000  }
0x275: {  	[sflag:s24] =	ssyncset.done $0x0  }
0x276: {  	[sflag:s24] =	ssyncadd.s32 $0xFFFFE000  }
0x277: {  	_ =	swait.ge [sflag:s25], $0x2000  }
0x278: {  	[sflag:s25] =	ssyncset.done $0x0  }
0x279: {  	s28 =	simm.s32 $0x280;
	[sflag:s25] =	ssyncadd.s32 $0xFFFFE000  }
0x27a: {  	[tilespmem:s10], [sflag:$0x6] =	stream.indirect.gather [hbm4b:s22+s8], $0x80, s28, s8, $0xb8;
	[tilespmem:$0x1D000] =	vst v63  }
0x27b: {  	s4 =	simm.s32 $0x900  }
0x27c: {  	[spmem:s20] =	stream.indirect.scatter.add.f32 [tilespmem:s12], [sflag:$0xB], $0x80, s4, s8, $0xb8;
	[tilespmem:$0x1D000] =	vst v63  }
0x27d: {  	_ =	swait.ge [sflag:s29], $0x2000  }
0x27e: {  	[sflag:s29] =	ssyncset.done $0x0  }
0x27f: {  	[sflag:s29] =	ssyncadd.s32 $0xFFFFE000  }
0x280: {  	_ =	swait.ge [sflag:s30], $0x2000  }
0x281: {  	[sflag:s30] =	ssyncset.done $0x0  }
0x282: {  	s26 =	simm.s32 $0x300;
	[sflag:s30] =	ssyncadd.s32 $0xFFFFE000  }
0x283: {  	[tilespmem:s12], [sflag:$0x7] =	stream.indirect.gather [hbm4b:s22+s8], $0x80, s26, s8, $0xb8;
	[tilespmem:$0x1D000] =	vst v63  }
0x284: {  	s28 =	simm.s32 $0x980  }
0x285: {  	[spmem:s20] =	stream.indirect.scatter.add.f32 [tilespmem:s15], [sflag:$0xC], $0x80, s28, s8, $0xb8;
	[tilespmem:$0x1D000] =	vst v63  }
0x286: {  	_ =	swait.ge [sflag:s13], $0x2000  }
0x287: {  	[sflag:s13] =	ssyncset.done $0x0  }
0x288: {  	[sflag:s13] =	ssyncadd.s32 $0xFFFFE000  }
0x289: {  	_ =	swait.ge [sflag:s0], $0x2000  }
0x28a: {  	[sflag:s0] =	ssyncset.done $0x0  }
0x28b: {  	s4 =	simm.s32 $0x380;
	[sflag:s0] =	ssyncadd.s32 $0xFFFFE000  }
0x28c: {  	[tilespmem:s15], [sflag:$0x8] =	stream.indirect.gather [hbm4b:s22+s8], $0x80, s4, s8, $0xb8;
	[tilespmem:$0x1D000] =	vst v63  }
0x28d: {  	s26 =	simm.s32 $0xA00  }
0x28e: {  	[spmem:s20] =	stream.indirect.scatter.add.f32 [tilespmem:s5], [sflag:$0x9], $0x80, s26, s8, $0xb8;
	[tilespmem:$0x1D000] =	vst v63  }
0x28f: {  	_ =	swait.ge [sflag:s16], $0x2000  }
0x290: {  	[sflag:s16] =	ssyncset.done $0x0  }
0x291: {  	[sflag:s16] =	ssyncadd.s32 $0xFFFFE000  }
0x292: {  	_ =	swait.ge [sflag:s17], $0x2000  }
0x293: {  	[sflag:s17] =	ssyncset.done $0x0  }
0x294: {  	[sflag:s17] =	ssyncadd.s32 $0xFFFFE000  }
0x295: {  	_ =	swait.ge [sflag:s11], $0x400  }
0x296: {  	[sflag:s11] =	ssyncset.done $0x0  }
0x297: {  	[sflag:s11] =	ssyncadd.s32 $0xFFFFFC00  }
0x298: {  	_ =	swait.ge [sflag:s14], $0x400  }
0x299: {  	[sflag:s14] =	ssyncset.done $0x0  }
0x29a: {  	[sflag:s14] =	ssyncadd.s32 $0xFFFFFC00  }
0x29b: {  	[tilespmem:s5], [sflag:$0x5] =	stream.indirect.gather [hbm4b:s22+s8], $0x80, s21, s8, $0xb8;
	[tilespmem:$0x1D000] =	vst v63  }
0x29c: {  	s28 =	simm.s32 $0xA80  }
0x29d: {  	[spmem:s20] =	stream.indirect.scatter.add.f32 [tilespmem:s10], [sflag:$0xA], $0x80, s28, s8, $0xb8;
	[tilespmem:$0x1D000] =	vst v63  }
0x29e: {  	_ =	swait.ge [sflag:s24], $0x2000  }
0x29f: {  	[sflag:s24] =	ssyncset.done $0x0  }
0x2a0: {  	[sflag:s24] =	ssyncadd.s32 $0xFFFFE000  }
0x2a1: {  	_ =	swait.ge [sflag:s25], $0x2000  }
0x2a2: {  	[sflag:s25] =	ssyncset.done $0x0  }
0x2a3: {  	s4 =	simm.s32 $0x480;
	[sflag:s25] =	ssyncadd.s32 $0xFFFFE000  }
0x2a4: {  	[tilespmem:s10], [sflag:$0x6] =	stream.indirect.gather [hbm4b:s22+s8], $0x80, s4, s8, $0xb8;
	[tilespmem:$0x1D000] =	vst v63  }
0x2a5: {  	s21 =	simm.s32 $0xB00  }
0x2a6: {  	[spmem:s20] =	stream.indirect.scatter.add.f32 [tilespmem:s12], [sflag:$0xB], $0x80, s21, s8, $0xb8;
	[tilespmem:$0x1D000] =	vst v63  }
0x2a7: {  	_ =	swait.ge [sflag:s29], $0x2000  }
0x2a8: {  	[sflag:s29] =	ssyncset.done $0x0  }
0x2a9: {  	[sflag:s29] =	ssyncadd.s32 $0xFFFFE000  }
0x2aa: {  	_ =	swait.ge [sflag:s30], $0x2000  }
0x2ab: {  	[sflag:s30] =	ssyncset.done $0x0  }
0x2ac: {  	s26 =	simm.s32 $0x500;
	[sflag:s30] =	ssyncadd.s32 $0xFFFFE000  }
0x2ad: {  	[tilespmem:s12], [sflag:$0x7] =	stream.indirect.gather [hbm4b:s22+s8], $0x80, s26, s8, $0xb8;
	[tilespmem:$0x1D000] =	vst v63  }
0x2ae: {  	s28 =	simm.s32 $0xB80  }
0x2af: {  	[spmem:s20] =	stream.indirect.scatter.add.f32 [tilespmem:s15], [sflag:$0xC], $0x80, s28, s8, $0xb8;
	[tilespmem:$0x1D000] =	vst v63  }
0x2b0: {  	_ =	swait.ge [sflag:s13], $0x2000  }
0x2b1: {  	[sflag:s13] =	ssyncset.done $0x0  }
0x2b2: {  	[sflag:s13] =	ssyncadd.s32 $0xFFFFE000  }
0x2b3: {  	_ =	swait.ge [sflag:s0], $0x2000  }
0x2b4: {  	[sflag:s0] =	ssyncset.done $0x0  }
0x2b5: {  	[sflag:s0] =	ssyncadd.s32 $0xFFFFE000  }
0x2b6: {  	[tilespmem:s15], [sflag:$0x8] =	stream.indirect.gather [hbm4b:s22+s8], $0x80, s18, s8, $0xb8;
	[tilespmem:$0x1D000] =	vst v63  }
0x2b7: {  	_ = 	snop  }
0x2b8: {  	[spmem:s20] =	stream.indirect.scatter.add.f32 [tilespmem:s5], [sflag:$0x9], $0x80, s19, s8, $0xb8;
	[tilespmem:$0x1D000] =	vst v63  }
0x2b9: {  	_ =	swait.ge [sflag:s16], $0x2000  }
0x2ba: {  	[sflag:s16] =	ssyncset.done $0x0  }
0x2bb: {  	[sflag:s16] =	ssyncadd.s32 $0xFFFFE000  }
0x2bc: {  	_ =	swait.ge [sflag:s17], $0x2000  }
0x2bd: {  	[sflag:s17] =	ssyncset.done $0x0  }
0x2be: {  	[sflag:s17] =	ssyncadd.s32 $0xFFFFE000  }
0x2bf: {  	[tilespmem:s5], [sflag:$0x5] =	stream.indirect.gather [hbm4b:s22+s8], $0x80, s31, s8, $0xb8;
	[tilespmem:$0x1D000] =	vst v63  }
0x2c0: {  	s4 =	simm.s32 $0xC80  }
0x2c1: {  	[spmem:s20] =	stream.indirect.scatter.add.f32 [tilespmem:s10], [sflag:$0xA], $0x80, s4, s8, $0xb8;
	[tilespmem:$0x1D000] =	vst v63  }
0x2c2: {  	_ =	swait.ge [sflag:s24], $0x2000  }
0x2c3: {  	[sflag:s24] =	ssyncset.done $0x0  }
0x2c4: {  	[sflag:s24] =	ssyncadd.s32 $0xFFFFE000  }
0x2c5: {  	_ =	swait.ge [sflag:s25], $0x2000  }
0x2c6: {  	[sflag:s25] =	ssyncset.done $0x0  }
0x2c7: {  	s18 =	simm.s32 $0x680;
	[sflag:s25] =	ssyncadd.s32 $0xFFFFE000  }
0x2c8: {  	[tilespmem:s10], [sflag:$0x6] =	stream.indirect.gather [hbm4b:s22+s8], $0x80, s18, s8, $0xb8;
	[tilespmem:$0x1D000] =	vst v63  }
0x2c9: {  	s21 =	simm.s32 $0xD00  }
0x2ca: {  	[spmem:s20] =	stream.indirect.scatter.add.f32 [tilespmem:s12], [sflag:$0xB], $0x80, s21, s8, $0xb8;
	[tilespmem:$0x1D000] =	vst v63  }
0x2cb: {  	_ =	swait.ge [sflag:s29], $0x2000  }
0x2cc: {  	[sflag:s29] =	ssyncset.done $0x0  }
0x2cd: {  	[sflag:s29] =	ssyncadd.s32 $0xFFFFE000  }
0x2ce: {  	_ =	swait.ge [sflag:s30], $0x2000  }
0x2cf: {  	[sflag:s30] =	ssyncset.done $0x0  }
0x2d0: {  	s26 =	simm.s32 $0x700;
	[sflag:s30] =	ssyncadd.s32 $0xFFFFE000  }
0x2d1: {  	[tilespmem:s12], [sflag:$0x7] =	stream.indirect.gather [hbm4b:s22+s8], $0x80, s26, s8, $0xb8;
	[tilespmem:$0x1D000] =	vst v63  }
0x2d2: {  	s28 =	simm.s32 $0xD80  }
0x2d3: {  	[spmem:s20] =	stream.indirect.scatter.add.f32 [tilespmem:s15], [sflag:$0xC], $0x80, s28, s8, $0xb8;
	[tilespmem:$0x1D000] =	vst v63  }
0x2d4: {  	_ =	swait.ge [sflag:s13], $0x2000  }
0x2d5: {  	[sflag:s13] =	ssyncset.done $0x0  }
0x2d6: {  	[sflag:s13] =	ssyncadd.s32 $0xFFFFE000  }
0x2d7: {  	_ =	swait.ge [sflag:s0], $0x2000  }
0x2d8: {  	[sflag:s0] =	ssyncset.done $0x0  }
0x2d9: {  	s4 =	simm.s32 $0x780;
	[sflag:s0] =	ssyncadd.s32 $0xFFFFE000  }
0x2da: {  	[tilespmem:s15], [sflag:$0x8] =	stream.indirect.gather [hbm4b:s22+s8], $0x80, s4, s8, $0xb8;
	[tilespmem:$0x1D000] =	vst v63  }
0x2db: {  	s18 =	simm.s32 $0xE00  }
0x2dc: {  	[spmem:s20] =	stream.indirect.scatter.add.f32 [tilespmem:s5], [sflag:$0x9], $0x80, s18, s8, $0xb8;
	[tilespmem:$0x1D000] =	vst v63  }
0x2dd: {  	_ =	swait.ge [sflag:s16], $0x2000  }
0x2de: {  	[sflag:s16] =	ssyncset.done $0x0  }
0x2df: {  	[sflag:s16] =	ssyncadd.s32 $0xFFFFE000  }
0x2e0: {  	_ =	swait.ge [sflag:s17], $0x2000  }
0x2e1: {  	[sflag:s17] =	ssyncset.done $0x0  }
0x2e2: {  	s21 =	simm.s32 $0xE80;
	[sflag:s17] =	ssyncadd.s32 $0xFFFFE000  }
0x2e3: {  	[spmem:s20] =	stream.indirect.scatter.add.f32 [tilespmem:s10], [sflag:$0xA], $0x80, s21, s8, $0xb8;
	[tilespmem:$0x1D000] =	vst v63  }
0x2e4: {  	_ =	swait.ge [sflag:s24], $0x2000  }
0x2e5: {  	[sflag:s24] =	ssyncset.done $0x0  }
0x2e6: {  	[sflag:s24] =	ssyncadd.s32 $0xFFFFE000  }
0x2e7: {  	_ =	swait.ge [sflag:s25], $0x2000  }
0x2e8: {  	[sflag:s25] =	ssyncset.done $0x0  }
0x2e9: {  	s26 =	simm.s32 $0xF00;
	[sflag:s25] =	ssyncadd.s32 $0xFFFFE000  }
0x2ea: {  	[spmem:s20] =	stream.indirect.scatter.add.f32 [tilespmem:s12], [sflag:$0xB], $0x80, s26, s8, $0xb8;
	[tilespmem:$0x1D000] =	vst v63  }
0x2eb: {  	_ =	swait.ge [sflag:s29], $0x2000  }
0x2ec: {  	[sflag:s29] =	ssyncset.done $0x0  }
0x2ed: {  	[sflag:s29] =	ssyncadd.s32 $0xFFFFE000  }
0x2ee: {  	_ =	swait.ge [sflag:s30], $0x2000  }
0x2ef: {  	[sflag:s30] =	ssyncset.done $0x0  }
0x2f0: {  	[sflag:s30] =	ssyncadd.s32 $0xFFFFE000  }
0x2f1: {  	[spmem:s20] =	stream.indirect.scatter.add.f32 [tilespmem:s15], [sflag:$0xC], $0x80, s23, s8, $0xb8;
	[tilespmem:$0x1D000] =	vst v63  }
0x2f2: {  	_ =	swait.ge [sflag:s0], $0x2000  }
0x2f3: {  	[sflag:s0] =	ssyncset.done $0x0  }
0x2f4: {  	[sflag:s0] =	ssyncadd.s32 $0xFFFFE000  }
0x2f5: {  	[bflag:$0x0] =	sbarrier.arrive $0xFFFF  }
0x2f6: {  	s18 =	simm.s32 $0xD;
	s31 =	rddreg [dreg:$0x13]  }
0x2f7: {  	[tilespmem:s5], [sflag:$0xD] =	stream.linear.gather [spmem:s31], $0x2000, $0x38;
	[tilespmem:$0x1D000] =	vst v63  }
0x2f8: {  	_ =	swait.ge [sflag:s18], $0x2000  }
0x2f9: {  	[sflag:s18] =	ssyncset.done $0x0  }
0x2fa: {  	s28 =	rddreg [dreg:$0x9];
	[sflag:s18] =	ssyncadd.s32 $0xFFFFE000  }
0x2fb: {  	[hbm4b:s28+s1] =	stream.linear.scatter [tilespmem:s5], [sflag:$0xD], $0x2000, $0x38;
	[tilespmem:$0x1D000] =	vst v63  }
0x2fc: {  	_ =	swait.ge [sflag:s18], $0x2000  }
0x2fd: {  	[sflag:s18] =	ssyncset.done $0x0  }
0x2fe: {  	s2 =	rddreg [dreg:$0x14];
	[sflag:s18] =	ssyncadd.s32 $0xFFFFE000  }
0x2ff: {  	[tilespmem:s10], [sflag:$0xD] =	stream.linear.gather [spmem:s2], $0x2000, $0x38;
	[tilespmem:$0x1D000] =	vst v63  }
0x300: {  	_ =	swait.ge [sflag:s18], $0x2000  }
0x301: {  	[sflag:s18] =	ssyncset.done $0x0  }
0x302: {  	s21 =	rddreg [dreg:$0xa];
	[sflag:s18] =	ssyncadd.s32 $0xFFFFE000  }
0x303: {  	[hbm4b:s21+s1] =	stream.linear.scatter [tilespmem:s10], [sflag:$0xD], $0x2000, $0x38;
	[tilespmem:$0x1D000] =	vst v63  }
0x304: {  	_ =	swait.ge [sflag:s18], $0x2000  }
0x305: {  	[sflag:s18] =	ssyncset.done $0x0  }
0x306: {  	s23 =	rddreg [dreg:$0x15];
	[sflag:s18] =	ssyncadd.s32 $0xFFFFE000  }
0x307: {  	[tilespmem:s12], [sflag:$0xD] =	stream.linear.gather [spmem:s23], $0x2000, $0x38;
	[tilespmem:$0x1D000] =	vst v63  }
0x308: {  	_ =	swait.ge [sflag:s18], $0x2000  }
0x309: {  	[sflag:s18] =	ssyncset.done $0x0  }
0x30a: {  	s26 =	rddreg [dreg:$0xb];
	[sflag:s18] =	ssyncadd.s32 $0xFFFFE000  }
0x30b: {  	[hbm4b:s26+s1] =	stream.linear.scatter [tilespmem:s12], [sflag:$0xD], $0x2000, $0x38;
	[tilespmem:$0x1D000] =	vst v63  }
0x30c: {  	_ =	swait.ge [sflag:s18], $0x2000  }
0x30d: {  	[sflag:s18] =	ssyncset.done $0x0  }
0x30e: {  	s28 =	rddreg [dreg:$0x16];
	[sflag:s18] =	ssyncadd.s32 $0xFFFFE000  }
0x30f: {  	[tilespmem:s15], [sflag:$0xD] =	stream.linear.gather [spmem:s28], $0x2000, $0x38;
	[tilespmem:$0x1D000] =	vst v63  }
0x310: {  	_ =	swait.ge [sflag:s18], $0x2000  }
0x311: {  	[sflag:s18] =	ssyncset.done $0x0  }
0x312: {  	s2 =	rddreg [dreg:$0xc];
	[sflag:s18] =	ssyncadd.s32 $0xFFFFE000  }
0x313: {  	[hbm4b:s2+s1] =	stream.linear.scatter [tilespmem:s15], [sflag:$0xD], $0x2000, $0x38;
	[tilespmem:$0x1D000] =	vst v63  }
0x314: {  	_ =	swait.ge [sflag:s18], $0x2000  }
0x315: {  	[sflag:s18] =	ssyncset.done $0x0  }
0x316: {  	s21 =	rddreg [dreg:$0x17];
	[sflag:s18] =	ssyncadd.s32 $0xFFFFE000  }
0x317: {  	[tilespmem:s5], [sflag:$0xD] =	stream.linear.gather [spmem:s21], $0x2000, $0x38;
	[tilespmem:$0x1D000] =	vst v63  }
0x318: {  	_ =	swait.ge [sflag:s18], $0x2000  }
0x319: {  	[sflag:s18] =	ssyncset.done $0x0  }
0x31a: {  	s23 =	rddreg [dreg:$0xd];
	[sflag:s18] =	ssyncadd.s32 $0xFFFFE000  }
0x31b: {  	[hbm4b:s23+s1] =	stream.linear.scatter [tilespmem:s5], [sflag:$0xD], $0x2000, $0x38;
	[tilespmem:$0x1D000] =	vst v63  }
0x31c: {  	_ =	swait.ge [sflag:s18], $0x2000  }
0x31d: {  	[sflag:s18] =	ssyncset.done $0x0  }
0x31e: {  	s26 =	rddreg [dreg:$0x18];
	[sflag:s18] =	ssyncadd.s32 $0xFFFFE000  }
0x31f: {  	[tilespmem:s10], [sflag:$0xD] =	stream.linear.gather [spmem:s26], $0x2000, $0x38;
	[tilespmem:$0x1D000] =	vst v63  }
0x320: {  	_ =	swait.ge [sflag:s18], $0x2000  }
0x321: {  	[sflag:s18] =	ssyncset.done $0x0  }
0x322: {  	s28 =	rddreg [dreg:$0xe];
	[sflag:s18] =	ssyncadd.s32 $0xFFFFE000  }
0x323: {  	[hbm4b:s28+s1] =	stream.linear.scatter [tilespmem:s10], [sflag:$0xD], $0x2000, $0x38;
	[tilespmem:$0x1D000] =	vst v63  }
0x324: {  	_ =	swait.ge [sflag:s18], $0x2000  }
0x325: {  	[sflag:s18] =	ssyncset.done $0x0  }
0x326: {  	s2 =	rddreg [dreg:$0x19];
	[sflag:s18] =	ssyncadd.s32 $0xFFFFE000  }
0x327: {  	[tilespmem:s12], [sflag:$0xD] =	stream.linear.gather [spmem:s2], $0x2000, $0x38;
	[tilespmem:$0x1D000] =	vst v63  }
0x328: {  	_ =	swait.ge [sflag:s18], $0x2000  }
0x329: {  	[sflag:s18] =	ssyncset.done $0x0  }
0x32a: {  	s21 =	rddreg [dreg:$0xf];
	[sflag:s18] =	ssyncadd.s32 $0xFFFFE000  }
0x32b: {  	[hbm4b:s21+s1] =	stream.linear.scatter [tilespmem:s12], [sflag:$0xD], $0x2000, $0x38;
	[tilespmem:$0x1D000] =	vst v63  }
0x32c: {  	_ =	swait.ge [sflag:s18], $0x2000  }
0x32d: {  	[sflag:s18] =	ssyncset.done $0x0  }
0x32e: {  	s23 =	rddreg [dreg:$0x1a];
	[sflag:s18] =	ssyncadd.s32 $0xFFFFE000  }
0x32f: {  	[tilespmem:s15], [sflag:$0xD] =	stream.linear.gather [spmem:s23], $0x2000, $0x38;
	[tilespmem:$0x1D000] =	vst v63  }
0x330: {  	_ =	swait.ge [sflag:s18], $0x2000  }
0x331: {  	[sflag:s18] =	ssyncset.done $0x0  }
0x332: {  	s26 =	rddreg [dreg:$0x10];
	[sflag:s18] =	ssyncadd.s32 $0xFFFFE000  }
0x333: {  	[hbm4b:s26+s1] =	stream.linear.scatter [tilespmem:s15], [sflag:$0xD], $0x2000, $0x38;
	[tilespmem:$0x1D000] =	vst v63  }
0x334: {  	_ =	swait.ge [sflag:s18], $0x2000  }
0x335: {  	[sflag:s18] =	ssyncset.done $0x0  }
0x336: {  	s28 =	rddreg [dreg:$0x1b];
	[sflag:s18] =	ssyncadd.s32 $0xFFFFE000  }
0x337: {  	[tilespmem:s5], [sflag:$0xD] =	stream.linear.gather [spmem:s28], $0x2000, $0x38;
	[tilespmem:$0x1D000] =	vst v63  }
0x338: {  	_ =	swait.ge [sflag:s18], $0x2000  }
0x339: {  	[sflag:s18] =	ssyncset.done $0x0  }
0x33a: {  	s2 =	rddreg [dreg:$0x11];
	[sflag:s18] =	ssyncadd.s32 $0xFFFFE000  }
0x33b: {  	[hbm4b:s2+s1] =	stream.linear.scatter [tilespmem:s5], [sflag:$0xD], $0x2000, $0x38;
	[tilespmem:$0x1D000] =	vst v63  }
0x33c: {  	_ =	swait.ge [sflag:s18], $0x2000  }
0x33d: {  	[sflag:s18] =	ssyncset.done $0x0  }
0x33e: {  	s21 =	rddreg [dreg:$0x1c];
	[sflag:s18] =	ssyncadd.s32 $0xFFFFE000  }
0x33f: {  	[tilespmem:s10], [sflag:$0xD] =	stream.linear.gather [spmem:s21], $0x2000, $0x38;
	[tilespmem:$0x1D000] =	vst v63  }
0x340: {  	_ =	swait.ge [sflag:s18], $0x2000  }
0x341: {  	[sflag:s18] =	ssyncset.done $0x0  }
0x342: {  	s23 =	rddreg [dreg:$0x12];
	[sflag:s18] =	ssyncadd.s32 $0xFFFFE000  }
0x343: {  	[hbm4b:s23+s1] =	stream.linear.scatter [tilespmem:s10], [sflag:$0xD], $0x2000, $0x38;
	[tilespmem:$0x1D000] =	vst v63  }
0x344: {  	_ =	swait.ge [sflag:s18], $0x2000  }
0x345: {  	s26 =	rddreg [dreg:$0x1e]  }
0x346: {  	s28 =	rddreg [dreg:$0x1d];
	s23 =	sadd.s32 $0x1, s26  }
0x347: {  	p0 =	sne.s32 s23, s28  }
.Ltmp2:
0x348: {  	_ = 	snop;
	(pc) =	sbr.rel @p0 .LBB2_1-.Ltmp2, $3  }
0x349: {  	_ =	sdelay $0x1  }
0x34a: {  	[sflag:s18] =	ssyncset.done $0x0  }
0x34b: {  	s21 =	smov.u32 s7;
	[sflag:s18] =	ssyncadd.s32 $0xFFFFE000  }
0x34c: {  	_ =	sfence.sel $0x180000  }
0x34d: {  	[bflag:$0x0] =	sbarrier.arrive $0xFFFF  }
0x34e: {  	_ =	strace $0x9000004A  }
0x34f: {  	s0 =	stileid.u32;
	[bflag:$0x2] =	sbarrier.arrive $0xFFFF  }
0x350: {  	p0 =	sne.s32 s0, $0x0;
	s0 =	rddreg [dreg:$0x2]  }
0x351: {  	s0 =	sadd.s32 @!p0 $0x100000, s0  }
0x352: {  	[sflag:s0] =	ssyncadd.tile.s32 @!p0 $0x1;
	_ =	shalt  }
.Lfunc_end2:
_tile_overlayer_lowered:
.L_overlay_start_2:
0x353: {  	(tag) =	ssettag $0x2  }
0x354: {  	s0 =	rddreg [dreg:$0x0];
	s2 =	stileid.u32  }
0x355: {  	s1 =	rddreg [dreg:$0x1];
	p0 =	sne.s32 s2, $0x0  }
0x356: {  	s3 =	rddreg [dreg:$0x2];
	[bflag:$0x3] =	sbarrier.arrive $0xFFFF;
	s2 =	simm.s32 @!p0 $0x1C0D  }
0x357: {  	[timem:s3], [sflag:s2] =	dma.local @!p0 [hbm:s0], s1  }
0x358: {  	s0 =	simm.s32 @!p0 $0xD  }
0x359: {  	_ =	swait.ge @!p0 [sflag:s0], s1  }
0x35a: {  	s1 =	ssub.s32 @!p0 $0x0, s1;
	[sflag:s0] =	ssyncset.done @!p0 $0x0  }
0x35b: {  	[sflag:s0] =	ssyncadd.s32 @!p0 s1  }
0x35c: {  	[bflag:$0x3] =	sbarrier.arrive $0xFFFF  }
0x35d: {  	_ =	shalt  }

// kernel: kernel.7.cloned.1.call-start
scs
__scs_entry_jumppad:
0x0: {  	(pc) =	sbr.rel $0x88, $3  }
0x1: {  	(tag) =	ssettag $0x0;
	lr =	simm.s32 $0x1  }
0x2: {  	[smem:$0x3F98] =	sst lr;
	_ =	strace $0xD0000000  }
0x3: {  	_ = 	snop  }
0x4: {  	_ = 	snop  }
0x5: {  	_ = 	snop  }
0x6: {  	_ = 	snop  }
0x7: {  	_ = 	snop  }
__scs_overlays_trampoline_lowered:
0x8: {  	[smem:$0x3FA7] =	sst s0  }
0x9: {  	[smem:$0x3FA8] =	sst s1  }
0xa: {  	[smem:$0x3FA9] =	sst s2  }
0xb: {  	[smem:$0x3FAA] =	sst s3  }
0xc: {  	[smem:$0x3FAB] =	sst s4  }
0xd: {  	[smem:$0x3FAC] =	sst s5  }
0xe: {  	[smem:$0x3FAD] =	sst s6  }
0xf: {  	[smem:$0x3FAE] =	sst s7  }
0x10: {  	[smem:$0x3FAF] =	sst s8  }
0x11: {  	[smem:$0x3FB0] =	sst s9;
	s0 =	simm.s32 @!p0 $0x0  }
0x12: {  	s1 =	sld [smem:$0x3F96];
	s0 =	simm.s32 @p0 $0x1  }
0x13: {  	[smem:$0x3FB1] =	sst s0;
	s0 =	simm.s32 @!p1 $0x0  }
0x14: {  	s2 =	sld [smem:$0x3F95];
	s0 =	simm.s32 @p1 $0x1  }
0x15: {  	[smem:$0x3FB2] =	sst s0;
	s0 =	simm.s32 @!p2 $0x0  }
0x16: {  	s3 =	sld [smem:$0x3FDB];
	s0 =	simm.s32 @p2 $0x1  }
0x17: {  	s4 =	simm.s32 $0x1BF5;
	[smem:$0x3FB4] =	sst s0  }
0x18: {  	s0 =	sld [smem:$0x3F97];
	_ =	swait.ge [sflag:s4], $0x0  }
0x19: {  	s7 =	sld [smem:$0x3F98]  }
0x1a: {  	s8 =	sadd.s32 $0xFFFFE003, lr  }
0x1b: {  	s9 =	sadd.s32 $0xFFFFFEF7, lr;
	s5 =	simm.s32 $0xFFFFFFFF;
	p2 =	slt.u32 s8, $0xFFFFF086  }
0x1c: {  	p1 =	slt.u32 s9, $0xF7A;
	s5 =	simm.s32 @!p2 $0x0  }
0x1d: {  	s5 =	simm.s32 @p1 $0x1;
	p0 =	seq.s32 s7, s2  }
0x1e: {  	s7 =	smul.u32 @!p0 $0xF7A, s2;
	p2 =	seq.s32 @!p0 s5, $0x0  }
0x1f: {  	s9 =	smul.u32 $0xF7A, s1;
	s8 =	simm.s32 @!p0 $0x1BF5;
	p2 =	por !p2, p0  }
0x20: {  	[sflag:s8] =	ssyncset.s32 @!p0 $0xFFFFF086;
	s6 =	sadd.s32 @!p0 s3, s7;
	s7 =	simm.s32 @!p0 $0x108  }
0x21: {  	s3 =	sadd.s32 s3, s9;
	s6 =	sadd.s32 @!p0 $0x88, s6;
	s7 =	simm.s32 @p2 $0x1082  }
0x22: {  	[simem:s7], [sflag:s8] =	dma.local @!p0 [hbm:s6], $0xF7A  }
0x23: {  	s9 =	sor.u32 $0xD0000000, s2;
	s6 =	simm.s32 $0x108;
	_ =	swait.ge @!p0 [sflag:s8], $0x0  }
0x24: {  	s3 =	sadd.s32 $0x88, s3;
	s6 =	simm.s32 @!p1 $0x1082;
	[sflag:s4] =	ssyncset.s32 $0xFFFFF086  }
0x25: {  	[simem:s6], [sflag:s4] =	dma.local [hbm:s3], $0xF7A  }
0x26: {  	[smem:$0x3F98] =	sst s1;
	(tag) =	ssettag s2;
	_ =	strace s9  }
0x27: {  	s1 =	sld [smem:$0x3FA8]  }
0x28: {  	s2 =	sld [smem:$0x3FA9]  }
0x29: {  	s4 =	sld [smem:$0x3FAB]  }
0x2a: {  	p0 =	seq.s32 s5, $0x0;
	s5 =	sld [smem:$0x3FAC]  }
0x2b: {  	s6 =	sld [smem:$0x3FAD]  }
0x2c: {  	s7 =	sld [smem:$0x3FAE]  }
0x2d: {  	s3 =	simm.s32 $0x108;
	s8 =	sld [smem:$0x3FAF]  }
0x2e: {  	s3 =	simm.s32 @!p0 $0x1082;
	s9 =	sld [smem:$0x3FB0]  }
0x2f: {  	lr =	sadd.s32 s0, s3;
	s0 =	sld [smem:$0x3FA7]  }
0x30: {  	s3 =	sld [smem:$0x3FAA]  }
0x31: {  	[smem:$0x3FB3] =	sst s10  }
0x32: {  	s10 =	sld [smem:$0x3FB1];
	_ =	sdelay $0x3  }
0x33: {  	p0 =	seq.s32 s10, $0x1;
	s10 =	sld [smem:$0x3FB3];
	_ =	sdelay $0x3  }
0x34: {  	[smem:$0x3FB3] =	sst s10  }
0x35: {  	s10 =	sld [smem:$0x3FB2];
	_ =	sdelay $0x3  }
0x36: {  	p1 =	seq.s32 s10, $0x1;
	s10 =	sld [smem:$0x3FB3];
	_ =	sdelay $0x3  }
0x37: {  	[smem:$0x3FB3] =	sst s10  }
0x38: {  	s10 =	sld [smem:$0x3FB4]  }
0x39: {  	_ = 	snop;
	(pc) =	sbr.ind lr, $3  }
0x3a: {  	_ = 	snop  }
0x3b: {  	_ = 	snop  }
0x3c: {  	p2 =	seq.s32 s10, $0x1;
	s10 =	sld [smem:$0x3FB3]  }
0x3d: {  	_ =	shalt  }
0x3e: {  	_ =	shalt  }
0x3f: {  	_ =	shalt  }
0x40: {  	_ =	shalt  }
0x41: {  	_ =	shalt  }
0x42: {  	_ =	shalt  }
0x43: {  	_ =	shalt  }
0x44: {  	_ =	shalt  }
0x45: {  	_ =	shalt  }
0x46: {  	_ =	shalt  }
0x47: {  	_ =	shalt  }
0x48: {  	_ =	shalt  }
0x49: {  	_ =	shalt  }
0x4a: {  	_ =	shalt  }
0x4b: {  	_ =	shalt  }
0x4c: {  	_ =	shalt  }
0x4d: {  	_ =	shalt  }
0x4e: {  	_ =	shalt  }
0x4f: {  	_ =	shalt  }
0x50: {  	_ =	shalt  }
0x51: {  	_ =	shalt  }
0x52: {  	_ =	shalt  }
0x53: {  	_ =	shalt  }
0x54: {  	_ =	shalt  }
0x55: {  	_ =	shalt  }
0x56: {  	_ =	shalt  }
0x57: {  	_ =	shalt  }
0x58: {  	_ =	shalt  }
0x59: {  	_ =	shalt  }
0x5a: {  	_ =	shalt  }
0x5b: {  	_ =	shalt  }
0x5c: {  	_ =	shalt  }
0x5d: {  	_ =	shalt  }
0x5e: {  	_ =	shalt  }
0x5f: {  	_ =	shalt  }
0x60: {  	_ =	shalt  }
0x61: {  	_ =	shalt  }
0x62: {  	_ =	shalt  }
0x63: {  	_ =	shalt  }
0x64: {  	_ =	shalt  }
0x65: {  	_ =	shalt  }
0x66: {  	_ =	shalt  }
0x67: {  	_ =	shalt  }
0x68: {  	_ =	shalt  }
0x69: {  	_ =	shalt  }
0x6a: {  	_ =	shalt  }
0x6b: {  	_ =	shalt  }
0x6c: {  	_ =	shalt  }
0x6d: {  	_ =	shalt  }
0x6e: {  	_ =	shalt  }
0x6f: {  	_ =	shalt  }
0x70: {  	_ =	shalt  }
0x71: {  	_ =	shalt  }
0x72: {  	_ =	shalt  }
0x73: {  	_ =	shalt  }
0x74: {  	_ =	shalt  }
0x75: {  	_ =	shalt  }
0x76: {  	_ =	shalt  }
0x77: {  	_ =	shalt  }
0x78: {  	_ =	shalt  }
0x79: {  	_ =	shalt  }
0x7a: {  	_ =	shalt  }
0x7b: {  	_ =	shalt  }
0x7c: {  	_ =	shalt  }
0x7d: {  	_ =	shalt  }
0x7e: {  	_ =	shalt  }
0x7f: {  	_ =	shalt  }
0x80: {  	_ =	shalt  }
0x81: {  	_ =	shalt  }
0x82: {  	_ =	shalt  }
0x83: {  	_ =	shalt  }
0x84: {  	_ =	shalt  }
0x85: {  	_ =	shalt  }
0x86: {  	_ =	shalt  }
0x87: {  	_ =	shalt  }
.Lfunc_end0:
.L_simem_size_0:
called_computation_lowered:
.L_overlay_start_0:
0x88: {  	s2 =	sld [smem:$0x3FD9]  }
0x89: {  	s3 =	sld [smem:$0x3FFE];
	_ =	sdelay $0x1  }
0x8a: {  	s1 =	srdreg.scid  }
0x8b: {  	s0 =	sand.u32 $0x1, s1  }
0x8c: {  	s17 =	sshll.u32 s0, $0xA;
	s2 =	sadd.s32 s3, s2  }
0x8d: {  	s2 =	sadd.s32 s2, s17  }
0x8e: {  	[smem:$0x3FBF] =	sst s2  }
0x8f: {  	_ = 	snop  }
0x90: {  	s2 =	sld [smem:$0x3FD0];
	(tm) =	ssettm $0x1  }
0x91: {  	s18 =	sld [smem:$0x3FFB];
	_ =	sdelay $0x3  }
0x92: {  	_ =	strace s18  }
0x93: {  	s3 =	sld [smem:$0x3FFC];
	_ =	sdelay $0x3  }
0x94: {  	_ =	strace s3  }
0x95: {  	s3 =	sld [smem:$0x3FFD];
	_ =	sdelay $0x3  }
0x96: {  	_ =	strace s3  }
0x97: {  	_ =	strace $0x8FFFFFFF  }
0x98: {  	s19 =	sld [smem:$0x3FDB];
	_ =	sdelay $0x1  }
0x99: {  	s4 =	simm.s32 $_scs_section_size  }
0x9a: {  	s5 =	simm.s32 $_size__tile_overlayer_lowered;
	s6 =	simm.s32 $_tile_overlayer_lowered  }
0x9b: {  	s22 =	simm.s32 $0x1BFF;
	s21 =	sshll.u32 s6, $0x1;
	s3 =	sadd.s32 s4, s19  }
0x9c: {  	s7 =	simm.s32 $0x0;
	s20 =	sshll.u32 s5, $0x1;
	s5 =	sadd.s32 s21, s3  }
0x9d: {  	[timem:s7], [sflag:s22] =	dma.local [hbm:s5], s20  }
0x9e: {  	_ =	swait.ge [sflag:s22], s20  }
0x9f: {  	s4 =	ssub.s32 $0x0, s20;
	[sflag:s22] =	ssyncset.done $0x0  }
0xa0: {  	[sflag:s22] =	ssyncadd.s32 s4;
	_ =	sdelay $0x1  }
0xa1: {  	s23 =	simm.s32 $0x1B8B  }
0xa2: {  	_ =	swait.ge [sflag:s23], $0x1  }
0xa3: {  	[sflag:s23] =	ssyncset.done $0x0  }
0xa4: {  	s25 =	simm.s32 $0x1B8E;
	s24 =	sld [smem:$0x3FFE];
	[sflag:s23] =	ssyncadd.s32 $0xFFFFFFFF  }
0xa5: {  	s26 =	simm.s32 $execute0_lowered;
	[smem:$0x3FD2] =	sst s25  }
0xa6: {  	s5 =	sshll.u32 s26, $0x1;
	_ =	strace $0x80000046;
	[dreg:$0x1] =	wrdreg $0xFFFFFFFF  }
0xa7: {  	s28 =	simm.s32 $_size_execute0_lowered;
	s3 =	sadd.s32 s3, s5;
	[dreg:$0x0] =	wrdreg $0x0  }
0xa8: {  	s5 =	sshll.u32 s28, $0x1;
	[dreg:$0x2] =	wrdreg s3  }
0xa9: {  	[dreg:$0x3] =	wrdreg s5  }
0xaa: {  	[dreg:$0x4] =	wrdreg $0xC0  }
0xab: {  	_ =	task [dreg:s7], $0x5FFFF  }
0xac: {  	[dreg:$0x1] =	wrdreg $0xFFFFFFFF  }
0xad: {  	[dreg:$0x0] =	wrdreg $0x60  }
0xae: {  	[dreg:$0x2] =	wrdreg s2  }
0xaf: {  	[dreg:$0x3] =	wrdreg s24  }
0xb0: {  	[dreg:$0x4] =	wrdreg $0x9  }
0xb1: {  	_ =	task.clear_ibuf [dreg:s7], $0x5FFFF;
	_ =	strace $0x90000046  }
0xb2: {  	s29 =	simm.s32 $0x9;
	_ =	strace $0x80000048  }
0xb3: {  	_ =	swait.ge [sflag:s29], $0x1  }
0xb4: {  	[sflag:s29] =	ssyncadd.s32 $0xFFFFFFFF  }
0xb5: {  	_ =	strace $0x90000048  }
0xb6: {  	_ =	sfence  }
0xb7: {  	s30 =	sld [smem:$0x0];
	_ =	sdelay $0x2  }
0xb8: {  	s31 =	sshll.u32 s1, $0xD;
	s1 =	sshrl.u32 s1, $0x2  }
0xb9: {  	s3 =	sand.u32 $0x4000, s31;
	s1 =	sadd.s32 s1, s30  }
0xba: {  	s0 =	sor.u32 s3, s0;
	s1 =	sshll.u32 s1, $0x11  }
0xbb: {  	s0 =	sor.u32 s1, s0  }
0xbc: {  	s0 =	sadd.s32 $0x8F2B, s0  }
0xbd: {  	[sflag:s0] =	ssyncadd.remote.s32 $0x1  }
0xbe: {  	_ =	sfence.sel $0xFFFF  }
0xbf: {  	[dreg:$0x0] =	wrdreg $0xFFFFFFFF;
	(pc) =	sbr.abs _section_cstart, $3  }
0xc0: {  	[dreg:$0x1] =	wrdreg $0xFFFFFFFF  }
0xc1: {  	_ =	task.clear_ibuf [dreg:s7], $0x2FFFF;
	_ =	strace $0x9FFFFFFF  }
0xc2: {  	(tm) =	ssettm $0x7FFFFFFF  }
0xc3: {  	_ =	shalt  }
tec
execute0_lowered:
.L_overlay_start_1:
0x0: {  	(tag) =	ssettag $0x1  }
0x1: {  	s2 =	rddreg [dreg:$0x0]  }
0x2: {  	s0 =	srdreg.scid;
	s5 =	rddreg [dreg:$0x1]  }
0x3: {  	s3 =	simm.s32 $0x0;
	s9 =	simm.s32 $0x5000;
	s4 =	sand.u32 $0x1, s0  }
0x4: {  	s10 =	simm.s32 $0xA000;
	s0 =	stileid.u32;
	s1 =	sshll.u32 s4, $0x4  }
0x5: {  	s11 =	simm.s32 $0xC800;
	s12 =	simm.s32 $0x0;
	s6 =	sor.u32 s0, s1  }
0x6: {  	[smem:$0x7FF] =	sst s3;
	s4 =	ssub.s32 $0x2, s4;
	s7 =	smul.u32 $0xA00, s6  }
0x7: {  	s1 =	rddreg [dreg:$0x2];
	s8 =	sshrl.u32 s4, $0x1;
	s6 =	smul.u32 $0x500, s6  }
0x8: {  	_ =	strace $0x80000047;
	s8 =	ssub.s32 s4, s8;
	s7 =	sadd.s32 s7, s5  }
0x9: {  	s6 =	sadd.s32 s6, s5;
	s4 =	sadd.s32 $0x2200, s7;
	s5 =	sadd.s32 $0x16200, s7  }
0xa: {  	v0 =	vimm.f32 $0.0e+00;
	s6 =	sadd.s32 $0x2A200, s6;
	s7 =	smax.u32 s8, $0x1;
	s8 =	simm.s32 $0x1  }
.LBB2_1:
0xb: {  	[tilespmem:s3], [sflag:$0x1] =	stream.linear.gather [hbm4b:s4+s3], $0x5000, $0x38;
	[tilespmem:$0xF000] =	vst v63  }
0xc: {  	_ =	swait.ge [sflag:s8], $0x5000  }
0xd: {  	[sflag:s8] =	ssyncset.done $0x0  }
0xe: {  	[sflag:s8] =	ssyncadd.s32 $0xFFFFB000  }
0xf: {  	[tilespmem:s9], [sflag:$0x1] =	stream.linear.gather [hbm4b:s5+s3], $0x5000, $0x38;
	[tilespmem:$0xF000] =	vst v63  }
0x10: {  	_ =	swait.ge [sflag:s8], $0x5000  }
0x11: {  	[sflag:s8] =	ssyncset.done $0x0  }
0x12: {  	[sflag:s8] =	ssyncadd.s32 $0xFFFFB000  }
0x13: {  	[tilespmem:s10], [sflag:$0x1] =	stream.linear.gather [hbm4b:s2+s3], $0x2800, $0x38;
	[tilespmem:$0xF000] =	vst v63  }
0x14: {  	_ =	swait.ge [sflag:s8], $0x2800  }
0x15: {  	[sflag:s8] =	ssyncset.done $0x0  }
0x16: {  	s13 =	simm.s32 $0x0;
	[sflag:s8] =	ssyncadd.s32 $0xFFFFD800  }
.LBB2_2:
0x17: {  	p0 =	sne.s32 s13, $0x9FC0  }
.Ltmp0:
0x18: {  	_ = 	snop;
	(pc) =	sbr.rel @p0 .LBB2_2-.Ltmp0, $3  }
0x19: {  	_ =	sdelay $0x1  }
0x1a: {  	s14 =	sshra.s32 s13, $0x2  }
0x1b: {  	s13 =	sadd.s32 $0x40, s13;
	[tilespmem:s14+$0xC800] =	vst v0  }
0x1c: {  	s13 =	simm.s32 $0x0  }
.LBB2_4:
0x1d: {  	s14 =	sshra.s32 s13, $0x2  }
0x1e: {  	v1 =	vld [tilespmem:s14+$0x5000];
	_ =	sdelay $0x4  }
0x1f: {  	v2 =	vld [tilespmem:s14+$0x0];
	_ =	sdelay $0x2  }
0x20: {  	v1 =	vld.idx.msk [tilespmem:v1+s10+$0x0], $0xffff;
	_ =	sdelay $0x4  }
0x21: {  	[tilespmem:v2+s11+$0x0] =	vst.idx.add.f32.msk $0xffff, v1  }
0x22: {  	v1 =	vld [tilespmem:s14+$0x5010];
	_ =	sdelay $0x4  }
0x23: {  	v2 =	vld [tilespmem:s14+$0x10];
	_ =	sdelay $0x2  }
0x24: {  	v1 =	vld.idx.msk [tilespmem:v1+s10+$0x0], $0xffff;
	_ =	sdelay $0x4  }
0x25: {  	[tilespmem:v2+s11+$0x0] =	vst.idx.add.f32.msk $0xffff, v1  }
0x26: {  	v1 =	vld [tilespmem:s14+$0x5020];
	_ =	sdelay $0x4  }
0x27: {  	v2 =	vld [tilespmem:s14+$0x20];
	_ =	sdelay $0x2  }
0x28: {  	v1 =	vld.idx.msk [tilespmem:v1+s10+$0x0], $0xffff;
	_ =	sdelay $0x4  }
0x29: {  	[tilespmem:v2+s11+$0x0] =	vst.idx.add.f32.msk $0xffff, v1  }
0x2a: {  	v1 =	vld [tilespmem:s14+$0x5030];
	_ =	sdelay $0x4  }
0x2b: {  	v2 =	vld [tilespmem:s14+$0x30];
	_ =	sdelay $0x2  }
0x2c: {  	p0 =	sne.s32 s13, $0x13E00;
	v1 =	vld.idx.msk [tilespmem:v1+s10+$0x0], $0xffff  }
.Ltmp1:
0x2d: {  	_ = 	snop;
	(pc) =	sbr.rel @p0 .LBB2_4-.Ltmp1, $2  }
0x2e: {  	_ =	sdelay $0x2  }
0x2f: {  	s13 =	sadd.s32 $0x200, s13;
	[tilespmem:v2+s11+$0x0] =	vst.idx.add.f32.msk $0xffff, v1  }
0x30: {  	s12 =	sadd.s32 $0x1, s12  }
0x31: {  	p0 =	sne.s32 s12, s7  }
.Ltmp2:
0x32: {  	_ = 	snop;
	(pc) =	sbr.rel @p0 .LBB2_1-.Ltmp2, $4  }
0x33: {  	[hbm4b:s6+s3] =	stream.linear.scatter [tilespmem:s11], [sflag:$0x1], $0x2800, $0x38;
	[tilespmem:$0xF000] =	vst v63  }
0x34: {  	_ =	swait.ge [sflag:s8], $0x2800  }
0x35: {  	[sflag:s8] =	ssyncset.done $0x0  }
0x36: {  	[sflag:s8] =	ssyncadd.s32 $0xFFFFD800  }
0x37: {  	_ =	sfence.sel $0x180000  }
0x38: {  	[bflag:$0x0] =	sbarrier.arrive $0xFFFF  }
0x39: {  	p0 =	sne.s32 s0, $0x0;
	_ =	strace $0x90000047  }
0x3a: {  	s0 =	sadd.s32 @!p0 $0x100000, s1;
	[bflag:$0x2] =	sbarrier.arrive $0xFFFF  }
0x3b: {  	[sflag:s0] =	ssyncadd.tile.s32 @!p0 $0x1;
	_ =	shalt  }
.Lfunc_end2:
_tile_overlayer_lowered:
.L_overlay_start_2:
0x3c: {  	(tag) =	ssettag $0x2  }
0x3d: {  	s0 =	rddreg [dreg:$0x0];
	s2 =	stileid.u32  }
0x3e: {  	s1 =	rddreg [dreg:$0x1];
	p0 =	sne.s32 s2, $0x0  }
0x3f: {  	s3 =	rddreg [dreg:$0x2];
	[bflag:$0x3] =	sbarrier.arrive $0xFFFF;
	s2 =	simm.s32 @!p0 $0x1C01  }
0x40: {  	[timem:s3], [sflag:s2] =	dma.local @!p0 [hbm:s0], s1  }
0x41: {  	s0 =	simm.s32 @!p0 $0x1  }
0x42: {  	_ =	swait.ge @!p0 [sflag:s0], s1  }
0x43: {  	s1 =	ssub.s32 @!p0 $0x0, s1;
	[sflag:s0] =	ssyncset.done @!p0 $0x0  }
0x44: {  	[sflag:s0] =	ssyncadd.s32 @!p0 s1  }
0x45: {  	[bflag:$0x3] =	sbarrier.arrive $0xFFFF  }
0x46: {  	_ =	shalt  }

</sc_bundles>
